<compile_context>
chip_gen: v7x
topology: tpu7x:2x2x1
jax: 0.10.2.dev20260603
libtpu: 0.0.44.dev20260713+nightly
codegen_flags: <defaults>
</compile_context>

<pallas_src>
import functools

import jax
import jax.numpy as jnp
from jax import lax
from jax.experimental import pallas as pl
from jax.experimental.pallas import tpu as pltpu
from jax.experimental.pallas import tpu_sc as plsc

N = 10000
E = 320000
H = 128
G = 512
T_EDGE = 4
NC = 2
NS = 16
NW = NC * NS
C = 64
EPT = E // NW
PT = 10240
CHUNKS = PT // C
NPAD = 10240
STRIPE = NPAD // NS
SCPT = STRIPE // C
BN = 2000


def _featurize_body(nt_ref, emb_ref, rel_ref, h_ref, h4_ref):
    col = lax.broadcasted_iota(jnp.int32, (BN, 128), 1)
    onehot = (nt_ref[...] == col).astype(jnp.float32)
    h = jnp.dot(onehot, emb_ref[...], preferred_element_type=jnp.float32)
    h_ref[...] = h
    for t in range(T_EDGE):
        h4_ref[t] = h * rel_ref[t]


def _featurize(nt2d, emb_pad, rel0):
    return pl.pallas_call(
        _featurize_body,
        grid=(N // BN,),
        in_specs=[
            pl.BlockSpec((BN, 1), lambda i: (i, 0)),
            pl.BlockSpec((128, H), lambda i: (0, 0)),
            pl.BlockSpec((T_EDGE, H), lambda i: (0, 0)),
        ],
        out_specs=[
            pl.BlockSpec((BN, H), lambda i: (i, 0)),
            pl.BlockSpec((T_EDGE, BN, H), lambda i: (0, i, 0)),
        ],
        out_shape=[
            jax.ShapeDtypeStruct((N, H), jnp.float32),
            jax.ShapeDtypeStruct((T_EDGE, N, H), jnp.float32),
        ],
    )(nt2d, emb_pad, rel0)


DEPTH = 4
UNROLL = 2
PAIRS = CHUNKS // (DEPTH * UNROLL)


def _make_edge_pass(with_deg):
    mesh = plsc.VectorSubcoreMesh(core_axis_name="c", subcore_axis_name="s",
                                  num_cores=NC, num_subcores=NS)
    out_type = [jax.ShapeDtypeStruct((NC, NPAD, H), jnp.float32)]
    if with_deg:
        out_type.append(jax.ShapeDtypeStruct((NC, NPAD), jnp.float32))
    NIB = DEPTH * UNROLL
    scratch = (
        [pltpu.VMEM((2, C), jnp.int32) for _ in range(NIB)]
        + [pltpu.VMEM((C, H), jnp.float32) for _ in range(DEPTH)]
        + [
            pltpu.VMEM((C,), jnp.float32),
            pltpu.VMEM_SHARED((NPAD, H), jnp.float32),
            pltpu.VMEM_SHARED((NPAD,), jnp.float32),
        ]
        + [pltpu.SemaphoreType.DMA for _ in range(NIB + 2 * DEPTH + 1)]
    )

    def body(h4_hbm, idx_hbm, zeros_hbm, ones_hbm, *rest):
        if with_deg:
            p_hbm, deg_hbm = rest[0], rest[1]
            scr = rest[2:]
        else:
            p_hbm = rest[0]
            deg_hbm = None
            scr = rest[1:]
        ib = scr[0:NIB]
        gb = scr[NIB:NIB + DEPTH]
        ones_v, agg_sh, deg_sh = scr[NIB + DEPTH:NIB + DEPTH + 3]
        isem = scr[NIB + DEPTH + 3:NIB + DEPTH + 3 + NIB]
        gsem = scr[NIB + DEPTH + 3 + NIB:NIB + DEPTH + 3 + NIB + DEPTH]
        ssem = scr[NIB + DEPTH + 3 + NIB + DEPTH:
                   NIB + DEPTH + 3 + NIB + 2 * DEPTH]
        dsem = scr[-1]
        cid = lax.axis_index("c")
        sid = lax.axis_index("s")
        w = cid * NS + sid
        base = sid * STRIPE

        pltpu.sync_copy(zeros_hbm, gb[0])
        pltpu.sync_copy(ones_hbm, ones_v)
        for k in range(SCPT):
            sl = pl.ds(base + k * C, C)
            pltpu.sync_copy(gb[0], agg_sh.at[sl])
            if with_deg:
                pltpu.sync_copy(gb[0].at[0, pl.ds(0, C)], deg_sh.at[sl])
        plsc.subcore_barrier()

        def pair_body(p, carry):
            c0 = p * NIB
            idesc = [pltpu.async_copy(idx_hbm.at[w, c0 + m], ib[m], isem[m])
                     for m in range(NIB)]
            prev_sd = None
            prev_dd = []
            for u in range(UNROLL):
                gd = []
                for j in range(DEPTH):
                    m = u * DEPTH + j
                    if prev_sd is not None:
                        prev_sd[j].wait()
                    idesc[m].wait()
                    gd.append(pltpu.async_copy(h4_hbm.at[ib[m].at[0]],
                                               gb[j], gsem[j]))
                for d in prev_dd:
                    d.wait()
                sd = []
                dd = []
                for j in range(DEPTH):
                    m = u * DEPTH + j
                    gd[j].wait()
                    sd.append(pltpu.async_copy(gb[j],
                                               agg_sh.at[ib[m].at[1]],
                                               ssem[j], add=True))
                    if with_deg:
                        dd.append(pltpu.async_copy(ones_v,
                                                   deg_sh.at[ib[m].at[1]],
                                                   dsem, add=True))
                prev_sd, prev_dd = sd, dd
            for d in prev_sd:
                d.wait()
            for d in prev_dd:
                d.wait()
            return carry

        lax.fori_loop(0, PAIRS, pair_body, 0)
        plsc.subcore_barrier()

        for k in range(SCPT):
            sl = pl.ds(base + k * C, C)
            pltpu.sync_copy(agg_sh.at[sl], gb[0])
            pltpu.sync_copy(gb[0], p_hbm.at[cid, sl])
            if with_deg:
                pltpu.sync_copy(deg_sh.at[sl], ones_v)
                pltpu.sync_copy(ones_v, deg_hbm.at[cid, sl])

    return functools.partial(
        pl.kernel, body, out_type=out_type, mesh=mesh, scratch_types=scratch
    )


@functools.lru_cache(maxsize=None)
def _edge_pass_deg():
    return _make_edge_pass(True)()


@functools.lru_cache(maxsize=None)
def _edge_pass():
    return _make_edge_pass(False)()


def _layer_body(p_ref, degp_ref, h_ref, w_ref, ws_ref, rel_ref,
                h1_ref, h4_ref, invd_ref):
    deg = jnp.maximum(degp_ref[0] + degp_ref[1], 1.0)
    invd = 1.0 / deg
    agg = (p_ref[0] + p_ref[1]) * invd
    h1 = jnp.maximum(
        jnp.dot(agg, w_ref[...], preferred_element_type=jnp.float32)
        + jnp.dot(h_ref[...], ws_ref[...], preferred_element_type=jnp.float32),
        0.0)
    h1_ref[...] = h1
    invd_ref[...] = invd
    for t in range(T_EDGE):
        h4_ref[t] = h1 * rel_ref[t]


def _layer_update(p, degp3, h, w, ws, rel1):
    return pl.pallas_call(
        _layer_body,
        grid=(N // BN,),
        in_specs=[
            pl.BlockSpec((NC, BN, H), lambda i: (0, i, 0)),
            pl.BlockSpec((NC, BN, 1), lambda i: (0, i, 0)),
            pl.BlockSpec((BN, H), lambda i: (i, 0)),
            pl.BlockSpec((H, H), lambda i: (0, 0)),
            pl.BlockSpec((H, H), lambda i: (0, 0)),
            pl.BlockSpec((T_EDGE, H), lambda i: (0, 0)),
        ],
        out_specs=[
            pl.BlockSpec((BN, H), lambda i: (i, 0)),
            pl.BlockSpec((T_EDGE, BN, H), lambda i: (0, i, 0)),
            pl.BlockSpec((BN, 1), lambda i: (i, 0)),
        ],
        out_shape=[
            jax.ShapeDtypeStruct((N, H), jnp.float32),
            jax.ShapeDtypeStruct((T_EDGE, N, H), jnp.float32),
            jax.ShapeDtypeStruct((N, 1), jnp.float32),
        ],
    )(p, degp3, h, w, ws, rel1)


def _final_body(p_ref, invd_ref, h_ref, w_ref, ws_ref, gid_ref,
                out_ref, acc_ref, cnt_ref):
    i = pl.program_id(0)
    agg = (p_ref[0] + p_ref[1]) * invd_ref[...]
    h2 = jnp.maximum(
        jnp.dot(agg, w_ref[...], preferred_element_type=jnp.float32)
        + jnp.dot(h_ref[...], ws_ref[...], preferred_element_type=jnp.float32),
        0.0)
    col = lax.broadcasted_iota(jnp.int32, (BN, G), 1)
    onehot = (gid_ref[...] == col).astype(jnp.float32)
    psum = lax.dot_general(onehot, h2, (((0,), (0,)), ((), ())),
                           preferred_element_type=jnp.float32)
    ones_col = jnp.ones((BN, 1), jnp.float32)
    csum = lax.dot_general(onehot, ones_col, (((0,), (0,)), ((), ())),
                           preferred_element_type=jnp.float32)

    @pl.when(i == 0)
    def _():
        acc_ref[...] = jnp.zeros_like(acc_ref)
        cnt_ref[...] = jnp.zeros_like(cnt_ref)

    acc_ref[...] += psum
    cnt_ref[...] += csum

    @pl.when(i == pl.num_programs(0) - 1)
    def _():
        out_ref[...] = acc_ref[...] / jnp.maximum(cnt_ref[...], 1.0)


def _final(p, invd, h, w, ws, gid2d):
    return pl.pallas_call(
        _final_body,
        grid=(N // BN,),
        in_specs=[
            pl.BlockSpec((NC, BN, H), lambda i: (0, i, 0)),
            pl.BlockSpec((BN, 1), lambda i: (i, 0)),
            pl.BlockSpec((BN, H), lambda i: (i, 0)),
            pl.BlockSpec((H, H), lambda i: (0, 0)),
            pl.BlockSpec((H, H), lambda i: (0, 0)),
            pl.BlockSpec((BN, 1), lambda i: (i, 0)),
        ],
        out_specs=pl.BlockSpec((G, H), lambda i: (0, 0)),
        out_shape=jax.ShapeDtypeStruct((G, H), jnp.float32),
        scratch_shapes=[
            pltpu.VMEM((G, H), jnp.float32),
            pltpu.VMEM((G, 1), jnp.float32),
        ],
    )(p, invd, h, w, ws, gid2d)


def kernel(node_types, edge_index, edge_types, graph_ids, node_emb, rel_emb,
           W, W_self):
    node_types = node_types.astype(jnp.int32)
    src = edge_index[0].astype(jnp.int32).reshape(NW, EPT)
    dst = edge_index[1].astype(jnp.int32).reshape(NW, EPT)
    typ = edge_types.astype(jnp.int32).reshape(NW, EPT)

    pad = PT - EPT
    pad_g = jnp.broadcast_to((jnp.arange(pad, dtype=jnp.int32) * 131) % N,
                             (NW, pad))
    pad_dst = jnp.broadcast_to(N + jnp.arange(pad, dtype=jnp.int32), (NW, pad))
    idx_all = jnp.stack([
        jnp.concatenate([typ * N + src, pad_g], axis=1).reshape(NW, CHUNKS, C),
        jnp.concatenate([dst, pad_dst], axis=1).reshape(NW, CHUNKS, C),
    ], axis=2)

    zeros = jnp.zeros((C, H), jnp.float32)
    ones = jnp.ones((C,), jnp.float32)
    emb_pad = jnp.pad(node_emb, ((0, 128 - node_emb.shape[0]), (0, 0)))

    h0, h4_0 = _featurize(node_types.reshape(N, 1), emb_pad, rel_emb[0])
    p0, degp = _edge_pass_deg()(h4_0.reshape(T_EDGE * N, H), idx_all,
                                zeros, ones)
    h1, h4_1, invd = _layer_update(p0, degp.reshape(NC, NPAD, 1), h0,
                                   W[0], W_self[0], rel_emb[1])
    (p1,) = _edge_pass()(h4_1.reshape(T_EDGE * N, H), idx_all, zeros, ones)
    pooled = _final(p1, invd, h1, W[1], W_self[1],
                    graph_ids.astype(jnp.int32).reshape(N, 1))
    return pooled

# --- scband reference (transcript-rebuilt; emitter-appended) ---
"""Pipeline reference for scband-mol-46067819217422 (READ-ONLY COPY).

The authoritative reference and input builder live on the scoring server;
editing this copy changes nothing except your own understanding.
"""

import jax, jax.numpy as jnp
import numpy as np

N = 10000      # total nodes in batched molecular graph
E = 320000     # total edges (avg degree 32, includes self-loops)
H = 128        # num_hidden
L = 2          # num_layer
T_NODE = 100   # atomic-number vocabulary
T_EDGE = 4     # bond-type vocabulary
G = 512        # number of molecules in the batch (for AvgPooling readout)


def setup_inputs(seed: int = 0) -> dict:
    key = jax.random.key(seed)
    ks = jax.random.split(key, 8)
    node_types = jax.random.randint(ks[0], (N,), 0, T_NODE, dtype=jnp.int64) if jax.config.jax_enable_x64 else jax.random.randint(ks[0], (N,), 0, T_NODE)
    edge_index = jax.random.randint(ks[1], (2, E), 0, N)
    edge_types = jax.random.randint(ks[2], (E,), 0, T_EDGE)
    graph_ids = jnp.sort(jax.random.randint(ks[3], (N,), 0, G))
    # Learned parameters of the HGNN (heterogeneous GNN with typed node embeddings
    # and per-edge-type relation weights) + no params in AvgPooling readout.
    node_emb = jax.random.normal(ks[4], (T_NODE, H), dtype=jnp.float32) * 0.1
    rel_emb = jax.random.normal(ks[5], (L, T_EDGE, H), dtype=jnp.float32) * 0.1
    W = jax.random.normal(ks[6], (L, H, H), dtype=jnp.float32) * (1.0 / np.sqrt(H))
    W_self = jax.random.normal(ks[7], (L, H, H), dtype=jnp.float32) * (1.0 / np.sqrt(H))
    return {
        "node_types": node_types,
        "edge_index": edge_index,
        "edge_types": edge_types,
        "graph_ids": graph_ids,
        "node_emb": node_emb,
        "rel_emb": rel_emb,
        "W": W,
        "W_self": W_self,
    }


def reference(node_types, edge_index, edge_types, graph_ids, node_emb, rel_emb, W, W_self):
    # Node featurization: embed atomic numbers (PretrainAtomFeaturizer analogue)
    h = jnp.take(node_emb, node_types, axis=0)            # [N, H] gather
    src = edge_index[0]
    dst = edge_index[1]
    deg = jax.ops.segment_sum(jnp.ones((E,), dtype=jnp.float32), dst, num_segments=N)
    deg = jnp.maximum(deg, 1.0)[:, None]
    # HGNN message-passing layers: relation-typed messages + mean aggregation
    for l in range(L):
        msg = jnp.take(h, src, axis=0) * jnp.take(rel_emb[l], edge_types, axis=0)  # [E, H]
        agg = jax.ops.segment_sum(msg, dst, num_segments=N) / deg                  # [N, H] scatter-add
        h = jax.nn.relu(agg @ W[l] + h @ W_self[l])
    # AvgPooling readout: mean of node features per molecule graph
    cnt = jax.ops.segment_sum(jnp.ones((N,), dtype=jnp.float32), graph_ids, num_segments=G)
    pooled = jax.ops.segment_sum(h, graph_ids, num_segments=G) / jnp.maximum(cnt, 1.0)[:, None]
    return pooled  # [G, H]

if __name__ == "__main__":
    import jax
    _d = setup_inputs()
    print(jax.jit(kernel)(*tuple(_d.values())))

</pallas_src>

<mosaic_0001>
#map = affine_map<(d0, d1) -> (0, 0)>
#map1 = affine_map<(d0, d1) -> (0, 0, 0, 0)>
#map2 = affine_map<(d0, d1) -> (0)>
#map3 = affine_map<(d0, d1) -> (0, 0, 0)>
module attributes {stable_mosaic.version = 14 : i64} {
  func.func @body(%arg0: i32, %arg1: i32, %arg2: memref<40000x128xf32, #tpu.memory_space<hbm>>, %arg3: memref<32x160x2x64xi32, #tpu.memory_space<hbm>>, %arg4: memref<64x128xf32, #tpu.memory_space<hbm>>, %arg5: memref<64xf32, #tpu.memory_space<hbm>>, %arg6: memref<2x10240x128xf32, #tpu.memory_space<hbm>>, %arg7: memref<2x10240xf32, #tpu.memory_space<hbm>>, %arg8: memref<2x64xi32, #tpu.memory_space<vmem>>, %arg9: memref<2x64xi32, #tpu.memory_space<vmem>>, %arg10: memref<2x64xi32, #tpu.memory_space<vmem>>, %arg11: memref<2x64xi32, #tpu.memory_space<vmem>>, %arg12: memref<2x64xi32, #tpu.memory_space<vmem>>, %arg13: memref<2x64xi32, #tpu.memory_space<vmem>>, %arg14: memref<2x64xi32, #tpu.memory_space<vmem>>, %arg15: memref<2x64xi32, #tpu.memory_space<vmem>>, %arg16: memref<64x128xf32, #tpu.memory_space<vmem>>, %arg17: memref<64x128xf32, #tpu.memory_space<vmem>>, %arg18: memref<64x128xf32, #tpu.memory_space<vmem>>, %arg19: memref<64x128xf32, #tpu.memory_space<vmem>>, %arg20: memref<64xf32, #tpu.memory_space<vmem>>, %arg21: memref<10240x128xf32, #tpu.memory_space<vmem_shared>>, %arg22: memref<10240xf32, #tpu.memory_space<vmem_shared>>, %arg23: memref<!tpu.dma_semaphore, #tpu.memory_space<semaphore_mem>>, %arg24: memref<!tpu.dma_semaphore, #tpu.memory_space<semaphore_mem>>, %arg25: memref<!tpu.dma_semaphore, #tpu.memory_space<semaphore_mem>>, %arg26: memref<!tpu.dma_semaphore, #tpu.memory_space<semaphore_mem>>, %arg27: memref<!tpu.dma_semaphore, #tpu.memory_space<semaphore_mem>>, %arg28: memref<!tpu.dma_semaphore, #tpu.memory_space<semaphore_mem>>, %arg29: memref<!tpu.dma_semaphore, #tpu.memory_space<semaphore_mem>>, %arg30: memref<!tpu.dma_semaphore, #tpu.memory_space<semaphore_mem>>, %arg31: memref<!tpu.dma_semaphore, #tpu.memory_space<semaphore_mem>>, %arg32: memref<!tpu.dma_semaphore, #tpu.memory_space<semaphore_mem>>, %arg33: memref<!tpu.dma_semaphore, #tpu.memory_space<semaphore_mem>>, %arg34: memref<!tpu.dma_semaphore, #tpu.memory_space<semaphore_mem>>, %arg35: memref<!tpu.dma_semaphore, #tpu.memory_space<semaphore_mem>>, %arg36: memref<!tpu.dma_semaphore, #tpu.memory_space<semaphore_mem>>, %arg37: memref<!tpu.dma_semaphore, #tpu.memory_space<semaphore_mem>>, %arg38: memref<!tpu.dma_semaphore, #tpu.memory_space<semaphore_mem>>, %arg39: memref<!tpu.dma_semaphore, #tpu.memory_space<semaphore_mem>>) attributes {dimension_semantics = [#tpu.dimension_semantics<core_parallel>, #tpu.dimension_semantics<subcore_parallel>], iteration_bounds = array<i64: 2, 16>, scalar_prefetch = 0 : i64, scratch_operands = 32 : i64, tpu.core_type = #tpu.core_type<sc_vector_subcore>, window_params = [{transform_indices = #map}, {transform_indices = #map1}, {transform_indices = #map}, {transform_indices = #map2}, {transform_indices = #map3}, {transform_indices = #map}]} {
    %mul3A = arith.constant 16 : i32
    %mul3A_0 = arith.muli %arg0, %mul3A : i32
    %add3A = arith.addi %mul3A_0, %arg1 : i32
    %mul3A_1 = arith.constant 640 : i32
    %mul3A_2 = arith.muli %arg1, %mul3A_1 : i32
    "tpu.region"() ({
      %run_scoped3A_58 = tpu.sem_alloc : memref<!tpu.dma_semaphore, #tpu.memory_space<semaphore_mem>>
      tpu.enqueue_dma source(%arg4 : memref<64x128xf32, #tpu.memory_space<hbm>>) target(%arg16 : memref<64x128xf32, #tpu.memory_space<vmem>>) target_semaphore(%run_scoped3A_58 : memref<!tpu.dma_semaphore, #tpu.memory_space<semaphore_mem>>)
      tpu.wait_dma2 semaphore(%run_scoped3A_58 : memref<!tpu.dma_semaphore, #tpu.memory_space<semaphore_mem>>) src(%arg4 : memref<64x128xf32, #tpu.memory_space<hbm>>) dst(%arg16 : memref<64x128xf32, #tpu.memory_space<vmem>>)
      tpu.yield
    }) : () -> ()
    "tpu.region"() ({
      %run_scoped3A_58 = tpu.sem_alloc : memref<!tpu.dma_semaphore, #tpu.memory_space<semaphore_mem>>
      tpu.enqueue_dma source(%arg5 : memref<64xf32, #tpu.memory_space<hbm>>) target(%arg20 : memref<64xf32, #tpu.memory_space<vmem>>) target_semaphore(%run_scoped3A_58 : memref<!tpu.dma_semaphore, #tpu.memory_space<semaphore_mem>>)
      tpu.wait_dma2 semaphore(%run_scoped3A_58 : memref<!tpu.dma_semaphore, #tpu.memory_space<semaphore_mem>>) src(%arg5 : memref<64xf32, #tpu.memory_space<hbm>>) dst(%arg20 : memref<64xf32, #tpu.memory_space<vmem>>)
      tpu.yield
    }) : () -> ()
    %add3A_3 = arith.constant 0 : i32
    %add3A_4 = arith.addi %mul3A_2, %add3A_3 : i32
    "tpu.region"() ({
      %run_scoped3A_58 = tpu.sem_alloc : memref<!tpu.dma_semaphore, #tpu.memory_space<semaphore_mem>>
      %dma_start3A = arith.constant 0 : i32
      %dma_start3A_59 = tpu.memref_slice %arg21[%add3A_4, %dma_start3A] : memref<10240x128xf32, #tpu.memory_space<vmem_shared>> -> memref<64x128xf32, #tpu.memory_space<vmem_shared>>
      %dma_start3A_60 = arith.constant 0 : i32
      %dma_start3A_61 = tpu.memref_slice %arg21[%add3A_4, %dma_start3A_60] : memref<10240x128xf32, #tpu.memory_space<vmem_shared>> -> memref<64x128xf32, #tpu.memory_space<vmem_shared>>
      tpu.enqueue_dma source(%arg16 : memref<64x128xf32, #tpu.memory_space<vmem>>) target(%dma_start3A_61 : memref<64x128xf32, #tpu.memory_space<vmem_shared>>) target_semaphore(%run_scoped3A_58 : memref<!tpu.dma_semaphore, #tpu.memory_space<semaphore_mem>>)
      %dma_wait3A = arith.constant 0 : i32
      %dma_wait3A_62 = tpu.memref_slice %arg21[%add3A_4, %dma_wait3A] : memref<10240x128xf32, #tpu.memory_space<vmem_shared>> -> memref<64x128xf32, #tpu.memory_space<vmem_shared>>
      %dma_wait3A_63 = arith.constant 0 : i32
      %dma_wait3A_64 = tpu.memref_slice %arg21[%add3A_4, %dma_wait3A_63] : memref<10240x128xf32, #tpu.memory_space<vmem_shared>> -> memref<64x128xf32, #tpu.memory_space<vmem_shared>>
      tpu.wait_dma2 semaphore(%run_scoped3A_58 : memref<!tpu.dma_semaphore, #tpu.memory_space<semaphore_mem>>) src(%arg16 : memref<64x128xf32, #tpu.memory_space<vmem>>) dst(%dma_wait3A_64 : memref<64x128xf32, #tpu.memory_space<vmem_shared>>)
      tpu.yield
    }) : () -> ()
    %run_scoped3A = arith.constant 0 : i32
    "tpu.region"() ({
      %run_scoped3A_58 = tpu.sem_alloc : memref<!tpu.dma_semaphore, #tpu.memory_space<semaphore_mem>>
      %dma_start3A = arith.constant 0 : i32
      %dma_start3A_59 = tpu.memref_slice %arg16[%run_scoped3A, %dma_start3A] : memref<64x128xf32, #tpu.memory_space<vmem>> -> memref<1x64xf32, #tpu.memory_space<vmem>>
      %dma_start3A_60 = tpu.memref_squeeze %dma_start3A_59 : memref<1x64xf32, #tpu.memory_space<vmem>> -> memref<64xf32, #tpu.memory_space<vmem>>
      %dma_start3A_61 = tpu.memref_slice %arg22[%add3A_4] : memref<10240xf32, #tpu.memory_space<vmem_shared>> -> memref<64xf32, #tpu.memory_space<vmem_shared>>
      %dma_start3A_62 = tpu.memref_slice %arg22[%add3A_4] : memref<10240xf32, #tpu.memory_space<vmem_shared>> -> memref<64xf32, #tpu.memory_space<vmem_shared>>
      %dma_start3A_63 = arith.constant 0 : i32
      %dma_start3A_64 = tpu.memref_slice %arg16[%run_scoped3A, %dma_start3A_63] : memref<64x128xf32, #tpu.memory_space<vmem>> -> memref<1x64xf32, #tpu.memory_space<vmem>>
      %dma_start3A_65 = tpu.memref_squeeze %dma_start3A_64 : memref<1x64xf32, #tpu.memory_space<vmem>> -> memref<64xf32, #tpu.memory_space<vmem>>
      tpu.enqueue_dma source(%dma_start3A_65 : memref<64xf32, #tpu.memory_space<vmem>>) target(%dma_start3A_62 : memref<64xf32, #tpu.memory_space<vmem_shared>>) target_semaphore(%run_scoped3A_58 : memref<!tpu.dma_semaphore, #tpu.memory_space<semaphore_mem>>)
      %dma_wait3A = arith.constant 0 : i32
      %dma_wait3A_66 = tpu.memref_slice %arg16[%run_scoped3A, %dma_wait3A] : memref<64x128xf32, #tpu.memory_space<vmem>> -> memref<1x64xf32, #tpu.memory_space<vmem>>
      %dma_wait3A_67 = tpu.memref_squeeze %dma_wait3A_66 : memref<1x64xf32, #tpu.memory_space<vmem>> -> memref<64xf32, #tpu.memory_space<vmem>>
      %dma_wait3A_68 = tpu.memref_slice %arg22[%add3A_4] : memref<10240xf32, #tpu.memory_space<vmem_shared>> -> memref<64xf32, #tpu.memory_space<vmem_shared>>
      %dma_wait3A_69 = tpu.memref_slice %arg22[%add3A_4] : memref<10240xf32, #tpu.memory_space<vmem_shared>> -> memref<64xf32, #tpu.memory_space<vmem_shared>>
      %dma_wait3A_70 = arith.constant 0 : i32
      %dma_wait3A_71 = tpu.memref_slice %arg16[%run_scoped3A, %dma_wait3A_70] : memref<64x128xf32, #tpu.memory_space<vmem>> -> memref<1x64xf32, #tpu.memory_space<vmem>>
      %dma_wait3A_72 = tpu.memref_squeeze %dma_wait3A_71 : memref<1x64xf32, #tpu.memory_space<vmem>> -> memref<64xf32, #tpu.memory_space<vmem>>
      tpu.wait_dma2 semaphore(%run_scoped3A_58 : memref<!tpu.dma_semaphore, #tpu.memory_space<semaphore_mem>>) src(%dma_wait3A_72 : memref<64xf32, #tpu.memory_space<vmem>>) dst(%dma_wait3A_69 : memref<64xf32, #tpu.memory_space<vmem_shared>>)
      tpu.yield
    }) : () -> ()
    %add3A_5 = arith.constant 64 : i32
    %add3A_6 = arith.addi %mul3A_2, %add3A_5 : i32
    "tpu.region"() ({
      %run_scoped3A_58 = tpu.sem_alloc : memref<!tpu.dma_semaphore, #tpu.memory_space<semaphore_mem>>
      %dma_start3A = arith.constant 0 : i32
      %dma_start3A_59 = tpu.memref_slice %arg21[%add3A_6, %dma_start3A] : memref<10240x128xf32, #tpu.memory_space<vmem_shared>> -> memref<64x128xf32, #tpu.memory_space<vmem_shared>>
      %dma_start3A_60 = arith.constant 0 : i32
      %dma_start3A_61 = tpu.memref_slice %arg21[%add3A_6, %dma_start3A_60] : memref<10240x128xf32, #tpu.memory_space<vmem_shared>> -> memref<64x128xf32, #tpu.memory_space<vmem_shared>>
      tpu.enqueue_dma source(%arg16 : memref<64x128xf32, #tpu.memory_space<vmem>>) target(%dma_start3A_61 : memref<64x128xf32, #tpu.memory_space<vmem_shared>>) target_semaphore(%run_scoped3A_58 : memref<!tpu.dma_semaphore, #tpu.memory_space<semaphore_mem>>)
      %dma_wait3A = arith.constant 0 : i32
      %dma_wait3A_62 = tpu.memref_slice %arg21[%add3A_6, %dma_wait3A] : memref<10240x128xf32, #tpu.memory_space<vmem_shared>> -> memref<64x128xf32, #tpu.memory_space<vmem_shared>>
      %dma_wait3A_63 = arith.constant 0 : i32
      %dma_wait3A_64 = tpu.memref_slice %arg21[%add3A_6, %dma_wait3A_63] : memref<10240x128xf32, #tpu.memory_space<vmem_shared>> -> memref<64x128xf32, #tpu.memory_space<vmem_shared>>
      tpu.wait_dma2 semaphore(%run_scoped3A_58 : memref<!tpu.dma_semaphore, #tpu.memory_space<semaphore_mem>>) src(%arg16 : memref<64x128xf32, #tpu.memory_space<vmem>>) dst(%dma_wait3A_64 : memref<64x128xf32, #tpu.memory_space<vmem_shared>>)
      tpu.yield
    }) : () -> ()
    %run_scoped3A_7 = arith.constant 0 : i32
    "tpu.region"() ({
      %run_scoped3A_58 = tpu.sem_alloc : memref<!tpu.dma_semaphore, #tpu.memory_space<semaphore_mem>>
      %dma_start3A = arith.constant 0 : i32
      %dma_start3A_59 = tpu.memref_slice %arg16[%run_scoped3A_7, %dma_start3A] : memref<64x128xf32, #tpu.memory_space<vmem>> -> memref<1x64xf32, #tpu.memory_space<vmem>>
      %dma_start3A_60 = tpu.memref_squeeze %dma_start3A_59 : memref<1x64xf32, #tpu.memory_space<vmem>> -> memref<64xf32, #tpu.memory_space<vmem>>
      %dma_start3A_61 = tpu.memref_slice %arg22[%add3A_6] : memref<10240xf32, #tpu.memory_space<vmem_shared>> -> memref<64xf32, #tpu.memory_space<vmem_shared>>
      %dma_start3A_62 = tpu.memref_slice %arg22[%add3A_6] : memref<10240xf32, #tpu.memory_space<vmem_shared>> -> memref<64xf32, #tpu.memory_space<vmem_shared>>
      %dma_start3A_63 = arith.constant 0 : i32
      %dma_start3A_64 = tpu.memref_slice %arg16[%run_scoped3A_7, %dma_start3A_63] : memref<64x128xf32, #tpu.memory_space<vmem>> -> memref<1x64xf32, #tpu.memory_space<vmem>>
      %dma_start3A_65 = tpu.memref_squeeze %dma_start3A_64 : memref<1x64xf32, #tpu.memory_space<vmem>> -> memref<64xf32, #tpu.memory_space<vmem>>
      tpu.enqueue_dma source(%dma_start3A_65 : memref<64xf32, #tpu.memory_space<vmem>>) target(%dma_start3A_62 : memref<64xf32, #tpu.memory_space<vmem_shared>>) target_semaphore(%run_scoped3A_58 : memref<!tpu.dma_semaphore, #tpu.memory_space<semaphore_mem>>)
      %dma_wait3A = arith.constant 0 : i32
      %dma_wait3A_66 = tpu.memref_slice %arg16[%run_scoped3A_7, %dma_wait3A] : memref<64x128xf32, #tpu.memory_space<vmem>> -> memref<1x64xf32, #tpu.memory_space<vmem>>
      %dma_wait3A_67 = tpu.memref_squeeze %dma_wait3A_66 : memref<1x64xf32, #tpu.memory_space<vmem>> -> memref<64xf32, #tpu.memory_space<vmem>>
      %dma_wait3A_68 = tpu.memref_slice %arg22[%add3A_6] : memref<10240xf32, #tpu.memory_space<vmem_shared>> -> memref<64xf32, #tpu.memory_space<vmem_shared>>
      %dma_wait3A_69 = tpu.memref_slice %arg22[%add3A_6] : memref<10240xf32, #tpu.memory_space<vmem_shared>> -> memref<64xf32, #tpu.memory_space<vmem_shared>>
      %dma_wait3A_70 = arith.constant 0 : i32
      %dma_wait3A_71 = tpu.memref_slice %arg16[%run_scoped3A_7, %dma_wait3A_70] : memref<64x128xf32, #tpu.memory_space<vmem>> -> memref<1x64xf32, #tpu.memory_space<vmem>>
      %dma_wait3A_72 = tpu.memref_squeeze %dma_wait3A_71 : memref<1x64xf32, #tpu.memory_space<vmem>> -> memref<64xf32, #tpu.memory_space<vmem>>
      tpu.wait_dma2 semaphore(%run_scoped3A_58 : memref<!tpu.dma_semaphore, #tpu.memory_space<semaphore_mem>>) src(%dma_wait3A_72 : memref<64xf32, #tpu.memory_space<vmem>>) dst(%dma_wait3A_69 : memref<64xf32, #tpu.memory_space<vmem_shared>>)
      tpu.yield
    }) : () -> ()
    %add3A_8 = arith.constant 128 : i32
    %add3A_9 = arith.addi %mul3A_2, %add3A_8 : i32
    "tpu.region"() ({
      %run_scoped3A_58 = tpu.sem_alloc : memref<!tpu.dma_semaphore, #tpu.memory_space<semaphore_mem>>
      %dma_start3A = arith.constant 0 : i32
      %dma_start3A_59 = tpu.memref_slice %arg21[%add3A_9, %dma_start3A] : memref<10240x128xf32, #tpu.memory_space<vmem_shared>> -> memref<64x128xf32, #tpu.memory_space<vmem_shared>>
      %dma_start3A_60 = arith.constant 0 : i32
      %dma_start3A_61 = tpu.memref_slice %arg21[%add3A_9, %dma_start3A_60] : memref<10240x128xf32, #tpu.memory_space<vmem_shared>> -> memref<64x128xf32, #tpu.memory_space<vmem_shared>>
      tpu.enqueue_dma source(%arg16 : memref<64x128xf32, #tpu.memory_space<vmem>>) target(%dma_start3A_61 : memref<64x128xf32, #tpu.memory_space<vmem_shared>>) target_semaphore(%run_scoped3A_58 : memref<!tpu.dma_semaphore, #tpu.memory_space<semaphore_mem>>)
      %dma_wait3A = arith.constant 0 : i32
      %dma_wait3A_62 = tpu.memref_slice %arg21[%add3A_9, %dma_wait3A] : memref<10240x128xf32, #tpu.memory_space<vmem_shared>> -> memref<64x128xf32, #tpu.memory_space<vmem_shared>>
      %dma_wait3A_63 = arith.constant 0 : i32
      %dma_wait3A_64 = tpu.memref_slice %arg21[%add3A_9, %dma_wait3A_63] : memref<10240x128xf32, #tpu.memory_space<vmem_shared>> -> memref<64x128xf32, #tpu.memory_space<vmem_shared>>
      tpu.wait_dma2 semaphore(%run_scoped3A_58 : memref<!tpu.dma_semaphore, #tpu.memory_space<semaphore_mem>>) src(%arg16 : memref<64x128xf32, #tpu.memory_space<vmem>>) dst(%dma_wait3A_64 : memref<64x128xf32, #tpu.memory_space<vmem_shared>>)
      tpu.yield
    }) : () -> ()
    %run_scoped3A_10 = arith.constant 0 : i32
    "tpu.region"() ({
      %run_scoped3A_58 = tpu.sem_alloc : memref<!tpu.dma_semaphore, #tpu.memory_space<semaphore_mem>>
      %dma_start3A = arith.constant 0 : i32
      %dma_start3A_59 = tpu.memref_slice %arg16[%run_scoped3A_10, %dma_start3A] : memref<64x128xf32, #tpu.memory_space<vmem>> -> memref<1x64xf32, #tpu.memory_space<vmem>>
      %dma_start3A_60 = tpu.memref_squeeze %dma_start3A_59 : memref<1x64xf32, #tpu.memory_space<vmem>> -> memref<64xf32, #tpu.memory_space<vmem>>
      %dma_start3A_61 = tpu.memref_slice %arg22[%add3A_9] : memref<10240xf32, #tpu.memory_space<vmem_shared>> -> memref<64xf32, #tpu.memory_space<vmem_shared>>
      %dma_start3A_62 = tpu.memref_slice %arg22[%add3A_9] : memref<10240xf32, #tpu.memory_space<vmem_shared>> -> memref<64xf32, #tpu.memory_space<vmem_shared>>
      %dma_start3A_63 = arith.constant 0 : i32
      %dma_start3A_64 = tpu.memref_slice %arg16[%run_scoped3A_10, %dma_start3A_63] : memref<64x128xf32, #tpu.memory_space<vmem>> -> memref<1x64xf32, #tpu.memory_space<vmem>>
      %dma_start3A_65 = tpu.memref_squeeze %dma_start3A_64 : memref<1x64xf32, #tpu.memory_space<vmem>> -> memref<64xf32, #tpu.memory_space<vmem>>
      tpu.enqueue_dma source(%dma_start3A_65 : memref<64xf32, #tpu.memory_space<vmem>>) target(%dma_start3A_62 : memref<64xf32, #tpu.memory_space<vmem_shared>>) target_semaphore(%run_scoped3A_58 : memref<!tpu.dma_semaphore, #tpu.memory_space<semaphore_mem>>)
      %dma_wait3A = arith.constant 0 : i32
      %dma_wait3A_66 = tpu.memref_slice %arg16[%run_scoped3A_10, %dma_wait3A] : memref<64x128xf32, #tpu.memory_space<vmem>> -> memref<1x64xf32, #tpu.memory_space<vmem>>
      %dma_wait3A_67 = tpu.memref_squeeze %dma_wait3A_66 : memref<1x64xf32, #tpu.memory_space<vmem>> -> memref<64xf32, #tpu.memory_space<vmem>>
      %dma_wait3A_68 = tpu.memref_slice %arg22[%add3A_9] : memref<10240xf32, #tpu.memory_space<vmem_shared>> -> memref<64xf32, #tpu.memory_space<vmem_shared>>
      %dma_wait3A_69 = tpu.memref_slice %arg22[%add3A_9] : memref<10240xf32, #tpu.memory_space<vmem_shared>> -> memref<64xf32, #tpu.memory_space<vmem_shared>>
      %dma_wait3A_70 = arith.constant 0 : i32
      %dma_wait3A_71 = tpu.memref_slice %arg16[%run_scoped3A_10, %dma_wait3A_70] : memref<64x128xf32, #tpu.memory_space<vmem>> -> memref<1x64xf32, #tpu.memory_space<vmem>>
      %dma_wait3A_72 = tpu.memref_squeeze %dma_wait3A_71 : memref<1x64xf32, #tpu.memory_space<vmem>> -> memref<64xf32, #tpu.memory_space<vmem>>
      tpu.wait_dma2 semaphore(%run_scoped3A_58 : memref<!tpu.dma_semaphore, #tpu.memory_space<semaphore_mem>>) src(%dma_wait3A_72 : memref<64xf32, #tpu.memory_space<vmem>>) dst(%dma_wait3A_69 : memref<64xf32, #tpu.memory_space<vmem_shared>>)
      tpu.yield
    }) : () -> ()
    %add3A_11 = arith.constant 192 : i32
    %add3A_12 = arith.addi %mul3A_2, %add3A_11 : i32
    "tpu.region"() ({
      %run_scoped3A_58 = tpu.sem_alloc : memref<!tpu.dma_semaphore, #tpu.memory_space<semaphore_mem>>
      %dma_start3A = arith.constant 0 : i32
      %dma_start3A_59 = tpu.memref_slice %arg21[%add3A_12, %dma_start3A] : memref<10240x128xf32, #tpu.memory_space<vmem_shared>> -> memref<64x128xf32, #tpu.memory_space<vmem_shared>>
      %dma_start3A_60 = arith.constant 0 : i32
      %dma_start3A_61 = tpu.memref_slice %arg21[%add3A_12, %dma_start3A_60] : memref<10240x128xf32, #tpu.memory_space<vmem_shared>> -> memref<64x128xf32, #tpu.memory_space<vmem_shared>>
      tpu.enqueue_dma source(%arg16 : memref<64x128xf32, #tpu.memory_space<vmem>>) target(%dma_start3A_61 : memref<64x128xf32, #tpu.memory_space<vmem_shared>>) target_semaphore(%run_scoped3A_58 : memref<!tpu.dma_semaphore, #tpu.memory_space<semaphore_mem>>)
      %dma_wait3A = arith.constant 0 : i32
      %dma_wait3A_62 = tpu.memref_slice %arg21[%add3A_12, %dma_wait3A] : memref<10240x128xf32, #tpu.memory_space<vmem_shared>> -> memref<64x128xf32, #tpu.memory_space<vmem_shared>>
      %dma_wait3A_63 = arith.constant 0 : i32
      %dma_wait3A_64 = tpu.memref_slice %arg21[%add3A_12, %dma_wait3A_63] : memref<10240x128xf32, #tpu.memory_space<vmem_shared>> -> memref<64x128xf32, #tpu.memory_space<vmem_shared>>
      tpu.wait_dma2 semaphore(%run_scoped3A_58 : memref<!tpu.dma_semaphore, #tpu.memory_space<semaphore_mem>>) src(%arg16 : memref<64x128xf32, #tpu.memory_space<vmem>>) dst(%dma_wait3A_64 : memref<64x128xf32, #tpu.memory_space<vmem_shared>>)
      tpu.yield
    }) : () -> ()
    %run_scoped3A_13 = arith.constant 0 : i32
    "tpu.region"() ({
      %run_scoped3A_58 = tpu.sem_alloc : memref<!tpu.dma_semaphore, #tpu.memory_space<semaphore_mem>>
      %dma_start3A = arith.constant 0 : i32
      %dma_start3A_59 = tpu.memref_slice %arg16[%run_scoped3A_13, %dma_start3A] : memref<64x128xf32, #tpu.memory_space<vmem>> -> memref<1x64xf32, #tpu.memory_space<vmem>>
      %dma_start3A_60 = tpu.memref_squeeze %dma_start3A_59 : memref<1x64xf32, #tpu.memory_space<vmem>> -> memref<64xf32, #tpu.memory_space<vmem>>
      %dma_start3A_61 = tpu.memref_slice %arg22[%add3A_12] : memref<10240xf32, #tpu.memory_space<vmem_shared>> -> memref<64xf32, #tpu.memory_space<vmem_shared>>
      %dma_start3A_62 = tpu.memref_slice %arg22[%add3A_12] : memref<10240xf32, #tpu.memory_space<vmem_shared>> -> memref<64xf32, #tpu.memory_space<vmem_shared>>
      %dma_start3A_63 = arith.constant 0 : i32
      %dma_start3A_64 = tpu.memref_slice %arg16[%run_scoped3A_13, %dma_start3A_63] : memref<64x128xf32, #tpu.memory_space<vmem>> -> memref<1x64xf32, #tpu.memory_space<vmem>>
      %dma_start3A_65 = tpu.memref_squeeze %dma_start3A_64 : memref<1x64xf32, #tpu.memory_space<vmem>> -> memref<64xf32, #tpu.memory_space<vmem>>
      tpu.enqueue_dma source(%dma_start3A_65 : memref<64xf32, #tpu.memory_space<vmem>>) target(%dma_start3A_62 : memref<64xf32, #tpu.memory_space<vmem_shared>>) target_semaphore(%run_scoped3A_58 : memref<!tpu.dma_semaphore, #tpu.memory_space<semaphore_mem>>)
      %dma_wait3A = arith.constant 0 : i32
      %dma_wait3A_66 = tpu.memref_slice %arg16[%run_scoped3A_13, %dma_wait3A] : memref<64x128xf32, #tpu.memory_space<vmem>> -> memref<1x64xf32, #tpu.memory_space<vmem>>
      %dma_wait3A_67 = tpu.memref_squeeze %dma_wait3A_66 : memref<1x64xf32, #tpu.memory_space<vmem>> -> memref<64xf32, #tpu.memory_space<vmem>>
      %dma_wait3A_68 = tpu.memref_slice %arg22[%add3A_12] : memref<10240xf32, #tpu.memory_space<vmem_shared>> -> memref<64xf32, #tpu.memory_space<vmem_shared>>
      %dma_wait3A_69 = tpu.memref_slice %arg22[%add3A_12] : memref<10240xf32, #tpu.memory_space<vmem_shared>> -> memref<64xf32, #tpu.memory_space<vmem_shared>>
      %dma_wait3A_70 = arith.constant 0 : i32
      %dma_wait3A_71 = tpu.memref_slice %arg16[%run_scoped3A_13, %dma_wait3A_70] : memref<64x128xf32, #tpu.memory_space<vmem>> -> memref<1x64xf32, #tpu.memory_space<vmem>>
      %dma_wait3A_72 = tpu.memref_squeeze %dma_wait3A_71 : memref<1x64xf32, #tpu.memory_space<vmem>> -> memref<64xf32, #tpu.memory_space<vmem>>
      tpu.wait_dma2 semaphore(%run_scoped3A_58 : memref<!tpu.dma_semaphore, #tpu.memory_space<semaphore_mem>>) src(%dma_wait3A_72 : memref<64xf32, #tpu.memory_space<vmem>>) dst(%dma_wait3A_69 : memref<64xf32, #tpu.memory_space<vmem_shared>>)
      tpu.yield
    }) : () -> ()
    %add3A_14 = arith.constant 256 : i32
    %add3A_15 = arith.addi %mul3A_2, %add3A_14 : i32
    "tpu.region"() ({
      %run_scoped3A_58 = tpu.sem_alloc : memref<!tpu.dma_semaphore, #tpu.memory_space<semaphore_mem>>
      %dma_start3A = arith.constant 0 : i32
      %dma_start3A_59 = tpu.memref_slice %arg21[%add3A_15, %dma_start3A] : memref<10240x128xf32, #tpu.memory_space<vmem_shared>> -> memref<64x128xf32, #tpu.memory_space<vmem_shared>>
      %dma_start3A_60 = arith.constant 0 : i32
      %dma_start3A_61 = tpu.memref_slice %arg21[%add3A_15, %dma_start3A_60] : memref<10240x128xf32, #tpu.memory_space<vmem_shared>> -> memref<64x128xf32, #tpu.memory_space<vmem_shared>>
      tpu.enqueue_dma source(%arg16 : memref<64x128xf32, #tpu.memory_space<vmem>>) target(%dma_start3A_61 : memref<64x128xf32, #tpu.memory_space<vmem_shared>>) target_semaphore(%run_scoped3A_58 : memref<!tpu.dma_semaphore, #tpu.memory_space<semaphore_mem>>)
      %dma_wait3A = arith.constant 0 : i32
      %dma_wait3A_62 = tpu.memref_slice %arg21[%add3A_15, %dma_wait3A] : memref<10240x128xf32, #tpu.memory_space<vmem_shared>> -> memref<64x128xf32, #tpu.memory_space<vmem_shared>>
      %dma_wait3A_63 = arith.constant 0 : i32
      %dma_wait3A_64 = tpu.memref_slice %arg21[%add3A_15, %dma_wait3A_63] : memref<10240x128xf32, #tpu.memory_space<vmem_shared>> -> memref<64x128xf32, #tpu.memory_space<vmem_shared>>
      tpu.wait_dma2 semaphore(%run_scoped3A_58 : memref<!tpu.dma_semaphore, #tpu.memory_space<semaphore_mem>>) src(%arg16 : memref<64x128xf32, #tpu.memory_space<vmem>>) dst(%dma_wait3A_64 : memref<64x128xf32, #tpu.memory_space<vmem_shared>>)
      tpu.yield
    }) : () -> ()
    %run_scoped3A_16 = arith.constant 0 : i32
    "tpu.region"() ({
      %run_scoped3A_58 = tpu.sem_alloc : memref<!tpu.dma_semaphore, #tpu.memory_space<semaphore_mem>>
      %dma_start3A = arith.constant 0 : i32
      %dma_start3A_59 = tpu.memref_slice %arg16[%run_scoped3A_16, %dma_start3A] : memref<64x128xf32, #tpu.memory_space<vmem>> -> memref<1x64xf32, #tpu.memory_space<vmem>>
      %dma_start3A_60 = tpu.memref_squeeze %dma_start3A_59 : memref<1x64xf32, #tpu.memory_space<vmem>> -> memref<64xf32, #tpu.memory_space<vmem>>
      %dma_start3A_61 = tpu.memref_slice %arg22[%add3A_15] : memref<10240xf32, #tpu.memory_space<vmem_shared>> -> memref<64xf32, #tpu.memory_space<vmem_shared>>
      %dma_start3A_62 = tpu.memref_slice %arg22[%add3A_15] : memref<10240xf32, #tpu.memory_space<vmem_shared>> -> memref<64xf32, #tpu.memory_space<vmem_shared>>
      %dma_start3A_63 = arith.constant 0 : i32
      %dma_start3A_64 = tpu.memref_slice %arg16[%run_scoped3A_16, %dma_start3A_63] : memref<64x128xf32, #tpu.memory_space<vmem>> -> memref<1x64xf32, #tpu.memory_space<vmem>>
      %dma_start3A_65 = tpu.memref_squeeze %dma_start3A_64 : memref<1x64xf32, #tpu.memory_space<vmem>> -> memref<64xf32, #tpu.memory_space<vmem>>
      tpu.enqueue_dma source(%dma_start3A_65 : memref<64xf32, #tpu.memory_space<vmem>>) target(%dma_start3A_62 : memref<64xf32, #tpu.memory_space<vmem_shared>>) target_semaphore(%run_scoped3A_58 : memref<!tpu.dma_semaphore, #tpu.memory_space<semaphore_mem>>)
      %dma_wait3A = arith.constant 0 : i32
      %dma_wait3A_66 = tpu.memref_slice %arg16[%run_scoped3A_16, %dma_wait3A] : memref<64x128xf32, #tpu.memory_space<vmem>> -> memref<1x64xf32, #tpu.memory_space<vmem>>
      %dma_wait3A_67 = tpu.memref_squeeze %dma_wait3A_66 : memref<1x64xf32, #tpu.memory_space<vmem>> -> memref<64xf32, #tpu.memory_space<vmem>>
      %dma_wait3A_68 = tpu.memref_slice %arg22[%add3A_15] : memref<10240xf32, #tpu.memory_space<vmem_shared>> -> memref<64xf32, #tpu.memory_space<vmem_shared>>
      %dma_wait3A_69 = tpu.memref_slice %arg22[%add3A_15] : memref<10240xf32, #tpu.memory_space<vmem_shared>> -> memref<64xf32, #tpu.memory_space<vmem_shared>>
      %dma_wait3A_70 = arith.constant 0 : i32
      %dma_wait3A_71 = tpu.memref_slice %arg16[%run_scoped3A_16, %dma_wait3A_70] : memref<64x128xf32, #tpu.memory_space<vmem>> -> memref<1x64xf32, #tpu.memory_space<vmem>>
      %dma_wait3A_72 = tpu.memref_squeeze %dma_wait3A_71 : memref<1x64xf32, #tpu.memory_space<vmem>> -> memref<64xf32, #tpu.memory_space<vmem>>
      tpu.wait_dma2 semaphore(%run_scoped3A_58 : memref<!tpu.dma_semaphore, #tpu.memory_space<semaphore_mem>>) src(%dma_wait3A_72 : memref<64xf32, #tpu.memory_space<vmem>>) dst(%dma_wait3A_69 : memref<64xf32, #tpu.memory_space<vmem_shared>>)
      tpu.yield
    }) : () -> ()
    %add3A_17 = arith.constant 320 : i32
    %add3A_18 = arith.addi %mul3A_2, %add3A_17 : i32
    "tpu.region"() ({
      %run_scoped3A_58 = tpu.sem_alloc : memref<!tpu.dma_semaphore, #tpu.memory_space<semaphore_mem>>
      %dma_start3A = arith.constant 0 : i32
      %dma_start3A_59 = tpu.memref_slice %arg21[%add3A_18, %dma_start3A] : memref<10240x128xf32, #tpu.memory_space<vmem_shared>> -> memref<64x128xf32, #tpu.memory_space<vmem_shared>>
      %dma_start3A_60 = arith.constant 0 : i32
      %dma_start3A_61 = tpu.memref_slice %arg21[%add3A_18, %dma_start3A_60] : memref<10240x128xf32, #tpu.memory_space<vmem_shared>> -> memref<64x128xf32, #tpu.memory_space<vmem_shared>>
      tpu.enqueue_dma source(%arg16 : memref<64x128xf32, #tpu.memory_space<vmem>>) target(%dma_start3A_61 : memref<64x128xf32, #tpu.memory_space<vmem_shared>>) target_semaphore(%run_scoped3A_58 : memref<!tpu.dma_semaphore, #tpu.memory_space<semaphore_mem>>)
      %dma_wait3A = arith.constant 0 : i32
      %dma_wait3A_62 = tpu.memref_slice %arg21[%add3A_18, %dma_wait3A] : memref<10240x128xf32, #tpu.memory_space<vmem_shared>> -> memref<64x128xf32, #tpu.memory_space<vmem_shared>>
      %dma_wait3A_63 = arith.constant 0 : i32
      %dma_wait3A_64 = tpu.memref_slice %arg21[%add3A_18, %dma_wait3A_63] : memref<10240x128xf32, #tpu.memory_space<vmem_shared>> -> memref<64x128xf32, #tpu.memory_space<vmem_shared>>
      tpu.wait_dma2 semaphore(%run_scoped3A_58 : memref<!tpu.dma_semaphore, #tpu.memory_space<semaphore_mem>>) src(%arg16 : memref<64x128xf32, #tpu.memory_space<vmem>>) dst(%dma_wait3A_64 : memref<64x128xf32, #tpu.memory_space<vmem_shared>>)
      tpu.yield
    }) : () -> ()
    %run_scoped3A_19 = arith.constant 0 : i32
    "tpu.region"() ({
      %run_scoped3A_58 = tpu.sem_alloc : memref<!tpu.dma_semaphore, #tpu.memory_space<semaphore_mem>>
      %dma_start3A = arith.constant 0 : i32
      %dma_start3A_59 = tpu.memref_slice %arg16[%run_scoped3A_19, %dma_start3A] : memref<64x128xf32, #tpu.memory_space<vmem>> -> memref<1x64xf32, #tpu.memory_space<vmem>>
      %dma_start3A_60 = tpu.memref_squeeze %dma_start3A_59 : memref<1x64xf32, #tpu.memory_space<vmem>> -> memref<64xf32, #tpu.memory_space<vmem>>
      %dma_start3A_61 = tpu.memref_slice %arg22[%add3A_18] : memref<10240xf32, #tpu.memory_space<vmem_shared>> -> memref<64xf32, #tpu.memory_space<vmem_shared>>
      %dma_start3A_62 = tpu.memref_slice %arg22[%add3A_18] : memref<10240xf32, #tpu.memory_space<vmem_shared>> -> memref<64xf32, #tpu.memory_space<vmem_shared>>
      %dma_start3A_63 = arith.constant 0 : i32
      %dma_start3A_64 = tpu.memref_slice %arg16[%run_scoped3A_19, %dma_start3A_63] : memref<64x128xf32, #tpu.memory_space<vmem>> -> memref<1x64xf32, #tpu.memory_space<vmem>>
      %dma_start3A_65 = tpu.memref_squeeze %dma_start3A_64 : memref<1x64xf32, #tpu.memory_space<vmem>> -> memref<64xf32, #tpu.memory_space<vmem>>
      tpu.enqueue_dma source(%dma_start3A_65 : memref<64xf32, #tpu.memory_space<vmem>>) target(%dma_start3A_62 : memref<64xf32, #tpu.memory_space<vmem_shared>>) target_semaphore(%run_scoped3A_58 : memref<!tpu.dma_semaphore, #tpu.memory_space<semaphore_mem>>)
      %dma_wait3A = arith.constant 0 : i32
      %dma_wait3A_66 = tpu.memref_slice %arg16[%run_scoped3A_19, %dma_wait3A] : memref<64x128xf32, #tpu.memory_space<vmem>> -> memref<1x64xf32, #tpu.memory_space<vmem>>
      %dma_wait3A_67 = tpu.memref_squeeze %dma_wait3A_66 : memref<1x64xf32, #tpu.memory_space<vmem>> -> memref<64xf32, #tpu.memory_space<vmem>>
      %dma_wait3A_68 = tpu.memref_slice %arg22[%add3A_18] : memref<10240xf32, #tpu.memory_space<vmem_shared>> -> memref<64xf32, #tpu.memory_space<vmem_shared>>
      %dma_wait3A_69 = tpu.memref_slice %arg22[%add3A_18] : memref<10240xf32, #tpu.memory_space<vmem_shared>> -> memref<64xf32, #tpu.memory_space<vmem_shared>>
      %dma_wait3A_70 = arith.constant 0 : i32
      %dma_wait3A_71 = tpu.memref_slice %arg16[%run_scoped3A_19, %dma_wait3A_70] : memref<64x128xf32, #tpu.memory_space<vmem>> -> memref<1x64xf32, #tpu.memory_space<vmem>>
      %dma_wait3A_72 = tpu.memref_squeeze %dma_wait3A_71 : memref<1x64xf32, #tpu.memory_space<vmem>> -> memref<64xf32, #tpu.memory_space<vmem>>
      tpu.wait_dma2 semaphore(%run_scoped3A_58 : memref<!tpu.dma_semaphore, #tpu.memory_space<semaphore_mem>>) src(%dma_wait3A_72 : memref<64xf32, #tpu.memory_space<vmem>>) dst(%dma_wait3A_69 : memref<64xf32, #tpu.memory_space<vmem_shared>>)
      tpu.yield
    }) : () -> ()
    %add3A_20 = arith.constant 384 : i32
    %add3A_21 = arith.addi %mul3A_2, %add3A_20 : i32
    "tpu.region"() ({
      %run_scoped3A_58 = tpu.sem_alloc : memref<!tpu.dma_semaphore, #tpu.memory_space<semaphore_mem>>
      %dma_start3A = arith.constant 0 : i32
      %dma_start3A_59 = tpu.memref_slice %arg21[%add3A_21, %dma_start3A] : memref<10240x128xf32, #tpu.memory_space<vmem_shared>> -> memref<64x128xf32, #tpu.memory_space<vmem_shared>>
      %dma_start3A_60 = arith.constant 0 : i32
      %dma_start3A_61 = tpu.memref_slice %arg21[%add3A_21, %dma_start3A_60] : memref<10240x128xf32, #tpu.memory_space<vmem_shared>> -> memref<64x128xf32, #tpu.memory_space<vmem_shared>>
      tpu.enqueue_dma source(%arg16 : memref<64x128xf32, #tpu.memory_space<vmem>>) target(%dma_start3A_61 : memref<64x128xf32, #tpu.memory_space<vmem_shared>>) target_semaphore(%run_scoped3A_58 : memref<!tpu.dma_semaphore, #tpu.memory_space<semaphore_mem>>)
      %dma_wait3A = arith.constant 0 : i32
      %dma_wait3A_62 = tpu.memref_slice %arg21[%add3A_21, %dma_wait3A] : memref<10240x128xf32, #tpu.memory_space<vmem_shared>> -> memref<64x128xf32, #tpu.memory_space<vmem_shared>>
      %dma_wait3A_63 = arith.constant 0 : i32
      %dma_wait3A_64 = tpu.memref_slice %arg21[%add3A_21, %dma_wait3A_63] : memref<10240x128xf32, #tpu.memory_space<vmem_shared>> -> memref<64x128xf32, #tpu.memory_space<vmem_shared>>
      tpu.wait_dma2 semaphore(%run_scoped3A_58 : memref<!tpu.dma_semaphore, #tpu.memory_space<semaphore_mem>>) src(%arg16 : memref<64x128xf32, #tpu.memory_space<vmem>>) dst(%dma_wait3A_64 : memref<64x128xf32, #tpu.memory_space<vmem_shared>>)
      tpu.yield
    }) : () -> ()
    %run_scoped3A_22 = arith.constant 0 : i32
    "tpu.region"() ({
      %run_scoped3A_58 = tpu.sem_alloc : memref<!tpu.dma_semaphore, #tpu.memory_space<semaphore_mem>>
      %dma_start3A = arith.constant 0 : i32
      %dma_start3A_59 = tpu.memref_slice %arg16[%run_scoped3A_22, %dma_start3A] : memref<64x128xf32, #tpu.memory_space<vmem>> -> memref<1x64xf32, #tpu.memory_space<vmem>>
      %dma_start3A_60 = tpu.memref_squeeze %dma_start3A_59 : memref<1x64xf32, #tpu.memory_space<vmem>> -> memref<64xf32, #tpu.memory_space<vmem>>
      %dma_start3A_61 = tpu.memref_slice %arg22[%add3A_21] : memref<10240xf32, #tpu.memory_space<vmem_shared>> -> memref<64xf32, #tpu.memory_space<vmem_shared>>
      %dma_start3A_62 = tpu.memref_slice %arg22[%add3A_21] : memref<10240xf32, #tpu.memory_space<vmem_shared>> -> memref<64xf32, #tpu.memory_space<vmem_shared>>
      %dma_start3A_63 = arith.constant 0 : i32
      %dma_start3A_64 = tpu.memref_slice %arg16[%run_scoped3A_22, %dma_start3A_63] : memref<64x128xf32, #tpu.memory_space<vmem>> -> memref<1x64xf32, #tpu.memory_space<vmem>>
      %dma_start3A_65 = tpu.memref_squeeze %dma_start3A_64 : memref<1x64xf32, #tpu.memory_space<vmem>> -> memref<64xf32, #tpu.memory_space<vmem>>
      tpu.enqueue_dma source(%dma_start3A_65 : memref<64xf32, #tpu.memory_space<vmem>>) target(%dma_start3A_62 : memref<64xf32, #tpu.memory_space<vmem_shared>>) target_semaphore(%run_scoped3A_58 : memref<!tpu.dma_semaphore, #tpu.memory_space<semaphore_mem>>)
      %dma_wait3A = arith.constant 0 : i32
      %dma_wait3A_66 = tpu.memref_slice %arg16[%run_scoped3A_22, %dma_wait3A] : memref<64x128xf32, #tpu.memory_space<vmem>> -> memref<1x64xf32, #tpu.memory_space<vmem>>
      %dma_wait3A_67 = tpu.memref_squeeze %dma_wait3A_66 : memref<1x64xf32, #tpu.memory_space<vmem>> -> memref<64xf32, #tpu.memory_space<vmem>>
      %dma_wait3A_68 = tpu.memref_slice %arg22[%add3A_21] : memref<10240xf32, #tpu.memory_space<vmem_shared>> -> memref<64xf32, #tpu.memory_space<vmem_shared>>
      %dma_wait3A_69 = tpu.memref_slice %arg22[%add3A_21] : memref<10240xf32, #tpu.memory_space<vmem_shared>> -> memref<64xf32, #tpu.memory_space<vmem_shared>>
      %dma_wait3A_70 = arith.constant 0 : i32
      %dma_wait3A_71 = tpu.memref_slice %arg16[%run_scoped3A_22, %dma_wait3A_70] : memref<64x128xf32, #tpu.memory_space<vmem>> -> memref<1x64xf32, #tpu.memory_space<vmem>>
      %dma_wait3A_72 = tpu.memref_squeeze %dma_wait3A_71 : memref<1x64xf32, #tpu.memory_space<vmem>> -> memref<64xf32, #tpu.memory_space<vmem>>
      tpu.wait_dma2 semaphore(%run_scoped3A_58 : memref<!tpu.dma_semaphore, #tpu.memory_space<semaphore_mem>>) src(%dma_wait3A_72 : memref<64xf32, #tpu.memory_space<vmem>>) dst(%dma_wait3A_69 : memref<64xf32, #tpu.memory_space<vmem_shared>>)
      tpu.yield
    }) : () -> ()
    %add3A_23 = arith.constant 448 : i32
    %add3A_24 = arith.addi %mul3A_2, %add3A_23 : i32
    "tpu.region"() ({
      %run_scoped3A_58 = tpu.sem_alloc : memref<!tpu.dma_semaphore, #tpu.memory_space<semaphore_mem>>
      %dma_start3A = arith.constant 0 : i32
      %dma_start3A_59 = tpu.memref_slice %arg21[%add3A_24, %dma_start3A] : memref<10240x128xf32, #tpu.memory_space<vmem_shared>> -> memref<64x128xf32, #tpu.memory_space<vmem_shared>>
      %dma_start3A_60 = arith.constant 0 : i32
      %dma_start3A_61 = tpu.memref_slice %arg21[%add3A_24, %dma_start3A_60] : memref<10240x128xf32, #tpu.memory_space<vmem_shared>> -> memref<64x128xf32, #tpu.memory_space<vmem_shared>>
      tpu.enqueue_dma source(%arg16 : memref<64x128xf32, #tpu.memory_space<vmem>>) target(%dma_start3A_61 : memref<64x128xf32, #tpu.memory_space<vmem_shared>>) target_semaphore(%run_scoped3A_58 : memref<!tpu.dma_semaphore, #tpu.memory_space<semaphore_mem>>)
      %dma_wait3A = arith.constant 0 : i32
      %dma_wait3A_62 = tpu.memref_slice %arg21[%add3A_24, %dma_wait3A] : memref<10240x128xf32, #tpu.memory_space<vmem_shared>> -> memref<64x128xf32, #tpu.memory_space<vmem_shared>>
      %dma_wait3A_63 = arith.constant 0 : i32
      %dma_wait3A_64 = tpu.memref_slice %arg21[%add3A_24, %dma_wait3A_63] : memref<10240x128xf32, #tpu.memory_space<vmem_shared>> -> memref<64x128xf32, #tpu.memory_space<vmem_shared>>
      tpu.wait_dma2 semaphore(%run_scoped3A_58 : memref<!tpu.dma_semaphore, #tpu.memory_space<semaphore_mem>>) src(%arg16 : memref<64x128xf32, #tpu.memory_space<vmem>>) dst(%dma_wait3A_64 : memref<64x128xf32, #tpu.memory_space<vmem_shared>>)
      tpu.yield
    }) : () -> ()
    %run_scoped3A_25 = arith.constant 0 : i32
    "tpu.region"() ({
      %run_scoped3A_58 = tpu.sem_alloc : memref<!tpu.dma_semaphore, #tpu.memory_space<semaphore_mem>>
      %dma_start3A = arith.constant 0 : i32
      %dma_start3A_59 = tpu.memref_slice %arg16[%run_scoped3A_25, %dma_start3A] : memref<64x128xf32, #tpu.memory_space<vmem>> -> memref<1x64xf32, #tpu.memory_space<vmem>>
      %dma_start3A_60 = tpu.memref_squeeze %dma_start3A_59 : memref<1x64xf32, #tpu.memory_space<vmem>> -> memref<64xf32, #tpu.memory_space<vmem>>
      %dma_start3A_61 = tpu.memref_slice %arg22[%add3A_24] : memref<10240xf32, #tpu.memory_space<vmem_shared>> -> memref<64xf32, #tpu.memory_space<vmem_shared>>
      %dma_start3A_62 = tpu.memref_slice %arg22[%add3A_24] : memref<10240xf32, #tpu.memory_space<vmem_shared>> -> memref<64xf32, #tpu.memory_space<vmem_shared>>
      %dma_start3A_63 = arith.constant 0 : i32
      %dma_start3A_64 = tpu.memref_slice %arg16[%run_scoped3A_25, %dma_start3A_63] : memref<64x128xf32, #tpu.memory_space<vmem>> -> memref<1x64xf32, #tpu.memory_space<vmem>>
      %dma_start3A_65 = tpu.memref_squeeze %dma_start3A_64 : memref<1x64xf32, #tpu.memory_space<vmem>> -> memref<64xf32, #tpu.memory_space<vmem>>
      tpu.enqueue_dma source(%dma_start3A_65 : memref<64xf32, #tpu.memory_space<vmem>>) target(%dma_start3A_62 : memref<64xf32, #tpu.memory_space<vmem_shared>>) target_semaphore(%run_scoped3A_58 : memref<!tpu.dma_semaphore, #tpu.memory_space<semaphore_mem>>)
      %dma_wait3A = arith.constant 0 : i32
      %dma_wait3A_66 = tpu.memref_slice %arg16[%run_scoped3A_25, %dma_wait3A] : memref<64x128xf32, #tpu.memory_space<vmem>> -> memref<1x64xf32, #tpu.memory_space<vmem>>
      %dma_wait3A_67 = tpu.memref_squeeze %dma_wait3A_66 : memref<1x64xf32, #tpu.memory_space<vmem>> -> memref<64xf32, #tpu.memory_space<vmem>>
      %dma_wait3A_68 = tpu.memref_slice %arg22[%add3A_24] : memref<10240xf32, #tpu.memory_space<vmem_shared>> -> memref<64xf32, #tpu.memory_space<vmem_shared>>
      %dma_wait3A_69 = tpu.memref_slice %arg22[%add3A_24] : memref<10240xf32, #tpu.memory_space<vmem_shared>> -> memref<64xf32, #tpu.memory_space<vmem_shared>>
      %dma_wait3A_70 = arith.constant 0 : i32
      %dma_wait3A_71 = tpu.memref_slice %arg16[%run_scoped3A_25, %dma_wait3A_70] : memref<64x128xf32, #tpu.memory_space<vmem>> -> memref<1x64xf32, #tpu.memory_space<vmem>>
      %dma_wait3A_72 = tpu.memref_squeeze %dma_wait3A_71 : memref<1x64xf32, #tpu.memory_space<vmem>> -> memref<64xf32, #tpu.memory_space<vmem>>
      tpu.wait_dma2 semaphore(%run_scoped3A_58 : memref<!tpu.dma_semaphore, #tpu.memory_space<semaphore_mem>>) src(%dma_wait3A_72 : memref<64xf32, #tpu.memory_space<vmem>>) dst(%dma_wait3A_69 : memref<64xf32, #tpu.memory_space<vmem_shared>>)
      tpu.yield
    }) : () -> ()
    %add3A_26 = arith.constant 512 : i32
    %add3A_27 = arith.addi %mul3A_2, %add3A_26 : i32
    "tpu.region"() ({
      %run_scoped3A_58 = tpu.sem_alloc : memref<!tpu.dma_semaphore, #tpu.memory_space<semaphore_mem>>
      %dma_start3A = arith.constant 0 : i32
      %dma_start3A_59 = tpu.memref_slice %arg21[%add3A_27, %dma_start3A] : memref<10240x128xf32, #tpu.memory_space<vmem_shared>> -> memref<64x128xf32, #tpu.memory_space<vmem_shared>>
      %dma_start3A_60 = arith.constant 0 : i32
      %dma_start3A_61 = tpu.memref_slice %arg21[%add3A_27, %dma_start3A_60] : memref<10240x128xf32, #tpu.memory_space<vmem_shared>> -> memref<64x128xf32, #tpu.memory_space<vmem_shared>>
      tpu.enqueue_dma source(%arg16 : memref<64x128xf32, #tpu.memory_space<vmem>>) target(%dma_start3A_61 : memref<64x128xf32, #tpu.memory_space<vmem_shared>>) target_semaphore(%run_scoped3A_58 : memref<!tpu.dma_semaphore, #tpu.memory_space<semaphore_mem>>)
      %dma_wait3A = arith.constant 0 : i32
      %dma_wait3A_62 = tpu.memref_slice %arg21[%add3A_27, %dma_wait3A] : memref<10240x128xf32, #tpu.memory_space<vmem_shared>> -> memref<64x128xf32, #tpu.memory_space<vmem_shared>>
      %dma_wait3A_63 = arith.constant 0 : i32
      %dma_wait3A_64 = tpu.memref_slice %arg21[%add3A_27, %dma_wait3A_63] : memref<10240x128xf32, #tpu.memory_space<vmem_shared>> -> memref<64x128xf32, #tpu.memory_space<vmem_shared>>
      tpu.wait_dma2 semaphore(%run_scoped3A_58 : memref<!tpu.dma_semaphore, #tpu.memory_space<semaphore_mem>>) src(%arg16 : memref<64x128xf32, #tpu.memory_space<vmem>>) dst(%dma_wait3A_64 : memref<64x128xf32, #tpu.memory_space<vmem_shared>>)
      tpu.yield
    }) : () -> ()
    %run_scoped3A_28 = arith.constant 0 : i32
    "tpu.region"() ({
      %run_scoped3A_58 = tpu.sem_alloc : memref<!tpu.dma_semaphore, #tpu.memory_space<semaphore_mem>>
      %dma_start3A = arith.constant 0 : i32
      %dma_start3A_59 = tpu.memref_slice %arg16[%run_scoped3A_28, %dma_start3A] : memref<64x128xf32, #tpu.memory_space<vmem>> -> memref<1x64xf32, #tpu.memory_space<vmem>>
      %dma_start3A_60 = tpu.memref_squeeze %dma_start3A_59 : memref<1x64xf32, #tpu.memory_space<vmem>> -> memref<64xf32, #tpu.memory_space<vmem>>
      %dma_start3A_61 = tpu.memref_slice %arg22[%add3A_27] : memref<10240xf32, #tpu.memory_space<vmem_shared>> -> memref<64xf32, #tpu.memory_space<vmem_shared>>
      %dma_start3A_62 = tpu.memref_slice %arg22[%add3A_27] : memref<10240xf32, #tpu.memory_space<vmem_shared>> -> memref<64xf32, #tpu.memory_space<vmem_shared>>
      %dma_start3A_63 = arith.constant 0 : i32
      %dma_start3A_64 = tpu.memref_slice %arg16[%run_scoped3A_28, %dma_start3A_63] : memref<64x128xf32, #tpu.memory_space<vmem>> -> memref<1x64xf32, #tpu.memory_space<vmem>>
      %dma_start3A_65 = tpu.memref_squeeze %dma_start3A_64 : memref<1x64xf32, #tpu.memory_space<vmem>> -> memref<64xf32, #tpu.memory_space<vmem>>
      tpu.enqueue_dma source(%dma_start3A_65 : memref<64xf32, #tpu.memory_space<vmem>>) target(%dma_start3A_62 : memref<64xf32, #tpu.memory_space<vmem_shared>>) target_semaphore(%run_scoped3A_58 : memref<!tpu.dma_semaphore, #tpu.memory_space<semaphore_mem>>)
      %dma_wait3A = arith.constant 0 : i32
      %dma_wait3A_66 = tpu.memref_slice %arg16[%run_scoped3A_28, %dma_wait3A] : memref<64x128xf32, #tpu.memory_space<vmem>> -> memref<1x64xf32, #tpu.memory_space<vmem>>
      %dma_wait3A_67 = tpu.memref_squeeze %dma_wait3A_66 : memref<1x64xf32, #tpu.memory_space<vmem>> -> memref<64xf32, #tpu.memory_space<vmem>>
      %dma_wait3A_68 = tpu.memref_slice %arg22[%add3A_27] : memref<10240xf32, #tpu.memory_space<vmem_shared>> -> memref<64xf32, #tpu.memory_space<vmem_shared>>
      %dma_wait3A_69 = tpu.memref_slice %arg22[%add3A_27] : memref<10240xf32, #tpu.memory_space<vmem_shared>> -> memref<64xf32, #tpu.memory_space<vmem_shared>>
      %dma_wait3A_70 = arith.constant 0 : i32
      %dma_wait3A_71 = tpu.memref_slice %arg16[%run_scoped3A_28, %dma_wait3A_70] : memref<64x128xf32, #tpu.memory_space<vmem>> -> memref<1x64xf32, #tpu.memory_space<vmem>>
      %dma_wait3A_72 = tpu.memref_squeeze %dma_wait3A_71 : memref<1x64xf32, #tpu.memory_space<vmem>> -> memref<64xf32, #tpu.memory_space<vmem>>
      tpu.wait_dma2 semaphore(%run_scoped3A_58 : memref<!tpu.dma_semaphore, #tpu.memory_space<semaphore_mem>>) src(%dma_wait3A_72 : memref<64xf32, #tpu.memory_space<vmem>>) dst(%dma_wait3A_69 : memref<64xf32, #tpu.memory_space<vmem_shared>>)
      tpu.yield
    }) : () -> ()
    %add3A_29 = arith.constant 576 : i32
    %add3A_30 = arith.addi %mul3A_2, %add3A_29 : i32
    "tpu.region"() ({
      %run_scoped3A_58 = tpu.sem_alloc : memref<!tpu.dma_semaphore, #tpu.memory_space<semaphore_mem>>
      %dma_start3A = arith.constant 0 : i32
      %dma_start3A_59 = tpu.memref_slice %arg21[%add3A_30, %dma_start3A] : memref<10240x128xf32, #tpu.memory_space<vmem_shared>> -> memref<64x128xf32, #tpu.memory_space<vmem_shared>>
      %dma_start3A_60 = arith.constant 0 : i32
      %dma_start3A_61 = tpu.memref_slice %arg21[%add3A_30, %dma_start3A_60] : memref<10240x128xf32, #tpu.memory_space<vmem_shared>> -> memref<64x128xf32, #tpu.memory_space<vmem_shared>>
      tpu.enqueue_dma source(%arg16 : memref<64x128xf32, #tpu.memory_space<vmem>>) target(%dma_start3A_61 : memref<64x128xf32, #tpu.memory_space<vmem_shared>>) target_semaphore(%run_scoped3A_58 : memref<!tpu.dma_semaphore, #tpu.memory_space<semaphore_mem>>)
      %dma_wait3A = arith.constant 0 : i32
      %dma_wait3A_62 = tpu.memref_slice %arg21[%add3A_30, %dma_wait3A] : memref<10240x128xf32, #tpu.memory_space<vmem_shared>> -> memref<64x128xf32, #tpu.memory_space<vmem_shared>>
      %dma_wait3A_63 = arith.constant 0 : i32
      %dma_wait3A_64 = tpu.memref_slice %arg21[%add3A_30, %dma_wait3A_63] : memref<10240x128xf32, #tpu.memory_space<vmem_shared>> -> memref<64x128xf32, #tpu.memory_space<vmem_shared>>
      tpu.wait_dma2 semaphore(%run_scoped3A_58 : memref<!tpu.dma_semaphore, #tpu.memory_space<semaphore_mem>>) src(%arg16 : memref<64x128xf32, #tpu.memory_space<vmem>>) dst(%dma_wait3A_64 : memref<64x128xf32, #tpu.memory_space<vmem_shared>>)
      tpu.yield
    }) : () -> ()
    %run_scoped3A_31 = arith.constant 0 : i32
    "tpu.region"() ({
      %run_scoped3A_58 = tpu.sem_alloc : memref<!tpu.dma_semaphore, #tpu.memory_space<semaphore_mem>>
      %dma_start3A = arith.constant 0 : i32
      %dma_start3A_59 = tpu.memref_slice %arg16[%run_scoped3A_31, %dma_start3A] : memref<64x128xf32, #tpu.memory_space<vmem>> -> memref<1x64xf32, #tpu.memory_space<vmem>>
      %dma_start3A_60 = tpu.memref_squeeze %dma_start3A_59 : memref<1x64xf32, #tpu.memory_space<vmem>> -> memref<64xf32, #tpu.memory_space<vmem>>
      %dma_start3A_61 = tpu.memref_slice %arg22[%add3A_30] : memref<10240xf32, #tpu.memory_space<vmem_shared>> -> memref<64xf32, #tpu.memory_space<vmem_shared>>
      %dma_start3A_62 = tpu.memref_slice %arg22[%add3A_30] : memref<10240xf32, #tpu.memory_space<vmem_shared>> -> memref<64xf32, #tpu.memory_space<vmem_shared>>
      %dma_start3A_63 = arith.constant 0 : i32
      %dma_start3A_64 = tpu.memref_slice %arg16[%run_scoped3A_31, %dma_start3A_63] : memref<64x128xf32, #tpu.memory_space<vmem>> -> memref<1x64xf32, #tpu.memory_space<vmem>>
      %dma_start3A_65 = tpu.memref_squeeze %dma_start3A_64 : memref<1x64xf32, #tpu.memory_space<vmem>> -> memref<64xf32, #tpu.memory_space<vmem>>
      tpu.enqueue_dma source(%dma_start3A_65 : memref<64xf32, #tpu.memory_space<vmem>>) target(%dma_start3A_62 : memref<64xf32, #tpu.memory_space<vmem_shared>>) target_semaphore(%run_scoped3A_58 : memref<!tpu.dma_semaphore, #tpu.memory_space<semaphore_mem>>)
      %dma_wait3A = arith.constant 0 : i32
      %dma_wait3A_66 = tpu.memref_slice %arg16[%run_scoped3A_31, %dma_wait3A] : memref<64x128xf32, #tpu.memory_space<vmem>> -> memref<1x64xf32, #tpu.memory_space<vmem>>
      %dma_wait3A_67 = tpu.memref_squeeze %dma_wait3A_66 : memref<1x64xf32, #tpu.memory_space<vmem>> -> memref<64xf32, #tpu.memory_space<vmem>>
      %dma_wait3A_68 = tpu.memref_slice %arg22[%add3A_30] : memref<10240xf32, #tpu.memory_space<vmem_shared>> -> memref<64xf32, #tpu.memory_space<vmem_shared>>
      %dma_wait3A_69 = tpu.memref_slice %arg22[%add3A_30] : memref<10240xf32, #tpu.memory_space<vmem_shared>> -> memref<64xf32, #tpu.memory_space<vmem_shared>>
      %dma_wait3A_70 = arith.constant 0 : i32
      %dma_wait3A_71 = tpu.memref_slice %arg16[%run_scoped3A_31, %dma_wait3A_70] : memref<64x128xf32, #tpu.memory_space<vmem>> -> memref<1x64xf32, #tpu.memory_space<vmem>>
      %dma_wait3A_72 = tpu.memref_squeeze %dma_wait3A_71 : memref<1x64xf32, #tpu.memory_space<vmem>> -> memref<64xf32, #tpu.memory_space<vmem>>
      tpu.wait_dma2 semaphore(%run_scoped3A_58 : memref<!tpu.dma_semaphore, #tpu.memory_space<semaphore_mem>>) src(%dma_wait3A_72 : memref<64xf32, #tpu.memory_space<vmem>>) dst(%dma_wait3A_69 : memref<64xf32, #tpu.memory_space<vmem_shared>>)
      tpu.yield
    }) : () -> ()
    %barrier3A = arith.constant 0 : index
    tpu.barrier barrier_id(%barrier3A)
    %scan3A = arith.constant 0 : i32
    %scan3A_32 = arith.constant 0 : i32
    %scan3A_33 = arith.constant 20 : i32
    %scan3A_34 = arith.addi %scan3A_32, %scan3A_33 : i32
    %scan3A_35 = arith.constant 1 : i32
    scf.for %scan3A_58 = %scan3A_32 to %scan3A_34 step %scan3A_35  : i32 {
      %mul3A_59 = arith.constant 8 : i32
      %mul3A_60 = arith.muli %scan3A_58, %mul3A_59 : i32
      %add3A_61 = arith.constant 0 : i32
      %add3A_62 = arith.addi %mul3A_60, %add3A_61 : i32
      %dma_start3A = arith.constant 0 : i32
      %dma_start3A_63 = arith.constant 0 : i32
      %dma_start3A_64 = tpu.memref_slice %arg3[%add3A, %add3A_62, %dma_start3A, %dma_start3A_63] : memref<32x160x2x64xi32, #tpu.memory_space<hbm>> -> memref<1x1x2x64xi32, #tpu.memory_space<hbm>>
      %dma_start3A_65 = tpu.memref_squeeze %dma_start3A_64 : memref<1x1x2x64xi32, #tpu.memory_space<hbm>> -> memref<2x64xi32, #tpu.memory_space<hbm>>
      %dma_start3A_66 = arith.constant 0 : i32
      %dma_start3A_67 = arith.constant 0 : i32
      %dma_start3A_68 = tpu.memref_slice %arg3[%add3A, %add3A_62, %dma_start3A_66, %dma_start3A_67] : memref<32x160x2x64xi32, #tpu.memory_space<hbm>> -> memref<1x1x2x64xi32, #tpu.memory_space<hbm>>
      %dma_start3A_69 = tpu.memref_squeeze %dma_start3A_68 : memref<1x1x2x64xi32, #tpu.memory_space<hbm>> -> memref<2x64xi32, #tpu.memory_space<hbm>>
      tpu.enqueue_dma source(%dma_start3A_69 : memref<2x64xi32, #tpu.memory_space<hbm>>) target(%arg8 : memref<2x64xi32, #tpu.memory_space<vmem>>) target_semaphore(%arg23 : memref<!tpu.dma_semaphore, #tpu.memory_space<semaphore_mem>>)
      %add3A_70 = arith.constant 1 : i32
      %add3A_71 = arith.addi %mul3A_60, %add3A_70 : i32
      %dma_start3A_72 = arith.constant 0 : i32
      %dma_start3A_73 = arith.constant 0 : i32
      %dma_start3A_74 = tpu.memref_slice %arg3[%add3A, %add3A_71, %dma_start3A_72, %dma_start3A_73] : memref<32x160x2x64xi32, #tpu.memory_space<hbm>> -> memref<1x1x2x64xi32, #tpu.memory_space<hbm>>
      %dma_start3A_75 = tpu.memref_squeeze %dma_start3A_74 : memref<1x1x2x64xi32, #tpu.memory_space<hbm>> -> memref<2x64xi32, #tpu.memory_space<hbm>>
      %dma_start3A_76 = arith.constant 0 : i32
      %dma_start3A_77 = arith.constant 0 : i32
      %dma_start3A_78 = tpu.memref_slice %arg3[%add3A, %add3A_71, %dma_start3A_76, %dma_start3A_77] : memref<32x160x2x64xi32, #tpu.memory_space<hbm>> -> memref<1x1x2x64xi32, #tpu.memory_space<hbm>>
      %dma_start3A_79 = tpu.memref_squeeze %dma_start3A_78 : memref<1x1x2x64xi32, #tpu.memory_space<hbm>> -> memref<2x64xi32, #tpu.memory_space<hbm>>
      tpu.enqueue_dma source(%dma_start3A_79 : memref<2x64xi32, #tpu.memory_space<hbm>>) target(%arg9 : memref<2x64xi32, #tpu.memory_space<vmem>>) target_semaphore(%arg24 : memref<!tpu.dma_semaphore, #tpu.memory_space<semaphore_mem>>)
      %add3A_80 = arith.constant 2 : i32
      %add3A_81 = arith.addi %mul3A_60, %add3A_80 : i32
      %dma_start3A_82 = arith.constant 0 : i32
      %dma_start3A_83 = arith.constant 0 : i32
      %dma_start3A_84 = tpu.memref_slice %arg3[%add3A, %add3A_81, %dma_start3A_82, %dma_start3A_83] : memref<32x160x2x64xi32, #tpu.memory_space<hbm>> -> memref<1x1x2x64xi32, #tpu.memory_space<hbm>>
      %dma_start3A_85 = tpu.memref_squeeze %dma_start3A_84 : memref<1x1x2x64xi32, #tpu.memory_space<hbm>> -> memref<2x64xi32, #tpu.memory_space<hbm>>
      %dma_start3A_86 = arith.constant 0 : i32
      %dma_start3A_87 = arith.constant 0 : i32
      %dma_start3A_88 = tpu.memref_slice %arg3[%add3A, %add3A_81, %dma_start3A_86, %dma_start3A_87] : memref<32x160x2x64xi32, #tpu.memory_space<hbm>> -> memref<1x1x2x64xi32, #tpu.memory_space<hbm>>
      %dma_start3A_89 = tpu.memref_squeeze %dma_start3A_88 : memref<1x1x2x64xi32, #tpu.memory_space<hbm>> -> memref<2x64xi32, #tpu.memory_space<hbm>>
      tpu.enqueue_dma source(%dma_start3A_89 : memref<2x64xi32, #tpu.memory_space<hbm>>) target(%arg10 : memref<2x64xi32, #tpu.memory_space<vmem>>) target_semaphore(%arg25 : memref<!tpu.dma_semaphore, #tpu.memory_space<semaphore_mem>>)
      %add3A_90 = arith.constant 3 : i32
      %add3A_91 = arith.addi %mul3A_60, %add3A_90 : i32
      %dma_start3A_92 = arith.constant 0 : i32
      %dma_start3A_93 = arith.constant 0 : i32
      %dma_start3A_94 = tpu.memref_slice %arg3[%add3A, %add3A_91, %dma_start3A_92, %dma_start3A_93] : memref<32x160x2x64xi32, #tpu.memory_space<hbm>> -> memref<1x1x2x64xi32, #tpu.memory_space<hbm>>
      %dma_start3A_95 = tpu.memref_squeeze %dma_start3A_94 : memref<1x1x2x64xi32, #tpu.memory_space<hbm>> -> memref<2x64xi32, #tpu.memory_space<hbm>>
      %dma_start3A_96 = arith.constant 0 : i32
      %dma_start3A_97 = arith.constant 0 : i32
      %dma_start3A_98 = tpu.memref_slice %arg3[%add3A, %add3A_91, %dma_start3A_96, %dma_start3A_97] : memref<32x160x2x64xi32, #tpu.memory_space<hbm>> -> memref<1x1x2x64xi32, #tpu.memory_space<hbm>>
      %dma_start3A_99 = tpu.memref_squeeze %dma_start3A_98 : memref<1x1x2x64xi32, #tpu.memory_space<hbm>> -> memref<2x64xi32, #tpu.memory_space<hbm>>
      tpu.enqueue_dma source(%dma_start3A_99 : memref<2x64xi32, #tpu.memory_space<hbm>>) target(%arg11 : memref<2x64xi32, #tpu.memory_space<vmem>>) target_semaphore(%arg26 : memref<!tpu.dma_semaphore, #tpu.memory_space<semaphore_mem>>)
      %add3A_100 = arith.constant 4 : i32
      %add3A_101 = arith.addi %mul3A_60, %add3A_100 : i32
      %dma_start3A_102 = arith.constant 0 : i32
      %dma_start3A_103 = arith.constant 0 : i32
      %dma_start3A_104 = tpu.memref_slice %arg3[%add3A, %add3A_101, %dma_start3A_102, %dma_start3A_103] : memref<32x160x2x64xi32, #tpu.memory_space<hbm>> -> memref<1x1x2x64xi32, #tpu.memory_space<hbm>>
      %dma_start3A_105 = tpu.memref_squeeze %dma_start3A_104 : memref<1x1x2x64xi32, #tpu.memory_space<hbm>> -> memref<2x64xi32, #tpu.memory_space<hbm>>
      %dma_start3A_106 = arith.constant 0 : i32
      %dma_start3A_107 = arith.constant 0 : i32
      %dma_start3A_108 = tpu.memref_slice %arg3[%add3A, %add3A_101, %dma_start3A_106, %dma_start3A_107] : memref<32x160x2x64xi32, #tpu.memory_space<hbm>> -> memref<1x1x2x64xi32, #tpu.memory_space<hbm>>
      %dma_start3A_109 = tpu.memref_squeeze %dma_start3A_108 : memref<1x1x2x64xi32, #tpu.memory_space<hbm>> -> memref<2x64xi32, #tpu.memory_space<hbm>>
      tpu.enqueue_dma source(%dma_start3A_109 : memref<2x64xi32, #tpu.memory_space<hbm>>) target(%arg12 : memref<2x64xi32, #tpu.memory_space<vmem>>) target_semaphore(%arg27 : memref<!tpu.dma_semaphore, #tpu.memory_space<semaphore_mem>>)
      %add3A_110 = arith.constant 5 : i32
      %add3A_111 = arith.addi %mul3A_60, %add3A_110 : i32
      %dma_start3A_112 = arith.constant 0 : i32
      %dma_start3A_113 = arith.constant 0 : i32
      %dma_start3A_114 = tpu.memref_slice %arg3[%add3A, %add3A_111, %dma_start3A_112, %dma_start3A_113] : memref<32x160x2x64xi32, #tpu.memory_space<hbm>> -> memref<1x1x2x64xi32, #tpu.memory_space<hbm>>
      %dma_start3A_115 = tpu.memref_squeeze %dma_start3A_114 : memref<1x1x2x64xi32, #tpu.memory_space<hbm>> -> memref<2x64xi32, #tpu.memory_space<hbm>>
      %dma_start3A_116 = arith.constant 0 : i32
      %dma_start3A_117 = arith.constant 0 : i32
      %dma_start3A_118 = tpu.memref_slice %arg3[%add3A, %add3A_111, %dma_start3A_116, %dma_start3A_117] : memref<32x160x2x64xi32, #tpu.memory_space<hbm>> -> memref<1x1x2x64xi32, #tpu.memory_space<hbm>>
      %dma_start3A_119 = tpu.memref_squeeze %dma_start3A_118 : memref<1x1x2x64xi32, #tpu.memory_space<hbm>> -> memref<2x64xi32, #tpu.memory_space<hbm>>
      tpu.enqueue_dma source(%dma_start3A_119 : memref<2x64xi32, #tpu.memory_space<hbm>>) target(%arg13 : memref<2x64xi32, #tpu.memory_space<vmem>>) target_semaphore(%arg28 : memref<!tpu.dma_semaphore, #tpu.memory_space<semaphore_mem>>)
      %add3A_120 = arith.constant 6 : i32
      %add3A_121 = arith.addi %mul3A_60, %add3A_120 : i32
      %dma_start3A_122 = arith.constant 0 : i32
      %dma_start3A_123 = arith.constant 0 : i32
      %dma_start3A_124 = tpu.memref_slice %arg3[%add3A, %add3A_121, %dma_start3A_122, %dma_start3A_123] : memref<32x160x2x64xi32, #tpu.memory_space<hbm>> -> memref<1x1x2x64xi32, #tpu.memory_space<hbm>>
      %dma_start3A_125 = tpu.memref_squeeze %dma_start3A_124 : memref<1x1x2x64xi32, #tpu.memory_space<hbm>> -> memref<2x64xi32, #tpu.memory_space<hbm>>
      %dma_start3A_126 = arith.constant 0 : i32
      %dma_start3A_127 = arith.constant 0 : i32
      %dma_start3A_128 = tpu.memref_slice %arg3[%add3A, %add3A_121, %dma_start3A_126, %dma_start3A_127] : memref<32x160x2x64xi32, #tpu.memory_space<hbm>> -> memref<1x1x2x64xi32, #tpu.memory_space<hbm>>
      %dma_start3A_129 = tpu.memref_squeeze %dma_start3A_128 : memref<1x1x2x64xi32, #tpu.memory_space<hbm>> -> memref<2x64xi32, #tpu.memory_space<hbm>>
      tpu.enqueue_dma source(%dma_start3A_129 : memref<2x64xi32, #tpu.memory_space<hbm>>) target(%arg14 : memref<2x64xi32, #tpu.memory_space<vmem>>) target_semaphore(%arg29 : memref<!tpu.dma_semaphore, #tpu.memory_space<semaphore_mem>>)
      %add3A_130 = arith.constant 7 : i32
      %add3A_131 = arith.addi %mul3A_60, %add3A_130 : i32
      %dma_start3A_132 = arith.constant 0 : i32
      %dma_start3A_133 = arith.constant 0 : i32
      %dma_start3A_134 = tpu.memref_slice %arg3[%add3A, %add3A_131, %dma_start3A_132, %dma_start3A_133] : memref<32x160x2x64xi32, #tpu.memory_space<hbm>> -> memref<1x1x2x64xi32, #tpu.memory_space<hbm>>
      %dma_start3A_135 = tpu.memref_squeeze %dma_start3A_134 : memref<1x1x2x64xi32, #tpu.memory_space<hbm>> -> memref<2x64xi32, #tpu.memory_space<hbm>>
      %dma_start3A_136 = arith.constant 0 : i32
      %dma_start3A_137 = arith.constant 0 : i32
      %dma_start3A_138 = tpu.memref_slice %arg3[%add3A, %add3A_131, %dma_start3A_136, %dma_start3A_137] : memref<32x160x2x64xi32, #tpu.memory_space<hbm>> -> memref<1x1x2x64xi32, #tpu.memory_space<hbm>>
      %dma_start3A_139 = tpu.memref_squeeze %dma_start3A_138 : memref<1x1x2x64xi32, #tpu.memory_space<hbm>> -> memref<2x64xi32, #tpu.memory_space<hbm>>
      tpu.enqueue_dma source(%dma_start3A_139 : memref<2x64xi32, #tpu.memory_space<hbm>>) target(%arg15 : memref<2x64xi32, #tpu.memory_space<vmem>>) target_semaphore(%arg30 : memref<!tpu.dma_semaphore, #tpu.memory_space<semaphore_mem>>)
      %dma_wait3A = arith.constant 0 : i32
      %dma_wait3A_140 = arith.constant 0 : i32
      %dma_wait3A_141 = tpu.memref_slice %arg3[%add3A, %add3A_62, %dma_wait3A, %dma_wait3A_140] : memref<32x160x2x64xi32, #tpu.memory_space<hbm>> -> memref<1x1x2x64xi32, #tpu.memory_space<hbm>>
      %dma_wait3A_142 = tpu.memref_squeeze %dma_wait3A_141 : memref<1x1x2x64xi32, #tpu.memory_space<hbm>> -> memref<2x64xi32, #tpu.memory_space<hbm>>
      %dma_wait3A_143 = arith.constant 0 : i32
      %dma_wait3A_144 = arith.constant 0 : i32
      %dma_wait3A_145 = tpu.memref_slice %arg3[%add3A, %add3A_62, %dma_wait3A_143, %dma_wait3A_144] : memref<32x160x2x64xi32, #tpu.memory_space<hbm>> -> memref<1x1x2x64xi32, #tpu.memory_space<hbm>>
      %dma_wait3A_146 = tpu.memref_squeeze %dma_wait3A_145 : memref<1x1x2x64xi32, #tpu.memory_space<hbm>> -> memref<2x64xi32, #tpu.memory_space<hbm>>
      tpu.wait_dma2 semaphore(%arg23 : memref<!tpu.dma_semaphore, #tpu.memory_space<semaphore_mem>>) src(%dma_wait3A_146 : memref<2x64xi32, #tpu.memory_space<hbm>>) dst(%arg8 : memref<2x64xi32, #tpu.memory_space<vmem>>)
      %dma_start3A_147 = arith.constant 0 : i32
      %dma_start3A_148 = arith.constant 0 : i32
      %dma_start3A_149 = tpu.memref_slice %arg8[%dma_start3A_147, %dma_start3A_148] : memref<2x64xi32, #tpu.memory_space<vmem>> -> memref<1x64xi32, #tpu.memory_space<vmem>>
      %dma_start3A_150 = tpu.memref_squeeze %dma_start3A_149 : memref<1x64xi32, #tpu.memory_space<vmem>> -> memref<64xi32, #tpu.memory_space<vmem>>
      %dma_start3A_151 = arith.constant 0 : i32
      %dma_start3A_152 = arith.constant 0 : i32
      %dma_start3A_153 = tpu.memref_slice %arg2[%dma_start3A_151, %dma_start3A_152] : memref<40000x128xf32, #tpu.memory_space<hbm>> -> memref<40000x128xf32, #tpu.memory_space<hbm>>
      tpu.enqueue_indirect_dma source(%dma_start3A_153 : memref<40000x128xf32, #tpu.memory_space<hbm>>) target(%arg16 : memref<64x128xf32, #tpu.memory_space<vmem>>) offsets(%dma_start3A_150 : memref<64xi32, #tpu.memory_space<vmem>>) semaphore(%arg31 : memref<!tpu.dma_semaphore, #tpu.memory_space<semaphore_mem>>)
      %dma_wait3A_154 = arith.constant 0 : i32
      %dma_wait3A_155 = arith.constant 0 : i32
      %dma_wait3A_156 = tpu.memref_slice %arg3[%add3A, %add3A_71, %dma_wait3A_154, %dma_wait3A_155] : memref<32x160x2x64xi32, #tpu.memory_space<hbm>> -> memref<1x1x2x64xi32, #tpu.memory_space<hbm>>
      %dma_wait3A_157 = tpu.memref_squeeze %dma_wait3A_156 : memref<1x1x2x64xi32, #tpu.memory_space<hbm>> -> memref<2x64xi32, #tpu.memory_space<hbm>>
      %dma_wait3A_158 = arith.constant 0 : i32
      %dma_wait3A_159 = arith.constant 0 : i32
      %dma_wait3A_160 = tpu.memref_slice %arg3[%add3A, %add3A_71, %dma_wait3A_158, %dma_wait3A_159] : memref<32x160x2x64xi32, #tpu.memory_space<hbm>> -> memref<1x1x2x64xi32, #tpu.memory_space<hbm>>
      %dma_wait3A_161 = tpu.memref_squeeze %dma_wait3A_160 : memref<1x1x2x64xi32, #tpu.memory_space<hbm>> -> memref<2x64xi32, #tpu.memory_space<hbm>>
      tpu.wait_dma2 semaphore(%arg24 : memref<!tpu.dma_semaphore, #tpu.memory_space<semaphore_mem>>) src(%dma_wait3A_161 : memref<2x64xi32, #tpu.memory_space<hbm>>) dst(%arg9 : memref<2x64xi32, #tpu.memory_space<vmem>>)
      %dma_start3A_162 = arith.constant 0 : i32
      %dma_start3A_163 = arith.constant 0 : i32
      %dma_start3A_164 = tpu.memref_slice %arg9[%dma_start3A_162, %dma_start3A_163] : memref<2x64xi32, #tpu.memory_space<vmem>> -> memref<1x64xi32, #tpu.memory_space<vmem>>
      %dma_start3A_165 = tpu.memref_squeeze %dma_start3A_164 : memref<1x64xi32, #tpu.memory_space<vmem>> -> memref<64xi32, #tpu.memory_space<vmem>>
      %dma_start3A_166 = arith.constant 0 : i32
      %dma_start3A_167 = arith.constant 0 : i32
      %dma_start3A_168 = tpu.memref_slice %arg2[%dma_start3A_166, %dma_start3A_167] : memref<40000x128xf32, #tpu.memory_space<hbm>> -> memref<40000x128xf32, #tpu.memory_space<hbm>>
      tpu.enqueue_indirect_dma source(%dma_start3A_168 : memref<40000x128xf32, #tpu.memory_space<hbm>>) target(%arg17 : memref<64x128xf32, #tpu.memory_space<vmem>>) offsets(%dma_start3A_165 : memref<64xi32, #tpu.memory_space<vmem>>) semaphore(%arg32 : memref<!tpu.dma_semaphore, #tpu.memory_space<semaphore_mem>>)
      %dma_wait3A_169 = arith.constant 0 : i32
      %dma_wait3A_170 = arith.constant 0 : i32
      %dma_wait3A_171 = tpu.memref_slice %arg3[%add3A, %add3A_81, %dma_wait3A_169, %dma_wait3A_170] : memref<32x160x2x64xi32, #tpu.memory_space<hbm>> -> memref<1x1x2x64xi32, #tpu.memory_space<hbm>>
      %dma_wait3A_172 = tpu.memref_squeeze %dma_wait3A_171 : memref<1x1x2x64xi32, #tpu.memory_space<hbm>> -> memref<2x64xi32, #tpu.memory_space<hbm>>
      %dma_wait3A_173 = arith.constant 0 : i32
      %dma_wait3A_174 = arith.constant 0 : i32
      %dma_wait3A_175 = tpu.memref_slice %arg3[%add3A, %add3A_81, %dma_wait3A_173, %dma_wait3A_174] : memref<32x160x2x64xi32, #tpu.memory_space<hbm>> -> memref<1x1x2x64xi32, #tpu.memory_space<hbm>>
      %dma_wait3A_176 = tpu.memref_squeeze %dma_wait3A_175 : memref<1x1x2x64xi32, #tpu.memory_space<hbm>> -> memref<2x64xi32, #tpu.memory_space<hbm>>
      tpu.wait_dma2 semaphore(%arg25 : memref<!tpu.dma_semaphore, #tpu.memory_space<semaphore_mem>>) src(%dma_wait3A_176 : memref<2x64xi32, #tpu.memory_space<hbm>>) dst(%arg10 : memref<2x64xi32, #tpu.memory_space<vmem>>)
      %dma_start3A_177 = arith.constant 0 : i32
      %dma_start3A_178 = arith.constant 0 : i32
      %dma_start3A_179 = tpu.memref_slice %arg10[%dma_start3A_177, %dma_start3A_178] : memref<2x64xi32, #tpu.memory_space<vmem>> -> memref<1x64xi32, #tpu.memory_space<vmem>>
      %dma_start3A_180 = tpu.memref_squeeze %dma_start3A_179 : memref<1x64xi32, #tpu.memory_space<vmem>> -> memref<64xi32, #tpu.memory_space<vmem>>
      %dma_start3A_181 = arith.constant 0 : i32
      %dma_start3A_182 = arith.constant 0 : i32
      %dma_start3A_183 = tpu.memref_slice %arg2[%dma_start3A_181, %dma_start3A_182] : memref<40000x128xf32, #tpu.memory_space<hbm>> -> memref<40000x128xf32, #tpu.memory_space<hbm>>
      tpu.enqueue_indirect_dma source(%dma_start3A_183 : memref<40000x128xf32, #tpu.memory_space<hbm>>) target(%arg18 : memref<64x128xf32, #tpu.memory_space<vmem>>) offsets(%dma_start3A_180 : memref<64xi32, #tpu.memory_space<vmem>>) semaphore(%arg33 : memref<!tpu.dma_semaphore, #tpu.memory_space<semaphore_mem>>)
      %dma_wait3A_184 = arith.constant 0 : i32
      %dma_wait3A_185 = arith.constant 0 : i32
      %dma_wait3A_186 = tpu.memref_slice %arg3[%add3A, %add3A_91, %dma_wait3A_184, %dma_wait3A_185] : memref<32x160x2x64xi32, #tpu.memory_space<hbm>> -> memref<1x1x2x64xi32, #tpu.memory_space<hbm>>
      %dma_wait3A_187 = tpu.memref_squeeze %dma_wait3A_186 : memref<1x1x2x64xi32, #tpu.memory_space<hbm>> -> memref<2x64xi32, #tpu.memory_space<hbm>>
      %dma_wait3A_188 = arith.constant 0 : i32
      %dma_wait3A_189 = arith.constant 0 : i32
      %dma_wait3A_190 = tpu.memref_slice %arg3[%add3A, %add3A_91, %dma_wait3A_188, %dma_wait3A_189] : memref<32x160x2x64xi32, #tpu.memory_space<hbm>> -> memref<1x1x2x64xi32, #tpu.memory_space<hbm>>
      %dma_wait3A_191 = tpu.memref_squeeze %dma_wait3A_190 : memref<1x1x2x64xi32, #tpu.memory_space<hbm>> -> memref<2x64xi32, #tpu.memory_space<hbm>>
      tpu.wait_dma2 semaphore(%arg26 : memref<!tpu.dma_semaphore, #tpu.memory_space<semaphore_mem>>) src(%dma_wait3A_191 : memref<2x64xi32, #tpu.memory_space<hbm>>) dst(%arg11 : memref<2x64xi32, #tpu.memory_space<vmem>>)
      %dma_start3A_192 = arith.constant 0 : i32
      %dma_start3A_193 = arith.constant 0 : i32
      %dma_start3A_194 = tpu.memref_slice %arg11[%dma_start3A_192, %dma_start3A_193] : memref<2x64xi32, #tpu.memory_space<vmem>> -> memref<1x64xi32, #tpu.memory_space<vmem>>
      %dma_start3A_195 = tpu.memref_squeeze %dma_start3A_194 : memref<1x64xi32, #tpu.memory_space<vmem>> -> memref<64xi32, #tpu.memory_space<vmem>>
      %dma_start3A_196 = arith.constant 0 : i32
      %dma_start3A_197 = arith.constant 0 : i32
      %dma_start3A_198 = tpu.memref_slice %arg2[%dma_start3A_196, %dma_start3A_197] : memref<40000x128xf32, #tpu.memory_space<hbm>> -> memref<40000x128xf32, #tpu.memory_space<hbm>>
      tpu.enqueue_indirect_dma source(%dma_start3A_198 : memref<40000x128xf32, #tpu.memory_space<hbm>>) target(%arg19 : memref<64x128xf32, #tpu.memory_space<vmem>>) offsets(%dma_start3A_195 : memref<64xi32, #tpu.memory_space<vmem>>) semaphore(%arg34 : memref<!tpu.dma_semaphore, #tpu.memory_space<semaphore_mem>>)
      %dma_wait3A_199 = arith.constant 0 : i32
      %dma_wait3A_200 = arith.constant 0 : i32
      %dma_wait3A_201 = tpu.memref_slice %arg8[%dma_wait3A_199, %dma_wait3A_200] : memref<2x64xi32, #tpu.memory_space<vmem>> -> memref<1x64xi32, #tpu.memory_space<vmem>>
      %dma_wait3A_202 = tpu.memref_squeeze %dma_wait3A_201 : memref<1x64xi32, #tpu.memory_space<vmem>> -> memref<64xi32, #tpu.memory_space<vmem>>
      %dma_wait3A_203 = arith.constant 0 : i32
      %dma_wait3A_204 = arith.constant 0 : i32
      %dma_wait3A_205 = tpu.memref_slice %arg2[%dma_wait3A_203, %dma_wait3A_204] : memref<40000x128xf32, #tpu.memory_space<hbm>> -> memref<40000x128xf32, #tpu.memory_space<hbm>>
      tpu.wait_indirect_dma semaphore(%arg31 : memref<!tpu.dma_semaphore, #tpu.memory_space<semaphore_mem>>) src(%dma_wait3A_205 : memref<40000x128xf32, #tpu.memory_space<hbm>>) dst(%arg16 : memref<64x128xf32, #tpu.memory_space<vmem>>)
      %dma_start3A_206 = arith.constant 1 : i32
      %dma_start3A_207 = arith.constant 0 : i32
      %dma_start3A_208 = tpu.memref_slice %arg8[%dma_start3A_206, %dma_start3A_207] : memref<2x64xi32, #tpu.memory_space<vmem>> -> memref<1x64xi32, #tpu.memory_space<vmem>>
      %dma_start3A_209 = tpu.memref_squeeze %dma_start3A_208 : memref<1x64xi32, #tpu.memory_space<vmem>> -> memref<64xi32, #tpu.memory_space<vmem>>
      %dma_start3A_210 = arith.constant 0 : i32
      %dma_start3A_211 = arith.constant 0 : i32
      %dma_start3A_212 = tpu.memref_slice %arg21[%dma_start3A_210, %dma_start3A_211] : memref<10240x128xf32, #tpu.memory_space<vmem_shared>> -> memref<10240x128xf32, #tpu.memory_space<vmem_shared>>
      tpu.enqueue_indirect_dma source(%arg16 : memref<64x128xf32, #tpu.memory_space<vmem>>) target(%dma_start3A_212 : memref<10240x128xf32, #tpu.memory_space<vmem_shared>>) offsets(%dma_start3A_209 : memref<64xi32, #tpu.memory_space<vmem>>) semaphore(%arg35 : memref<!tpu.dma_semaphore, #tpu.memory_space<semaphore_mem>>) {add = true}
      %dma_start3A_213 = arith.constant 1 : i32
      %dma_start3A_214 = arith.constant 0 : i32
      %dma_start3A_215 = tpu.memref_slice %arg8[%dma_start3A_213, %dma_start3A_214] : memref<2x64xi32, #tpu.memory_space<vmem>> -> memref<1x64xi32, #tpu.memory_space<vmem>>
      %dma_start3A_216 = tpu.memref_squeeze %dma_start3A_215 : memref<1x64xi32, #tpu.memory_space<vmem>> -> memref<64xi32, #tpu.memory_space<vmem>>
      %dma_start3A_217 = arith.constant 0 : i32
      %dma_start3A_218 = tpu.memref_slice %arg22[%dma_start3A_217] : memref<10240xf32, #tpu.memory_space<vmem_shared>> -> memref<10240xf32, #tpu.memory_space<vmem_shared>>
      tpu.enqueue_indirect_dma source(%arg20 : memref<64xf32, #tpu.memory_space<vmem>>) target(%dma_start3A_218 : memref<10240xf32, #tpu.memory_space<vmem_shared>>) offsets(%dma_start3A_216 : memref<64xi32, #tpu.memory_space<vmem>>) semaphore(%arg39 : memref<!tpu.dma_semaphore, #tpu.memory_space<semaphore_mem>>) {add = true}
      %dma_wait3A_219 = arith.constant 0 : i32
      %dma_wait3A_220 = arith.constant 0 : i32
      %dma_wait3A_221 = tpu.memref_slice %arg9[%dma_wait3A_219, %dma_wait3A_220] : memref<2x64xi32, #tpu.memory_space<vmem>> -> memref<1x64xi32, #tpu.memory_space<vmem>>
      %dma_wait3A_222 = tpu.memref_squeeze %dma_wait3A_221 : memref<1x64xi32, #tpu.memory_space<vmem>> -> memref<64xi32, #tpu.memory_space<vmem>>
      %dma_wait3A_223 = arith.constant 0 : i32
      %dma_wait3A_224 = arith.constant 0 : i32
      %dma_wait3A_225 = tpu.memref_slice %arg2[%dma_wait3A_223, %dma_wait3A_224] : memref<40000x128xf32, #tpu.memory_space<hbm>> -> memref<40000x128xf32, #tpu.memory_space<hbm>>
      tpu.wait_indirect_dma semaphore(%arg32 : memref<!tpu.dma_semaphore, #tpu.memory_space<semaphore_mem>>) src(%dma_wait3A_225 : memref<40000x128xf32, #tpu.memory_space<hbm>>) dst(%arg17 : memref<64x128xf32, #tpu.memory_space<vmem>>)
      %dma_start3A_226 = arith.constant 1 : i32
      %dma_start3A_227 = arith.constant 0 : i32
      %dma_start3A_228 = tpu.memref_slice %arg9[%dma_start3A_226, %dma_start3A_227] : memref<2x64xi32, #tpu.memory_space<vmem>> -> memref<1x64xi32, #tpu.memory_space<vmem>>
      %dma_start3A_229 = tpu.memref_squeeze %dma_start3A_228 : memref<1x64xi32, #tpu.memory_space<vmem>> -> memref<64xi32, #tpu.memory_space<vmem>>
      %dma_start3A_230 = arith.constant 0 : i32
      %dma_start3A_231 = arith.constant 0 : i32
      %dma_start3A_232 = tpu.memref_slice %arg21[%dma_start3A_230, %dma_start3A_231] : memref<10240x128xf32, #tpu.memory_space<vmem_shared>> -> memref<10240x128xf32, #tpu.memory_space<vmem_shared>>
      tpu.enqueue_indirect_dma source(%arg17 : memref<64x128xf32, #tpu.memory_space<vmem>>) target(%dma_start3A_232 : memref<10240x128xf32, #tpu.memory_space<vmem_shared>>) offsets(%dma_start3A_229 : memref<64xi32, #tpu.memory_space<vmem>>) semaphore(%arg36 : memref<!tpu.dma_semaphore, #tpu.memory_space<semaphore_mem>>) {add = true}
      %dma_start3A_233 = arith.constant 1 : i32
      %dma_start3A_234 = arith.constant 0 : i32
      %dma_start3A_235 = tpu.memref_slice %arg9[%dma_start3A_233, %dma_start3A_234] : memref<2x64xi32, #tpu.memory_space<vmem>> -> memref<1x64xi32, #tpu.memory_space<vmem>>
      %dma_start3A_236 = tpu.memref_squeeze %dma_start3A_235 : memref<1x64xi32, #tpu.memory_space<vmem>> -> memref<64xi32, #tpu.memory_space<vmem>>
      %dma_start3A_237 = arith.constant 0 : i32
      %dma_start3A_238 = tpu.memref_slice %arg22[%dma_start3A_237] : memref<10240xf32, #tpu.memory_space<vmem_shared>> -> memref<10240xf32, #tpu.memory_space<vmem_shared>>
      tpu.enqueue_indirect_dma source(%arg20 : memref<64xf32, #tpu.memory_space<vmem>>) target(%dma_start3A_238 : memref<10240xf32, #tpu.memory_space<vmem_shared>>) offsets(%dma_start3A_236 : memref<64xi32, #tpu.memory_space<vmem>>) semaphore(%arg39 : memref<!tpu.dma_semaphore, #tpu.memory_space<semaphore_mem>>) {add = true}
      %dma_wait3A_239 = arith.constant 0 : i32
      %dma_wait3A_240 = arith.constant 0 : i32
      %dma_wait3A_241 = tpu.memref_slice %arg10[%dma_wait3A_239, %dma_wait3A_240] : memref<2x64xi32, #tpu.memory_space<vmem>> -> memref<1x64xi32, #tpu.memory_space<vmem>>
      %dma_wait3A_242 = tpu.memref_squeeze %dma_wait3A_241 : memref<1x64xi32, #tpu.memory_space<vmem>> -> memref<64xi32, #tpu.memory_space<vmem>>
      %dma_wait3A_243 = arith.constant 0 : i32
      %dma_wait3A_244 = arith.constant 0 : i32
      %dma_wait3A_245 = tpu.memref_slice %arg2[%dma_wait3A_243, %dma_wait3A_244] : memref<40000x128xf32, #tpu.memory_space<hbm>> -> memref<40000x128xf32, #tpu.memory_space<hbm>>
      tpu.wait_indirect_dma semaphore(%arg33 : memref<!tpu.dma_semaphore, #tpu.memory_space<semaphore_mem>>) src(%dma_wait3A_245 : memref<40000x128xf32, #tpu.memory_space<hbm>>) dst(%arg18 : memref<64x128xf32, #tpu.memory_space<vmem>>)
      %dma_start3A_246 = arith.constant 1 : i32
      %dma_start3A_247 = arith.constant 0 : i32
      %dma_start3A_248 = tpu.memref_slice %arg10[%dma_start3A_246, %dma_start3A_247] : memref<2x64xi32, #tpu.memory_space<vmem>> -> memref<1x64xi32, #tpu.memory_space<vmem>>
      %dma_start3A_249 = tpu.memref_squeeze %dma_start3A_248 : memref<1x64xi32, #tpu.memory_space<vmem>> -> memref<64xi32, #tpu.memory_space<vmem>>
      %dma_start3A_250 = arith.constant 0 : i32
      %dma_start3A_251 = arith.constant 0 : i32
      %dma_start3A_252 = tpu.memref_slice %arg21[%dma_start3A_250, %dma_start3A_251] : memref<10240x128xf32, #tpu.memory_space<vmem_shared>> -> memref<10240x128xf32, #tpu.memory_space<vmem_shared>>
      tpu.enqueue_indirect_dma source(%arg18 : memref<64x128xf32, #tpu.memory_space<vmem>>) target(%dma_start3A_252 : memref<10240x128xf32, #tpu.memory_space<vmem_shared>>) offsets(%dma_start3A_249 : memref<64xi32, #tpu.memory_space<vmem>>) semaphore(%arg37 : memref<!tpu.dma_semaphore, #tpu.memory_space<semaphore_mem>>) {add = true}
      %dma_start3A_253 = arith.constant 1 : i32
      %dma_start3A_254 = arith.constant 0 : i32
      %dma_start3A_255 = tpu.memref_slice %arg10[%dma_start3A_253, %dma_start3A_254] : memref<2x64xi32, #tpu.memory_space<vmem>> -> memref<1x64xi32, #tpu.memory_space<vmem>>
      %dma_start3A_256 = tpu.memref_squeeze %dma_start3A_255 : memref<1x64xi32, #tpu.memory_space<vmem>> -> memref<64xi32, #tpu.memory_space<vmem>>
      %dma_start3A_257 = arith.constant 0 : i32
      %dma_start3A_258 = tpu.memref_slice %arg22[%dma_start3A_257] : memref<10240xf32, #tpu.memory_space<vmem_shared>> -> memref<10240xf32, #tpu.memory_space<vmem_shared>>
      tpu.enqueue_indirect_dma source(%arg20 : memref<64xf32, #tpu.memory_space<vmem>>) target(%dma_start3A_258 : memref<10240xf32, #tpu.memory_space<vmem_shared>>) offsets(%dma_start3A_256 : memref<64xi32, #tpu.memory_space<vmem>>) semaphore(%arg39 : memref<!tpu.dma_semaphore, #tpu.memory_space<semaphore_mem>>) {add = true}
      %dma_wait3A_259 = arith.constant 0 : i32
      %dma_wait3A_260 = arith.constant 0 : i32
      %dma_wait3A_261 = tpu.memref_slice %arg11[%dma_wait3A_259, %dma_wait3A_260] : memref<2x64xi32, #tpu.memory_space<vmem>> -> memref<1x64xi32, #tpu.memory_space<vmem>>
      %dma_wait3A_262 = tpu.memref_squeeze %dma_wait3A_261 : memref<1x64xi32, #tpu.memory_space<vmem>> -> memref<64xi32, #tpu.memory_space<vmem>>
      %dma_wait3A_263 = arith.constant 0 : i32
      %dma_wait3A_264 = arith.constant 0 : i32
      %dma_wait3A_265 = tpu.memref_slice %arg2[%dma_wait3A_263, %dma_wait3A_264] : memref<40000x128xf32, #tpu.memory_space<hbm>> -> memref<40000x128xf32, #tpu.memory_space<hbm>>
      tpu.wait_indirect_dma semaphore(%arg34 : memref<!tpu.dma_semaphore, #tpu.memory_space<semaphore_mem>>) src(%dma_wait3A_265 : memref<40000x128xf32, #tpu.memory_space<hbm>>) dst(%arg19 : memref<64x128xf32, #tpu.memory_space<vmem>>)
      %dma_start3A_266 = arith.constant 1 : i32
      %dma_start3A_267 = arith.constant 0 : i32
      %dma_start3A_268 = tpu.memref_slice %arg11[%dma_start3A_266, %dma_start3A_267] : memref<2x64xi32, #tpu.memory_space<vmem>> -> memref<1x64xi32, #tpu.memory_space<vmem>>
      %dma_start3A_269 = tpu.memref_squeeze %dma_start3A_268 : memref<1x64xi32, #tpu.memory_space<vmem>> -> memref<64xi32, #tpu.memory_space<vmem>>
      %dma_start3A_270 = arith.constant 0 : i32
      %dma_start3A_271 = arith.constant 0 : i32
      %dma_start3A_272 = tpu.memref_slice %arg21[%dma_start3A_270, %dma_start3A_271] : memref<10240x128xf32, #tpu.memory_space<vmem_shared>> -> memref<10240x128xf32, #tpu.memory_space<vmem_shared>>
      tpu.enqueue_indirect_dma source(%arg19 : memref<64x128xf32, #tpu.memory_space<vmem>>) target(%dma_start3A_272 : memref<10240x128xf32, #tpu.memory_space<vmem_shared>>) offsets(%dma_start3A_269 : memref<64xi32, #tpu.memory_space<vmem>>) semaphore(%arg38 : memref<!tpu.dma_semaphore, #tpu.memory_space<semaphore_mem>>) {add = true}
      %dma_start3A_273 = arith.constant 1 : i32
      %dma_start3A_274 = arith.constant 0 : i32
      %dma_start3A_275 = tpu.memref_slice %arg11[%dma_start3A_273, %dma_start3A_274] : memref<2x64xi32, #tpu.memory_space<vmem>> -> memref<1x64xi32, #tpu.memory_space<vmem>>
      %dma_start3A_276 = tpu.memref_squeeze %dma_start3A_275 : memref<1x64xi32, #tpu.memory_space<vmem>> -> memref<64xi32, #tpu.memory_space<vmem>>
      %dma_start3A_277 = arith.constant 0 : i32
      %dma_start3A_278 = tpu.memref_slice %arg22[%dma_start3A_277] : memref<10240xf32, #tpu.memory_space<vmem_shared>> -> memref<10240xf32, #tpu.memory_space<vmem_shared>>
      tpu.enqueue_indirect_dma source(%arg20 : memref<64xf32, #tpu.memory_space<vmem>>) target(%dma_start3A_278 : memref<10240xf32, #tpu.memory_space<vmem_shared>>) offsets(%dma_start3A_276 : memref<64xi32, #tpu.memory_space<vmem>>) semaphore(%arg39 : memref<!tpu.dma_semaphore, #tpu.memory_space<semaphore_mem>>) {add = true}
      %dma_wait3A_279 = arith.constant 1 : i32
      %dma_wait3A_280 = arith.constant 0 : i32
      %dma_wait3A_281 = tpu.memref_slice %arg8[%dma_wait3A_279, %dma_wait3A_280] : memref<2x64xi32, #tpu.memory_space<vmem>> -> memref<1x64xi32, #tpu.memory_space<vmem>>
      %dma_wait3A_282 = tpu.memref_squeeze %dma_wait3A_281 : memref<1x64xi32, #tpu.memory_space<vmem>> -> memref<64xi32, #tpu.memory_space<vmem>>
      %dma_wait3A_283 = arith.constant 0 : i32
      %dma_wait3A_284 = arith.constant 0 : i32
      %dma_wait3A_285 = tpu.memref_slice %arg21[%dma_wait3A_283, %dma_wait3A_284] : memref<10240x128xf32, #tpu.memory_space<vmem_shared>> -> memref<10240x128xf32, #tpu.memory_space<vmem_shared>>
      tpu.wait_indirect_dma semaphore(%arg35 : memref<!tpu.dma_semaphore, #tpu.memory_space<semaphore_mem>>) src(%arg16 : memref<64x128xf32, #tpu.memory_space<vmem>>) dst(%dma_wait3A_285 : memref<10240x128xf32, #tpu.memory_space<vmem_shared>>)
      %dma_wait3A_286 = arith.constant 0 : i32
      %dma_wait3A_287 = arith.constant 0 : i32
      %dma_wait3A_288 = tpu.memref_slice %arg3[%add3A, %add3A_101, %dma_wait3A_286, %dma_wait3A_287] : memref<32x160x2x64xi32, #tpu.memory_space<hbm>> -> memref<1x1x2x64xi32, #tpu.memory_space<hbm>>
      %dma_wait3A_289 = tpu.memref_squeeze %dma_wait3A_288 : memref<1x1x2x64xi32, #tpu.memory_space<hbm>> -> memref<2x64xi32, #tpu.memory_space<hbm>>
      %dma_wait3A_290 = arith.constant 0 : i32
      %dma_wait3A_291 = arith.constant 0 : i32
      %dma_wait3A_292 = tpu.memref_slice %arg3[%add3A, %add3A_101, %dma_wait3A_290, %dma_wait3A_291] : memref<32x160x2x64xi32, #tpu.memory_space<hbm>> -> memref<1x1x2x64xi32, #tpu.memory_space<hbm>>
      %dma_wait3A_293 = tpu.memref_squeeze %dma_wait3A_292 : memref<1x1x2x64xi32, #tpu.memory_space<hbm>> -> memref<2x64xi32, #tpu.memory_space<hbm>>
      tpu.wait_dma2 semaphore(%arg27 : memref<!tpu.dma_semaphore, #tpu.memory_space<semaphore_mem>>) src(%dma_wait3A_293 : memref<2x64xi32, #tpu.memory_space<hbm>>) dst(%arg12 : memref<2x64xi32, #tpu.memory_space<vmem>>)
      %dma_start3A_294 = arith.constant 0 : i32
      %dma_start3A_295 = arith.constant 0 : i32
      %dma_start3A_296 = tpu.memref_slice %arg12[%dma_start3A_294, %dma_start3A_295] : memref<2x64xi32, #tpu.memory_space<vmem>> -> memref<1x64xi32, #tpu.memory_space<vmem>>
      %dma_start3A_297 = tpu.memref_squeeze %dma_start3A_296 : memref<1x64xi32, #tpu.memory_space<vmem>> -> memref<64xi32, #tpu.memory_space<vmem>>
      %dma_start3A_298 = arith.constant 0 : i32
      %dma_start3A_299 = arith.constant 0 : i32
      %dma_start3A_300 = tpu.memref_slice %arg2[%dma_start3A_298, %dma_start3A_299] : memref<40000x128xf32, #tpu.memory_space<hbm>> -> memref<40000x128xf32, #tpu.memory_space<hbm>>
      tpu.enqueue_indirect_dma source(%dma_start3A_300 : memref<40000x128xf32, #tpu.memory_space<hbm>>) target(%arg16 : memref<64x128xf32, #tpu.memory_space<vmem>>) offsets(%dma_start3A_297 : memref<64xi32, #tpu.memory_space<vmem>>) semaphore(%arg31 : memref<!tpu.dma_semaphore, #tpu.memory_space<semaphore_mem>>)
      %dma_wait3A_301 = arith.constant 1 : i32
      %dma_wait3A_302 = arith.constant 0 : i32
      %dma_wait3A_303 = tpu.memref_slice %arg9[%dma_wait3A_301, %dma_wait3A_302] : memref<2x64xi32, #tpu.memory_space<vmem>> -> memref<1x64xi32, #tpu.memory_space<vmem>>
      %dma_wait3A_304 = tpu.memref_squeeze %dma_wait3A_303 : memref<1x64xi32, #tpu.memory_space<vmem>> -> memref<64xi32, #tpu.memory_space<vmem>>
      %dma_wait3A_305 = arith.constant 0 : i32
      %dma_wait3A_306 = arith.constant 0 : i32
      %dma_wait3A_307 = tpu.memref_slice %arg21[%dma_wait3A_305, %dma_wait3A_306] : memref<10240x128xf32, #tpu.memory_space<vmem_shared>> -> memref<10240x128xf32, #tpu.memory_space<vmem_shared>>
      tpu.wait_indirect_dma semaphore(%arg36 : memref<!tpu.dma_semaphore, #tpu.memory_space<semaphore_mem>>) src(%arg17 : memref<64x128xf32, #tpu.memory_space<vmem>>) dst(%dma_wait3A_307 : memref<10240x128xf32, #tpu.memory_space<vmem_shared>>)
      %dma_wait3A_308 = arith.constant 0 : i32
      %dma_wait3A_309 = arith.constant 0 : i32
      %dma_wait3A_310 = tpu.memref_slice %arg3[%add3A, %add3A_111, %dma_wait3A_308, %dma_wait3A_309] : memref<32x160x2x64xi32, #tpu.memory_space<hbm>> -> memref<1x1x2x64xi32, #tpu.memory_space<hbm>>
      %dma_wait3A_311 = tpu.memref_squeeze %dma_wait3A_310 : memref<1x1x2x64xi32, #tpu.memory_space<hbm>> -> memref<2x64xi32, #tpu.memory_space<hbm>>
      %dma_wait3A_312 = arith.constant 0 : i32
      %dma_wait3A_313 = arith.constant 0 : i32
      %dma_wait3A_314 = tpu.memref_slice %arg3[%add3A, %add3A_111, %dma_wait3A_312, %dma_wait3A_313] : memref<32x160x2x64xi32, #tpu.memory_space<hbm>> -> memref<1x1x2x64xi32, #tpu.memory_space<hbm>>
      %dma_wait3A_315 = tpu.memref_squeeze %dma_wait3A_314 : memref<1x1x2x64xi32, #tpu.memory_space<hbm>> -> memref<2x64xi32, #tpu.memory_space<hbm>>
      tpu.wait_dma2 semaphore(%arg28 : memref<!tpu.dma_semaphore, #tpu.memory_space<semaphore_mem>>) src(%dma_wait3A_315 : memref<2x64xi32, #tpu.memory_space<hbm>>) dst(%arg13 : memref<2x64xi32, #tpu.memory_space<vmem>>)
      %dma_start3A_316 = arith.constant 0 : i32
      %dma_start3A_317 = arith.constant 0 : i32
      %dma_start3A_318 = tpu.memref_slice %arg13[%dma_start3A_316, %dma_start3A_317] : memref<2x64xi32, #tpu.memory_space<vmem>> -> memref<1x64xi32, #tpu.memory_space<vmem>>
      %dma_start3A_319 = tpu.memref_squeeze %dma_start3A_318 : memref<1x64xi32, #tpu.memory_space<vmem>> -> memref<64xi32, #tpu.memory_space<vmem>>
      %dma_start3A_320 = arith.constant 0 : i32
      %dma_start3A_321 = arith.constant 0 : i32
      %dma_start3A_322 = tpu.memref_slice %arg2[%dma_start3A_320, %dma_start3A_321] : memref<40000x128xf32, #tpu.memory_space<hbm>> -> memref<40000x128xf32, #tpu.memory_space<hbm>>
      tpu.enqueue_indirect_dma source(%dma_start3A_322 : memref<40000x128xf32, #tpu.memory_space<hbm>>) target(%arg17 : memref<64x128xf32, #tpu.memory_space<vmem>>) offsets(%dma_start3A_319 : memref<64xi32, #tpu.memory_space<vmem>>) semaphore(%arg32 : memref<!tpu.dma_semaphore, #tpu.memory_space<semaphore_mem>>)
      %dma_wait3A_323 = arith.constant 1 : i32
      %dma_wait3A_324 = arith.constant 0 : i32
      %dma_wait3A_325 = tpu.memref_slice %arg10[%dma_wait3A_323, %dma_wait3A_324] : memref<2x64xi32, #tpu.memory_space<vmem>> -> memref<1x64xi32, #tpu.memory_space<vmem>>
      %dma_wait3A_326 = tpu.memref_squeeze %dma_wait3A_325 : memref<1x64xi32, #tpu.memory_space<vmem>> -> memref<64xi32, #tpu.memory_space<vmem>>
      %dma_wait3A_327 = arith.constant 0 : i32
      %dma_wait3A_328 = arith.constant 0 : i32
      %dma_wait3A_329 = tpu.memref_slice %arg21[%dma_wait3A_327, %dma_wait3A_328] : memref<10240x128xf32, #tpu.memory_space<vmem_shared>> -> memref<10240x128xf32, #tpu.memory_space<vmem_shared>>
      tpu.wait_indirect_dma semaphore(%arg37 : memref<!tpu.dma_semaphore, #tpu.memory_space<semaphore_mem>>) src(%arg18 : memref<64x128xf32, #tpu.memory_space<vmem>>) dst(%dma_wait3A_329 : memref<10240x128xf32, #tpu.memory_space<vmem_shared>>)
      %dma_wait3A_330 = arith.constant 0 : i32
      %dma_wait3A_331 = arith.constant 0 : i32
      %dma_wait3A_332 = tpu.memref_slice %arg3[%add3A, %add3A_121, %dma_wait3A_330, %dma_wait3A_331] : memref<32x160x2x64xi32, #tpu.memory_space<hbm>> -> memref<1x1x2x64xi32, #tpu.memory_space<hbm>>
      %dma_wait3A_333 = tpu.memref_squeeze %dma_wait3A_332 : memref<1x1x2x64xi32, #tpu.memory_space<hbm>> -> memref<2x64xi32, #tpu.memory_space<hbm>>
      %dma_wait3A_334 = arith.constant 0 : i32
      %dma_wait3A_335 = arith.constant 0 : i32
      %dma_wait3A_336 = tpu.memref_slice %arg3[%add3A, %add3A_121, %dma_wait3A_334, %dma_wait3A_335] : memref<32x160x2x64xi32, #tpu.memory_space<hbm>> -> memref<1x1x2x64xi32, #tpu.memory_space<hbm>>
      %dma_wait3A_337 = tpu.memref_squeeze %dma_wait3A_336 : memref<1x1x2x64xi32, #tpu.memory_space<hbm>> -> memref<2x64xi32, #tpu.memory_space<hbm>>
      tpu.wait_dma2 semaphore(%arg29 : memref<!tpu.dma_semaphore, #tpu.memory_space<semaphore_mem>>) src(%dma_wait3A_337 : memref<2x64xi32, #tpu.memory_space<hbm>>) dst(%arg14 : memref<2x64xi32, #tpu.memory_space<vmem>>)
      %dma_start3A_338 = arith.constant 0 : i32
      %dma_start3A_339 = arith.constant 0 : i32
      %dma_start3A_340 = tpu.memref_slice %arg14[%dma_start3A_338, %dma_start3A_339] : memref<2x64xi32, #tpu.memory_space<vmem>> -> memref<1x64xi32, #tpu.memory_space<vmem>>
      %dma_start3A_341 = tpu.memref_squeeze %dma_start3A_340 : memref<1x64xi32, #tpu.memory_space<vmem>> -> memref<64xi32, #tpu.memory_space<vmem>>
      %dma_start3A_342 = arith.constant 0 : i32
      %dma_start3A_343 = arith.constant 0 : i32
      %dma_start3A_344 = tpu.memref_slice %arg2[%dma_start3A_342, %dma_start3A_343] : memref<40000x128xf32, #tpu.memory_space<hbm>> -> memref<40000x128xf32, #tpu.memory_space<hbm>>
      tpu.enqueue_indirect_dma source(%dma_start3A_344 : memref<40000x128xf32, #tpu.memory_space<hbm>>) target(%arg18 : memref<64x128xf32, #tpu.memory_space<vmem>>) offsets(%dma_start3A_341 : memref<64xi32, #tpu.memory_space<vmem>>) semaphore(%arg33 : memref<!tpu.dma_semaphore, #tpu.memory_space<semaphore_mem>>)
      %dma_wait3A_345 = arith.constant 1 : i32
      %dma_wait3A_346 = arith.constant 0 : i32
      %dma_wait3A_347 = tpu.memref_slice %arg11[%dma_wait3A_345, %dma_wait3A_346] : memref<2x64xi32, #tpu.memory_space<vmem>> -> memref<1x64xi32, #tpu.memory_space<vmem>>
      %dma_wait3A_348 = tpu.memref_squeeze %dma_wait3A_347 : memref<1x64xi32, #tpu.memory_space<vmem>> -> memref<64xi32, #tpu.memory_space<vmem>>
      %dma_wait3A_349 = arith.constant 0 : i32
      %dma_wait3A_350 = arith.constant 0 : i32
      %dma_wait3A_351 = tpu.memref_slice %arg21[%dma_wait3A_349, %dma_wait3A_350] : memref<10240x128xf32, #tpu.memory_space<vmem_shared>> -> memref<10240x128xf32, #tpu.memory_space<vmem_shared>>
      tpu.wait_indirect_dma semaphore(%arg38 : memref<!tpu.dma_semaphore, #tpu.memory_space<semaphore_mem>>) src(%arg19 : memref<64x128xf32, #tpu.memory_space<vmem>>) dst(%dma_wait3A_351 : memref<10240x128xf32, #tpu.memory_space<vmem_shared>>)
      %dma_wait3A_352 = arith.constant 0 : i32
      %dma_wait3A_353 = arith.constant 0 : i32
      %dma_wait3A_354 = tpu.memref_slice %arg3[%add3A, %add3A_131, %dma_wait3A_352, %dma_wait3A_353] : memref<32x160x2x64xi32, #tpu.memory_space<hbm>> -> memref<1x1x2x64xi32, #tpu.memory_space<hbm>>
      %dma_wait3A_355 = tpu.memref_squeeze %dma_wait3A_354 : memref<1x1x2x64xi32, #tpu.memory_space<hbm>> -> memref<2x64xi32, #tpu.memory_space<hbm>>
      %dma_wait3A_356 = arith.constant 0 : i32
      %dma_wait3A_357 = arith.constant 0 : i32
      %dma_wait3A_358 = tpu.memref_slice %arg3[%add3A, %add3A_131, %dma_wait3A_356, %dma_wait3A_357] : memref<32x160x2x64xi32, #tpu.memory_space<hbm>> -> memref<1x1x2x64xi32, #tpu.memory_space<hbm>>
      %dma_wait3A_359 = tpu.memref_squeeze %dma_wait3A_358 : memref<1x1x2x64xi32, #tpu.memory_space<hbm>> -> memref<2x64xi32, #tpu.memory_space<hbm>>
      tpu.wait_dma2 semaphore(%arg30 : memref<!tpu.dma_semaphore, #tpu.memory_space<semaphore_mem>>) src(%dma_wait3A_359 : memref<2x64xi32, #tpu.memory_space<hbm>>) dst(%arg15 : memref<2x64xi32, #tpu.memory_space<vmem>>)
      %dma_start3A_360 = arith.constant 0 : i32
      %dma_start3A_361 = arith.constant 0 : i32
      %dma_start3A_362 = tpu.memref_slice %arg15[%dma_start3A_360, %dma_start3A_361] : memref<2x64xi32, #tpu.memory_space<vmem>> -> memref<1x64xi32, #tpu.memory_space<vmem>>
      %dma_start3A_363 = tpu.memref_squeeze %dma_start3A_362 : memref<1x64xi32, #tpu.memory_space<vmem>> -> memref<64xi32, #tpu.memory_space<vmem>>
      %dma_start3A_364 = arith.constant 0 : i32
      %dma_start3A_365 = arith.constant 0 : i32
      %dma_start3A_366 = tpu.memref_slice %arg2[%dma_start3A_364, %dma_start3A_365] : memref<40000x128xf32, #tpu.memory_space<hbm>> -> memref<40000x128xf32, #tpu.memory_space<hbm>>
      tpu.enqueue_indirect_dma source(%dma_start3A_366 : memref<40000x128xf32, #tpu.memory_space<hbm>>) target(%arg19 : memref<64x128xf32, #tpu.memory_space<vmem>>) offsets(%dma_start3A_363 : memref<64xi32, #tpu.memory_space<vmem>>) semaphore(%arg34 : memref<!tpu.dma_semaphore, #tpu.memory_space<semaphore_mem>>)
      %dma_wait3A_367 = arith.constant 1 : i32
      %dma_wait3A_368 = arith.constant 0 : i32
      %dma_wait3A_369 = tpu.memref_slice %arg8[%dma_wait3A_367, %dma_wait3A_368] : memref<2x64xi32, #tpu.memory_space<vmem>> -> memref<1x64xi32, #tpu.memory_space<vmem>>
      %dma_wait3A_370 = tpu.memref_squeeze %dma_wait3A_369 : memref<1x64xi32, #tpu.memory_space<vmem>> -> memref<64xi32, #tpu.memory_space<vmem>>
      %dma_wait3A_371 = arith.constant 0 : i32
      %dma_wait3A_372 = tpu.memref_slice %arg22[%dma_wait3A_371] : memref<10240xf32, #tpu.memory_space<vmem_shared>> -> memref<10240xf32, #tpu.memory_space<vmem_shared>>
      tpu.wait_indirect_dma semaphore(%arg39 : memref<!tpu.dma_semaphore, #tpu.memory_space<semaphore_mem>>) src(%arg20 : memref<64xf32, #tpu.memory_space<vmem>>) dst(%dma_wait3A_372 : memref<10240xf32, #tpu.memory_space<vmem_shared>>)
      %dma_wait3A_373 = arith.constant 1 : i32
      %dma_wait3A_374 = arith.constant 0 : i32
      %dma_wait3A_375 = tpu.memref_slice %arg9[%dma_wait3A_373, %dma_wait3A_374] : memref<2x64xi32, #tpu.memory_space<vmem>> -> memref<1x64xi32, #tpu.memory_space<vmem>>
      %dma_wait3A_376 = tpu.memref_squeeze %dma_wait3A_375 : memref<1x64xi32, #tpu.memory_space<vmem>> -> memref<64xi32, #tpu.memory_space<vmem>>
      %dma_wait3A_377 = arith.constant 0 : i32
      %dma_wait3A_378 = tpu.memref_slice %arg22[%dma_wait3A_377] : memref<10240xf32, #tpu.memory_space<vmem_shared>> -> memref<10240xf32, #tpu.memory_space<vmem_shared>>
      tpu.wait_indirect_dma semaphore(%arg39 : memref<!tpu.dma_semaphore, #tpu.memory_space<semaphore_mem>>) src(%arg20 : memref<64xf32, #tpu.memory_space<vmem>>) dst(%dma_wait3A_378 : memref<10240xf32, #tpu.memory_space<vmem_shared>>)
      %dma_wait3A_379 = arith.constant 1 : i32
      %dma_wait3A_380 = arith.constant 0 : i32
      %dma_wait3A_381 = tpu.memref_slice %arg10[%dma_wait3A_379, %dma_wait3A_380] : memref<2x64xi32, #tpu.memory_space<vmem>> -> memref<1x64xi32, #tpu.memory_space<vmem>>
      %dma_wait3A_382 = tpu.memref_squeeze %dma_wait3A_381 : memref<1x64xi32, #tpu.memory_space<vmem>> -> memref<64xi32, #tpu.memory_space<vmem>>
      %dma_wait3A_383 = arith.constant 0 : i32
      %dma_wait3A_384 = tpu.memref_slice %arg22[%dma_wait3A_383] : memref<10240xf32, #tpu.memory_space<vmem_shared>> -> memref<10240xf32, #tpu.memory_space<vmem_shared>>
      tpu.wait_indirect_dma semaphore(%arg39 : memref<!tpu.dma_semaphore, #tpu.memory_space<semaphore_mem>>) src(%arg20 : memref<64xf32, #tpu.memory_space<vmem>>) dst(%dma_wait3A_384 : memref<10240xf32, #tpu.memory_space<vmem_shared>>)
      %dma_wait3A_385 = arith.constant 1 : i32
      %dma_wait3A_386 = arith.constant 0 : i32
      %dma_wait3A_387 = tpu.memref_slice %arg11[%dma_wait3A_385, %dma_wait3A_386] : memref<2x64xi32, #tpu.memory_space<vmem>> -> memref<1x64xi32, #tpu.memory_space<vmem>>
      %dma_wait3A_388 = tpu.memref_squeeze %dma_wait3A_387 : memref<1x64xi32, #tpu.memory_space<vmem>> -> memref<64xi32, #tpu.memory_space<vmem>>
      %dma_wait3A_389 = arith.constant 0 : i32
      %dma_wait3A_390 = tpu.memref_slice %arg22[%dma_wait3A_389] : memref<10240xf32, #tpu.memory_space<vmem_shared>> -> memref<10240xf32, #tpu.memory_space<vmem_shared>>
      tpu.wait_indirect_dma semaphore(%arg39 : memref<!tpu.dma_semaphore, #tpu.memory_space<semaphore_mem>>) src(%arg20 : memref<64xf32, #tpu.memory_space<vmem>>) dst(%dma_wait3A_390 : memref<10240xf32, #tpu.memory_space<vmem_shared>>)
      %dma_wait3A_391 = arith.constant 0 : i32
      %dma_wait3A_392 = arith.constant 0 : i32
      %dma_wait3A_393 = tpu.memref_slice %arg12[%dma_wait3A_391, %dma_wait3A_392] : memref<2x64xi32, #tpu.memory_space<vmem>> -> memref<1x64xi32, #tpu.memory_space<vmem>>
      %dma_wait3A_394 = tpu.memref_squeeze %dma_wait3A_393 : memref<1x64xi32, #tpu.memory_space<vmem>> -> memref<64xi32, #tpu.memory_space<vmem>>
      %dma_wait3A_395 = arith.constant 0 : i32
      %dma_wait3A_396 = arith.constant 0 : i32
      %dma_wait3A_397 = tpu.memref_slice %arg2[%dma_wait3A_395, %dma_wait3A_396] : memref<40000x128xf32, #tpu.memory_space<hbm>> -> memref<40000x128xf32, #tpu.memory_space<hbm>>
      tpu.wait_indirect_dma semaphore(%arg31 : memref<!tpu.dma_semaphore, #tpu.memory_space<semaphore_mem>>) src(%dma_wait3A_397 : memref<40000x128xf32, #tpu.memory_space<hbm>>) dst(%arg16 : memref<64x128xf32, #tpu.memory_space<vmem>>)
      %dma_start3A_398 = arith.constant 1 : i32
      %dma_start3A_399 = arith.constant 0 : i32
      %dma_start3A_400 = tpu.memref_slice %arg12[%dma_start3A_398, %dma_start3A_399] : memref<2x64xi32, #tpu.memory_space<vmem>> -> memref<1x64xi32, #tpu.memory_space<vmem>>
      %dma_start3A_401 = tpu.memref_squeeze %dma_start3A_400 : memref<1x64xi32, #tpu.memory_space<vmem>> -> memref<64xi32, #tpu.memory_space<vmem>>
      %dma_start3A_402 = arith.constant 0 : i32
      %dma_start3A_403 = arith.constant 0 : i32
      %dma_start3A_404 = tpu.memref_slice %arg21[%dma_start3A_402, %dma_start3A_403] : memref<10240x128xf32, #tpu.memory_space<vmem_shared>> -> memref<10240x128xf32, #tpu.memory_space<vmem_shared>>
      tpu.enqueue_indirect_dma source(%arg16 : memref<64x128xf32, #tpu.memory_space<vmem>>) target(%dma_start3A_404 : memref<10240x128xf32, #tpu.memory_space<vmem_shared>>) offsets(%dma_start3A_401 : memref<64xi32, #tpu.memory_space<vmem>>) semaphore(%arg35 : memref<!tpu.dma_semaphore, #tpu.memory_space<semaphore_mem>>) {add = true}
      %dma_start3A_405 = arith.constant 1 : i32
      %dma_start3A_406 = arith.constant 0 : i32
      %dma_start3A_407 = tpu.memref_slice %arg12[%dma_start3A_405, %dma_start3A_406] : memref<2x64xi32, #tpu.memory_space<vmem>> -> memref<1x64xi32, #tpu.memory_space<vmem>>
      %dma_start3A_408 = tpu.memref_squeeze %dma_start3A_407 : memref<1x64xi32, #tpu.memory_space<vmem>> -> memref<64xi32, #tpu.memory_space<vmem>>
      %dma_start3A_409 = arith.constant 0 : i32
      %dma_start3A_410 = tpu.memref_slice %arg22[%dma_start3A_409] : memref<10240xf32, #tpu.memory_space<vmem_shared>> -> memref<10240xf32, #tpu.memory_space<vmem_shared>>
      tpu.enqueue_indirect_dma source(%arg20 : memref<64xf32, #tpu.memory_space<vmem>>) target(%dma_start3A_410 : memref<10240xf32, #tpu.memory_space<vmem_shared>>) offsets(%dma_start3A_408 : memref<64xi32, #tpu.memory_space<vmem>>) semaphore(%arg39 : memref<!tpu.dma_semaphore, #tpu.memory_space<semaphore_mem>>) {add = true}
      %dma_wait3A_411 = arith.constant 0 : i32
      %dma_wait3A_412 = arith.constant 0 : i32
      %dma_wait3A_413 = tpu.memref_slice %arg13[%dma_wait3A_411, %dma_wait3A_412] : memref<2x64xi32, #tpu.memory_space<vmem>> -> memref<1x64xi32, #tpu.memory_space<vmem>>
      %dma_wait3A_414 = tpu.memref_squeeze %dma_wait3A_413 : memref<1x64xi32, #tpu.memory_space<vmem>> -> memref<64xi32, #tpu.memory_space<vmem>>
      %dma_wait3A_415 = arith.constant 0 : i32
      %dma_wait3A_416 = arith.constant 0 : i32
      %dma_wait3A_417 = tpu.memref_slice %arg2[%dma_wait3A_415, %dma_wait3A_416] : memref<40000x128xf32, #tpu.memory_space<hbm>> -> memref<40000x128xf32, #tpu.memory_space<hbm>>
      tpu.wait_indirect_dma semaphore(%arg32 : memref<!tpu.dma_semaphore, #tpu.memory_space<semaphore_mem>>) src(%dma_wait3A_417 : memref<40000x128xf32, #tpu.memory_space<hbm>>) dst(%arg17 : memref<64x128xf32, #tpu.memory_space<vmem>>)
      %dma_start3A_418 = arith.constant 1 : i32
      %dma_start3A_419 = arith.constant 0 : i32
      %dma_start3A_420 = tpu.memref_slice %arg13[%dma_start3A_418, %dma_start3A_419] : memref<2x64xi32, #tpu.memory_space<vmem>> -> memref<1x64xi32, #tpu.memory_space<vmem>>
      %dma_start3A_421 = tpu.memref_squeeze %dma_start3A_420 : memref<1x64xi32, #tpu.memory_space<vmem>> -> memref<64xi32, #tpu.memory_space<vmem>>
      %dma_start3A_422 = arith.constant 0 : i32
      %dma_start3A_423 = arith.constant 0 : i32
      %dma_start3A_424 = tpu.memref_slice %arg21[%dma_start3A_422, %dma_start3A_423] : memref<10240x128xf32, #tpu.memory_space<vmem_shared>> -> memref<10240x128xf32, #tpu.memory_space<vmem_shared>>
      tpu.enqueue_indirect_dma source(%arg17 : memref<64x128xf32, #tpu.memory_space<vmem>>) target(%dma_start3A_424 : memref<10240x128xf32, #tpu.memory_space<vmem_shared>>) offsets(%dma_start3A_421 : memref<64xi32, #tpu.memory_space<vmem>>) semaphore(%arg36 : memref<!tpu.dma_semaphore, #tpu.memory_space<semaphore_mem>>) {add = true}
      %dma_start3A_425 = arith.constant 1 : i32
      %dma_start3A_426 = arith.constant 0 : i32
      %dma_start3A_427 = tpu.memref_slice %arg13[%dma_start3A_425, %dma_start3A_426] : memref<2x64xi32, #tpu.memory_space<vmem>> -> memref<1x64xi32, #tpu.memory_space<vmem>>
      %dma_start3A_428 = tpu.memref_squeeze %dma_start3A_427 : memref<1x64xi32, #tpu.memory_space<vmem>> -> memref<64xi32, #tpu.memory_space<vmem>>
      %dma_start3A_429 = arith.constant 0 : i32
      %dma_start3A_430 = tpu.memref_slice %arg22[%dma_start3A_429] : memref<10240xf32, #tpu.memory_space<vmem_shared>> -> memref<10240xf32, #tpu.memory_space<vmem_shared>>
      tpu.enqueue_indirect_dma source(%arg20 : memref<64xf32, #tpu.memory_space<vmem>>) target(%dma_start3A_430 : memref<10240xf32, #tpu.memory_space<vmem_shared>>) offsets(%dma_start3A_428 : memref<64xi32, #tpu.memory_space<vmem>>) semaphore(%arg39 : memref<!tpu.dma_semaphore, #tpu.memory_space<semaphore_mem>>) {add = true}
      %dma_wait3A_431 = arith.constant 0 : i32
      %dma_wait3A_432 = arith.constant 0 : i32
      %dma_wait3A_433 = tpu.memref_slice %arg14[%dma_wait3A_431, %dma_wait3A_432] : memref<2x64xi32, #tpu.memory_space<vmem>> -> memref<1x64xi32, #tpu.memory_space<vmem>>
      %dma_wait3A_434 = tpu.memref_squeeze %dma_wait3A_433 : memref<1x64xi32, #tpu.memory_space<vmem>> -> memref<64xi32, #tpu.memory_space<vmem>>
      %dma_wait3A_435 = arith.constant 0 : i32
      %dma_wait3A_436 = arith.constant 0 : i32
      %dma_wait3A_437 = tpu.memref_slice %arg2[%dma_wait3A_435, %dma_wait3A_436] : memref<40000x128xf32, #tpu.memory_space<hbm>> -> memref<40000x128xf32, #tpu.memory_space<hbm>>
      tpu.wait_indirect_dma semaphore(%arg33 : memref<!tpu.dma_semaphore, #tpu.memory_space<semaphore_mem>>) src(%dma_wait3A_437 : memref<40000x128xf32, #tpu.memory_space<hbm>>) dst(%arg18 : memref<64x128xf32, #tpu.memory_space<vmem>>)
      %dma_start3A_438 = arith.constant 1 : i32
      %dma_start3A_439 = arith.constant 0 : i32
      %dma_start3A_440 = tpu.memref_slice %arg14[%dma_start3A_438, %dma_start3A_439] : memref<2x64xi32, #tpu.memory_space<vmem>> -> memref<1x64xi32, #tpu.memory_space<vmem>>
      %dma_start3A_441 = tpu.memref_squeeze %dma_start3A_440 : memref<1x64xi32, #tpu.memory_space<vmem>> -> memref<64xi32, #tpu.memory_space<vmem>>
      %dma_start3A_442 = arith.constant 0 : i32
      %dma_start3A_443 = arith.constant 0 : i32
      %dma_start3A_444 = tpu.memref_slice %arg21[%dma_start3A_442, %dma_start3A_443] : memref<10240x128xf32, #tpu.memory_space<vmem_shared>> -> memref<10240x128xf32, #tpu.memory_space<vmem_shared>>
      tpu.enqueue_indirect_dma source(%arg18 : memref<64x128xf32, #tpu.memory_space<vmem>>) target(%dma_start3A_444 : memref<10240x128xf32, #tpu.memory_space<vmem_shared>>) offsets(%dma_start3A_441 : memref<64xi32, #tpu.memory_space<vmem>>) semaphore(%arg37 : memref<!tpu.dma_semaphore, #tpu.memory_space<semaphore_mem>>) {add = true}
      %dma_start3A_445 = arith.constant 1 : i32
      %dma_start3A_446 = arith.constant 0 : i32
      %dma_start3A_447 = tpu.memref_slice %arg14[%dma_start3A_445, %dma_start3A_446] : memref<2x64xi32, #tpu.memory_space<vmem>> -> memref<1x64xi32, #tpu.memory_space<vmem>>
      %dma_start3A_448 = tpu.memref_squeeze %dma_start3A_447 : memref<1x64xi32, #tpu.memory_space<vmem>> -> memref<64xi32, #tpu.memory_space<vmem>>
      %dma_start3A_449 = arith.constant 0 : i32
      %dma_start3A_450 = tpu.memref_slice %arg22[%dma_start3A_449] : memref<10240xf32, #tpu.memory_space<vmem_shared>> -> memref<10240xf32, #tpu.memory_space<vmem_shared>>
      tpu.enqueue_indirect_dma source(%arg20 : memref<64xf32, #tpu.memory_space<vmem>>) target(%dma_start3A_450 : memref<10240xf32, #tpu.memory_space<vmem_shared>>) offsets(%dma_start3A_448 : memref<64xi32, #tpu.memory_space<vmem>>) semaphore(%arg39 : memref<!tpu.dma_semaphore, #tpu.memory_space<semaphore_mem>>) {add = true}
      %dma_wait3A_451 = arith.constant 0 : i32
      %dma_wait3A_452 = arith.constant 0 : i32
      %dma_wait3A_453 = tpu.memref_slice %arg15[%dma_wait3A_451, %dma_wait3A_452] : memref<2x64xi32, #tpu.memory_space<vmem>> -> memref<1x64xi32, #tpu.memory_space<vmem>>
      %dma_wait3A_454 = tpu.memref_squeeze %dma_wait3A_453 : memref<1x64xi32, #tpu.memory_space<vmem>> -> memref<64xi32, #tpu.memory_space<vmem>>
      %dma_wait3A_455 = arith.constant 0 : i32
      %dma_wait3A_456 = arith.constant 0 : i32
      %dma_wait3A_457 = tpu.memref_slice %arg2[%dma_wait3A_455, %dma_wait3A_456] : memref<40000x128xf32, #tpu.memory_space<hbm>> -> memref<40000x128xf32, #tpu.memory_space<hbm>>
      tpu.wait_indirect_dma semaphore(%arg34 : memref<!tpu.dma_semaphore, #tpu.memory_space<semaphore_mem>>) src(%dma_wait3A_457 : memref<40000x128xf32, #tpu.memory_space<hbm>>) dst(%arg19 : memref<64x128xf32, #tpu.memory_space<vmem>>)
      %dma_start3A_458 = arith.constant 1 : i32
      %dma_start3A_459 = arith.constant 0 : i32
      %dma_start3A_460 = tpu.memref_slice %arg15[%dma_start3A_458, %dma_start3A_459] : memref<2x64xi32, #tpu.memory_space<vmem>> -> memref<1x64xi32, #tpu.memory_space<vmem>>
      %dma_start3A_461 = tpu.memref_squeeze %dma_start3A_460 : memref<1x64xi32, #tpu.memory_space<vmem>> -> memref<64xi32, #tpu.memory_space<vmem>>
      %dma_start3A_462 = arith.constant 0 : i32
      %dma_start3A_463 = arith.constant 0 : i32
      %dma_start3A_464 = tpu.memref_slice %arg21[%dma_start3A_462, %dma_start3A_463] : memref<10240x128xf32, #tpu.memory_space<vmem_shared>> -> memref<10240x128xf32, #tpu.memory_space<vmem_shared>>
      tpu.enqueue_indirect_dma source(%arg19 : memref<64x128xf32, #tpu.memory_space<vmem>>) target(%dma_start3A_464 : memref<10240x128xf32, #tpu.memory_space<vmem_shared>>) offsets(%dma_start3A_461 : memref<64xi32, #tpu.memory_space<vmem>>) semaphore(%arg38 : memref<!tpu.dma_semaphore, #tpu.memory_space<semaphore_mem>>) {add = true}
      %dma_start3A_465 = arith.constant 1 : i32
      %dma_start3A_466 = arith.constant 0 : i32
      %dma_start3A_467 = tpu.memref_slice %arg15[%dma_start3A_465, %dma_start3A_466] : memref<2x64xi32, #tpu.memory_space<vmem>> -> memref<1x64xi32, #tpu.memory_space<vmem>>
      %dma_start3A_468 = tpu.memref_squeeze %dma_start3A_467 : memref<1x64xi32, #tpu.memory_space<vmem>> -> memref<64xi32, #tpu.memory_space<vmem>>
      %dma_start3A_469 = arith.constant 0 : i32
      %dma_start3A_470 = tpu.memref_slice %arg22[%dma_start3A_469] : memref<10240xf32, #tpu.memory_space<vmem_shared>> -> memref<10240xf32, #tpu.memory_space<vmem_shared>>
      tpu.enqueue_indirect_dma source(%arg20 : memref<64xf32, #tpu.memory_space<vmem>>) target(%dma_start3A_470 : memref<10240xf32, #tpu.memory_space<vmem_shared>>) offsets(%dma_start3A_468 : memref<64xi32, #tpu.memory_space<vmem>>) semaphore(%arg39 : memref<!tpu.dma_semaphore, #tpu.memory_space<semaphore_mem>>) {add = true}
      %dma_wait3A_471 = arith.constant 1 : i32
      %dma_wait3A_472 = arith.constant 0 : i32
      %dma_wait3A_473 = tpu.memref_slice %arg12[%dma_wait3A_471, %dma_wait3A_472] : memref<2x64xi32, #tpu.memory_space<vmem>> -> memref<1x64xi32, #tpu.memory_space<vmem>>
      %dma_wait3A_474 = tpu.memref_squeeze %dma_wait3A_473 : memref<1x64xi32, #tpu.memory_space<vmem>> -> memref<64xi32, #tpu.memory_space<vmem>>
      %dma_wait3A_475 = arith.constant 0 : i32
      %dma_wait3A_476 = arith.constant 0 : i32
      %dma_wait3A_477 = tpu.memref_slice %arg21[%dma_wait3A_475, %dma_wait3A_476] : memref<10240x128xf32, #tpu.memory_space<vmem_shared>> -> memref<10240x128xf32, #tpu.memory_space<vmem_shared>>
      tpu.wait_indirect_dma semaphore(%arg35 : memref<!tpu.dma_semaphore, #tpu.memory_space<semaphore_mem>>) src(%arg16 : memref<64x128xf32, #tpu.memory_space<vmem>>) dst(%dma_wait3A_477 : memref<10240x128xf32, #tpu.memory_space<vmem_shared>>)
      %dma_wait3A_478 = arith.constant 1 : i32
      %dma_wait3A_479 = arith.constant 0 : i32
      %dma_wait3A_480 = tpu.memref_slice %arg13[%dma_wait3A_478, %dma_wait3A_479] : memref<2x64xi32, #tpu.memory_space<vmem>> -> memref<1x64xi32, #tpu.memory_space<vmem>>
      %dma_wait3A_481 = tpu.memref_squeeze %dma_wait3A_480 : memref<1x64xi32, #tpu.memory_space<vmem>> -> memref<64xi32, #tpu.memory_space<vmem>>
      %dma_wait3A_482 = arith.constant 0 : i32
      %dma_wait3A_483 = arith.constant 0 : i32
      %dma_wait3A_484 = tpu.memref_slice %arg21[%dma_wait3A_482, %dma_wait3A_483] : memref<10240x128xf32, #tpu.memory_space<vmem_shared>> -> memref<10240x128xf32, #tpu.memory_space<vmem_shared>>
      tpu.wait_indirect_dma semaphore(%arg36 : memref<!tpu.dma_semaphore, #tpu.memory_space<semaphore_mem>>) src(%arg17 : memref<64x128xf32, #tpu.memory_space<vmem>>) dst(%dma_wait3A_484 : memref<10240x128xf32, #tpu.memory_space<vmem_shared>>)
      %dma_wait3A_485 = arith.constant 1 : i32
      %dma_wait3A_486 = arith.constant 0 : i32
      %dma_wait3A_487 = tpu.memref_slice %arg14[%dma_wait3A_485, %dma_wait3A_486] : memref<2x64xi32, #tpu.memory_space<vmem>> -> memref<1x64xi32, #tpu.memory_space<vmem>>
      %dma_wait3A_488 = tpu.memref_squeeze %dma_wait3A_487 : memref<1x64xi32, #tpu.memory_space<vmem>> -> memref<64xi32, #tpu.memory_space<vmem>>
      %dma_wait3A_489 = arith.constant 0 : i32
      %dma_wait3A_490 = arith.constant 0 : i32
      %dma_wait3A_491 = tpu.memref_slice %arg21[%dma_wait3A_489, %dma_wait3A_490] : memref<10240x128xf32, #tpu.memory_space<vmem_shared>> -> memref<10240x128xf32, #tpu.memory_space<vmem_shared>>
      tpu.wait_indirect_dma semaphore(%arg37 : memref<!tpu.dma_semaphore, #tpu.memory_space<semaphore_mem>>) src(%arg18 : memref<64x128xf32, #tpu.memory_space<vmem>>) dst(%dma_wait3A_491 : memref<10240x128xf32, #tpu.memory_space<vmem_shared>>)
      %dma_wait3A_492 = arith.constant 1 : i32
      %dma_wait3A_493 = arith.constant 0 : i32
      %dma_wait3A_494 = tpu.memref_slice %arg15[%dma_wait3A_492, %dma_wait3A_493] : memref<2x64xi32, #tpu.memory_space<vmem>> -> memref<1x64xi32, #tpu.memory_space<vmem>>
      %dma_wait3A_495 = tpu.memref_squeeze %dma_wait3A_494 : memref<1x64xi32, #tpu.memory_space<vmem>> -> memref<64xi32, #tpu.memory_space<vmem>>
      %dma_wait3A_496 = arith.constant 0 : i32
      %dma_wait3A_497 = arith.constant 0 : i32
      %dma_wait3A_498 = tpu.memref_slice %arg21[%dma_wait3A_496, %dma_wait3A_497] : memref<10240x128xf32, #tpu.memory_space<vmem_shared>> -> memref<10240x128xf32, #tpu.memory_space<vmem_shared>>
      tpu.wait_indirect_dma semaphore(%arg38 : memref<!tpu.dma_semaphore, #tpu.memory_space<semaphore_mem>>) src(%arg19 : memref<64x128xf32, #tpu.memory_space<vmem>>) dst(%dma_wait3A_498 : memref<10240x128xf32, #tpu.memory_space<vmem_shared>>)
      %dma_wait3A_499 = arith.constant 1 : i32
      %dma_wait3A_500 = arith.constant 0 : i32
      %dma_wait3A_501 = tpu.memref_slice %arg12[%dma_wait3A_499, %dma_wait3A_500] : memref<2x64xi32, #tpu.memory_space<vmem>> -> memref<1x64xi32, #tpu.memory_space<vmem>>
      %dma_wait3A_502 = tpu.memref_squeeze %dma_wait3A_501 : memref<1x64xi32, #tpu.memory_space<vmem>> -> memref<64xi32, #tpu.memory_space<vmem>>
      %dma_wait3A_503 = arith.constant 0 : i32
      %dma_wait3A_504 = tpu.memref_slice %arg22[%dma_wait3A_503] : memref<10240xf32, #tpu.memory_space<vmem_shared>> -> memref<10240xf32, #tpu.memory_space<vmem_shared>>
      tpu.wait_indirect_dma semaphore(%arg39 : memref<!tpu.dma_semaphore, #tpu.memory_space<semaphore_mem>>) src(%arg20 : memref<64xf32, #tpu.memory_space<vmem>>) dst(%dma_wait3A_504 : memref<10240xf32, #tpu.memory_space<vmem_shared>>)
      %dma_wait3A_505 = arith.constant 1 : i32
      %dma_wait3A_506 = arith.constant 0 : i32
      %dma_wait3A_507 = tpu.memref_slice %arg13[%dma_wait3A_505, %dma_wait3A_506] : memref<2x64xi32, #tpu.memory_space<vmem>> -> memref<1x64xi32, #tpu.memory_space<vmem>>
      %dma_wait3A_508 = tpu.memref_squeeze %dma_wait3A_507 : memref<1x64xi32, #tpu.memory_space<vmem>> -> memref<64xi32, #tpu.memory_space<vmem>>
      %dma_wait3A_509 = arith.constant 0 : i32
      %dma_wait3A_510 = tpu.memref_slice %arg22[%dma_wait3A_509] : memref<10240xf32, #tpu.memory_space<vmem_shared>> -> memref<10240xf32, #tpu.memory_space<vmem_shared>>
      tpu.wait_indirect_dma semaphore(%arg39 : memref<!tpu.dma_semaphore, #tpu.memory_space<semaphore_mem>>) src(%arg20 : memref<64xf32, #tpu.memory_space<vmem>>) dst(%dma_wait3A_510 : memref<10240xf32, #tpu.memory_space<vmem_shared>>)
      %dma_wait3A_511 = arith.constant 1 : i32
      %dma_wait3A_512 = arith.constant 0 : i32
      %dma_wait3A_513 = tpu.memref_slice %arg14[%dma_wait3A_511, %dma_wait3A_512] : memref<2x64xi32, #tpu.memory_space<vmem>> -> memref<1x64xi32, #tpu.memory_space<vmem>>
      %dma_wait3A_514 = tpu.memref_squeeze %dma_wait3A_513 : memref<1x64xi32, #tpu.memory_space<vmem>> -> memref<64xi32, #tpu.memory_space<vmem>>
      %dma_wait3A_515 = arith.constant 0 : i32
      %dma_wait3A_516 = tpu.memref_slice %arg22[%dma_wait3A_515] : memref<10240xf32, #tpu.memory_space<vmem_shared>> -> memref<10240xf32, #tpu.memory_space<vmem_shared>>
      tpu.wait_indirect_dma semaphore(%arg39 : memref<!tpu.dma_semaphore, #tpu.memory_space<semaphore_mem>>) src(%arg20 : memref<64xf32, #tpu.memory_space<vmem>>) dst(%dma_wait3A_516 : memref<10240xf32, #tpu.memory_space<vmem_shared>>)
      %dma_wait3A_517 = arith.constant 1 : i32
      %dma_wait3A_518 = arith.constant 0 : i32
      %dma_wait3A_519 = tpu.memref_slice %arg15[%dma_wait3A_517, %dma_wait3A_518] : memref<2x64xi32, #tpu.memory_space<vmem>> -> memref<1x64xi32, #tpu.memory_space<vmem>>
      %dma_wait3A_520 = tpu.memref_squeeze %dma_wait3A_519 : memref<1x64xi32, #tpu.memory_space<vmem>> -> memref<64xi32, #tpu.memory_space<vmem>>
      %dma_wait3A_521 = arith.constant 0 : i32
      %dma_wait3A_522 = tpu.memref_slice %arg22[%dma_wait3A_521] : memref<10240xf32, #tpu.memory_space<vmem_shared>> -> memref<10240xf32, #tpu.memory_space<vmem_shared>>
      tpu.wait_indirect_dma semaphore(%arg39 : memref<!tpu.dma_semaphore, #tpu.memory_space<semaphore_mem>>) src(%arg20 : memref<64xf32, #tpu.memory_space<vmem>>) dst(%dma_wait3A_522 : memref<10240xf32, #tpu.memory_space<vmem_shared>>)
    }
    %scan3A_36 = arith.constant 20 : i32
    %barrier3A_37 = arith.constant 0 : index
    tpu.barrier barrier_id(%barrier3A_37)
    %add3A_38 = arith.constant 0 : i32
    %add3A_39 = arith.addi %mul3A_2, %add3A_38 : i32
    "tpu.region"() ({
      %run_scoped3A_58 = tpu.sem_alloc : memref<!tpu.dma_semaphore, #tpu.memory_space<semaphore_mem>>
      %dma_start3A = arith.constant 0 : i32
      %dma_start3A_59 = tpu.memref_slice %arg21[%add3A_39, %dma_start3A] : memref<10240x128xf32, #tpu.memory_space<vmem_shared>> -> memref<64x128xf32, #tpu.memory_space<vmem_shared>>
      %dma_start3A_60 = arith.constant 0 : i32
      %dma_start3A_61 = tpu.memref_slice %arg21[%add3A_39, %dma_start3A_60] : memref<10240x128xf32, #tpu.memory_space<vmem_shared>> -> memref<64x128xf32, #tpu.memory_space<vmem_shared>>
      tpu.enqueue_dma source(%dma_start3A_61 : memref<64x128xf32, #tpu.memory_space<vmem_shared>>) target(%arg16 : memref<64x128xf32, #tpu.memory_space<vmem>>) target_semaphore(%run_scoped3A_58 : memref<!tpu.dma_semaphore, #tpu.memory_space<semaphore_mem>>)
      %dma_wait3A = arith.constant 0 : i32
      %dma_wait3A_62 = tpu.memref_slice %arg21[%add3A_39, %dma_wait3A] : memref<10240x128xf32, #tpu.memory_space<vmem_shared>> -> memref<64x128xf32, #tpu.memory_space<vmem_shared>>
      %dma_wait3A_63 = arith.constant 0 : i32
      %dma_wait3A_64 = tpu.memref_slice %arg21[%add3A_39, %dma_wait3A_63] : memref<10240x128xf32, #tpu.memory_space<vmem_shared>> -> memref<64x128xf32, #tpu.memory_space<vmem_shared>>
      tpu.wait_dma2 semaphore(%run_scoped3A_58 : memref<!tpu.dma_semaphore, #tpu.memory_space<semaphore_mem>>) src(%dma_wait3A_64 : memref<64x128xf32, #tpu.memory_space<vmem_shared>>) dst(%arg16 : memref<64x128xf32, #tpu.memory_space<vmem>>)
      tpu.yield
    }) : () -> ()
    "tpu.region"() ({
      %run_scoped3A_58 = tpu.sem_alloc : memref<!tpu.dma_semaphore, #tpu.memory_space<semaphore_mem>>
      %dma_start3A = arith.constant 0 : i32
      %dma_start3A_59 = tpu.memref_slice %arg6[%arg0, %add3A_39, %dma_start3A] : memref<2x10240x128xf32, #tpu.memory_space<hbm>> -> memref<1x64x128xf32, #tpu.memory_space<hbm>>
      %dma_start3A_60 = tpu.memref_squeeze %dma_start3A_59 : memref<1x64x128xf32, #tpu.memory_space<hbm>> -> memref<64x128xf32, #tpu.memory_space<hbm>>
      %dma_start3A_61 = arith.constant 0 : i32
      %dma_start3A_62 = tpu.memref_slice %arg6[%arg0, %add3A_39, %dma_start3A_61] : memref<2x10240x128xf32, #tpu.memory_space<hbm>> -> memref<1x64x128xf32, #tpu.memory_space<hbm>>
      %dma_start3A_63 = tpu.memref_squeeze %dma_start3A_62 : memref<1x64x128xf32, #tpu.memory_space<hbm>> -> memref<64x128xf32, #tpu.memory_space<hbm>>
      tpu.enqueue_dma source(%arg16 : memref<64x128xf32, #tpu.memory_space<vmem>>) target(%dma_start3A_63 : memref<64x128xf32, #tpu.memory_space<hbm>>) target_semaphore(%run_scoped3A_58 : memref<!tpu.dma_semaphore, #tpu.memory_space<semaphore_mem>>)
      %dma_wait3A = arith.constant 0 : i32
      %dma_wait3A_64 = tpu.memref_slice %arg6[%arg0, %add3A_39, %dma_wait3A] : memref<2x10240x128xf32, #tpu.memory_space<hbm>> -> memref<1x64x128xf32, #tpu.memory_space<hbm>>
      %dma_wait3A_65 = tpu.memref_squeeze %dma_wait3A_64 : memref<1x64x128xf32, #tpu.memory_space<hbm>> -> memref<64x128xf32, #tpu.memory_space<hbm>>
      %dma_wait3A_66 = arith.constant 0 : i32
      %dma_wait3A_67 = tpu.memref_slice %arg6[%arg0, %add3A_39, %dma_wait3A_66] : memref<2x10240x128xf32, #tpu.memory_space<hbm>> -> memref<1x64x128xf32, #tpu.memory_space<hbm>>
      %dma_wait3A_68 = tpu.memref_squeeze %dma_wait3A_67 : memref<1x64x128xf32, #tpu.memory_space<hbm>> -> memref<64x128xf32, #tpu.memory_space<hbm>>
      tpu.wait_dma2 semaphore(%run_scoped3A_58 : memref<!tpu.dma_semaphore, #tpu.memory_space<semaphore_mem>>) src(%arg16 : memref<64x128xf32, #tpu.memory_space<vmem>>) dst(%dma_wait3A_68 : memref<64x128xf32, #tpu.memory_space<hbm>>)
      tpu.yield
    }) : () -> ()
    "tpu.region"() ({
      %run_scoped3A_58 = tpu.sem_alloc : memref<!tpu.dma_semaphore, #tpu.memory_space<semaphore_mem>>
      %dma_start3A = tpu.memref_slice %arg22[%add3A_39] : memref<10240xf32, #tpu.memory_space<vmem_shared>> -> memref<64xf32, #tpu.memory_space<vmem_shared>>
      %dma_start3A_59 = tpu.memref_slice %arg22[%add3A_39] : memref<10240xf32, #tpu.memory_space<vmem_shared>> -> memref<64xf32, #tpu.memory_space<vmem_shared>>
      tpu.enqueue_dma source(%dma_start3A_59 : memref<64xf32, #tpu.memory_space<vmem_shared>>) target(%arg20 : memref<64xf32, #tpu.memory_space<vmem>>) target_semaphore(%run_scoped3A_58 : memref<!tpu.dma_semaphore, #tpu.memory_space<semaphore_mem>>)
      %dma_wait3A = tpu.memref_slice %arg22[%add3A_39] : memref<10240xf32, #tpu.memory_space<vmem_shared>> -> memref<64xf32, #tpu.memory_space<vmem_shared>>
      %dma_wait3A_60 = tpu.memref_slice %arg22[%add3A_39] : memref<10240xf32, #tpu.memory_space<vmem_shared>> -> memref<64xf32, #tpu.memory_space<vmem_shared>>
      tpu.wait_dma2 semaphore(%run_scoped3A_58 : memref<!tpu.dma_semaphore, #tpu.memory_space<semaphore_mem>>) src(%dma_wait3A_60 : memref<64xf32, #tpu.memory_space<vmem_shared>>) dst(%arg20 : memref<64xf32, #tpu.memory_space<vmem>>)
      tpu.yield
    }) : () -> ()
    "tpu.region"() ({
      %run_scoped3A_58 = tpu.sem_alloc : memref<!tpu.dma_semaphore, #tpu.memory_space<semaphore_mem>>
      %dma_start3A = tpu.memref_slice %arg7[%arg0, %add3A_39] : memref<2x10240xf32, #tpu.memory_space<hbm>> -> memref<1x64xf32, #tpu.memory_space<hbm>>
      %dma_start3A_59 = tpu.memref_squeeze %dma_start3A : memref<1x64xf32, #tpu.memory_space<hbm>> -> memref<64xf32, #tpu.memory_space<hbm>>
      %dma_start3A_60 = tpu.memref_slice %arg7[%arg0, %add3A_39] : memref<2x10240xf32, #tpu.memory_space<hbm>> -> memref<1x64xf32, #tpu.memory_space<hbm>>
      %dma_start3A_61 = tpu.memref_squeeze %dma_start3A_60 : memref<1x64xf32, #tpu.memory_space<hbm>> -> memref<64xf32, #tpu.memory_space<hbm>>
      tpu.enqueue_dma source(%arg20 : memref<64xf32, #tpu.memory_space<vmem>>) target(%dma_start3A_61 : memref<64xf32, #tpu.memory_space<hbm>>) target_semaphore(%run_scoped3A_58 : memref<!tpu.dma_semaphore, #tpu.memory_space<semaphore_mem>>)
      %dma_wait3A = tpu.memref_slice %arg7[%arg0, %add3A_39] : memref<2x10240xf32, #tpu.memory_space<hbm>> -> memref<1x64xf32, #tpu.memory_space<hbm>>
      %dma_wait3A_62 = tpu.memref_squeeze %dma_wait3A : memref<1x64xf32, #tpu.memory_space<hbm>> -> memref<64xf32, #tpu.memory_space<hbm>>
      %dma_wait3A_63 = tpu.memref_slice %arg7[%arg0, %add3A_39] : memref<2x10240xf32, #tpu.memory_space<hbm>> -> memref<1x64xf32, #tpu.memory_space<hbm>>
      %dma_wait3A_64 = tpu.memref_squeeze %dma_wait3A_63 : memref<1x64xf32, #tpu.memory_space<hbm>> -> memref<64xf32, #tpu.memory_space<hbm>>
      tpu.wait_dma2 semaphore(%run_scoped3A_58 : memref<!tpu.dma_semaphore, #tpu.memory_space<semaphore_mem>>) src(%arg20 : memref<64xf32, #tpu.memory_space<vmem>>) dst(%dma_wait3A_64 : memref<64xf32, #tpu.memory_space<hbm>>)
      tpu.yield
    }) : () -> ()
    %add3A_40 = arith.constant 64 : i32
    %add3A_41 = arith.addi %mul3A_2, %add3A_40 : i32
    "tpu.region"() ({
      %run_scoped3A_58 = tpu.sem_alloc : memref<!tpu.dma_semaphore, #tpu.memory_space<semaphore_mem>>
      %dma_start3A = arith.constant 0 : i32
      %dma_start3A_59 = tpu.memref_slice %arg21[%add3A_41, %dma_start3A] : memref<10240x128xf32, #tpu.memory_space<vmem_shared>> -> memref<64x128xf32, #tpu.memory_space<vmem_shared>>
      %dma_start3A_60 = arith.constant 0 : i32
      %dma_start3A_61 = tpu.memref_slice %arg21[%add3A_41, %dma_start3A_60] : memref<10240x128xf32, #tpu.memory_space<vmem_shared>> -> memref<64x128xf32, #tpu.memory_space<vmem_shared>>
      tpu.enqueue_dma source(%dma_start3A_61 : memref<64x128xf32, #tpu.memory_space<vmem_shared>>) target(%arg16 : memref<64x128xf32, #tpu.memory_space<vmem>>) target_semaphore(%run_scoped3A_58 : memref<!tpu.dma_semaphore, #tpu.memory_space<semaphore_mem>>)
      %dma_wait3A = arith.constant 0 : i32
      %dma_wait3A_62 = tpu.memref_slice %arg21[%add3A_41, %dma_wait3A] : memref<10240x128xf32, #tpu.memory_space<vmem_shared>> -> memref<64x128xf32, #tpu.memory_space<vmem_shared>>
      %dma_wait3A_63 = arith.constant 0 : i32
      %dma_wait3A_64 = tpu.memref_slice %arg21[%add3A_41, %dma_wait3A_63] : memref<10240x128xf32, #tpu.memory_space<vmem_shared>> -> memref<64x128xf32, #tpu.memory_space<vmem_shared>>
      tpu.wait_dma2 semaphore(%run_scoped3A_58 : memref<!tpu.dma_semaphore, #tpu.memory_space<semaphore_mem>>) src(%dma_wait3A_64 : memref<64x128xf32, #tpu.memory_space<vmem_shared>>) dst(%arg16 : memref<64x128xf32, #tpu.memory_space<vmem>>)
      tpu.yield
    }) : () -> ()
    "tpu.region"() ({
      %run_scoped3A_58 = tpu.sem_alloc : memref<!tpu.dma_semaphore, #tpu.memory_space<semaphore_mem>>
      %dma_start3A = arith.constant 0 : i32
      %dma_start3A_59 = tpu.memref_slice %arg6[%arg0, %add3A_41, %dma_start3A] : memref<2x10240x128xf32, #tpu.memory_space<hbm>> -> memref<1x64x128xf32, #tpu.memory_space<hbm>>
      %dma_start3A_60 = tpu.memref_squeeze %dma_start3A_59 : memref<1x64x128xf32, #tpu.memory_space<hbm>> -> memref<64x128xf32, #tpu.memory_space<hbm>>
      %dma_start3A_61 = arith.constant 0 : i32
      %dma_start3A_62 = tpu.memref_slice %arg6[%arg0, %add3A_41, %dma_start3A_61] : memref<2x10240x128xf32, #tpu.memory_space<hbm>> -> memref<1x64x128xf32, #tpu.memory_space<hbm>>
      %dma_start3A_63 = tpu.memref_squeeze %dma_start3A_62 : memref<1x64x128xf32, #tpu.memory_space<hbm>> -> memref<64x128xf32, #tpu.memory_space<hbm>>
      tpu.enqueue_dma source(%arg16 : memref<64x128xf32, #tpu.memory_space<vmem>>) target(%dma_start3A_63 : memref<64x128xf32, #tpu.memory_space<hbm>>) target_semaphore(%run_scoped3A_58 : memref<!tpu.dma_semaphore, #tpu.memory_space<semaphore_mem>>)
      %dma_wait3A = arith.constant 0 : i32
      %dma_wait3A_64 = tpu.memref_slice %arg6[%arg0, %add3A_41, %dma_wait3A] : memref<2x10240x128xf32, #tpu.memory_space<hbm>> -> memref<1x64x128xf32, #tpu.memory_space<hbm>>
      %dma_wait3A_65 = tpu.memref_squeeze %dma_wait3A_64 : memref<1x64x128xf32, #tpu.memory_space<hbm>> -> memref<64x128xf32, #tpu.memory_space<hbm>>
      %dma_wait3A_66 = arith.constant 0 : i32
      %dma_wait3A_67 = tpu.memref_slice %arg6[%arg0, %add3A_41, %dma_wait3A_66] : memref<2x10240x128xf32, #tpu.memory_space<hbm>> -> memref<1x64x128xf32, #tpu.memory_space<hbm>>
      %dma_wait3A_68 = tpu.memref_squeeze %dma_wait3A_67 : memref<1x64x128xf32, #tpu.memory_space<hbm>> -> memref<64x128xf32, #tpu.memory_space<hbm>>
      tpu.wait_dma2 semaphore(%run_scoped3A_58 : memref<!tpu.dma_semaphore, #tpu.memory_space<semaphore_mem>>) src(%arg16 : memref<64x128xf32, #tpu.memory_space<vmem>>) dst(%dma_wait3A_68 : memref<64x128xf32, #tpu.memory_space<hbm>>)
      tpu.yield
    }) : () -> ()
    "tpu.region"() ({
      %run_scoped3A_58 = tpu.sem_alloc : memref<!tpu.dma_semaphore, #tpu.memory_space<semaphore_mem>>
      %dma_start3A = tpu.memref_slice %arg22[%add3A_41] : memref<10240xf32, #tpu.memory_space<vmem_shared>> -> memref<64xf32, #tpu.memory_space<vmem_shared>>
      %dma_start3A_59 = tpu.memref_slice %arg22[%add3A_41] : memref<10240xf32, #tpu.memory_space<vmem_shared>> -> memref<64xf32, #tpu.memory_space<vmem_shared>>
      tpu.enqueue_dma source(%dma_start3A_59 : memref<64xf32, #tpu.memory_space<vmem_shared>>) target(%arg20 : memref<64xf32, #tpu.memory_space<vmem>>) target_semaphore(%run_scoped3A_58 : memref<!tpu.dma_semaphore, #tpu.memory_space<semaphore_mem>>)
      %dma_wait3A = tpu.memref_slice %arg22[%add3A_41] : memref<10240xf32, #tpu.memory_space<vmem_shared>> -> memref<64xf32, #tpu.memory_space<vmem_shared>>
      %dma_wait3A_60 = tpu.memref_slice %arg22[%add3A_41] : memref<10240xf32, #tpu.memory_space<vmem_shared>> -> memref<64xf32, #tpu.memory_space<vmem_shared>>
      tpu.wait_dma2 semaphore(%run_scoped3A_58 : memref<!tpu.dma_semaphore, #tpu.memory_space<semaphore_mem>>) src(%dma_wait3A_60 : memref<64xf32, #tpu.memory_space<vmem_shared>>) dst(%arg20 : memref<64xf32, #tpu.memory_space<vmem>>)
      tpu.yield
    }) : () -> ()
    "tpu.region"() ({
      %run_scoped3A_58 = tpu.sem_alloc : memref<!tpu.dma_semaphore, #tpu.memory_space<semaphore_mem>>
      %dma_start3A = tpu.memref_slice %arg7[%arg0, %add3A_41] : memref<2x10240xf32, #tpu.memory_space<hbm>> -> memref<1x64xf32, #tpu.memory_space<hbm>>
      %dma_start3A_59 = tpu.memref_squeeze %dma_start3A : memref<1x64xf32, #tpu.memory_space<hbm>> -> memref<64xf32, #tpu.memory_space<hbm>>
      %dma_start3A_60 = tpu.memref_slice %arg7[%arg0, %add3A_41] : memref<2x10240xf32, #tpu.memory_space<hbm>> -> memref<1x64xf32, #tpu.memory_space<hbm>>
      %dma_start3A_61 = tpu.memref_squeeze %dma_start3A_60 : memref<1x64xf32, #tpu.memory_space<hbm>> -> memref<64xf32, #tpu.memory_space<hbm>>
      tpu.enqueue_dma source(%arg20 : memref<64xf32, #tpu.memory_space<vmem>>) target(%dma_start3A_61 : memref<64xf32, #tpu.memory_space<hbm>>) target_semaphore(%run_scoped3A_58 : memref<!tpu.dma_semaphore, #tpu.memory_space<semaphore_mem>>)
      %dma_wait3A = tpu.memref_slice %arg7[%arg0, %add3A_41] : memref<2x10240xf32, #tpu.memory_space<hbm>> -> memref<1x64xf32, #tpu.memory_space<hbm>>
      %dma_wait3A_62 = tpu.memref_squeeze %dma_wait3A : memref<1x64xf32, #tpu.memory_space<hbm>> -> memref<64xf32, #tpu.memory_space<hbm>>
      %dma_wait3A_63 = tpu.memref_slice %arg7[%arg0, %add3A_41] : memref<2x10240xf32, #tpu.memory_space<hbm>> -> memref<1x64xf32, #tpu.memory_space<hbm>>
      %dma_wait3A_64 = tpu.memref_squeeze %dma_wait3A_63 : memref<1x64xf32, #tpu.memory_space<hbm>> -> memref<64xf32, #tpu.memory_space<hbm>>
      tpu.wait_dma2 semaphore(%run_scoped3A_58 : memref<!tpu.dma_semaphore, #tpu.memory_space<semaphore_mem>>) src(%arg20 : memref<64xf32, #tpu.memory_space<vmem>>) dst(%dma_wait3A_64 : memref<64xf32, #tpu.memory_space<hbm>>)
      tpu.yield
    }) : () -> ()
    %add3A_42 = arith.constant 128 : i32
    %add3A_43 = arith.addi %mul3A_2, %add3A_42 : i32
    "tpu.region"() ({
      %run_scoped3A_58 = tpu.sem_alloc : memref<!tpu.dma_semaphore, #tpu.memory_space<semaphore_mem>>
      %dma_start3A = arith.constant 0 : i32
      %dma_start3A_59 = tpu.memref_slice %arg21[%add3A_43, %dma_start3A] : memref<10240x128xf32, #tpu.memory_space<vmem_shared>> -> memref<64x128xf32, #tpu.memory_space<vmem_shared>>
      %dma_start3A_60 = arith.constant 0 : i32
      %dma_start3A_61 = tpu.memref_slice %arg21[%add3A_43, %dma_start3A_60] : memref<10240x128xf32, #tpu.memory_space<vmem_shared>> -> memref<64x128xf32, #tpu.memory_space<vmem_shared>>
      tpu.enqueue_dma source(%dma_start3A_61 : memref<64x128xf32, #tpu.memory_space<vmem_shared>>) target(%arg16 : memref<64x128xf32, #tpu.memory_space<vmem>>) target_semaphore(%run_scoped3A_58 : memref<!tpu.dma_semaphore, #tpu.memory_space<semaphore_mem>>)
      %dma_wait3A = arith.constant 0 : i32
      %dma_wait3A_62 = tpu.memref_slice %arg21[%add3A_43, %dma_wait3A] : memref<10240x128xf32, #tpu.memory_space<vmem_shared>> -> memref<64x128xf32, #tpu.memory_space<vmem_shared>>
      %dma_wait3A_63 = arith.constant 0 : i32
      %dma_wait3A_64 = tpu.memref_slice %arg21[%add3A_43, %dma_wait3A_63] : memref<10240x128xf32, #tpu.memory_space<vmem_shared>> -> memref<64x128xf32, #tpu.memory_space<vmem_shared>>
      tpu.wait_dma2 semaphore(%run_scoped3A_58 : memref<!tpu.dma_semaphore, #tpu.memory_space<semaphore_mem>>) src(%dma_wait3A_64 : memref<64x128xf32, #tpu.memory_space<vmem_shared>>) dst(%arg16 : memref<64x128xf32, #tpu.memory_space<vmem>>)
      tpu.yield
    }) : () -> ()
    "tpu.region"() ({
      %run_scoped3A_58 = tpu.sem_alloc : memref<!tpu.dma_semaphore, #tpu.memory_space<semaphore_mem>>
      %dma_start3A = arith.constant 0 : i32
      %dma_start3A_59 = tpu.memref_slice %arg6[%arg0, %add3A_43, %dma_start3A] : memref<2x10240x128xf32, #tpu.memory_space<hbm>> -> memref<1x64x128xf32, #tpu.memory_space<hbm>>
      %dma_start3A_60 = tpu.memref_squeeze %dma_start3A_59 : memref<1x64x128xf32, #tpu.memory_space<hbm>> -> memref<64x128xf32, #tpu.memory_space<hbm>>
      %dma_start3A_61 = arith.constant 0 : i32
      %dma_start3A_62 = tpu.memref_slice %arg6[%arg0, %add3A_43, %dma_start3A_61] : memref<2x10240x128xf32, #tpu.memory_space<hbm>> -> memref<1x64x128xf32, #tpu.memory_space<hbm>>
      %dma_start3A_63 = tpu.memref_squeeze %dma_start3A_62 : memref<1x64x128xf32, #tpu.memory_space<hbm>> -> memref<64x128xf32, #tpu.memory_space<hbm>>
      tpu.enqueue_dma source(%arg16 : memref<64x128xf32, #tpu.memory_space<vmem>>) target(%dma_start3A_63 : memref<64x128xf32, #tpu.memory_space<hbm>>) target_semaphore(%run_scoped3A_58 : memref<!tpu.dma_semaphore, #tpu.memory_space<semaphore_mem>>)
      %dma_wait3A = arith.constant 0 : i32
      %dma_wait3A_64 = tpu.memref_slice %arg6[%arg0, %add3A_43, %dma_wait3A] : memref<2x10240x128xf32, #tpu.memory_space<hbm>> -> memref<1x64x128xf32, #tpu.memory_space<hbm>>
      %dma_wait3A_65 = tpu.memref_squeeze %dma_wait3A_64 : memref<1x64x128xf32, #tpu.memory_space<hbm>> -> memref<64x128xf32, #tpu.memory_space<hbm>>
      %dma_wait3A_66 = arith.constant 0 : i32
      %dma_wait3A_67 = tpu.memref_slice %arg6[%arg0, %add3A_43, %dma_wait3A_66] : memref<2x10240x128xf32, #tpu.memory_space<hbm>> -> memref<1x64x128xf32, #tpu.memory_space<hbm>>
      %dma_wait3A_68 = tpu.memref_squeeze %dma_wait3A_67 : memref<1x64x128xf32, #tpu.memory_space<hbm>> -> memref<64x128xf32, #tpu.memory_space<hbm>>
      tpu.wait_dma2 semaphore(%run_scoped3A_58 : memref<!tpu.dma_semaphore, #tpu.memory_space<semaphore_mem>>) src(%arg16 : memref<64x128xf32, #tpu.memory_space<vmem>>) dst(%dma_wait3A_68 : memref<64x128xf32, #tpu.memory_space<hbm>>)
      tpu.yield
    }) : () -> ()
    "tpu.region"() ({
      %run_scoped3A_58 = tpu.sem_alloc : memref<!tpu.dma_semaphore, #tpu.memory_space<semaphore_mem>>
      %dma_start3A = tpu.memref_slice %arg22[%add3A_43] : memref<10240xf32, #tpu.memory_space<vmem_shared>> -> memref<64xf32, #tpu.memory_space<vmem_shared>>
      %dma_start3A_59 = tpu.memref_slice %arg22[%add3A_43] : memref<10240xf32, #tpu.memory_space<vmem_shared>> -> memref<64xf32, #tpu.memory_space<vmem_shared>>
      tpu.enqueue_dma source(%dma_start3A_59 : memref<64xf32, #tpu.memory_space<vmem_shared>>) target(%arg20 : memref<64xf32, #tpu.memory_space<vmem>>) target_semaphore(%run_scoped3A_58 : memref<!tpu.dma_semaphore, #tpu.memory_space<semaphore_mem>>)
      %dma_wait3A = tpu.memref_slice %arg22[%add3A_43] : memref<10240xf32, #tpu.memory_space<vmem_shared>> -> memref<64xf32, #tpu.memory_space<vmem_shared>>
      %dma_wait3A_60 = tpu.memref_slice %arg22[%add3A_43] : memref<10240xf32, #tpu.memory_space<vmem_shared>> -> memref<64xf32, #tpu.memory_space<vmem_shared>>
      tpu.wait_dma2 semaphore(%run_scoped3A_58 : memref<!tpu.dma_semaphore, #tpu.memory_space<semaphore_mem>>) src(%dma_wait3A_60 : memref<64xf32, #tpu.memory_space<vmem_shared>>) dst(%arg20 : memref<64xf32, #tpu.memory_space<vmem>>)
      tpu.yield
    }) : () -> ()
    "tpu.region"() ({
      %run_scoped3A_58 = tpu.sem_alloc : memref<!tpu.dma_semaphore, #tpu.memory_space<semaphore_mem>>
      %dma_start3A = tpu.memref_slice %arg7[%arg0, %add3A_43] : memref<2x10240xf32, #tpu.memory_space<hbm>> -> memref<1x64xf32, #tpu.memory_space<hbm>>
      %dma_start3A_59 = tpu.memref_squeeze %dma_start3A : memref<1x64xf32, #tpu.memory_space<hbm>> -> memref<64xf32, #tpu.memory_space<hbm>>
      %dma_start3A_60 = tpu.memref_slice %arg7[%arg0, %add3A_43] : memref<2x10240xf32, #tpu.memory_space<hbm>> -> memref<1x64xf32, #tpu.memory_space<hbm>>
      %dma_start3A_61 = tpu.memref_squeeze %dma_start3A_60 : memref<1x64xf32, #tpu.memory_space<hbm>> -> memref<64xf32, #tpu.memory_space<hbm>>
      tpu.enqueue_dma source(%arg20 : memref<64xf32, #tpu.memory_space<vmem>>) target(%dma_start3A_61 : memref<64xf32, #tpu.memory_space<hbm>>) target_semaphore(%run_scoped3A_58 : memref<!tpu.dma_semaphore, #tpu.memory_space<semaphore_mem>>)
      %dma_wait3A = tpu.memref_slice %arg7[%arg0, %add3A_43] : memref<2x10240xf32, #tpu.memory_space<hbm>> -> memref<1x64xf32, #tpu.memory_space<hbm>>
      %dma_wait3A_62 = tpu.memref_squeeze %dma_wait3A : memref<1x64xf32, #tpu.memory_space<hbm>> -> memref<64xf32, #tpu.memory_space<hbm>>
      %dma_wait3A_63 = tpu.memref_slice %arg7[%arg0, %add3A_43] : memref<2x10240xf32, #tpu.memory_space<hbm>> -> memref<1x64xf32, #tpu.memory_space<hbm>>
      %dma_wait3A_64 = tpu.memref_squeeze %dma_wait3A_63 : memref<1x64xf32, #tpu.memory_space<hbm>> -> memref<64xf32, #tpu.memory_space<hbm>>
      tpu.wait_dma2 semaphore(%run_scoped3A_58 : memref<!tpu.dma_semaphore, #tpu.memory_space<semaphore_mem>>) src(%arg20 : memref<64xf32, #tpu.memory_space<vmem>>) dst(%dma_wait3A_64 : memref<64xf32, #tpu.memory_space<hbm>>)
      tpu.yield
    }) : () -> ()
    %add3A_44 = arith.constant 192 : i32
    %add3A_45 = arith.addi %mul3A_2, %add3A_44 : i32
    "tpu.region"() ({
      %run_scoped3A_58 = tpu.sem_alloc : memref<!tpu.dma_semaphore, #tpu.memory_space<semaphore_mem>>
      %dma_start3A = arith.constant 0 : i32
      %dma_start3A_59 = tpu.memref_slice %arg21[%add3A_45, %dma_start3A] : memref<10240x128xf32, #tpu.memory_space<vmem_shared>> -> memref<64x128xf32, #tpu.memory_space<vmem_shared>>
      %dma_start3A_60 = arith.constant 0 : i32
      %dma_start3A_61 = tpu.memref_slice %arg21[%add3A_45, %dma_start3A_60] : memref<10240x128xf32, #tpu.memory_space<vmem_shared>> -> memref<64x128xf32, #tpu.memory_space<vmem_shared>>
      tpu.enqueue_dma source(%dma_start3A_61 : memref<64x128xf32, #tpu.memory_space<vmem_shared>>) target(%arg16 : memref<64x128xf32, #tpu.memory_space<vmem>>) target_semaphore(%run_scoped3A_58 : memref<!tpu.dma_semaphore, #tpu.memory_space<semaphore_mem>>)
      %dma_wait3A = arith.constant 0 : i32
      %dma_wait3A_62 = tpu.memref_slice %arg21[%add3A_45, %dma_wait3A] : memref<10240x128xf32, #tpu.memory_space<vmem_shared>> -> memref<64x128xf32, #tpu.memory_space<vmem_shared>>
      %dma_wait3A_63 = arith.constant 0 : i32
      %dma_wait3A_64 = tpu.memref_slice %arg21[%add3A_45, %dma_wait3A_63] : memref<10240x128xf32, #tpu.memory_space<vmem_shared>> -> memref<64x128xf32, #tpu.memory_space<vmem_shared>>
      tpu.wait_dma2 semaphore(%run_scoped3A_58 : memref<!tpu.dma_semaphore, #tpu.memory_space<semaphore_mem>>) src(%dma_wait3A_64 : memref<64x128xf32, #tpu.memory_space<vmem_shared>>) dst(%arg16 : memref<64x128xf32, #tpu.memory_space<vmem>>)
      tpu.yield
    }) : () -> ()
    "tpu.region"() ({
      %run_scoped3A_58 = tpu.sem_alloc : memref<!tpu.dma_semaphore, #tpu.memory_space<semaphore_mem>>
      %dma_start3A = arith.constant 0 : i32
      %dma_start3A_59 = tpu.memref_slice %arg6[%arg0, %add3A_45, %dma_start3A] : memref<2x10240x128xf32, #tpu.memory_space<hbm>> -> memref<1x64x128xf32, #tpu.memory_space<hbm>>
      %dma_start3A_60 = tpu.memref_squeeze %dma_start3A_59 : memref<1x64x128xf32, #tpu.memory_space<hbm>> -> memref<64x128xf32, #tpu.memory_space<hbm>>
      %dma_start3A_61 = arith.constant 0 : i32
      %dma_start3A_62 = tpu.memref_slice %arg6[%arg0, %add3A_45, %dma_start3A_61] : memref<2x10240x128xf32, #tpu.memory_space<hbm>> -> memref<1x64x128xf32, #tpu.memory_space<hbm>>
      %dma_start3A_63 = tpu.memref_squeeze %dma_start3A_62 : memref<1x64x128xf32, #tpu.memory_space<hbm>> -> memref<64x128xf32, #tpu.memory_space<hbm>>
      tpu.enqueue_dma source(%arg16 : memref<64x128xf32, #tpu.memory_space<vmem>>) target(%dma_start3A_63 : memref<64x128xf32, #tpu.memory_space<hbm>>) target_semaphore(%run_scoped3A_58 : memref<!tpu.dma_semaphore, #tpu.memory_space<semaphore_mem>>)
      %dma_wait3A = arith.constant 0 : i32
      %dma_wait3A_64 = tpu.memref_slice %arg6[%arg0, %add3A_45, %dma_wait3A] : memref<2x10240x128xf32, #tpu.memory_space<hbm>> -> memref<1x64x128xf32, #tpu.memory_space<hbm>>
      %dma_wait3A_65 = tpu.memref_squeeze %dma_wait3A_64 : memref<1x64x128xf32, #tpu.memory_space<hbm>> -> memref<64x128xf32, #tpu.memory_space<hbm>>
      %dma_wait3A_66 = arith.constant 0 : i32
      %dma_wait3A_67 = tpu.memref_slice %arg6[%arg0, %add3A_45, %dma_wait3A_66] : memref<2x10240x128xf32, #tpu.memory_space<hbm>> -> memref<1x64x128xf32, #tpu.memory_space<hbm>>
      %dma_wait3A_68 = tpu.memref_squeeze %dma_wait3A_67 : memref<1x64x128xf32, #tpu.memory_space<hbm>> -> memref<64x128xf32, #tpu.memory_space<hbm>>
      tpu.wait_dma2 semaphore(%run_scoped3A_58 : memref<!tpu.dma_semaphore, #tpu.memory_space<semaphore_mem>>) src(%arg16 : memref<64x128xf32, #tpu.memory_space<vmem>>) dst(%dma_wait3A_68 : memref<64x128xf32, #tpu.memory_space<hbm>>)
      tpu.yield
    }) : () -> ()
    "tpu.region"() ({
      %run_scoped3A_58 = tpu.sem_alloc : memref<!tpu.dma_semaphore, #tpu.memory_space<semaphore_mem>>
      %dma_start3A = tpu.memref_slice %arg22[%add3A_45] : memref<10240xf32, #tpu.memory_space<vmem_shared>> -> memref<64xf32, #tpu.memory_space<vmem_shared>>
      %dma_start3A_59 = tpu.memref_slice %arg22[%add3A_45] : memref<10240xf32, #tpu.memory_space<vmem_shared>> -> memref<64xf32, #tpu.memory_space<vmem_shared>>
      tpu.enqueue_dma source(%dma_start3A_59 : memref<64xf32, #tpu.memory_space<vmem_shared>>) target(%arg20 : memref<64xf32, #tpu.memory_space<vmem>>) target_semaphore(%run_scoped3A_58 : memref<!tpu.dma_semaphore, #tpu.memory_space<semaphore_mem>>)
      %dma_wait3A = tpu.memref_slice %arg22[%add3A_45] : memref<10240xf32, #tpu.memory_space<vmem_shared>> -> memref<64xf32, #tpu.memory_space<vmem_shared>>
      %dma_wait3A_60 = tpu.memref_slice %arg22[%add3A_45] : memref<10240xf32, #tpu.memory_space<vmem_shared>> -> memref<64xf32, #tpu.memory_space<vmem_shared>>
      tpu.wait_dma2 semaphore(%run_scoped3A_58 : memref<!tpu.dma_semaphore, #tpu.memory_space<semaphore_mem>>) src(%dma_wait3A_60 : memref<64xf32, #tpu.memory_space<vmem_shared>>) dst(%arg20 : memref<64xf32, #tpu.memory_space<vmem>>)
      tpu.yield
    }) : () -> ()
    "tpu.region"() ({
      %run_scoped3A_58 = tpu.sem_alloc : memref<!tpu.dma_semaphore, #tpu.memory_space<semaphore_mem>>
      %dma_start3A = tpu.memref_slice %arg7[%arg0, %add3A_45] : memref<2x10240xf32, #tpu.memory_space<hbm>> -> memref<1x64xf32, #tpu.memory_space<hbm>>
      %dma_start3A_59 = tpu.memref_squeeze %dma_start3A : memref<1x64xf32, #tpu.memory_space<hbm>> -> memref<64xf32, #tpu.memory_space<hbm>>
      %dma_start3A_60 = tpu.memref_slice %arg7[%arg0, %add3A_45] : memref<2x10240xf32, #tpu.memory_space<hbm>> -> memref<1x64xf32, #tpu.memory_space<hbm>>
      %dma_start3A_61 = tpu.memref_squeeze %dma_start3A_60 : memref<1x64xf32, #tpu.memory_space<hbm>> -> memref<64xf32, #tpu.memory_space<hbm>>
      tpu.enqueue_dma source(%arg20 : memref<64xf32, #tpu.memory_space<vmem>>) target(%dma_start3A_61 : memref<64xf32, #tpu.memory_space<hbm>>) target_semaphore(%run_scoped3A_58 : memref<!tpu.dma_semaphore, #tpu.memory_space<semaphore_mem>>)
      %dma_wait3A = tpu.memref_slice %arg7[%arg0, %add3A_45] : memref<2x10240xf32, #tpu.memory_space<hbm>> -> memref<1x64xf32, #tpu.memory_space<hbm>>
      %dma_wait3A_62 = tpu.memref_squeeze %dma_wait3A : memref<1x64xf32, #tpu.memory_space<hbm>> -> memref<64xf32, #tpu.memory_space<hbm>>
      %dma_wait3A_63 = tpu.memref_slice %arg7[%arg0, %add3A_45] : memref<2x10240xf32, #tpu.memory_space<hbm>> -> memref<1x64xf32, #tpu.memory_space<hbm>>
      %dma_wait3A_64 = tpu.memref_squeeze %dma_wait3A_63 : memref<1x64xf32, #tpu.memory_space<hbm>> -> memref<64xf32, #tpu.memory_space<hbm>>
      tpu.wait_dma2 semaphore(%run_scoped3A_58 : memref<!tpu.dma_semaphore, #tpu.memory_space<semaphore_mem>>) src(%arg20 : memref<64xf32, #tpu.memory_space<vmem>>) dst(%dma_wait3A_64 : memref<64xf32, #tpu.memory_space<hbm>>)
      tpu.yield
    }) : () -> ()
    %add3A_46 = arith.constant 256 : i32
    %add3A_47 = arith.addi %mul3A_2, %add3A_46 : i32
    "tpu.region"() ({
      %run_scoped3A_58 = tpu.sem_alloc : memref<!tpu.dma_semaphore, #tpu.memory_space<semaphore_mem>>
      %dma_start3A = arith.constant 0 : i32
      %dma_start3A_59 = tpu.memref_slice %arg21[%add3A_47, %dma_start3A] : memref<10240x128xf32, #tpu.memory_space<vmem_shared>> -> memref<64x128xf32, #tpu.memory_space<vmem_shared>>
      %dma_start3A_60 = arith.constant 0 : i32
      %dma_start3A_61 = tpu.memref_slice %arg21[%add3A_47, %dma_start3A_60] : memref<10240x128xf32, #tpu.memory_space<vmem_shared>> -> memref<64x128xf32, #tpu.memory_space<vmem_shared>>
      tpu.enqueue_dma source(%dma_start3A_61 : memref<64x128xf32, #tpu.memory_space<vmem_shared>>) target(%arg16 : memref<64x128xf32, #tpu.memory_space<vmem>>) target_semaphore(%run_scoped3A_58 : memref<!tpu.dma_semaphore, #tpu.memory_space<semaphore_mem>>)
      %dma_wait3A = arith.constant 0 : i32
      %dma_wait3A_62 = tpu.memref_slice %arg21[%add3A_47, %dma_wait3A] : memref<10240x128xf32, #tpu.memory_space<vmem_shared>> -> memref<64x128xf32, #tpu.memory_space<vmem_shared>>
      %dma_wait3A_63 = arith.constant 0 : i32
      %dma_wait3A_64 = tpu.memref_slice %arg21[%add3A_47, %dma_wait3A_63] : memref<10240x128xf32, #tpu.memory_space<vmem_shared>> -> memref<64x128xf32, #tpu.memory_space<vmem_shared>>
      tpu.wait_dma2 semaphore(%run_scoped3A_58 : memref<!tpu.dma_semaphore, #tpu.memory_space<semaphore_mem>>) src(%dma_wait3A_64 : memref<64x128xf32, #tpu.memory_space<vmem_shared>>) dst(%arg16 : memref<64x128xf32, #tpu.memory_space<vmem>>)
      tpu.yield
    }) : () -> ()
    "tpu.region"() ({
      %run_scoped3A_58 = tpu.sem_alloc : memref<!tpu.dma_semaphore, #tpu.memory_space<semaphore_mem>>
      %dma_start3A = arith.constant 0 : i32
      %dma_start3A_59 = tpu.memref_slice %arg6[%arg0, %add3A_47, %dma_start3A] : memref<2x10240x128xf32, #tpu.memory_space<hbm>> -> memref<1x64x128xf32, #tpu.memory_space<hbm>>
      %dma_start3A_60 = tpu.memref_squeeze %dma_start3A_59 : memref<1x64x128xf32, #tpu.memory_space<hbm>> -> memref<64x128xf32, #tpu.memory_space<hbm>>
      %dma_start3A_61 = arith.constant 0 : i32
      %dma_start3A_62 = tpu.memref_slice %arg6[%arg0, %add3A_47, %dma_start3A_61] : memref<2x10240x128xf32, #tpu.memory_space<hbm>> -> memref<1x64x128xf32, #tpu.memory_space<hbm>>
      %dma_start3A_63 = tpu.memref_squeeze %dma_start3A_62 : memref<1x64x128xf32, #tpu.memory_space<hbm>> -> memref<64x128xf32, #tpu.memory_space<hbm>>
      tpu.enqueue_dma source(%arg16 : memref<64x128xf32, #tpu.memory_space<vmem>>) target(%dma_start3A_63 : memref<64x128xf32, #tpu.memory_space<hbm>>) target_semaphore(%run_scoped3A_58 : memref<!tpu.dma_semaphore, #tpu.memory_space<semaphore_mem>>)
      %dma_wait3A = arith.constant 0 : i32
      %dma_wait3A_64 = tpu.memref_slice %arg6[%arg0, %add3A_47, %dma_wait3A] : memref<2x10240x128xf32, #tpu.memory_space<hbm>> -> memref<1x64x128xf32, #tpu.memory_space<hbm>>
      %dma_wait3A_65 = tpu.memref_squeeze %dma_wait3A_64 : memref<1x64x128xf32, #tpu.memory_space<hbm>> -> memref<64x128xf32, #tpu.memory_space<hbm>>
      %dma_wait3A_66 = arith.constant 0 : i32
      %dma_wait3A_67 = tpu.memref_slice %arg6[%arg0, %add3A_47, %dma_wait3A_66] : memref<2x10240x128xf32, #tpu.memory_space<hbm>> -> memref<1x64x128xf32, #tpu.memory_space<hbm>>
      %dma_wait3A_68 = tpu.memref_squeeze %dma_wait3A_67 : memref<1x64x128xf32, #tpu.memory_space<hbm>> -> memref<64x128xf32, #tpu.memory_space<hbm>>
      tpu.wait_dma2 semaphore(%run_scoped3A_58 : memref<!tpu.dma_semaphore, #tpu.memory_space<semaphore_mem>>) src(%arg16 : memref<64x128xf32, #tpu.memory_space<vmem>>) dst(%dma_wait3A_68 : memref<64x128xf32, #tpu.memory_space<hbm>>)
      tpu.yield
    }) : () -> ()
    "tpu.region"() ({
      %run_scoped3A_58 = tpu.sem_alloc : memref<!tpu.dma_semaphore, #tpu.memory_space<semaphore_mem>>
      %dma_start3A = tpu.memref_slice %arg22[%add3A_47] : memref<10240xf32, #tpu.memory_space<vmem_shared>> -> memref<64xf32, #tpu.memory_space<vmem_shared>>
      %dma_start3A_59 = tpu.memref_slice %arg22[%add3A_47] : memref<10240xf32, #tpu.memory_space<vmem_shared>> -> memref<64xf32, #tpu.memory_space<vmem_shared>>
      tpu.enqueue_dma source(%dma_start3A_59 : memref<64xf32, #tpu.memory_space<vmem_shared>>) target(%arg20 : memref<64xf32, #tpu.memory_space<vmem>>) target_semaphore(%run_scoped3A_58 : memref<!tpu.dma_semaphore, #tpu.memory_space<semaphore_mem>>)
      %dma_wait3A = tpu.memref_slice %arg22[%add3A_47] : memref<10240xf32, #tpu.memory_space<vmem_shared>> -> memref<64xf32, #tpu.memory_space<vmem_shared>>
      %dma_wait3A_60 = tpu.memref_slice %arg22[%add3A_47] : memref<10240xf32, #tpu.memory_space<vmem_shared>> -> memref<64xf32, #tpu.memory_space<vmem_shared>>
      tpu.wait_dma2 semaphore(%run_scoped3A_58 : memref<!tpu.dma_semaphore, #tpu.memory_space<semaphore_mem>>) src(%dma_wait3A_60 : memref<64xf32, #tpu.memory_space<vmem_shared>>) dst(%arg20 : memref<64xf32, #tpu.memory_space<vmem>>)
      tpu.yield
    }) : () -> ()
    "tpu.region"() ({
      %run_scoped3A_58 = tpu.sem_alloc : memref<!tpu.dma_semaphore, #tpu.memory_space<semaphore_mem>>
      %dma_start3A = tpu.memref_slice %arg7[%arg0, %add3A_47] : memref<2x10240xf32, #tpu.memory_space<hbm>> -> memref<1x64xf32, #tpu.memory_space<hbm>>
      %dma_start3A_59 = tpu.memref_squeeze %dma_start3A : memref<1x64xf32, #tpu.memory_space<hbm>> -> memref<64xf32, #tpu.memory_space<hbm>>
      %dma_start3A_60 = tpu.memref_slice %arg7[%arg0, %add3A_47] : memref<2x10240xf32, #tpu.memory_space<hbm>> -> memref<1x64xf32, #tpu.memory_space<hbm>>
      %dma_start3A_61 = tpu.memref_squeeze %dma_start3A_60 : memref<1x64xf32, #tpu.memory_space<hbm>> -> memref<64xf32, #tpu.memory_space<hbm>>
      tpu.enqueue_dma source(%arg20 : memref<64xf32, #tpu.memory_space<vmem>>) target(%dma_start3A_61 : memref<64xf32, #tpu.memory_space<hbm>>) target_semaphore(%run_scoped3A_58 : memref<!tpu.dma_semaphore, #tpu.memory_space<semaphore_mem>>)
      %dma_wait3A = tpu.memref_slice %arg7[%arg0, %add3A_47] : memref<2x10240xf32, #tpu.memory_space<hbm>> -> memref<1x64xf32, #tpu.memory_space<hbm>>
      %dma_wait3A_62 = tpu.memref_squeeze %dma_wait3A : memref<1x64xf32, #tpu.memory_space<hbm>> -> memref<64xf32, #tpu.memory_space<hbm>>
      %dma_wait3A_63 = tpu.memref_slice %arg7[%arg0, %add3A_47] : memref<2x10240xf32, #tpu.memory_space<hbm>> -> memref<1x64xf32, #tpu.memory_space<hbm>>
      %dma_wait3A_64 = tpu.memref_squeeze %dma_wait3A_63 : memref<1x64xf32, #tpu.memory_space<hbm>> -> memref<64xf32, #tpu.memory_space<hbm>>
      tpu.wait_dma2 semaphore(%run_scoped3A_58 : memref<!tpu.dma_semaphore, #tpu.memory_space<semaphore_mem>>) src(%arg20 : memref<64xf32, #tpu.memory_space<vmem>>) dst(%dma_wait3A_64 : memref<64xf32, #tpu.memory_space<hbm>>)
      tpu.yield
    }) : () -> ()
    %add3A_48 = arith.constant 320 : i32
    %add3A_49 = arith.addi %mul3A_2, %add3A_48 : i32
    "tpu.region"() ({
      %run_scoped3A_58 = tpu.sem_alloc : memref<!tpu.dma_semaphore, #tpu.memory_space<semaphore_mem>>
      %dma_start3A = arith.constant 0 : i32
      %dma_start3A_59 = tpu.memref_slice %arg21[%add3A_49, %dma_start3A] : memref<10240x128xf32, #tpu.memory_space<vmem_shared>> -> memref<64x128xf32, #tpu.memory_space<vmem_shared>>
      %dma_start3A_60 = arith.constant 0 : i32
      %dma_start3A_61 = tpu.memref_slice %arg21[%add3A_49, %dma_start3A_60] : memref<10240x128xf32, #tpu.memory_space<vmem_shared>> -> memref<64x128xf32, #tpu.memory_space<vmem_shared>>
      tpu.enqueue_dma source(%dma_start3A_61 : memref<64x128xf32, #tpu.memory_space<vmem_shared>>) target(%arg16 : memref<64x128xf32, #tpu.memory_space<vmem>>) target_semaphore(%run_scoped3A_58 : memref<!tpu.dma_semaphore, #tpu.memory_space<semaphore_mem>>)
      %dma_wait3A = arith.constant 0 : i32
      %dma_wait3A_62 = tpu.memref_slice %arg21[%add3A_49, %dma_wait3A] : memref<10240x128xf32, #tpu.memory_space<vmem_shared>> -> memref<64x128xf32, #tpu.memory_space<vmem_shared>>
      %dma_wait3A_63 = arith.constant 0 : i32
      %dma_wait3A_64 = tpu.memref_slice %arg21[%add3A_49, %dma_wait3A_63] : memref<10240x128xf32, #tpu.memory_space<vmem_shared>> -> memref<64x128xf32, #tpu.memory_space<vmem_shared>>
      tpu.wait_dma2 semaphore(%run_scoped3A_58 : memref<!tpu.dma_semaphore, #tpu.memory_space<semaphore_mem>>) src(%dma_wait3A_64 : memref<64x128xf32, #tpu.memory_space<vmem_shared>>) dst(%arg16 : memref<64x128xf32, #tpu.memory_space<vmem>>)
      tpu.yield
    }) : () -> ()
    "tpu.region"() ({
      %run_scoped3A_58 = tpu.sem_alloc : memref<!tpu.dma_semaphore, #tpu.memory_space<semaphore_mem>>
      %dma_start3A = arith.constant 0 : i32
      %dma_start3A_59 = tpu.memref_slice %arg6[%arg0, %add3A_49, %dma_start3A] : memref<2x10240x128xf32, #tpu.memory_space<hbm>> -> memref<1x64x128xf32, #tpu.memory_space<hbm>>
      %dma_start3A_60 = tpu.memref_squeeze %dma_start3A_59 : memref<1x64x128xf32, #tpu.memory_space<hbm>> -> memref<64x128xf32, #tpu.memory_space<hbm>>
      %dma_start3A_61 = arith.constant 0 : i32
      %dma_start3A_62 = tpu.memref_slice %arg6[%arg0, %add3A_49, %dma_start3A_61] : memref<2x10240x128xf32, #tpu.memory_space<hbm>> -> memref<1x64x128xf32, #tpu.memory_space<hbm>>
      %dma_start3A_63 = tpu.memref_squeeze %dma_start3A_62 : memref<1x64x128xf32, #tpu.memory_space<hbm>> -> memref<64x128xf32, #tpu.memory_space<hbm>>
      tpu.enqueue_dma source(%arg16 : memref<64x128xf32, #tpu.memory_space<vmem>>) target(%dma_start3A_63 : memref<64x128xf32, #tpu.memory_space<hbm>>) target_semaphore(%run_scoped3A_58 : memref<!tpu.dma_semaphore, #tpu.memory_space<semaphore_mem>>)
      %dma_wait3A = arith.constant 0 : i32
      %dma_wait3A_64 = tpu.memref_slice %arg6[%arg0, %add3A_49, %dma_wait3A] : memref<2x10240x128xf32, #tpu.memory_space<hbm>> -> memref<1x64x128xf32, #tpu.memory_space<hbm>>
      %dma_wait3A_65 = tpu.memref_squeeze %dma_wait3A_64 : memref<1x64x128xf32, #tpu.memory_space<hbm>> -> memref<64x128xf32, #tpu.memory_space<hbm>>
      %dma_wait3A_66 = arith.constant 0 : i32
      %dma_wait3A_67 = tpu.memref_slice %arg6[%arg0, %add3A_49, %dma_wait3A_66] : memref<2x10240x128xf32, #tpu.memory_space<hbm>> -> memref<1x64x128xf32, #tpu.memory_space<hbm>>
      %dma_wait3A_68 = tpu.memref_squeeze %dma_wait3A_67 : memref<1x64x128xf32, #tpu.memory_space<hbm>> -> memref<64x128xf32, #tpu.memory_space<hbm>>
      tpu.wait_dma2 semaphore(%run_scoped3A_58 : memref<!tpu.dma_semaphore, #tpu.memory_space<semaphore_mem>>) src(%arg16 : memref<64x128xf32, #tpu.memory_space<vmem>>) dst(%dma_wait3A_68 : memref<64x128xf32, #tpu.memory_space<hbm>>)
      tpu.yield
    }) : () -> ()
    "tpu.region"() ({
      %run_scoped3A_58 = tpu.sem_alloc : memref<!tpu.dma_semaphore, #tpu.memory_space<semaphore_mem>>
      %dma_start3A = tpu.memref_slice %arg22[%add3A_49] : memref<10240xf32, #tpu.memory_space<vmem_shared>> -> memref<64xf32, #tpu.memory_space<vmem_shared>>
      %dma_start3A_59 = tpu.memref_slice %arg22[%add3A_49] : memref<10240xf32, #tpu.memory_space<vmem_shared>> -> memref<64xf32, #tpu.memory_space<vmem_shared>>
      tpu.enqueue_dma source(%dma_start3A_59 : memref<64xf32, #tpu.memory_space<vmem_shared>>) target(%arg20 : memref<64xf32, #tpu.memory_space<vmem>>) target_semaphore(%run_scoped3A_58 : memref<!tpu.dma_semaphore, #tpu.memory_space<semaphore_mem>>)
      %dma_wait3A = tpu.memref_slice %arg22[%add3A_49] : memref<10240xf32, #tpu.memory_space<vmem_shared>> -> memref<64xf32, #tpu.memory_space<vmem_shared>>
      %dma_wait3A_60 = tpu.memref_slice %arg22[%add3A_49] : memref<10240xf32, #tpu.memory_space<vmem_shared>> -> memref<64xf32, #tpu.memory_space<vmem_shared>>
      tpu.wait_dma2 semaphore(%run_scoped3A_58 : memref<!tpu.dma_semaphore, #tpu.memory_space<semaphore_mem>>) src(%dma_wait3A_60 : memref<64xf32, #tpu.memory_space<vmem_shared>>) dst(%arg20 : memref<64xf32, #tpu.memory_space<vmem>>)
      tpu.yield
    }) : () -> ()
    "tpu.region"() ({
      %run_scoped3A_58 = tpu.sem_alloc : memref<!tpu.dma_semaphore, #tpu.memory_space<semaphore_mem>>
      %dma_start3A = tpu.memref_slice %arg7[%arg0, %add3A_49] : memref<2x10240xf32, #tpu.memory_space<hbm>> -> memref<1x64xf32, #tpu.memory_space<hbm>>
      %dma_start3A_59 = tpu.memref_squeeze %dma_start3A : memref<1x64xf32, #tpu.memory_space<hbm>> -> memref<64xf32, #tpu.memory_space<hbm>>
      %dma_start3A_60 = tpu.memref_slice %arg7[%arg0, %add3A_49] : memref<2x10240xf32, #tpu.memory_space<hbm>> -> memref<1x64xf32, #tpu.memory_space<hbm>>
      %dma_start3A_61 = tpu.memref_squeeze %dma_start3A_60 : memref<1x64xf32, #tpu.memory_space<hbm>> -> memref<64xf32, #tpu.memory_space<hbm>>
      tpu.enqueue_dma source(%arg20 : memref<64xf32, #tpu.memory_space<vmem>>) target(%dma_start3A_61 : memref<64xf32, #tpu.memory_space<hbm>>) target_semaphore(%run_scoped3A_58 : memref<!tpu.dma_semaphore, #tpu.memory_space<semaphore_mem>>)
      %dma_wait3A = tpu.memref_slice %arg7[%arg0, %add3A_49] : memref<2x10240xf32, #tpu.memory_space<hbm>> -> memref<1x64xf32, #tpu.memory_space<hbm>>
      %dma_wait3A_62 = tpu.memref_squeeze %dma_wait3A : memref<1x64xf32, #tpu.memory_space<hbm>> -> memref<64xf32, #tpu.memory_space<hbm>>
      %dma_wait3A_63 = tpu.memref_slice %arg7[%arg0, %add3A_49] : memref<2x10240xf32, #tpu.memory_space<hbm>> -> memref<1x64xf32, #tpu.memory_space<hbm>>
      %dma_wait3A_64 = tpu.memref_squeeze %dma_wait3A_63 : memref<1x64xf32, #tpu.memory_space<hbm>> -> memref<64xf32, #tpu.memory_space<hbm>>
      tpu.wait_dma2 semaphore(%run_scoped3A_58 : memref<!tpu.dma_semaphore, #tpu.memory_space<semaphore_mem>>) src(%arg20 : memref<64xf32, #tpu.memory_space<vmem>>) dst(%dma_wait3A_64 : memref<64xf32, #tpu.memory_space<hbm>>)
      tpu.yield
    }) : () -> ()
    %add3A_50 = arith.constant 384 : i32
    %add3A_51 = arith.addi %mul3A_2, %add3A_50 : i32
    "tpu.region"() ({
      %run_scoped3A_58 = tpu.sem_alloc : memref<!tpu.dma_semaphore, #tpu.memory_space<semaphore_mem>>
      %dma_start3A = arith.constant 0 : i32
      %dma_start3A_59 = tpu.memref_slice %arg21[%add3A_51, %dma_start3A] : memref<10240x128xf32, #tpu.memory_space<vmem_shared>> -> memref<64x128xf32, #tpu.memory_space<vmem_shared>>
      %dma_start3A_60 = arith.constant 0 : i32
      %dma_start3A_61 = tpu.memref_slice %arg21[%add3A_51, %dma_start3A_60] : memref<10240x128xf32, #tpu.memory_space<vmem_shared>> -> memref<64x128xf32, #tpu.memory_space<vmem_shared>>
      tpu.enqueue_dma source(%dma_start3A_61 : memref<64x128xf32, #tpu.memory_space<vmem_shared>>) target(%arg16 : memref<64x128xf32, #tpu.memory_space<vmem>>) target_semaphore(%run_scoped3A_58 : memref<!tpu.dma_semaphore, #tpu.memory_space<semaphore_mem>>)
      %dma_wait3A = arith.constant 0 : i32
      %dma_wait3A_62 = tpu.memref_slice %arg21[%add3A_51, %dma_wait3A] : memref<10240x128xf32, #tpu.memory_space<vmem_shared>> -> memref<64x128xf32, #tpu.memory_space<vmem_shared>>
      %dma_wait3A_63 = arith.constant 0 : i32
      %dma_wait3A_64 = tpu.memref_slice %arg21[%add3A_51, %dma_wait3A_63] : memref<10240x128xf32, #tpu.memory_space<vmem_shared>> -> memref<64x128xf32, #tpu.memory_space<vmem_shared>>
      tpu.wait_dma2 semaphore(%run_scoped3A_58 : memref<!tpu.dma_semaphore, #tpu.memory_space<semaphore_mem>>) src(%dma_wait3A_64 : memref<64x128xf32, #tpu.memory_space<vmem_shared>>) dst(%arg16 : memref<64x128xf32, #tpu.memory_space<vmem>>)
      tpu.yield
    }) : () -> ()
    "tpu.region"() ({
      %run_scoped3A_58 = tpu.sem_alloc : memref<!tpu.dma_semaphore, #tpu.memory_space<semaphore_mem>>
      %dma_start3A = arith.constant 0 : i32
      %dma_start3A_59 = tpu.memref_slice %arg6[%arg0, %add3A_51, %dma_start3A] : memref<2x10240x128xf32, #tpu.memory_space<hbm>> -> memref<1x64x128xf32, #tpu.memory_space<hbm>>
      %dma_start3A_60 = tpu.memref_squeeze %dma_start3A_59 : memref<1x64x128xf32, #tpu.memory_space<hbm>> -> memref<64x128xf32, #tpu.memory_space<hbm>>
      %dma_start3A_61 = arith.constant 0 : i32
      %dma_start3A_62 = tpu.memref_slice %arg6[%arg0, %add3A_51, %dma_start3A_61] : memref<2x10240x128xf32, #tpu.memory_space<hbm>> -> memref<1x64x128xf32, #tpu.memory_space<hbm>>
      %dma_start3A_63 = tpu.memref_squeeze %dma_start3A_62 : memref<1x64x128xf32, #tpu.memory_space<hbm>> -> memref<64x128xf32, #tpu.memory_space<hbm>>
      tpu.enqueue_dma source(%arg16 : memref<64x128xf32, #tpu.memory_space<vmem>>) target(%dma_start3A_63 : memref<64x128xf32, #tpu.memory_space<hbm>>) target_semaphore(%run_scoped3A_58 : memref<!tpu.dma_semaphore, #tpu.memory_space<semaphore_mem>>)
      %dma_wait3A = arith.constant 0 : i32
      %dma_wait3A_64 = tpu.memref_slice %arg6[%arg0, %add3A_51, %dma_wait3A] : memref<2x10240x128xf32, #tpu.memory_space<hbm>> -> memref<1x64x128xf32, #tpu.memory_space<hbm>>
      %dma_wait3A_65 = tpu.memref_squeeze %dma_wait3A_64 : memref<1x64x128xf32, #tpu.memory_space<hbm>> -> memref<64x128xf32, #tpu.memory_space<hbm>>
      %dma_wait3A_66 = arith.constant 0 : i32
      %dma_wait3A_67 = tpu.memref_slice %arg6[%arg0, %add3A_51, %dma_wait3A_66] : memref<2x10240x128xf32, #tpu.memory_space<hbm>> -> memref<1x64x128xf32, #tpu.memory_space<hbm>>
      %dma_wait3A_68 = tpu.memref_squeeze %dma_wait3A_67 : memref<1x64x128xf32, #tpu.memory_space<hbm>> -> memref<64x128xf32, #tpu.memory_space<hbm>>
      tpu.wait_dma2 semaphore(%run_scoped3A_58 : memref<!tpu.dma_semaphore, #tpu.memory_space<semaphore_mem>>) src(%arg16 : memref<64x128xf32, #tpu.memory_space<vmem>>) dst(%dma_wait3A_68 : memref<64x128xf32, #tpu.memory_space<hbm>>)
      tpu.yield
    }) : () -> ()
    "tpu.region"() ({
      %run_scoped3A_58 = tpu.sem_alloc : memref<!tpu.dma_semaphore, #tpu.memory_space<semaphore_mem>>
      %dma_start3A = tpu.memref_slice %arg22[%add3A_51] : memref<10240xf32, #tpu.memory_space<vmem_shared>> -> memref<64xf32, #tpu.memory_space<vmem_shared>>
      %dma_start3A_59 = tpu.memref_slice %arg22[%add3A_51] : memref<10240xf32, #tpu.memory_space<vmem_shared>> -> memref<64xf32, #tpu.memory_space<vmem_shared>>
      tpu.enqueue_dma source(%dma_start3A_59 : memref<64xf32, #tpu.memory_space<vmem_shared>>) target(%arg20 : memref<64xf32, #tpu.memory_space<vmem>>) target_semaphore(%run_scoped3A_58 : memref<!tpu.dma_semaphore, #tpu.memory_space<semaphore_mem>>)
      %dma_wait3A = tpu.memref_slice %arg22[%add3A_51] : memref<10240xf32, #tpu.memory_space<vmem_shared>> -> memref<64xf32, #tpu.memory_space<vmem_shared>>
      %dma_wait3A_60 = tpu.memref_slice %arg22[%add3A_51] : memref<10240xf32, #tpu.memory_space<vmem_shared>> -> memref<64xf32, #tpu.memory_space<vmem_shared>>
      tpu.wait_dma2 semaphore(%run_scoped3A_58 : memref<!tpu.dma_semaphore, #tpu.memory_space<semaphore_mem>>) src(%dma_wait3A_60 : memref<64xf32, #tpu.memory_space<vmem_shared>>) dst(%arg20 : memref<64xf32, #tpu.memory_space<vmem>>)
      tpu.yield
    }) : () -> ()
    "tpu.region"() ({
      %run_scoped3A_58 = tpu.sem_alloc : memref<!tpu.dma_semaphore, #tpu.memory_space<semaphore_mem>>
      %dma_start3A = tpu.memref_slice %arg7[%arg0, %add3A_51] : memref<2x10240xf32, #tpu.memory_space<hbm>> -> memref<1x64xf32, #tpu.memory_space<hbm>>
      %dma_start3A_59 = tpu.memref_squeeze %dma_start3A : memref<1x64xf32, #tpu.memory_space<hbm>> -> memref<64xf32, #tpu.memory_space<hbm>>
      %dma_start3A_60 = tpu.memref_slice %arg7[%arg0, %add3A_51] : memref<2x10240xf32, #tpu.memory_space<hbm>> -> memref<1x64xf32, #tpu.memory_space<hbm>>
      %dma_start3A_61 = tpu.memref_squeeze %dma_start3A_60 : memref<1x64xf32, #tpu.memory_space<hbm>> -> memref<64xf32, #tpu.memory_space<hbm>>
      tpu.enqueue_dma source(%arg20 : memref<64xf32, #tpu.memory_space<vmem>>) target(%dma_start3A_61 : memref<64xf32, #tpu.memory_space<hbm>>) target_semaphore(%run_scoped3A_58 : memref<!tpu.dma_semaphore, #tpu.memory_space<semaphore_mem>>)
      %dma_wait3A = tpu.memref_slice %arg7[%arg0, %add3A_51] : memref<2x10240xf32, #tpu.memory_space<hbm>> -> memref<1x64xf32, #tpu.memory_space<hbm>>
      %dma_wait3A_62 = tpu.memref_squeeze %dma_wait3A : memref<1x64xf32, #tpu.memory_space<hbm>> -> memref<64xf32, #tpu.memory_space<hbm>>
      %dma_wait3A_63 = tpu.memref_slice %arg7[%arg0, %add3A_51] : memref<2x10240xf32, #tpu.memory_space<hbm>> -> memref<1x64xf32, #tpu.memory_space<hbm>>
      %dma_wait3A_64 = tpu.memref_squeeze %dma_wait3A_63 : memref<1x64xf32, #tpu.memory_space<hbm>> -> memref<64xf32, #tpu.memory_space<hbm>>
      tpu.wait_dma2 semaphore(%run_scoped3A_58 : memref<!tpu.dma_semaphore, #tpu.memory_space<semaphore_mem>>) src(%arg20 : memref<64xf32, #tpu.memory_space<vmem>>) dst(%dma_wait3A_64 : memref<64xf32, #tpu.memory_space<hbm>>)
      tpu.yield
    }) : () -> ()
    %add3A_52 = arith.constant 448 : i32
    %add3A_53 = arith.addi %mul3A_2, %add3A_52 : i32
    "tpu.region"() ({
      %run_scoped3A_58 = tpu.sem_alloc : memref<!tpu.dma_semaphore, #tpu.memory_space<semaphore_mem>>
      %dma_start3A = arith.constant 0 : i32
      %dma_start3A_59 = tpu.memref_slice %arg21[%add3A_53, %dma_start3A] : memref<10240x128xf32, #tpu.memory_space<vmem_shared>> -> memref<64x128xf32, #tpu.memory_space<vmem_shared>>
      %dma_start3A_60 = arith.constant 0 : i32
      %dma_start3A_61 = tpu.memref_slice %arg21[%add3A_53, %dma_start3A_60] : memref<10240x128xf32, #tpu.memory_space<vmem_shared>> -> memref<64x128xf32, #tpu.memory_space<vmem_shared>>
      tpu.enqueue_dma source(%dma_start3A_61 : memref<64x128xf32, #tpu.memory_space<vmem_shared>>) target(%arg16 : memref<64x128xf32, #tpu.memory_space<vmem>>) target_semaphore(%run_scoped3A_58 : memref<!tpu.dma_semaphore, #tpu.memory_space<semaphore_mem>>)
      %dma_wait3A = arith.constant 0 : i32
      %dma_wait3A_62 = tpu.memref_slice %arg21[%add3A_53, %dma_wait3A] : memref<10240x128xf32, #tpu.memory_space<vmem_shared>> -> memref<64x128xf32, #tpu.memory_space<vmem_shared>>
      %dma_wait3A_63 = arith.constant 0 : i32
      %dma_wait3A_64 = tpu.memref_slice %arg21[%add3A_53, %dma_wait3A_63] : memref<10240x128xf32, #tpu.memory_space<vmem_shared>> -> memref<64x128xf32, #tpu.memory_space<vmem_shared>>
      tpu.wait_dma2 semaphore(%run_scoped3A_58 : memref<!tpu.dma_semaphore, #tpu.memory_space<semaphore_mem>>) src(%dma_wait3A_64 : memref<64x128xf32, #tpu.memory_space<vmem_shared>>) dst(%arg16 : memref<64x128xf32, #tpu.memory_space<vmem>>)
      tpu.yield
    }) : () -> ()
    "tpu.region"() ({
      %run_scoped3A_58 = tpu.sem_alloc : memref<!tpu.dma_semaphore, #tpu.memory_space<semaphore_mem>>
      %dma_start3A = arith.constant 0 : i32
      %dma_start3A_59 = tpu.memref_slice %arg6[%arg0, %add3A_53, %dma_start3A] : memref<2x10240x128xf32, #tpu.memory_space<hbm>> -> memref<1x64x128xf32, #tpu.memory_space<hbm>>
      %dma_start3A_60 = tpu.memref_squeeze %dma_start3A_59 : memref<1x64x128xf32, #tpu.memory_space<hbm>> -> memref<64x128xf32, #tpu.memory_space<hbm>>
      %dma_start3A_61 = arith.constant 0 : i32
      %dma_start3A_62 = tpu.memref_slice %arg6[%arg0, %add3A_53, %dma_start3A_61] : memref<2x10240x128xf32, #tpu.memory_space<hbm>> -> memref<1x64x128xf32, #tpu.memory_space<hbm>>
      %dma_start3A_63 = tpu.memref_squeeze %dma_start3A_62 : memref<1x64x128xf32, #tpu.memory_space<hbm>> -> memref<64x128xf32, #tpu.memory_space<hbm>>
      tpu.enqueue_dma source(%arg16 : memref<64x128xf32, #tpu.memory_space<vmem>>) target(%dma_start3A_63 : memref<64x128xf32, #tpu.memory_space<hbm>>) target_semaphore(%run_scoped3A_58 : memref<!tpu.dma_semaphore, #tpu.memory_space<semaphore_mem>>)
      %dma_wait3A = arith.constant 0 : i32
      %dma_wait3A_64 = tpu.memref_slice %arg6[%arg0, %add3A_53, %dma_wait3A] : memref<2x10240x128xf32, #tpu.memory_space<hbm>> -> memref<1x64x128xf32, #tpu.memory_space<hbm>>
      %dma_wait3A_65 = tpu.memref_squeeze %dma_wait3A_64 : memref<1x64x128xf32, #tpu.memory_space<hbm>> -> memref<64x128xf32, #tpu.memory_space<hbm>>
      %dma_wait3A_66 = arith.constant 0 : i32
      %dma_wait3A_67 = tpu.memref_slice %arg6[%arg0, %add3A_53, %dma_wait3A_66] : memref<2x10240x128xf32, #tpu.memory_space<hbm>> -> memref<1x64x128xf32, #tpu.memory_space<hbm>>
      %dma_wait3A_68 = tpu.memref_squeeze %dma_wait3A_67 : memref<1x64x128xf32, #tpu.memory_space<hbm>> -> memref<64x128xf32, #tpu.memory_space<hbm>>
      tpu.wait_dma2 semaphore(%run_scoped3A_58 : memref<!tpu.dma_semaphore, #tpu.memory_space<semaphore_mem>>) src(%arg16 : memref<64x128xf32, #tpu.memory_space<vmem>>) dst(%dma_wait3A_68 : memref<64x128xf32, #tpu.memory_space<hbm>>)
      tpu.yield
    }) : () -> ()
    "tpu.region"() ({
      %run_scoped3A_58 = tpu.sem_alloc : memref<!tpu.dma_semaphore, #tpu.memory_space<semaphore_mem>>
      %dma_start3A = tpu.memref_slice %arg22[%add3A_53] : memref<10240xf32, #tpu.memory_space<vmem_shared>> -> memref<64xf32, #tpu.memory_space<vmem_shared>>
      %dma_start3A_59 = tpu.memref_slice %arg22[%add3A_53] : memref<10240xf32, #tpu.memory_space<vmem_shared>> -> memref<64xf32, #tpu.memory_space<vmem_shared>>
      tpu.enqueue_dma source(%dma_start3A_59 : memref<64xf32, #tpu.memory_space<vmem_shared>>) target(%arg20 : memref<64xf32, #tpu.memory_space<vmem>>) target_semaphore(%run_scoped3A_58 : memref<!tpu.dma_semaphore, #tpu.memory_space<semaphore_mem>>)
      %dma_wait3A = tpu.memref_slice %arg22[%add3A_53] : memref<10240xf32, #tpu.memory_space<vmem_shared>> -> memref<64xf32, #tpu.memory_space<vmem_shared>>
      %dma_wait3A_60 = tpu.memref_slice %arg22[%add3A_53] : memref<10240xf32, #tpu.memory_space<vmem_shared>> -> memref<64xf32, #tpu.memory_space<vmem_shared>>
      tpu.wait_dma2 semaphore(%run_scoped3A_58 : memref<!tpu.dma_semaphore, #tpu.memory_space<semaphore_mem>>) src(%dma_wait3A_60 : memref<64xf32, #tpu.memory_space<vmem_shared>>) dst(%arg20 : memref<64xf32, #tpu.memory_space<vmem>>)
      tpu.yield
    }) : () -> ()
    "tpu.region"() ({
      %run_scoped3A_58 = tpu.sem_alloc : memref<!tpu.dma_semaphore, #tpu.memory_space<semaphore_mem>>
      %dma_start3A = tpu.memref_slice %arg7[%arg0, %add3A_53] : memref<2x10240xf32, #tpu.memory_space<hbm>> -> memref<1x64xf32, #tpu.memory_space<hbm>>
      %dma_start3A_59 = tpu.memref_squeeze %dma_start3A : memref<1x64xf32, #tpu.memory_space<hbm>> -> memref<64xf32, #tpu.memory_space<hbm>>
      %dma_start3A_60 = tpu.memref_slice %arg7[%arg0, %add3A_53] : memref<2x10240xf32, #tpu.memory_space<hbm>> -> memref<1x64xf32, #tpu.memory_space<hbm>>
      %dma_start3A_61 = tpu.memref_squeeze %dma_start3A_60 : memref<1x64xf32, #tpu.memory_space<hbm>> -> memref<64xf32, #tpu.memory_space<hbm>>
      tpu.enqueue_dma source(%arg20 : memref<64xf32, #tpu.memory_space<vmem>>) target(%dma_start3A_61 : memref<64xf32, #tpu.memory_space<hbm>>) target_semaphore(%run_scoped3A_58 : memref<!tpu.dma_semaphore, #tpu.memory_space<semaphore_mem>>)
      %dma_wait3A = tpu.memref_slice %arg7[%arg0, %add3A_53] : memref<2x10240xf32, #tpu.memory_space<hbm>> -> memref<1x64xf32, #tpu.memory_space<hbm>>
      %dma_wait3A_62 = tpu.memref_squeeze %dma_wait3A : memref<1x64xf32, #tpu.memory_space<hbm>> -> memref<64xf32, #tpu.memory_space<hbm>>
      %dma_wait3A_63 = tpu.memref_slice %arg7[%arg0, %add3A_53] : memref<2x10240xf32, #tpu.memory_space<hbm>> -> memref<1x64xf32, #tpu.memory_space<hbm>>
      %dma_wait3A_64 = tpu.memref_squeeze %dma_wait3A_63 : memref<1x64xf32, #tpu.memory_space<hbm>> -> memref<64xf32, #tpu.memory_space<hbm>>
      tpu.wait_dma2 semaphore(%run_scoped3A_58 : memref<!tpu.dma_semaphore, #tpu.memory_space<semaphore_mem>>) src(%arg20 : memref<64xf32, #tpu.memory_space<vmem>>) dst(%dma_wait3A_64 : memref<64xf32, #tpu.memory_space<hbm>>)
      tpu.yield
    }) : () -> ()
    %add3A_54 = arith.constant 512 : i32
    %add3A_55 = arith.addi %mul3A_2, %add3A_54 : i32
    "tpu.region"() ({
      %run_scoped3A_58 = tpu.sem_alloc : memref<!tpu.dma_semaphore, #tpu.memory_space<semaphore_mem>>
      %dma_start3A = arith.constant 0 : i32
      %dma_start3A_59 = tpu.memref_slice %arg21[%add3A_55, %dma_start3A] : memref<10240x128xf32, #tpu.memory_space<vmem_shared>> -> memref<64x128xf32, #tpu.memory_space<vmem_shared>>
      %dma_start3A_60 = arith.constant 0 : i32
      %dma_start3A_61 = tpu.memref_slice %arg21[%add3A_55, %dma_start3A_60] : memref<10240x128xf32, #tpu.memory_space<vmem_shared>> -> memref<64x128xf32, #tpu.memory_space<vmem_shared>>
      tpu.enqueue_dma source(%dma_start3A_61 : memref<64x128xf32, #tpu.memory_space<vmem_shared>>) target(%arg16 : memref<64x128xf32, #tpu.memory_space<vmem>>) target_semaphore(%run_scoped3A_58 : memref<!tpu.dma_semaphore, #tpu.memory_space<semaphore_mem>>)
      %dma_wait3A = arith.constant 0 : i32
      %dma_wait3A_62 = tpu.memref_slice %arg21[%add3A_55, %dma_wait3A] : memref<10240x128xf32, #tpu.memory_space<vmem_shared>> -> memref<64x128xf32, #tpu.memory_space<vmem_shared>>
      %dma_wait3A_63 = arith.constant 0 : i32
      %dma_wait3A_64 = tpu.memref_slice %arg21[%add3A_55, %dma_wait3A_63] : memref<10240x128xf32, #tpu.memory_space<vmem_shared>> -> memref<64x128xf32, #tpu.memory_space<vmem_shared>>
      tpu.wait_dma2 semaphore(%run_scoped3A_58 : memref<!tpu.dma_semaphore, #tpu.memory_space<semaphore_mem>>) src(%dma_wait3A_64 : memref<64x128xf32, #tpu.memory_space<vmem_shared>>) dst(%arg16 : memref<64x128xf32, #tpu.memory_space<vmem>>)
      tpu.yield
    }) : () -> ()
    "tpu.region"() ({
      %run_scoped3A_58 = tpu.sem_alloc : memref<!tpu.dma_semaphore, #tpu.memory_space<semaphore_mem>>
      %dma_start3A = arith.constant 0 : i32
      %dma_start3A_59 = tpu.memref_slice %arg6[%arg0, %add3A_55, %dma_start3A] : memref<2x10240x128xf32, #tpu.memory_space<hbm>> -> memref<1x64x128xf32, #tpu.memory_space<hbm>>
      %dma_start3A_60 = tpu.memref_squeeze %dma_start3A_59 : memref<1x64x128xf32, #tpu.memory_space<hbm>> -> memref<64x128xf32, #tpu.memory_space<hbm>>
      %dma_start3A_61 = arith.constant 0 : i32
      %dma_start3A_62 = tpu.memref_slice %arg6[%arg0, %add3A_55, %dma_start3A_61] : memref<2x10240x128xf32, #tpu.memory_space<hbm>> -> memref<1x64x128xf32, #tpu.memory_space<hbm>>
      %dma_start3A_63 = tpu.memref_squeeze %dma_start3A_62 : memref<1x64x128xf32, #tpu.memory_space<hbm>> -> memref<64x128xf32, #tpu.memory_space<hbm>>
      tpu.enqueue_dma source(%arg16 : memref<64x128xf32, #tpu.memory_space<vmem>>) target(%dma_start3A_63 : memref<64x128xf32, #tpu.memory_space<hbm>>) target_semaphore(%run_scoped3A_58 : memref<!tpu.dma_semaphore, #tpu.memory_space<semaphore_mem>>)
      %dma_wait3A = arith.constant 0 : i32
      %dma_wait3A_64 = tpu.memref_slice %arg6[%arg0, %add3A_55, %dma_wait3A] : memref<2x10240x128xf32, #tpu.memory_space<hbm>> -> memref<1x64x128xf32, #tpu.memory_space<hbm>>
      %dma_wait3A_65 = tpu.memref_squeeze %dma_wait3A_64 : memref<1x64x128xf32, #tpu.memory_space<hbm>> -> memref<64x128xf32, #tpu.memory_space<hbm>>
      %dma_wait3A_66 = arith.constant 0 : i32
      %dma_wait3A_67 = tpu.memref_slice %arg6[%arg0, %add3A_55, %dma_wait3A_66] : memref<2x10240x128xf32, #tpu.memory_space<hbm>> -> memref<1x64x128xf32, #tpu.memory_space<hbm>>
      %dma_wait3A_68 = tpu.memref_squeeze %dma_wait3A_67 : memref<1x64x128xf32, #tpu.memory_space<hbm>> -> memref<64x128xf32, #tpu.memory_space<hbm>>
      tpu.wait_dma2 semaphore(%run_scoped3A_58 : memref<!tpu.dma_semaphore, #tpu.memory_space<semaphore_mem>>) src(%arg16 : memref<64x128xf32, #tpu.memory_space<vmem>>) dst(%dma_wait3A_68 : memref<64x128xf32, #tpu.memory_space<hbm>>)
      tpu.yield
    }) : () -> ()
    "tpu.region"() ({
      %run_scoped3A_58 = tpu.sem_alloc : memref<!tpu.dma_semaphore, #tpu.memory_space<semaphore_mem>>
      %dma_start3A = tpu.memref_slice %arg22[%add3A_55] : memref<10240xf32, #tpu.memory_space<vmem_shared>> -> memref<64xf32, #tpu.memory_space<vmem_shared>>
      %dma_start3A_59 = tpu.memref_slice %arg22[%add3A_55] : memref<10240xf32, #tpu.memory_space<vmem_shared>> -> memref<64xf32, #tpu.memory_space<vmem_shared>>
      tpu.enqueue_dma source(%dma_start3A_59 : memref<64xf32, #tpu.memory_space<vmem_shared>>) target(%arg20 : memref<64xf32, #tpu.memory_space<vmem>>) target_semaphore(%run_scoped3A_58 : memref<!tpu.dma_semaphore, #tpu.memory_space<semaphore_mem>>)
      %dma_wait3A = tpu.memref_slice %arg22[%add3A_55] : memref<10240xf32, #tpu.memory_space<vmem_shared>> -> memref<64xf32, #tpu.memory_space<vmem_shared>>
      %dma_wait3A_60 = tpu.memref_slice %arg22[%add3A_55] : memref<10240xf32, #tpu.memory_space<vmem_shared>> -> memref<64xf32, #tpu.memory_space<vmem_shared>>
      tpu.wait_dma2 semaphore(%run_scoped3A_58 : memref<!tpu.dma_semaphore, #tpu.memory_space<semaphore_mem>>) src(%dma_wait3A_60 : memref<64xf32, #tpu.memory_space<vmem_shared>>) dst(%arg20 : memref<64xf32, #tpu.memory_space<vmem>>)
      tpu.yield
    }) : () -> ()
    "tpu.region"() ({
      %run_scoped3A_58 = tpu.sem_alloc : memref<!tpu.dma_semaphore, #tpu.memory_space<semaphore_mem>>
      %dma_start3A = tpu.memref_slice %arg7[%arg0, %add3A_55] : memref<2x10240xf32, #tpu.memory_space<hbm>> -> memref<1x64xf32, #tpu.memory_space<hbm>>
      %dma_start3A_59 = tpu.memref_squeeze %dma_start3A : memref<1x64xf32, #tpu.memory_space<hbm>> -> memref<64xf32, #tpu.memory_space<hbm>>
      %dma_start3A_60 = tpu.memref_slice %arg7[%arg0, %add3A_55] : memref<2x10240xf32, #tpu.memory_space<hbm>> -> memref<1x64xf32, #tpu.memory_space<hbm>>
      %dma_start3A_61 = tpu.memref_squeeze %dma_start3A_60 : memref<1x64xf32, #tpu.memory_space<hbm>> -> memref<64xf32, #tpu.memory_space<hbm>>
      tpu.enqueue_dma source(%arg20 : memref<64xf32, #tpu.memory_space<vmem>>) target(%dma_start3A_61 : memref<64xf32, #tpu.memory_space<hbm>>) target_semaphore(%run_scoped3A_58 : memref<!tpu.dma_semaphore, #tpu.memory_space<semaphore_mem>>)
      %dma_wait3A = tpu.memref_slice %arg7[%arg0, %add3A_55] : memref<2x10240xf32, #tpu.memory_space<hbm>> -> memref<1x64xf32, #tpu.memory_space<hbm>>
      %dma_wait3A_62 = tpu.memref_squeeze %dma_wait3A : memref<1x64xf32, #tpu.memory_space<hbm>> -> memref<64xf32, #tpu.memory_space<hbm>>
      %dma_wait3A_63 = tpu.memref_slice %arg7[%arg0, %add3A_55] : memref<2x10240xf32, #tpu.memory_space<hbm>> -> memref<1x64xf32, #tpu.memory_space<hbm>>
      %dma_wait3A_64 = tpu.memref_squeeze %dma_wait3A_63 : memref<1x64xf32, #tpu.memory_space<hbm>> -> memref<64xf32, #tpu.memory_space<hbm>>
      tpu.wait_dma2 semaphore(%run_scoped3A_58 : memref<!tpu.dma_semaphore, #tpu.memory_space<semaphore_mem>>) src(%arg20 : memref<64xf32, #tpu.memory_space<vmem>>) dst(%dma_wait3A_64 : memref<64xf32, #tpu.memory_space<hbm>>)
      tpu.yield
    }) : () -> ()
    %add3A_56 = arith.constant 576 : i32
    %add3A_57 = arith.addi %mul3A_2, %add3A_56 : i32
    "tpu.region"() ({
      %run_scoped3A_58 = tpu.sem_alloc : memref<!tpu.dma_semaphore, #tpu.memory_space<semaphore_mem>>
      %dma_start3A = arith.constant 0 : i32
      %dma_start3A_59 = tpu.memref_slice %arg21[%add3A_57, %dma_start3A] : memref<10240x128xf32, #tpu.memory_space<vmem_shared>> -> memref<64x128xf32, #tpu.memory_space<vmem_shared>>
      %dma_start3A_60 = arith.constant 0 : i32
      %dma_start3A_61 = tpu.memref_slice %arg21[%add3A_57, %dma_start3A_60] : memref<10240x128xf32, #tpu.memory_space<vmem_shared>> -> memref<64x128xf32, #tpu.memory_space<vmem_shared>>
      tpu.enqueue_dma source(%dma_start3A_61 : memref<64x128xf32, #tpu.memory_space<vmem_shared>>) target(%arg16 : memref<64x128xf32, #tpu.memory_space<vmem>>) target_semaphore(%run_scoped3A_58 : memref<!tpu.dma_semaphore, #tpu.memory_space<semaphore_mem>>)
      %dma_wait3A = arith.constant 0 : i32
      %dma_wait3A_62 = tpu.memref_slice %arg21[%add3A_57, %dma_wait3A] : memref<10240x128xf32, #tpu.memory_space<vmem_shared>> -> memref<64x128xf32, #tpu.memory_space<vmem_shared>>
      %dma_wait3A_63 = arith.constant 0 : i32
      %dma_wait3A_64 = tpu.memref_slice %arg21[%add3A_57, %dma_wait3A_63] : memref<10240x128xf32, #tpu.memory_space<vmem_shared>> -> memref<64x128xf32, #tpu.memory_space<vmem_shared>>
      tpu.wait_dma2 semaphore(%run_scoped3A_58 : memref<!tpu.dma_semaphore, #tpu.memory_space<semaphore_mem>>) src(%dma_wait3A_64 : memref<64x128xf32, #tpu.memory_space<vmem_shared>>) dst(%arg16 : memref<64x128xf32, #tpu.memory_space<vmem>>)
      tpu.yield
    }) : () -> ()
    "tpu.region"() ({
      %run_scoped3A_58 = tpu.sem_alloc : memref<!tpu.dma_semaphore, #tpu.memory_space<semaphore_mem>>
      %dma_start3A = arith.constant 0 : i32
      %dma_start3A_59 = tpu.memref_slice %arg6[%arg0, %add3A_57, %dma_start3A] : memref<2x10240x128xf32, #tpu.memory_space<hbm>> -> memref<1x64x128xf32, #tpu.memory_space<hbm>>
      %dma_start3A_60 = tpu.memref_squeeze %dma_start3A_59 : memref<1x64x128xf32, #tpu.memory_space<hbm>> -> memref<64x128xf32, #tpu.memory_space<hbm>>
      %dma_start3A_61 = arith.constant 0 : i32
      %dma_start3A_62 = tpu.memref_slice %arg6[%arg0, %add3A_57, %dma_start3A_61] : memref<2x10240x128xf32, #tpu.memory_space<hbm>> -> memref<1x64x128xf32, #tpu.memory_space<hbm>>
      %dma_start3A_63 = tpu.memref_squeeze %dma_start3A_62 : memref<1x64x128xf32, #tpu.memory_space<hbm>> -> memref<64x128xf32, #tpu.memory_space<hbm>>
      tpu.enqueue_dma source(%arg16 : memref<64x128xf32, #tpu.memory_space<vmem>>) target(%dma_start3A_63 : memref<64x128xf32, #tpu.memory_space<hbm>>) target_semaphore(%run_scoped3A_58 : memref<!tpu.dma_semaphore, #tpu.memory_space<semaphore_mem>>)
      %dma_wait3A = arith.constant 0 : i32
      %dma_wait3A_64 = tpu.memref_slice %arg6[%arg0, %add3A_57, %dma_wait3A] : memref<2x10240x128xf32, #tpu.memory_space<hbm>> -> memref<1x64x128xf32, #tpu.memory_space<hbm>>
      %dma_wait3A_65 = tpu.memref_squeeze %dma_wait3A_64 : memref<1x64x128xf32, #tpu.memory_space<hbm>> -> memref<64x128xf32, #tpu.memory_space<hbm>>
      %dma_wait3A_66 = arith.constant 0 : i32
      %dma_wait3A_67 = tpu.memref_slice %arg6[%arg0, %add3A_57, %dma_wait3A_66] : memref<2x10240x128xf32, #tpu.memory_space<hbm>> -> memref<1x64x128xf32, #tpu.memory_space<hbm>>
      %dma_wait3A_68 = tpu.memref_squeeze %dma_wait3A_67 : memref<1x64x128xf32, #tpu.memory_space<hbm>> -> memref<64x128xf32, #tpu.memory_space<hbm>>
      tpu.wait_dma2 semaphore(%run_scoped3A_58 : memref<!tpu.dma_semaphore, #tpu.memory_space<semaphore_mem>>) src(%arg16 : memref<64x128xf32, #tpu.memory_space<vmem>>) dst(%dma_wait3A_68 : memref<64x128xf32, #tpu.memory_space<hbm>>)
      tpu.yield
    }) : () -> ()
    "tpu.region"() ({
      %run_scoped3A_58 = tpu.sem_alloc : memref<!tpu.dma_semaphore, #tpu.memory_space<semaphore_mem>>
      %dma_start3A = tpu.memref_slice %arg22[%add3A_57] : memref<10240xf32, #tpu.memory_space<vmem_shared>> -> memref<64xf32, #tpu.memory_space<vmem_shared>>
      %dma_start3A_59 = tpu.memref_slice %arg22[%add3A_57] : memref<10240xf32, #tpu.memory_space<vmem_shared>> -> memref<64xf32, #tpu.memory_space<vmem_shared>>
      tpu.enqueue_dma source(%dma_start3A_59 : memref<64xf32, #tpu.memory_space<vmem_shared>>) target(%arg20 : memref<64xf32, #tpu.memory_space<vmem>>) target_semaphore(%run_scoped3A_58 : memref<!tpu.dma_semaphore, #tpu.memory_space<semaphore_mem>>)
      %dma_wait3A = tpu.memref_slice %arg22[%add3A_57] : memref<10240xf32, #tpu.memory_space<vmem_shared>> -> memref<64xf32, #tpu.memory_space<vmem_shared>>
      %dma_wait3A_60 = tpu.memref_slice %arg22[%add3A_57] : memref<10240xf32, #tpu.memory_space<vmem_shared>> -> memref<64xf32, #tpu.memory_space<vmem_shared>>
      tpu.wait_dma2 semaphore(%run_scoped3A_58 : memref<!tpu.dma_semaphore, #tpu.memory_space<semaphore_mem>>) src(%dma_wait3A_60 : memref<64xf32, #tpu.memory_space<vmem_shared>>) dst(%arg20 : memref<64xf32, #tpu.memory_space<vmem>>)
      tpu.yield
    }) : () -> ()
    "tpu.region"() ({
      %run_scoped3A_58 = tpu.sem_alloc : memref<!tpu.dma_semaphore, #tpu.memory_space<semaphore_mem>>
      %dma_start3A = tpu.memref_slice %arg7[%arg0, %add3A_57] : memref<2x10240xf32, #tpu.memory_space<hbm>> -> memref<1x64xf32, #tpu.memory_space<hbm>>
      %dma_start3A_59 = tpu.memref_squeeze %dma_start3A : memref<1x64xf32, #tpu.memory_space<hbm>> -> memref<64xf32, #tpu.memory_space<hbm>>
      %dma_start3A_60 = tpu.memref_slice %arg7[%arg0, %add3A_57] : memref<2x10240xf32, #tpu.memory_space<hbm>> -> memref<1x64xf32, #tpu.memory_space<hbm>>
      %dma_start3A_61 = tpu.memref_squeeze %dma_start3A_60 : memref<1x64xf32, #tpu.memory_space<hbm>> -> memref<64xf32, #tpu.memory_space<hbm>>
      tpu.enqueue_dma source(%arg20 : memref<64xf32, #tpu.memory_space<vmem>>) target(%dma_start3A_61 : memref<64xf32, #tpu.memory_space<hbm>>) target_semaphore(%run_scoped3A_58 : memref<!tpu.dma_semaphore, #tpu.memory_space<semaphore_mem>>)
      %dma_wait3A = tpu.memref_slice %arg7[%arg0, %add3A_57] : memref<2x10240xf32, #tpu.memory_space<hbm>> -> memref<1x64xf32, #tpu.memory_space<hbm>>
      %dma_wait3A_62 = tpu.memref_squeeze %dma_wait3A : memref<1x64xf32, #tpu.memory_space<hbm>> -> memref<64xf32, #tpu.memory_space<hbm>>
      %dma_wait3A_63 = tpu.memref_slice %arg7[%arg0, %add3A_57] : memref<2x10240xf32, #tpu.memory_space<hbm>> -> memref<1x64xf32, #tpu.memory_space<hbm>>
      %dma_wait3A_64 = tpu.memref_squeeze %dma_wait3A_63 : memref<1x64xf32, #tpu.memory_space<hbm>> -> memref<64xf32, #tpu.memory_space<hbm>>
      tpu.wait_dma2 semaphore(%run_scoped3A_58 : memref<!tpu.dma_semaphore, #tpu.memory_space<semaphore_mem>>) src(%arg20 : memref<64xf32, #tpu.memory_space<vmem>>) dst(%dma_wait3A_64 : memref<64xf32, #tpu.memory_space<hbm>>)
      tpu.yield
    }) : () -> ()
    return
  }
}

#map = affine_map<(d0, d1) -> (0, 0)>
#map1 = affine_map<(d0, d1) -> (0, 0, 0, 0)>
#map2 = affine_map<(d0, d1) -> (0)>
#map3 = affine_map<(d0, d1) -> (0, 0, 0)>
module attributes {stable_mosaic.version = 14 : i64} {
  func.func @body(%arg0: i32, %arg1: i32, %arg2: memref<40000x128xf32, #tpu.memory_space<hbm>>, %arg3: memref<32x160x2x64xi32, #tpu.memory_space<hbm>>, %arg4: memref<64x128xf32, #tpu.memory_space<hbm>>, %arg5: memref<64xf32, #tpu.memory_space<hbm>>, %arg6: memref<2x10240x128xf32, #tpu.memory_space<hbm>>, %arg7: memref<2x64xi32, #tpu.memory_space<vmem>>, %arg8: memref<2x64xi32, #tpu.memory_space<vmem>>, %arg9: memref<2x64xi32, #tpu.memory_space<vmem>>, %arg10: memref<2x64xi32, #tpu.memory_space<vmem>>, %arg11: memref<2x64xi32, #tpu.memory_space<vmem>>, %arg12: memref<2x64xi32, #tpu.memory_space<vmem>>, %arg13: memref<2x64xi32, #tpu.memory_space<vmem>>, %arg14: memref<2x64xi32, #tpu.memory_space<vmem>>, %arg15: memref<64x128xf32, #tpu.memory_space<vmem>>, %arg16: memref<64x128xf32, #tpu.memory_space<vmem>>, %arg17: memref<64x128xf32, #tpu.memory_space<vmem>>, %arg18: memref<64x128xf32, #tpu.memory_space<vmem>>, %arg19: memref<64xf32, #tpu.memory_space<vmem>>, %arg20: memref<10240x128xf32, #tpu.memory_space<vmem_shared>>, %arg21: memref<10240xf32, #tpu.memory_space<vmem_shared>>, %arg22: memref<!tpu.dma_semaphore, #tpu.memory_space<semaphore_mem>>, %arg23: memref<!tpu.dma_semaphore, #tpu.memory_space<semaphore_mem>>, %arg24: memref<!tpu.dma_semaphore, #tpu.memory_space<semaphore_mem>>, %arg25: memref<!tpu.dma_semaphore, #tpu.memory_space<semaphore_mem>>, %arg26: memref<!tpu.dma_semaphore, #tpu.memory_space<semaphore_mem>>, %arg27: memref<!tpu.dma_semaphore, #tpu.memory_space<semaphore_mem>>, %arg28: memref<!tpu.dma_semaphore, #tpu.memory_space<semaphore_mem>>, %arg29: memref<!tpu.dma_semaphore, #tpu.memory_space<semaphore_mem>>, %arg30: memref<!tpu.dma_semaphore, #tpu.memory_space<semaphore_mem>>, %arg31: memref<!tpu.dma_semaphore, #tpu.memory_space<semaphore_mem>>, %arg32: memref<!tpu.dma_semaphore, #tpu.memory_space<semaphore_mem>>, %arg33: memref<!tpu.dma_semaphore, #tpu.memory_space<semaphore_mem>>, %arg34: memref<!tpu.dma_semaphore, #tpu.memory_space<semaphore_mem>>, %arg35: memref<!tpu.dma_semaphore, #tpu.memory_space<semaphore_mem>>, %arg36: memref<!tpu.dma_semaphore, #tpu.memory_space<semaphore_mem>>, %arg37: memref<!tpu.dma_semaphore, #tpu.memory_space<semaphore_mem>>, %arg38: memref<!tpu.dma_semaphore, #tpu.memory_space<semaphore_mem>>) attributes {dimension_semantics = [#tpu.dimension_semantics<core_parallel>, #tpu.dimension_semantics<subcore_parallel>], iteration_bounds = array<i64: 2, 16>, scalar_prefetch = 0 : i64, scratch_operands = 32 : i64, tpu.core_type = #tpu.core_type<sc_vector_subcore>, window_params = [{transform_indices = #map}, {transform_indices = #map1}, {transform_indices = #map}, {transform_indices = #map2}, {transform_indices = #map3}]} {
    %mul3A = arith.constant 16 : i32
    %mul3A_0 = arith.muli %arg0, %mul3A : i32
    %add3A = arith.addi %mul3A_0, %arg1 : i32
    %mul3A_1 = arith.constant 640 : i32
    %mul3A_2 = arith.muli %arg1, %mul3A_1 : i32
    "tpu.region"() ({
      %run_scoped3A = tpu.sem_alloc : memref<!tpu.dma_semaphore, #tpu.memory_space<semaphore_mem>>
      tpu.enqueue_dma source(%arg4 : memref<64x128xf32, #tpu.memory_space<hbm>>) target(%arg15 : memref<64x128xf32, #tpu.memory_space<vmem>>) target_semaphore(%run_scoped3A : memref<!tpu.dma_semaphore, #tpu.memory_space<semaphore_mem>>)
      tpu.wait_dma2 semaphore(%run_scoped3A : memref<!tpu.dma_semaphore, #tpu.memory_space<semaphore_mem>>) src(%arg4 : memref<64x128xf32, #tpu.memory_space<hbm>>) dst(%arg15 : memref<64x128xf32, #tpu.memory_space<vmem>>)
      tpu.yield
    }) : () -> ()
    "tpu.region"() ({
      %run_scoped3A = tpu.sem_alloc : memref<!tpu.dma_semaphore, #tpu.memory_space<semaphore_mem>>
      tpu.enqueue_dma source(%arg5 : memref<64xf32, #tpu.memory_space<hbm>>) target(%arg19 : memref<64xf32, #tpu.memory_space<vmem>>) target_semaphore(%run_scoped3A : memref<!tpu.dma_semaphore, #tpu.memory_space<semaphore_mem>>)
      tpu.wait_dma2 semaphore(%run_scoped3A : memref<!tpu.dma_semaphore, #tpu.memory_space<semaphore_mem>>) src(%arg5 : memref<64xf32, #tpu.memory_space<hbm>>) dst(%arg19 : memref<64xf32, #tpu.memory_space<vmem>>)
      tpu.yield
    }) : () -> ()
    %add3A_3 = arith.constant 0 : i32
    %add3A_4 = arith.addi %mul3A_2, %add3A_3 : i32
    "tpu.region"() ({
      %run_scoped3A = tpu.sem_alloc : memref<!tpu.dma_semaphore, #tpu.memory_space<semaphore_mem>>
      %dma_start3A = arith.constant 0 : i32
      %dma_start3A_49 = tpu.memref_slice %arg20[%add3A_4, %dma_start3A] : memref<10240x128xf32, #tpu.memory_space<vmem_shared>> -> memref<64x128xf32, #tpu.memory_space<vmem_shared>>
      %dma_start3A_50 = arith.constant 0 : i32
      %dma_start3A_51 = tpu.memref_slice %arg20[%add3A_4, %dma_start3A_50] : memref<10240x128xf32, #tpu.memory_space<vmem_shared>> -> memref<64x128xf32, #tpu.memory_space<vmem_shared>>
      tpu.enqueue_dma source(%arg15 : memref<64x128xf32, #tpu.memory_space<vmem>>) target(%dma_start3A_51 : memref<64x128xf32, #tpu.memory_space<vmem_shared>>) target_semaphore(%run_scoped3A : memref<!tpu.dma_semaphore, #tpu.memory_space<semaphore_mem>>)
      %dma_wait3A = arith.constant 0 : i32
      %dma_wait3A_52 = tpu.memref_slice %arg20[%add3A_4, %dma_wait3A] : memref<10240x128xf32, #tpu.memory_space<vmem_shared>> -> memref<64x128xf32, #tpu.memory_space<vmem_shared>>
      %dma_wait3A_53 = arith.constant 0 : i32
      %dma_wait3A_54 = tpu.memref_slice %arg20[%add3A_4, %dma_wait3A_53] : memref<10240x128xf32, #tpu.memory_space<vmem_shared>> -> memref<64x128xf32, #tpu.memory_space<vmem_shared>>
      tpu.wait_dma2 semaphore(%run_scoped3A : memref<!tpu.dma_semaphore, #tpu.memory_space<semaphore_mem>>) src(%arg15 : memref<64x128xf32, #tpu.memory_space<vmem>>) dst(%dma_wait3A_54 : memref<64x128xf32, #tpu.memory_space<vmem_shared>>)
      tpu.yield
    }) : () -> ()
    %add3A_5 = arith.constant 64 : i32
    %add3A_6 = arith.addi %mul3A_2, %add3A_5 : i32
    "tpu.region"() ({
      %run_scoped3A = tpu.sem_alloc : memref<!tpu.dma_semaphore, #tpu.memory_space<semaphore_mem>>
      %dma_start3A = arith.constant 0 : i32
      %dma_start3A_49 = tpu.memref_slice %arg20[%add3A_6, %dma_start3A] : memref<10240x128xf32, #tpu.memory_space<vmem_shared>> -> memref<64x128xf32, #tpu.memory_space<vmem_shared>>
      %dma_start3A_50 = arith.constant 0 : i32
      %dma_start3A_51 = tpu.memref_slice %arg20[%add3A_6, %dma_start3A_50] : memref<10240x128xf32, #tpu.memory_space<vmem_shared>> -> memref<64x128xf32, #tpu.memory_space<vmem_shared>>
      tpu.enqueue_dma source(%arg15 : memref<64x128xf32, #tpu.memory_space<vmem>>) target(%dma_start3A_51 : memref<64x128xf32, #tpu.memory_space<vmem_shared>>) target_semaphore(%run_scoped3A : memref<!tpu.dma_semaphore, #tpu.memory_space<semaphore_mem>>)
      %dma_wait3A = arith.constant 0 : i32
      %dma_wait3A_52 = tpu.memref_slice %arg20[%add3A_6, %dma_wait3A] : memref<10240x128xf32, #tpu.memory_space<vmem_shared>> -> memref<64x128xf32, #tpu.memory_space<vmem_shared>>
      %dma_wait3A_53 = arith.constant 0 : i32
      %dma_wait3A_54 = tpu.memref_slice %arg20[%add3A_6, %dma_wait3A_53] : memref<10240x128xf32, #tpu.memory_space<vmem_shared>> -> memref<64x128xf32, #tpu.memory_space<vmem_shared>>
      tpu.wait_dma2 semaphore(%run_scoped3A : memref<!tpu.dma_semaphore, #tpu.memory_space<semaphore_mem>>) src(%arg15 : memref<64x128xf32, #tpu.memory_space<vmem>>) dst(%dma_wait3A_54 : memref<64x128xf32, #tpu.memory_space<vmem_shared>>)
      tpu.yield
    }) : () -> ()
    %add3A_7 = arith.constant 128 : i32
    %add3A_8 = arith.addi %mul3A_2, %add3A_7 : i32
    "tpu.region"() ({
      %run_scoped3A = tpu.sem_alloc : memref<!tpu.dma_semaphore, #tpu.memory_space<semaphore_mem>>
      %dma_start3A = arith.constant 0 : i32
      %dma_start3A_49 = tpu.memref_slice %arg20[%add3A_8, %dma_start3A] : memref<10240x128xf32, #tpu.memory_space<vmem_shared>> -> memref<64x128xf32, #tpu.memory_space<vmem_shared>>
      %dma_start3A_50 = arith.constant 0 : i32
      %dma_start3A_51 = tpu.memref_slice %arg20[%add3A_8, %dma_start3A_50] : memref<10240x128xf32, #tpu.memory_space<vmem_shared>> -> memref<64x128xf32, #tpu.memory_space<vmem_shared>>
      tpu.enqueue_dma source(%arg15 : memref<64x128xf32, #tpu.memory_space<vmem>>) target(%dma_start3A_51 : memref<64x128xf32, #tpu.memory_space<vmem_shared>>) target_semaphore(%run_scoped3A : memref<!tpu.dma_semaphore, #tpu.memory_space<semaphore_mem>>)
      %dma_wait3A = arith.constant 0 : i32
      %dma_wait3A_52 = tpu.memref_slice %arg20[%add3A_8, %dma_wait3A] : memref<10240x128xf32, #tpu.memory_space<vmem_shared>> -> memref<64x128xf32, #tpu.memory_space<vmem_shared>>
      %dma_wait3A_53 = arith.constant 0 : i32
      %dma_wait3A_54 = tpu.memref_slice %arg20[%add3A_8, %dma_wait3A_53] : memref<10240x128xf32, #tpu.memory_space<vmem_shared>> -> memref<64x128xf32, #tpu.memory_space<vmem_shared>>
      tpu.wait_dma2 semaphore(%run_scoped3A : memref<!tpu.dma_semaphore, #tpu.memory_space<semaphore_mem>>) src(%arg15 : memref<64x128xf32, #tpu.memory_space<vmem>>) dst(%dma_wait3A_54 : memref<64x128xf32, #tpu.memory_space<vmem_shared>>)
      tpu.yield
    }) : () -> ()
    %add3A_9 = arith.constant 192 : i32
    %add3A_10 = arith.addi %mul3A_2, %add3A_9 : i32
    "tpu.region"() ({
      %run_scoped3A = tpu.sem_alloc : memref<!tpu.dma_semaphore, #tpu.memory_space<semaphore_mem>>
      %dma_start3A = arith.constant 0 : i32
      %dma_start3A_49 = tpu.memref_slice %arg20[%add3A_10, %dma_start3A] : memref<10240x128xf32, #tpu.memory_space<vmem_shared>> -> memref<64x128xf32, #tpu.memory_space<vmem_shared>>
      %dma_start3A_50 = arith.constant 0 : i32
      %dma_start3A_51 = tpu.memref_slice %arg20[%add3A_10, %dma_start3A_50] : memref<10240x128xf32, #tpu.memory_space<vmem_shared>> -> memref<64x128xf32, #tpu.memory_space<vmem_shared>>
      tpu.enqueue_dma source(%arg15 : memref<64x128xf32, #tpu.memory_space<vmem>>) target(%dma_start3A_51 : memref<64x128xf32, #tpu.memory_space<vmem_shared>>) target_semaphore(%run_scoped3A : memref<!tpu.dma_semaphore, #tpu.memory_space<semaphore_mem>>)
      %dma_wait3A = arith.constant 0 : i32
      %dma_wait3A_52 = tpu.memref_slice %arg20[%add3A_10, %dma_wait3A] : memref<10240x128xf32, #tpu.memory_space<vmem_shared>> -> memref<64x128xf32, #tpu.memory_space<vmem_shared>>
      %dma_wait3A_53 = arith.constant 0 : i32
      %dma_wait3A_54 = tpu.memref_slice %arg20[%add3A_10, %dma_wait3A_53] : memref<10240x128xf32, #tpu.memory_space<vmem_shared>> -> memref<64x128xf32, #tpu.memory_space<vmem_shared>>
      tpu.wait_dma2 semaphore(%run_scoped3A : memref<!tpu.dma_semaphore, #tpu.memory_space<semaphore_mem>>) src(%arg15 : memref<64x128xf32, #tpu.memory_space<vmem>>) dst(%dma_wait3A_54 : memref<64x128xf32, #tpu.memory_space<vmem_shared>>)
      tpu.yield
    }) : () -> ()
    %add3A_11 = arith.constant 256 : i32
    %add3A_12 = arith.addi %mul3A_2, %add3A_11 : i32
    "tpu.region"() ({
      %run_scoped3A = tpu.sem_alloc : memref<!tpu.dma_semaphore, #tpu.memory_space<semaphore_mem>>
      %dma_start3A = arith.constant 0 : i32
      %dma_start3A_49 = tpu.memref_slice %arg20[%add3A_12, %dma_start3A] : memref<10240x128xf32, #tpu.memory_space<vmem_shared>> -> memref<64x128xf32, #tpu.memory_space<vmem_shared>>
      %dma_start3A_50 = arith.constant 0 : i32
      %dma_start3A_51 = tpu.memref_slice %arg20[%add3A_12, %dma_start3A_50] : memref<10240x128xf32, #tpu.memory_space<vmem_shared>> -> memref<64x128xf32, #tpu.memory_space<vmem_shared>>
      tpu.enqueue_dma source(%arg15 : memref<64x128xf32, #tpu.memory_space<vmem>>) target(%dma_start3A_51 : memref<64x128xf32, #tpu.memory_space<vmem_shared>>) target_semaphore(%run_scoped3A : memref<!tpu.dma_semaphore, #tpu.memory_space<semaphore_mem>>)
      %dma_wait3A = arith.constant 0 : i32
      %dma_wait3A_52 = tpu.memref_slice %arg20[%add3A_12, %dma_wait3A] : memref<10240x128xf32, #tpu.memory_space<vmem_shared>> -> memref<64x128xf32, #tpu.memory_space<vmem_shared>>
      %dma_wait3A_53 = arith.constant 0 : i32
      %dma_wait3A_54 = tpu.memref_slice %arg20[%add3A_12, %dma_wait3A_53] : memref<10240x128xf32, #tpu.memory_space<vmem_shared>> -> memref<64x128xf32, #tpu.memory_space<vmem_shared>>
      tpu.wait_dma2 semaphore(%run_scoped3A : memref<!tpu.dma_semaphore, #tpu.memory_space<semaphore_mem>>) src(%arg15 : memref<64x128xf32, #tpu.memory_space<vmem>>) dst(%dma_wait3A_54 : memref<64x128xf32, #tpu.memory_space<vmem_shared>>)
      tpu.yield
    }) : () -> ()
    %add3A_13 = arith.constant 320 : i32
    %add3A_14 = arith.addi %mul3A_2, %add3A_13 : i32
    "tpu.region"() ({
      %run_scoped3A = tpu.sem_alloc : memref<!tpu.dma_semaphore, #tpu.memory_space<semaphore_mem>>
      %dma_start3A = arith.constant 0 : i32
      %dma_start3A_49 = tpu.memref_slice %arg20[%add3A_14, %dma_start3A] : memref<10240x128xf32, #tpu.memory_space<vmem_shared>> -> memref<64x128xf32, #tpu.memory_space<vmem_shared>>
      %dma_start3A_50 = arith.constant 0 : i32
      %dma_start3A_51 = tpu.memref_slice %arg20[%add3A_14, %dma_start3A_50] : memref<10240x128xf32, #tpu.memory_space<vmem_shared>> -> memref<64x128xf32, #tpu.memory_space<vmem_shared>>
      tpu.enqueue_dma source(%arg15 : memref<64x128xf32, #tpu.memory_space<vmem>>) target(%dma_start3A_51 : memref<64x128xf32, #tpu.memory_space<vmem_shared>>) target_semaphore(%run_scoped3A : memref<!tpu.dma_semaphore, #tpu.memory_space<semaphore_mem>>)
      %dma_wait3A = arith.constant 0 : i32
      %dma_wait3A_52 = tpu.memref_slice %arg20[%add3A_14, %dma_wait3A] : memref<10240x128xf32, #tpu.memory_space<vmem_shared>> -> memref<64x128xf32, #tpu.memory_space<vmem_shared>>
      %dma_wait3A_53 = arith.constant 0 : i32
      %dma_wait3A_54 = tpu.memref_slice %arg20[%add3A_14, %dma_wait3A_53] : memref<10240x128xf32, #tpu.memory_space<vmem_shared>> -> memref<64x128xf32, #tpu.memory_space<vmem_shared>>
      tpu.wait_dma2 semaphore(%run_scoped3A : memref<!tpu.dma_semaphore, #tpu.memory_space<semaphore_mem>>) src(%arg15 : memref<64x128xf32, #tpu.memory_space<vmem>>) dst(%dma_wait3A_54 : memref<64x128xf32, #tpu.memory_space<vmem_shared>>)
      tpu.yield
    }) : () -> ()
    %add3A_15 = arith.constant 384 : i32
    %add3A_16 = arith.addi %mul3A_2, %add3A_15 : i32
    "tpu.region"() ({
      %run_scoped3A = tpu.sem_alloc : memref<!tpu.dma_semaphore, #tpu.memory_space<semaphore_mem>>
      %dma_start3A = arith.constant 0 : i32
      %dma_start3A_49 = tpu.memref_slice %arg20[%add3A_16, %dma_start3A] : memref<10240x128xf32, #tpu.memory_space<vmem_shared>> -> memref<64x128xf32, #tpu.memory_space<vmem_shared>>
      %dma_start3A_50 = arith.constant 0 : i32
      %dma_start3A_51 = tpu.memref_slice %arg20[%add3A_16, %dma_start3A_50] : memref<10240x128xf32, #tpu.memory_space<vmem_shared>> -> memref<64x128xf32, #tpu.memory_space<vmem_shared>>
      tpu.enqueue_dma source(%arg15 : memref<64x128xf32, #tpu.memory_space<vmem>>) target(%dma_start3A_51 : memref<64x128xf32, #tpu.memory_space<vmem_shared>>) target_semaphore(%run_scoped3A : memref<!tpu.dma_semaphore, #tpu.memory_space<semaphore_mem>>)
      %dma_wait3A = arith.constant 0 : i32
      %dma_wait3A_52 = tpu.memref_slice %arg20[%add3A_16, %dma_wait3A] : memref<10240x128xf32, #tpu.memory_space<vmem_shared>> -> memref<64x128xf32, #tpu.memory_space<vmem_shared>>
      %dma_wait3A_53 = arith.constant 0 : i32
      %dma_wait3A_54 = tpu.memref_slice %arg20[%add3A_16, %dma_wait3A_53] : memref<10240x128xf32, #tpu.memory_space<vmem_shared>> -> memref<64x128xf32, #tpu.memory_space<vmem_shared>>
      tpu.wait_dma2 semaphore(%run_scoped3A : memref<!tpu.dma_semaphore, #tpu.memory_space<semaphore_mem>>) src(%arg15 : memref<64x128xf32, #tpu.memory_space<vmem>>) dst(%dma_wait3A_54 : memref<64x128xf32, #tpu.memory_space<vmem_shared>>)
      tpu.yield
    }) : () -> ()
    %add3A_17 = arith.constant 448 : i32
    %add3A_18 = arith.addi %mul3A_2, %add3A_17 : i32
    "tpu.region"() ({
      %run_scoped3A = tpu.sem_alloc : memref<!tpu.dma_semaphore, #tpu.memory_space<semaphore_mem>>
      %dma_start3A = arith.constant 0 : i32
      %dma_start3A_49 = tpu.memref_slice %arg20[%add3A_18, %dma_start3A] : memref<10240x128xf32, #tpu.memory_space<vmem_shared>> -> memref<64x128xf32, #tpu.memory_space<vmem_shared>>
      %dma_start3A_50 = arith.constant 0 : i32
      %dma_start3A_51 = tpu.memref_slice %arg20[%add3A_18, %dma_start3A_50] : memref<10240x128xf32, #tpu.memory_space<vmem_shared>> -> memref<64x128xf32, #tpu.memory_space<vmem_shared>>
      tpu.enqueue_dma source(%arg15 : memref<64x128xf32, #tpu.memory_space<vmem>>) target(%dma_start3A_51 : memref<64x128xf32, #tpu.memory_space<vmem_shared>>) target_semaphore(%run_scoped3A : memref<!tpu.dma_semaphore, #tpu.memory_space<semaphore_mem>>)
      %dma_wait3A = arith.constant 0 : i32
      %dma_wait3A_52 = tpu.memref_slice %arg20[%add3A_18, %dma_wait3A] : memref<10240x128xf32, #tpu.memory_space<vmem_shared>> -> memref<64x128xf32, #tpu.memory_space<vmem_shared>>
      %dma_wait3A_53 = arith.constant 0 : i32
      %dma_wait3A_54 = tpu.memref_slice %arg20[%add3A_18, %dma_wait3A_53] : memref<10240x128xf32, #tpu.memory_space<vmem_shared>> -> memref<64x128xf32, #tpu.memory_space<vmem_shared>>
      tpu.wait_dma2 semaphore(%run_scoped3A : memref<!tpu.dma_semaphore, #tpu.memory_space<semaphore_mem>>) src(%arg15 : memref<64x128xf32, #tpu.memory_space<vmem>>) dst(%dma_wait3A_54 : memref<64x128xf32, #tpu.memory_space<vmem_shared>>)
      tpu.yield
    }) : () -> ()
    %add3A_19 = arith.constant 512 : i32
    %add3A_20 = arith.addi %mul3A_2, %add3A_19 : i32
    "tpu.region"() ({
      %run_scoped3A = tpu.sem_alloc : memref<!tpu.dma_semaphore, #tpu.memory_space<semaphore_mem>>
      %dma_start3A = arith.constant 0 : i32
      %dma_start3A_49 = tpu.memref_slice %arg20[%add3A_20, %dma_start3A] : memref<10240x128xf32, #tpu.memory_space<vmem_shared>> -> memref<64x128xf32, #tpu.memory_space<vmem_shared>>
      %dma_start3A_50 = arith.constant 0 : i32
      %dma_start3A_51 = tpu.memref_slice %arg20[%add3A_20, %dma_start3A_50] : memref<10240x128xf32, #tpu.memory_space<vmem_shared>> -> memref<64x128xf32, #tpu.memory_space<vmem_shared>>
      tpu.enqueue_dma source(%arg15 : memref<64x128xf32, #tpu.memory_space<vmem>>) target(%dma_start3A_51 : memref<64x128xf32, #tpu.memory_space<vmem_shared>>) target_semaphore(%run_scoped3A : memref<!tpu.dma_semaphore, #tpu.memory_space<semaphore_mem>>)
      %dma_wait3A = arith.constant 0 : i32
      %dma_wait3A_52 = tpu.memref_slice %arg20[%add3A_20, %dma_wait3A] : memref<10240x128xf32, #tpu.memory_space<vmem_shared>> -> memref<64x128xf32, #tpu.memory_space<vmem_shared>>
      %dma_wait3A_53 = arith.constant 0 : i32
      %dma_wait3A_54 = tpu.memref_slice %arg20[%add3A_20, %dma_wait3A_53] : memref<10240x128xf32, #tpu.memory_space<vmem_shared>> -> memref<64x128xf32, #tpu.memory_space<vmem_shared>>
      tpu.wait_dma2 semaphore(%run_scoped3A : memref<!tpu.dma_semaphore, #tpu.memory_space<semaphore_mem>>) src(%arg15 : memref<64x128xf32, #tpu.memory_space<vmem>>) dst(%dma_wait3A_54 : memref<64x128xf32, #tpu.memory_space<vmem_shared>>)
      tpu.yield
    }) : () -> ()
    %add3A_21 = arith.constant 576 : i32
    %add3A_22 = arith.addi %mul3A_2, %add3A_21 : i32
    "tpu.region"() ({
      %run_scoped3A = tpu.sem_alloc : memref<!tpu.dma_semaphore, #tpu.memory_space<semaphore_mem>>
      %dma_start3A = arith.constant 0 : i32
      %dma_start3A_49 = tpu.memref_slice %arg20[%add3A_22, %dma_start3A] : memref<10240x128xf32, #tpu.memory_space<vmem_shared>> -> memref<64x128xf32, #tpu.memory_space<vmem_shared>>
      %dma_start3A_50 = arith.constant 0 : i32
      %dma_start3A_51 = tpu.memref_slice %arg20[%add3A_22, %dma_start3A_50] : memref<10240x128xf32, #tpu.memory_space<vmem_shared>> -> memref<64x128xf32, #tpu.memory_space<vmem_shared>>
      tpu.enqueue_dma source(%arg15 : memref<64x128xf32, #tpu.memory_space<vmem>>) target(%dma_start3A_51 : memref<64x128xf32, #tpu.memory_space<vmem_shared>>) target_semaphore(%run_scoped3A : memref<!tpu.dma_semaphore, #tpu.memory_space<semaphore_mem>>)
      %dma_wait3A = arith.constant 0 : i32
      %dma_wait3A_52 = tpu.memref_slice %arg20[%add3A_22, %dma_wait3A] : memref<10240x128xf32, #tpu.memory_space<vmem_shared>> -> memref<64x128xf32, #tpu.memory_space<vmem_shared>>
      %dma_wait3A_53 = arith.constant 0 : i32
      %dma_wait3A_54 = tpu.memref_slice %arg20[%add3A_22, %dma_wait3A_53] : memref<10240x128xf32, #tpu.memory_space<vmem_shared>> -> memref<64x128xf32, #tpu.memory_space<vmem_shared>>
      tpu.wait_dma2 semaphore(%run_scoped3A : memref<!tpu.dma_semaphore, #tpu.memory_space<semaphore_mem>>) src(%arg15 : memref<64x128xf32, #tpu.memory_space<vmem>>) dst(%dma_wait3A_54 : memref<64x128xf32, #tpu.memory_space<vmem_shared>>)
      tpu.yield
    }) : () -> ()
    %barrier3A = arith.constant 0 : index
    tpu.barrier barrier_id(%barrier3A)
    %scan3A = arith.constant 0 : i32
    %scan3A_23 = arith.constant 0 : i32
    %scan3A_24 = arith.constant 20 : i32
    %scan3A_25 = arith.addi %scan3A_23, %scan3A_24 : i32
    %scan3A_26 = arith.constant 1 : i32
    scf.for %scan3A_49 = %scan3A_23 to %scan3A_25 step %scan3A_26  : i32 {
      %mul3A_50 = arith.constant 8 : i32
      %mul3A_51 = arith.muli %scan3A_49, %mul3A_50 : i32
      %add3A_52 = arith.constant 0 : i32
      %add3A_53 = arith.addi %mul3A_51, %add3A_52 : i32
      %dma_start3A = arith.constant 0 : i32
      %dma_start3A_54 = arith.constant 0 : i32
      %dma_start3A_55 = tpu.memref_slice %arg3[%add3A, %add3A_53, %dma_start3A, %dma_start3A_54] : memref<32x160x2x64xi32, #tpu.memory_space<hbm>> -> memref<1x1x2x64xi32, #tpu.memory_space<hbm>>
      %dma_start3A_56 = tpu.memref_squeeze %dma_start3A_55 : memref<1x1x2x64xi32, #tpu.memory_space<hbm>> -> memref<2x64xi32, #tpu.memory_space<hbm>>
      %dma_start3A_57 = arith.constant 0 : i32
      %dma_start3A_58 = arith.constant 0 : i32
      %dma_start3A_59 = tpu.memref_slice %arg3[%add3A, %add3A_53, %dma_start3A_57, %dma_start3A_58] : memref<32x160x2x64xi32, #tpu.memory_space<hbm>> -> memref<1x1x2x64xi32, #tpu.memory_space<hbm>>
      %dma_start3A_60 = tpu.memref_squeeze %dma_start3A_59 : memref<1x1x2x64xi32, #tpu.memory_space<hbm>> -> memref<2x64xi32, #tpu.memory_space<hbm>>
      tpu.enqueue_dma source(%dma_start3A_60 : memref<2x64xi32, #tpu.memory_space<hbm>>) target(%arg7 : memref<2x64xi32, #tpu.memory_space<vmem>>) target_semaphore(%arg22 : memref<!tpu.dma_semaphore, #tpu.memory_space<semaphore_mem>>)
      %add3A_61 = arith.constant 1 : i32
      %add3A_62 = arith.addi %mul3A_51, %add3A_61 : i32
      %dma_start3A_63 = arith.constant 0 : i32
      %dma_start3A_64 = arith.constant 0 : i32
      %dma_start3A_65 = tpu.memref_slice %arg3[%add3A, %add3A_62, %dma_start3A_63, %dma_start3A_64] : memref<32x160x2x64xi32, #tpu.memory_space<hbm>> -> memref<1x1x2x64xi32, #tpu.memory_space<hbm>>
      %dma_start3A_66 = tpu.memref_squeeze %dma_start3A_65 : memref<1x1x2x64xi32, #tpu.memory_space<hbm>> -> memref<2x64xi32, #tpu.memory_space<hbm>>
      %dma_start3A_67 = arith.constant 0 : i32
      %dma_start3A_68 = arith.constant 0 : i32
      %dma_start3A_69 = tpu.memref_slice %arg3[%add3A, %add3A_62, %dma_start3A_67, %dma_start3A_68] : memref<32x160x2x64xi32, #tpu.memory_space<hbm>> -> memref<1x1x2x64xi32, #tpu.memory_space<hbm>>
      %dma_start3A_70 = tpu.memref_squeeze %dma_start3A_69 : memref<1x1x2x64xi32, #tpu.memory_space<hbm>> -> memref<2x64xi32, #tpu.memory_space<hbm>>
      tpu.enqueue_dma source(%dma_start3A_70 : memref<2x64xi32, #tpu.memory_space<hbm>>) target(%arg8 : memref<2x64xi32, #tpu.memory_space<vmem>>) target_semaphore(%arg23 : memref<!tpu.dma_semaphore, #tpu.memory_space<semaphore_mem>>)
      %add3A_71 = arith.constant 2 : i32
      %add3A_72 = arith.addi %mul3A_51, %add3A_71 : i32
      %dma_start3A_73 = arith.constant 0 : i32
      %dma_start3A_74 = arith.constant 0 : i32
      %dma_start3A_75 = tpu.memref_slice %arg3[%add3A, %add3A_72, %dma_start3A_73, %dma_start3A_74] : memref<32x160x2x64xi32, #tpu.memory_space<hbm>> -> memref<1x1x2x64xi32, #tpu.memory_space<hbm>>
      %dma_start3A_76 = tpu.memref_squeeze %dma_start3A_75 : memref<1x1x2x64xi32, #tpu.memory_space<hbm>> -> memref<2x64xi32, #tpu.memory_space<hbm>>
      %dma_start3A_77 = arith.constant 0 : i32
      %dma_start3A_78 = arith.constant 0 : i32
      %dma_start3A_79 = tpu.memref_slice %arg3[%add3A, %add3A_72, %dma_start3A_77, %dma_start3A_78] : memref<32x160x2x64xi32, #tpu.memory_space<hbm>> -> memref<1x1x2x64xi32, #tpu.memory_space<hbm>>
      %dma_start3A_80 = tpu.memref_squeeze %dma_start3A_79 : memref<1x1x2x64xi32, #tpu.memory_space<hbm>> -> memref<2x64xi32, #tpu.memory_space<hbm>>
      tpu.enqueue_dma source(%dma_start3A_80 : memref<2x64xi32, #tpu.memory_space<hbm>>) target(%arg9 : memref<2x64xi32, #tpu.memory_space<vmem>>) target_semaphore(%arg24 : memref<!tpu.dma_semaphore, #tpu.memory_space<semaphore_mem>>)
      %add3A_81 = arith.constant 3 : i32
      %add3A_82 = arith.addi %mul3A_51, %add3A_81 : i32
      %dma_start3A_83 = arith.constant 0 : i32
      %dma_start3A_84 = arith.constant 0 : i32
      %dma_start3A_85 = tpu.memref_slice %arg3[%add3A, %add3A_82, %dma_start3A_83, %dma_start3A_84] : memref<32x160x2x64xi32, #tpu.memory_space<hbm>> -> memref<1x1x2x64xi32, #tpu.memory_space<hbm>>
      %dma_start3A_86 = tpu.memref_squeeze %dma_start3A_85 : memref<1x1x2x64xi32, #tpu.memory_space<hbm>> -> memref<2x64xi32, #tpu.memory_space<hbm>>
      %dma_start3A_87 = arith.constant 0 : i32
      %dma_start3A_88 = arith.constant 0 : i32
      %dma_start3A_89 = tpu.memref_slice %arg3[%add3A, %add3A_82, %dma_start3A_87, %dma_start3A_88] : memref<32x160x2x64xi32, #tpu.memory_space<hbm>> -> memref<1x1x2x64xi32, #tpu.memory_space<hbm>>
      %dma_start3A_90 = tpu.memref_squeeze %dma_start3A_89 : memref<1x1x2x64xi32, #tpu.memory_space<hbm>> -> memref<2x64xi32, #tpu.memory_space<hbm>>
      tpu.enqueue_dma source(%dma_start3A_90 : memref<2x64xi32, #tpu.memory_space<hbm>>) target(%arg10 : memref<2x64xi32, #tpu.memory_space<vmem>>) target_semaphore(%arg25 : memref<!tpu.dma_semaphore, #tpu.memory_space<semaphore_mem>>)
      %add3A_91 = arith.constant 4 : i32
      %add3A_92 = arith.addi %mul3A_51, %add3A_91 : i32
      %dma_start3A_93 = arith.constant 0 : i32
      %dma_start3A_94 = arith.constant 0 : i32
      %dma_start3A_95 = tpu.memref_slice %arg3[%add3A, %add3A_92, %dma_start3A_93, %dma_start3A_94] : memref<32x160x2x64xi32, #tpu.memory_space<hbm>> -> memref<1x1x2x64xi32, #tpu.memory_space<hbm>>
      %dma_start3A_96 = tpu.memref_squeeze %dma_start3A_95 : memref<1x1x2x64xi32, #tpu.memory_space<hbm>> -> memref<2x64xi32, #tpu.memory_space<hbm>>
      %dma_start3A_97 = arith.constant 0 : i32
      %dma_start3A_98 = arith.constant 0 : i32
      %dma_start3A_99 = tpu.memref_slice %arg3[%add3A, %add3A_92, %dma_start3A_97, %dma_start3A_98] : memref<32x160x2x64xi32, #tpu.memory_space<hbm>> -> memref<1x1x2x64xi32, #tpu.memory_space<hbm>>
      %dma_start3A_100 = tpu.memref_squeeze %dma_start3A_99 : memref<1x1x2x64xi32, #tpu.memory_space<hbm>> -> memref<2x64xi32, #tpu.memory_space<hbm>>
      tpu.enqueue_dma source(%dma_start3A_100 : memref<2x64xi32, #tpu.memory_space<hbm>>) target(%arg11 : memref<2x64xi32, #tpu.memory_space<vmem>>) target_semaphore(%arg26 : memref<!tpu.dma_semaphore, #tpu.memory_space<semaphore_mem>>)
      %add3A_101 = arith.constant 5 : i32
      %add3A_102 = arith.addi %mul3A_51, %add3A_101 : i32
      %dma_start3A_103 = arith.constant 0 : i32
      %dma_start3A_104 = arith.constant 0 : i32
      %dma_start3A_105 = tpu.memref_slice %arg3[%add3A, %add3A_102, %dma_start3A_103, %dma_start3A_104] : memref<32x160x2x64xi32, #tpu.memory_space<hbm>> -> memref<1x1x2x64xi32, #tpu.memory_space<hbm>>
      %dma_start3A_106 = tpu.memref_squeeze %dma_start3A_105 : memref<1x1x2x64xi32, #tpu.memory_space<hbm>> -> memref<2x64xi32, #tpu.memory_space<hbm>>
      %dma_start3A_107 = arith.constant 0 : i32
      %dma_start3A_108 = arith.constant 0 : i32
      %dma_start3A_109 = tpu.memref_slice %arg3[%add3A, %add3A_102, %dma_start3A_107, %dma_start3A_108] : memref<32x160x2x64xi32, #tpu.memory_space<hbm>> -> memref<1x1x2x64xi32, #tpu.memory_space<hbm>>
      %dma_start3A_110 = tpu.memref_squeeze %dma_start3A_109 : memref<1x1x2x64xi32, #tpu.memory_space<hbm>> -> memref<2x64xi32, #tpu.memory_space<hbm>>
      tpu.enqueue_dma source(%dma_start3A_110 : memref<2x64xi32, #tpu.memory_space<hbm>>) target(%arg12 : memref<2x64xi32, #tpu.memory_space<vmem>>) target_semaphore(%arg27 : memref<!tpu.dma_semaphore, #tpu.memory_space<semaphore_mem>>)
      %add3A_111 = arith.constant 6 : i32
      %add3A_112 = arith.addi %mul3A_51, %add3A_111 : i32
      %dma_start3A_113 = arith.constant 0 : i32
      %dma_start3A_114 = arith.constant 0 : i32
      %dma_start3A_115 = tpu.memref_slice %arg3[%add3A, %add3A_112, %dma_start3A_113, %dma_start3A_114] : memref<32x160x2x64xi32, #tpu.memory_space<hbm>> -> memref<1x1x2x64xi32, #tpu.memory_space<hbm>>
      %dma_start3A_116 = tpu.memref_squeeze %dma_start3A_115 : memref<1x1x2x64xi32, #tpu.memory_space<hbm>> -> memref<2x64xi32, #tpu.memory_space<hbm>>
      %dma_start3A_117 = arith.constant 0 : i32
      %dma_start3A_118 = arith.constant 0 : i32
      %dma_start3A_119 = tpu.memref_slice %arg3[%add3A, %add3A_112, %dma_start3A_117, %dma_start3A_118] : memref<32x160x2x64xi32, #tpu.memory_space<hbm>> -> memref<1x1x2x64xi32, #tpu.memory_space<hbm>>
      %dma_start3A_120 = tpu.memref_squeeze %dma_start3A_119 : memref<1x1x2x64xi32, #tpu.memory_space<hbm>> -> memref<2x64xi32, #tpu.memory_space<hbm>>
      tpu.enqueue_dma source(%dma_start3A_120 : memref<2x64xi32, #tpu.memory_space<hbm>>) target(%arg13 : memref<2x64xi32, #tpu.memory_space<vmem>>) target_semaphore(%arg28 : memref<!tpu.dma_semaphore, #tpu.memory_space<semaphore_mem>>)
      %add3A_121 = arith.constant 7 : i32
      %add3A_122 = arith.addi %mul3A_51, %add3A_121 : i32
      %dma_start3A_123 = arith.constant 0 : i32
      %dma_start3A_124 = arith.constant 0 : i32
      %dma_start3A_125 = tpu.memref_slice %arg3[%add3A, %add3A_122, %dma_start3A_123, %dma_start3A_124] : memref<32x160x2x64xi32, #tpu.memory_space<hbm>> -> memref<1x1x2x64xi32, #tpu.memory_space<hbm>>
      %dma_start3A_126 = tpu.memref_squeeze %dma_start3A_125 : memref<1x1x2x64xi32, #tpu.memory_space<hbm>> -> memref<2x64xi32, #tpu.memory_space<hbm>>
      %dma_start3A_127 = arith.constant 0 : i32
      %dma_start3A_128 = arith.constant 0 : i32
      %dma_start3A_129 = tpu.memref_slice %arg3[%add3A, %add3A_122, %dma_start3A_127, %dma_start3A_128] : memref<32x160x2x64xi32, #tpu.memory_space<hbm>> -> memref<1x1x2x64xi32, #tpu.memory_space<hbm>>
      %dma_start3A_130 = tpu.memref_squeeze %dma_start3A_129 : memref<1x1x2x64xi32, #tpu.memory_space<hbm>> -> memref<2x64xi32, #tpu.memory_space<hbm>>
      tpu.enqueue_dma source(%dma_start3A_130 : memref<2x64xi32, #tpu.memory_space<hbm>>) target(%arg14 : memref<2x64xi32, #tpu.memory_space<vmem>>) target_semaphore(%arg29 : memref<!tpu.dma_semaphore, #tpu.memory_space<semaphore_mem>>)
      %dma_wait3A = arith.constant 0 : i32
      %dma_wait3A_131 = arith.constant 0 : i32
      %dma_wait3A_132 = tpu.memref_slice %arg3[%add3A, %add3A_53, %dma_wait3A, %dma_wait3A_131] : memref<32x160x2x64xi32, #tpu.memory_space<hbm>> -> memref<1x1x2x64xi32, #tpu.memory_space<hbm>>
      %dma_wait3A_133 = tpu.memref_squeeze %dma_wait3A_132 : memref<1x1x2x64xi32, #tpu.memory_space<hbm>> -> memref<2x64xi32, #tpu.memory_space<hbm>>
      %dma_wait3A_134 = arith.constant 0 : i32
      %dma_wait3A_135 = arith.constant 0 : i32
      %dma_wait3A_136 = tpu.memref_slice %arg3[%add3A, %add3A_53, %dma_wait3A_134, %dma_wait3A_135] : memref<32x160x2x64xi32, #tpu.memory_space<hbm>> -> memref<1x1x2x64xi32, #tpu.memory_space<hbm>>
      %dma_wait3A_137 = tpu.memref_squeeze %dma_wait3A_136 : memref<1x1x2x64xi32, #tpu.memory_space<hbm>> -> memref<2x64xi32, #tpu.memory_space<hbm>>
      tpu.wait_dma2 semaphore(%arg22 : memref<!tpu.dma_semaphore, #tpu.memory_space<semaphore_mem>>) src(%dma_wait3A_137 : memref<2x64xi32, #tpu.memory_space<hbm>>) dst(%arg7 : memref<2x64xi32, #tpu.memory_space<vmem>>)
      %dma_start3A_138 = arith.constant 0 : i32
      %dma_start3A_139 = arith.constant 0 : i32
      %dma_start3A_140 = tpu.memref_slice %arg7[%dma_start3A_138, %dma_start3A_139] : memref<2x64xi32, #tpu.memory_space<vmem>> -> memref<1x64xi32, #tpu.memory_space<vmem>>
      %dma_start3A_141 = tpu.memref_squeeze %dma_start3A_140 : memref<1x64xi32, #tpu.memory_space<vmem>> -> memref<64xi32, #tpu.memory_space<vmem>>
      %dma_start3A_142 = arith.constant 0 : i32
      %dma_start3A_143 = arith.constant 0 : i32
      %dma_start3A_144 = tpu.memref_slice %arg2[%dma_start3A_142, %dma_start3A_143] : memref<40000x128xf32, #tpu.memory_space<hbm>> -> memref<40000x128xf32, #tpu.memory_space<hbm>>
      tpu.enqueue_indirect_dma source(%dma_start3A_144 : memref<40000x128xf32, #tpu.memory_space<hbm>>) target(%arg15 : memref<64x128xf32, #tpu.memory_space<vmem>>) offsets(%dma_start3A_141 : memref<64xi32, #tpu.memory_space<vmem>>) semaphore(%arg30 : memref<!tpu.dma_semaphore, #tpu.memory_space<semaphore_mem>>)
      %dma_wait3A_145 = arith.constant 0 : i32
      %dma_wait3A_146 = arith.constant 0 : i32
      %dma_wait3A_147 = tpu.memref_slice %arg3[%add3A, %add3A_62, %dma_wait3A_145, %dma_wait3A_146] : memref<32x160x2x64xi32, #tpu.memory_space<hbm>> -> memref<1x1x2x64xi32, #tpu.memory_space<hbm>>
      %dma_wait3A_148 = tpu.memref_squeeze %dma_wait3A_147 : memref<1x1x2x64xi32, #tpu.memory_space<hbm>> -> memref<2x64xi32, #tpu.memory_space<hbm>>
      %dma_wait3A_149 = arith.constant 0 : i32
      %dma_wait3A_150 = arith.constant 0 : i32
      %dma_wait3A_151 = tpu.memref_slice %arg3[%add3A, %add3A_62, %dma_wait3A_149, %dma_wait3A_150] : memref<32x160x2x64xi32, #tpu.memory_space<hbm>> -> memref<1x1x2x64xi32, #tpu.memory_space<hbm>>
      %dma_wait3A_152 = tpu.memref_squeeze %dma_wait3A_151 : memref<1x1x2x64xi32, #tpu.memory_space<hbm>> -> memref<2x64xi32, #tpu.memory_space<hbm>>
      tpu.wait_dma2 semaphore(%arg23 : memref<!tpu.dma_semaphore, #tpu.memory_space<semaphore_mem>>) src(%dma_wait3A_152 : memref<2x64xi32, #tpu.memory_space<hbm>>) dst(%arg8 : memref<2x64xi32, #tpu.memory_space<vmem>>)
      %dma_start3A_153 = arith.constant 0 : i32
      %dma_start3A_154 = arith.constant 0 : i32
      %dma_start3A_155 = tpu.memref_slice %arg8[%dma_start3A_153, %dma_start3A_154] : memref<2x64xi32, #tpu.memory_space<vmem>> -> memref<1x64xi32, #tpu.memory_space<vmem>>
      %dma_start3A_156 = tpu.memref_squeeze %dma_start3A_155 : memref<1x64xi32, #tpu.memory_space<vmem>> -> memref<64xi32, #tpu.memory_space<vmem>>
      %dma_start3A_157 = arith.constant 0 : i32
      %dma_start3A_158 = arith.constant 0 : i32
      %dma_start3A_159 = tpu.memref_slice %arg2[%dma_start3A_157, %dma_start3A_158] : memref<40000x128xf32, #tpu.memory_space<hbm>> -> memref<40000x128xf32, #tpu.memory_space<hbm>>
      tpu.enqueue_indirect_dma source(%dma_start3A_159 : memref<40000x128xf32, #tpu.memory_space<hbm>>) target(%arg16 : memref<64x128xf32, #tpu.memory_space<vmem>>) offsets(%dma_start3A_156 : memref<64xi32, #tpu.memory_space<vmem>>) semaphore(%arg31 : memref<!tpu.dma_semaphore, #tpu.memory_space<semaphore_mem>>)
      %dma_wait3A_160 = arith.constant 0 : i32
      %dma_wait3A_161 = arith.constant 0 : i32
      %dma_wait3A_162 = tpu.memref_slice %arg3[%add3A, %add3A_72, %dma_wait3A_160, %dma_wait3A_161] : memref<32x160x2x64xi32, #tpu.memory_space<hbm>> -> memref<1x1x2x64xi32, #tpu.memory_space<hbm>>
      %dma_wait3A_163 = tpu.memref_squeeze %dma_wait3A_162 : memref<1x1x2x64xi32, #tpu.memory_space<hbm>> -> memref<2x64xi32, #tpu.memory_space<hbm>>
      %dma_wait3A_164 = arith.constant 0 : i32
      %dma_wait3A_165 = arith.constant 0 : i32
      %dma_wait3A_166 = tpu.memref_slice %arg3[%add3A, %add3A_72, %dma_wait3A_164, %dma_wait3A_165] : memref<32x160x2x64xi32, #tpu.memory_space<hbm>> -> memref<1x1x2x64xi32, #tpu.memory_space<hbm>>
      %dma_wait3A_167 = tpu.memref_squeeze %dma_wait3A_166 : memref<1x1x2x64xi32, #tpu.memory_space<hbm>> -> memref<2x64xi32, #tpu.memory_space<hbm>>
      tpu.wait_dma2 semaphore(%arg24 : memref<!tpu.dma_semaphore, #tpu.memory_space<semaphore_mem>>) src(%dma_wait3A_167 : memref<2x64xi32, #tpu.memory_space<hbm>>) dst(%arg9 : memref<2x64xi32, #tpu.memory_space<vmem>>)
      %dma_start3A_168 = arith.constant 0 : i32
      %dma_start3A_169 = arith.constant 0 : i32
      %dma_start3A_170 = tpu.memref_slice %arg9[%dma_start3A_168, %dma_start3A_169] : memref<2x64xi32, #tpu.memory_space<vmem>> -> memref<1x64xi32, #tpu.memory_space<vmem>>
      %dma_start3A_171 = tpu.memref_squeeze %dma_start3A_170 : memref<1x64xi32, #tpu.memory_space<vmem>> -> memref<64xi32, #tpu.memory_space<vmem>>
      %dma_start3A_172 = arith.constant 0 : i32
      %dma_start3A_173 = arith.constant 0 : i32
      %dma_start3A_174 = tpu.memref_slice %arg2[%dma_start3A_172, %dma_start3A_173] : memref<40000x128xf32, #tpu.memory_space<hbm>> -> memref<40000x128xf32, #tpu.memory_space<hbm>>
      tpu.enqueue_indirect_dma source(%dma_start3A_174 : memref<40000x128xf32, #tpu.memory_space<hbm>>) target(%arg17 : memref<64x128xf32, #tpu.memory_space<vmem>>) offsets(%dma_start3A_171 : memref<64xi32, #tpu.memory_space<vmem>>) semaphore(%arg32 : memref<!tpu.dma_semaphore, #tpu.memory_space<semaphore_mem>>)
      %dma_wait3A_175 = arith.constant 0 : i32
      %dma_wait3A_176 = arith.constant 0 : i32
      %dma_wait3A_177 = tpu.memref_slice %arg3[%add3A, %add3A_82, %dma_wait3A_175, %dma_wait3A_176] : memref<32x160x2x64xi32, #tpu.memory_space<hbm>> -> memref<1x1x2x64xi32, #tpu.memory_space<hbm>>
      %dma_wait3A_178 = tpu.memref_squeeze %dma_wait3A_177 : memref<1x1x2x64xi32, #tpu.memory_space<hbm>> -> memref<2x64xi32, #tpu.memory_space<hbm>>
      %dma_wait3A_179 = arith.constant 0 : i32
      %dma_wait3A_180 = arith.constant 0 : i32
      %dma_wait3A_181 = tpu.memref_slice %arg3[%add3A, %add3A_82, %dma_wait3A_179, %dma_wait3A_180] : memref<32x160x2x64xi32, #tpu.memory_space<hbm>> -> memref<1x1x2x64xi32, #tpu.memory_space<hbm>>
      %dma_wait3A_182 = tpu.memref_squeeze %dma_wait3A_181 : memref<1x1x2x64xi32, #tpu.memory_space<hbm>> -> memref<2x64xi32, #tpu.memory_space<hbm>>
      tpu.wait_dma2 semaphore(%arg25 : memref<!tpu.dma_semaphore, #tpu.memory_space<semaphore_mem>>) src(%dma_wait3A_182 : memref<2x64xi32, #tpu.memory_space<hbm>>) dst(%arg10 : memref<2x64xi32, #tpu.memory_space<vmem>>)
      %dma_start3A_183 = arith.constant 0 : i32
      %dma_start3A_184 = arith.constant 0 : i32
      %dma_start3A_185 = tpu.memref_slice %arg10[%dma_start3A_183, %dma_start3A_184] : memref<2x64xi32, #tpu.memory_space<vmem>> -> memref<1x64xi32, #tpu.memory_space<vmem>>
      %dma_start3A_186 = tpu.memref_squeeze %dma_start3A_185 : memref<1x64xi32, #tpu.memory_space<vmem>> -> memref<64xi32, #tpu.memory_space<vmem>>
      %dma_start3A_187 = arith.constant 0 : i32
      %dma_start3A_188 = arith.constant 0 : i32
      %dma_start3A_189 = tpu.memref_slice %arg2[%dma_start3A_187, %dma_start3A_188] : memref<40000x128xf32, #tpu.memory_space<hbm>> -> memref<40000x128xf32, #tpu.memory_space<hbm>>
      tpu.enqueue_indirect_dma source(%dma_start3A_189 : memref<40000x128xf32, #tpu.memory_space<hbm>>) target(%arg18 : memref<64x128xf32, #tpu.memory_space<vmem>>) offsets(%dma_start3A_186 : memref<64xi32, #tpu.memory_space<vmem>>) semaphore(%arg33 : memref<!tpu.dma_semaphore, #tpu.memory_space<semaphore_mem>>)
      %dma_wait3A_190 = arith.constant 0 : i32
      %dma_wait3A_191 = arith.constant 0 : i32
      %dma_wait3A_192 = tpu.memref_slice %arg7[%dma_wait3A_190, %dma_wait3A_191] : memref<2x64xi32, #tpu.memory_space<vmem>> -> memref<1x64xi32, #tpu.memory_space<vmem>>
      %dma_wait3A_193 = tpu.memref_squeeze %dma_wait3A_192 : memref<1x64xi32, #tpu.memory_space<vmem>> -> memref<64xi32, #tpu.memory_space<vmem>>
      %dma_wait3A_194 = arith.constant 0 : i32
      %dma_wait3A_195 = arith.constant 0 : i32
      %dma_wait3A_196 = tpu.memref_slice %arg2[%dma_wait3A_194, %dma_wait3A_195] : memref<40000x128xf32, #tpu.memory_space<hbm>> -> memref<40000x128xf32, #tpu.memory_space<hbm>>
      tpu.wait_indirect_dma semaphore(%arg30 : memref<!tpu.dma_semaphore, #tpu.memory_space<semaphore_mem>>) src(%dma_wait3A_196 : memref<40000x128xf32, #tpu.memory_space<hbm>>) dst(%arg15 : memref<64x128xf32, #tpu.memory_space<vmem>>)
      %dma_start3A_197 = arith.constant 1 : i32
      %dma_start3A_198 = arith.constant 0 : i32
      %dma_start3A_199 = tpu.memref_slice %arg7[%dma_start3A_197, %dma_start3A_198] : memref<2x64xi32, #tpu.memory_space<vmem>> -> memref<1x64xi32, #tpu.memory_space<vmem>>
      %dma_start3A_200 = tpu.memref_squeeze %dma_start3A_199 : memref<1x64xi32, #tpu.memory_space<vmem>> -> memref<64xi32, #tpu.memory_space<vmem>>
      %dma_start3A_201 = arith.constant 0 : i32
      %dma_start3A_202 = arith.constant 0 : i32
      %dma_start3A_203 = tpu.memref_slice %arg20[%dma_start3A_201, %dma_start3A_202] : memref<10240x128xf32, #tpu.memory_space<vmem_shared>> -> memref<10240x128xf32, #tpu.memory_space<vmem_shared>>
      tpu.enqueue_indirect_dma source(%arg15 : memref<64x128xf32, #tpu.memory_space<vmem>>) target(%dma_start3A_203 : memref<10240x128xf32, #tpu.memory_space<vmem_shared>>) offsets(%dma_start3A_200 : memref<64xi32, #tpu.memory_space<vmem>>) semaphore(%arg34 : memref<!tpu.dma_semaphore, #tpu.memory_space<semaphore_mem>>) {add = true}
      %dma_wait3A_204 = arith.constant 0 : i32
      %dma_wait3A_205 = arith.constant 0 : i32
      %dma_wait3A_206 = tpu.memref_slice %arg8[%dma_wait3A_204, %dma_wait3A_205] : memref<2x64xi32, #tpu.memory_space<vmem>> -> memref<1x64xi32, #tpu.memory_space<vmem>>
      %dma_wait3A_207 = tpu.memref_squeeze %dma_wait3A_206 : memref<1x64xi32, #tpu.memory_space<vmem>> -> memref<64xi32, #tpu.memory_space<vmem>>
      %dma_wait3A_208 = arith.constant 0 : i32
      %dma_wait3A_209 = arith.constant 0 : i32
      %dma_wait3A_210 = tpu.memref_slice %arg2[%dma_wait3A_208, %dma_wait3A_209] : memref<40000x128xf32, #tpu.memory_space<hbm>> -> memref<40000x128xf32, #tpu.memory_space<hbm>>
      tpu.wait_indirect_dma semaphore(%arg31 : memref<!tpu.dma_semaphore, #tpu.memory_space<semaphore_mem>>) src(%dma_wait3A_210 : memref<40000x128xf32, #tpu.memory_space<hbm>>) dst(%arg16 : memref<64x128xf32, #tpu.memory_space<vmem>>)
      %dma_start3A_211 = arith.constant 1 : i32
      %dma_start3A_212 = arith.constant 0 : i32
      %dma_start3A_213 = tpu.memref_slice %arg8[%dma_start3A_211, %dma_start3A_212] : memref<2x64xi32, #tpu.memory_space<vmem>> -> memref<1x64xi32, #tpu.memory_space<vmem>>
      %dma_start3A_214 = tpu.memref_squeeze %dma_start3A_213 : memref<1x64xi32, #tpu.memory_space<vmem>> -> memref<64xi32, #tpu.memory_space<vmem>>
      %dma_start3A_215 = arith.constant 0 : i32
      %dma_start3A_216 = arith.constant 0 : i32
      %dma_start3A_217 = tpu.memref_slice %arg20[%dma_start3A_215, %dma_start3A_216] : memref<10240x128xf32, #tpu.memory_space<vmem_shared>> -> memref<10240x128xf32, #tpu.memory_space<vmem_shared>>
      tpu.enqueue_indirect_dma source(%arg16 : memref<64x128xf32, #tpu.memory_space<vmem>>) target(%dma_start3A_217 : memref<10240x128xf32, #tpu.memory_space<vmem_shared>>) offsets(%dma_start3A_214 : memref<64xi32, #tpu.memory_space<vmem>>) semaphore(%arg35 : memref<!tpu.dma_semaphore, #tpu.memory_space<semaphore_mem>>) {add = true}
      %dma_wait3A_218 = arith.constant 0 : i32
      %dma_wait3A_219 = arith.constant 0 : i32
      %dma_wait3A_220 = tpu.memref_slice %arg9[%dma_wait3A_218, %dma_wait3A_219] : memref<2x64xi32, #tpu.memory_space<vmem>> -> memref<1x64xi32, #tpu.memory_space<vmem>>
      %dma_wait3A_221 = tpu.memref_squeeze %dma_wait3A_220 : memref<1x64xi32, #tpu.memory_space<vmem>> -> memref<64xi32, #tpu.memory_space<vmem>>
      %dma_wait3A_222 = arith.constant 0 : i32
      %dma_wait3A_223 = arith.constant 0 : i32
      %dma_wait3A_224 = tpu.memref_slice %arg2[%dma_wait3A_222, %dma_wait3A_223] : memref<40000x128xf32, #tpu.memory_space<hbm>> -> memref<40000x128xf32, #tpu.memory_space<hbm>>
      tpu.wait_indirect_dma semaphore(%arg32 : memref<!tpu.dma_semaphore, #tpu.memory_space<semaphore_mem>>) src(%dma_wait3A_224 : memref<40000x128xf32, #tpu.memory_space<hbm>>) dst(%arg17 : memref<64x128xf32, #tpu.memory_space<vmem>>)
      %dma_start3A_225 = arith.constant 1 : i32
      %dma_start3A_226 = arith.constant 0 : i32
      %dma_start3A_227 = tpu.memref_slice %arg9[%dma_start3A_225, %dma_start3A_226] : memref<2x64xi32, #tpu.memory_space<vmem>> -> memref<1x64xi32, #tpu.memory_space<vmem>>
      %dma_start3A_228 = tpu.memref_squeeze %dma_start3A_227 : memref<1x64xi32, #tpu.memory_space<vmem>> -> memref<64xi32, #tpu.memory_space<vmem>>
      %dma_start3A_229 = arith.constant 0 : i32
      %dma_start3A_230 = arith.constant 0 : i32
      %dma_start3A_231 = tpu.memref_slice %arg20[%dma_start3A_229, %dma_start3A_230] : memref<10240x128xf32, #tpu.memory_space<vmem_shared>> -> memref<10240x128xf32, #tpu.memory_space<vmem_shared>>
      tpu.enqueue_indirect_dma source(%arg17 : memref<64x128xf32, #tpu.memory_space<vmem>>) target(%dma_start3A_231 : memref<10240x128xf32, #tpu.memory_space<vmem_shared>>) offsets(%dma_start3A_228 : memref<64xi32, #tpu.memory_space<vmem>>) semaphore(%arg36 : memref<!tpu.dma_semaphore, #tpu.memory_space<semaphore_mem>>) {add = true}
      %dma_wait3A_232 = arith.constant 0 : i32
      %dma_wait3A_233 = arith.constant 0 : i32
      %dma_wait3A_234 = tpu.memref_slice %arg10[%dma_wait3A_232, %dma_wait3A_233] : memref<2x64xi32, #tpu.memory_space<vmem>> -> memref<1x64xi32, #tpu.memory_space<vmem>>
      %dma_wait3A_235 = tpu.memref_squeeze %dma_wait3A_234 : memref<1x64xi32, #tpu.memory_space<vmem>> -> memref<64xi32, #tpu.memory_space<vmem>>
      %dma_wait3A_236 = arith.constant 0 : i32
      %dma_wait3A_237 = arith.constant 0 : i32
      %dma_wait3A_238 = tpu.memref_slice %arg2[%dma_wait3A_236, %dma_wait3A_237] : memref<40000x128xf32, #tpu.memory_space<hbm>> -> memref<40000x128xf32, #tpu.memory_space<hbm>>
      tpu.wait_indirect_dma semaphore(%arg33 : memref<!tpu.dma_semaphore, #tpu.memory_space<semaphore_mem>>) src(%dma_wait3A_238 : memref<40000x128xf32, #tpu.memory_space<hbm>>) dst(%arg18 : memref<64x128xf32, #tpu.memory_space<vmem>>)
      %dma_start3A_239 = arith.constant 1 : i32
      %dma_start3A_240 = arith.constant 0 : i32
      %dma_start3A_241 = tpu.memref_slice %arg10[%dma_start3A_239, %dma_start3A_240] : memref<2x64xi32, #tpu.memory_space<vmem>> -> memref<1x64xi32, #tpu.memory_space<vmem>>
      %dma_start3A_242 = tpu.memref_squeeze %dma_start3A_241 : memref<1x64xi32, #tpu.memory_space<vmem>> -> memref<64xi32, #tpu.memory_space<vmem>>
      %dma_start3A_243 = arith.constant 0 : i32
      %dma_start3A_244 = arith.constant 0 : i32
      %dma_start3A_245 = tpu.memref_slice %arg20[%dma_start3A_243, %dma_start3A_244] : memref<10240x128xf32, #tpu.memory_space<vmem_shared>> -> memref<10240x128xf32, #tpu.memory_space<vmem_shared>>
      tpu.enqueue_indirect_dma source(%arg18 : memref<64x128xf32, #tpu.memory_space<vmem>>) target(%dma_start3A_245 : memref<10240x128xf32, #tpu.memory_space<vmem_shared>>) offsets(%dma_start3A_242 : memref<64xi32, #tpu.memory_space<vmem>>) semaphore(%arg37 : memref<!tpu.dma_semaphore, #tpu.memory_space<semaphore_mem>>) {add = true}
      %dma_wait3A_246 = arith.constant 1 : i32
      %dma_wait3A_247 = arith.constant 0 : i32
      %dma_wait3A_248 = tpu.memref_slice %arg7[%dma_wait3A_246, %dma_wait3A_247] : memref<2x64xi32, #tpu.memory_space<vmem>> -> memref<1x64xi32, #tpu.memory_space<vmem>>
      %dma_wait3A_249 = tpu.memref_squeeze %dma_wait3A_248 : memref<1x64xi32, #tpu.memory_space<vmem>> -> memref<64xi32, #tpu.memory_space<vmem>>
      %dma_wait3A_250 = arith.constant 0 : i32
      %dma_wait3A_251 = arith.constant 0 : i32
      %dma_wait3A_252 = tpu.memref_slice %arg20[%dma_wait3A_250, %dma_wait3A_251] : memref<10240x128xf32, #tpu.memory_space<vmem_shared>> -> memref<10240x128xf32, #tpu.memory_space<vmem_shared>>
      tpu.wait_indirect_dma semaphore(%arg34 : memref<!tpu.dma_semaphore, #tpu.memory_space<semaphore_mem>>) src(%arg15 : memref<64x128xf32, #tpu.memory_space<vmem>>) dst(%dma_wait3A_252 : memref<10240x128xf32, #tpu.memory_space<vmem_shared>>)
      %dma_wait3A_253 = arith.constant 0 : i32
      %dma_wait3A_254 = arith.constant 0 : i32
      %dma_wait3A_255 = tpu.memref_slice %arg3[%add3A, %add3A_92, %dma_wait3A_253, %dma_wait3A_254] : memref<32x160x2x64xi32, #tpu.memory_space<hbm>> -> memref<1x1x2x64xi32, #tpu.memory_space<hbm>>
      %dma_wait3A_256 = tpu.memref_squeeze %dma_wait3A_255 : memref<1x1x2x64xi32, #tpu.memory_space<hbm>> -> memref<2x64xi32, #tpu.memory_space<hbm>>
      %dma_wait3A_257 = arith.constant 0 : i32
      %dma_wait3A_258 = arith.constant 0 : i32
      %dma_wait3A_259 = tpu.memref_slice %arg3[%add3A, %add3A_92, %dma_wait3A_257, %dma_wait3A_258] : memref<32x160x2x64xi32, #tpu.memory_space<hbm>> -> memref<1x1x2x64xi32, #tpu.memory_space<hbm>>
      %dma_wait3A_260 = tpu.memref_squeeze %dma_wait3A_259 : memref<1x1x2x64xi32, #tpu.memory_space<hbm>> -> memref<2x64xi32, #tpu.memory_space<hbm>>
      tpu.wait_dma2 semaphore(%arg26 : memref<!tpu.dma_semaphore, #tpu.memory_space<semaphore_mem>>) src(%dma_wait3A_260 : memref<2x64xi32, #tpu.memory_space<hbm>>) dst(%arg11 : memref<2x64xi32, #tpu.memory_space<vmem>>)
      %dma_start3A_261 = arith.constant 0 : i32
      %dma_start3A_262 = arith.constant 0 : i32
      %dma_start3A_263 = tpu.memref_slice %arg11[%dma_start3A_261, %dma_start3A_262] : memref<2x64xi32, #tpu.memory_space<vmem>> -> memref<1x64xi32, #tpu.memory_space<vmem>>
      %dma_start3A_264 = tpu.memref_squeeze %dma_start3A_263 : memref<1x64xi32, #tpu.memory_space<vmem>> -> memref<64xi32, #tpu.memory_space<vmem>>
      %dma_start3A_265 = arith.constant 0 : i32
      %dma_start3A_266 = arith.constant 0 : i32
      %dma_start3A_267 = tpu.memref_slice %arg2[%dma_start3A_265, %dma_start3A_266] : memref<40000x128xf32, #tpu.memory_space<hbm>> -> memref<40000x128xf32, #tpu.memory_space<hbm>>
      tpu.enqueue_indirect_dma source(%dma_start3A_267 : memref<40000x128xf32, #tpu.memory_space<hbm>>) target(%arg15 : memref<64x128xf32, #tpu.memory_space<vmem>>) offsets(%dma_start3A_264 : memref<64xi32, #tpu.memory_space<vmem>>) semaphore(%arg30 : memref<!tpu.dma_semaphore, #tpu.memory_space<semaphore_mem>>)
      %dma_wait3A_268 = arith.constant 1 : i32
      %dma_wait3A_269 = arith.constant 0 : i32
      %dma_wait3A_270 = tpu.memref_slice %arg8[%dma_wait3A_268, %dma_wait3A_269] : memref<2x64xi32, #tpu.memory_space<vmem>> -> memref<1x64xi32, #tpu.memory_space<vmem>>
      %dma_wait3A_271 = tpu.memref_squeeze %dma_wait3A_270 : memref<1x64xi32, #tpu.memory_space<vmem>> -> memref<64xi32, #tpu.memory_space<vmem>>
      %dma_wait3A_272 = arith.constant 0 : i32
      %dma_wait3A_273 = arith.constant 0 : i32
      %dma_wait3A_274 = tpu.memref_slice %arg20[%dma_wait3A_272, %dma_wait3A_273] : memref<10240x128xf32, #tpu.memory_space<vmem_shared>> -> memref<10240x128xf32, #tpu.memory_space<vmem_shared>>
      tpu.wait_indirect_dma semaphore(%arg35 : memref<!tpu.dma_semaphore, #tpu.memory_space<semaphore_mem>>) src(%arg16 : memref<64x128xf32, #tpu.memory_space<vmem>>) dst(%dma_wait3A_274 : memref<10240x128xf32, #tpu.memory_space<vmem_shared>>)
      %dma_wait3A_275 = arith.constant 0 : i32
      %dma_wait3A_276 = arith.constant 0 : i32
      %dma_wait3A_277 = tpu.memref_slice %arg3[%add3A, %add3A_102, %dma_wait3A_275, %dma_wait3A_276] : memref<32x160x2x64xi32, #tpu.memory_space<hbm>> -> memref<1x1x2x64xi32, #tpu.memory_space<hbm>>
      %dma_wait3A_278 = tpu.memref_squeeze %dma_wait3A_277 : memref<1x1x2x64xi32, #tpu.memory_space<hbm>> -> memref<2x64xi32, #tpu.memory_space<hbm>>
      %dma_wait3A_279 = arith.constant 0 : i32
      %dma_wait3A_280 = arith.constant 0 : i32
      %dma_wait3A_281 = tpu.memref_slice %arg3[%add3A, %add3A_102, %dma_wait3A_279, %dma_wait3A_280] : memref<32x160x2x64xi32, #tpu.memory_space<hbm>> -> memref<1x1x2x64xi32, #tpu.memory_space<hbm>>
      %dma_wait3A_282 = tpu.memref_squeeze %dma_wait3A_281 : memref<1x1x2x64xi32, #tpu.memory_space<hbm>> -> memref<2x64xi32, #tpu.memory_space<hbm>>
      tpu.wait_dma2 semaphore(%arg27 : memref<!tpu.dma_semaphore, #tpu.memory_space<semaphore_mem>>) src(%dma_wait3A_282 : memref<2x64xi32, #tpu.memory_space<hbm>>) dst(%arg12 : memref<2x64xi32, #tpu.memory_space<vmem>>)
      %dma_start3A_283 = arith.constant 0 : i32
      %dma_start3A_284 = arith.constant 0 : i32
      %dma_start3A_285 = tpu.memref_slice %arg12[%dma_start3A_283, %dma_start3A_284] : memref<2x64xi32, #tpu.memory_space<vmem>> -> memref<1x64xi32, #tpu.memory_space<vmem>>
      %dma_start3A_286 = tpu.memref_squeeze %dma_start3A_285 : memref<1x64xi32, #tpu.memory_space<vmem>> -> memref<64xi32, #tpu.memory_space<vmem>>
      %dma_start3A_287 = arith.constant 0 : i32
      %dma_start3A_288 = arith.constant 0 : i32
      %dma_start3A_289 = tpu.memref_slice %arg2[%dma_start3A_287, %dma_start3A_288] : memref<40000x128xf32, #tpu.memory_space<hbm>> -> memref<40000x128xf32, #tpu.memory_space<hbm>>
      tpu.enqueue_indirect_dma source(%dma_start3A_289 : memref<40000x128xf32, #tpu.memory_space<hbm>>) target(%arg16 : memref<64x128xf32, #tpu.memory_space<vmem>>) offsets(%dma_start3A_286 : memref<64xi32, #tpu.memory_space<vmem>>) semaphore(%arg31 : memref<!tpu.dma_semaphore, #tpu.memory_space<semaphore_mem>>)
      %dma_wait3A_290 = arith.constant 1 : i32
      %dma_wait3A_291 = arith.constant 0 : i32
      %dma_wait3A_292 = tpu.memref_slice %arg9[%dma_wait3A_290, %dma_wait3A_291] : memref<2x64xi32, #tpu.memory_space<vmem>> -> memref<1x64xi32, #tpu.memory_space<vmem>>
      %dma_wait3A_293 = tpu.memref_squeeze %dma_wait3A_292 : memref<1x64xi32, #tpu.memory_space<vmem>> -> memref<64xi32, #tpu.memory_space<vmem>>
      %dma_wait3A_294 = arith.constant 0 : i32
      %dma_wait3A_295 = arith.constant 0 : i32
      %dma_wait3A_296 = tpu.memref_slice %arg20[%dma_wait3A_294, %dma_wait3A_295] : memref<10240x128xf32, #tpu.memory_space<vmem_shared>> -> memref<10240x128xf32, #tpu.memory_space<vmem_shared>>
      tpu.wait_indirect_dma semaphore(%arg36 : memref<!tpu.dma_semaphore, #tpu.memory_space<semaphore_mem>>) src(%arg17 : memref<64x128xf32, #tpu.memory_space<vmem>>) dst(%dma_wait3A_296 : memref<10240x128xf32, #tpu.memory_space<vmem_shared>>)
      %dma_wait3A_297 = arith.constant 0 : i32
      %dma_wait3A_298 = arith.constant 0 : i32
      %dma_wait3A_299 = tpu.memref_slice %arg3[%add3A, %add3A_112, %dma_wait3A_297, %dma_wait3A_298] : memref<32x160x2x64xi32, #tpu.memory_space<hbm>> -> memref<1x1x2x64xi32, #tpu.memory_space<hbm>>
      %dma_wait3A_300 = tpu.memref_squeeze %dma_wait3A_299 : memref<1x1x2x64xi32, #tpu.memory_space<hbm>> -> memref<2x64xi32, #tpu.memory_space<hbm>>
      %dma_wait3A_301 = arith.constant 0 : i32
      %dma_wait3A_302 = arith.constant 0 : i32
      %dma_wait3A_303 = tpu.memref_slice %arg3[%add3A, %add3A_112, %dma_wait3A_301, %dma_wait3A_302] : memref<32x160x2x64xi32, #tpu.memory_space<hbm>> -> memref<1x1x2x64xi32, #tpu.memory_space<hbm>>
      %dma_wait3A_304 = tpu.memref_squeeze %dma_wait3A_303 : memref<1x1x2x64xi32, #tpu.memory_space<hbm>> -> memref<2x64xi32, #tpu.memory_space<hbm>>
      tpu.wait_dma2 semaphore(%arg28 : memref<!tpu.dma_semaphore, #tpu.memory_space<semaphore_mem>>) src(%dma_wait3A_304 : memref<2x64xi32, #tpu.memory_space<hbm>>) dst(%arg13 : memref<2x64xi32, #tpu.memory_space<vmem>>)
      %dma_start3A_305 = arith.constant 0 : i32
      %dma_start3A_306 = arith.constant 0 : i32
      %dma_start3A_307 = tpu.memref_slice %arg13[%dma_start3A_305, %dma_start3A_306] : memref<2x64xi32, #tpu.memory_space<vmem>> -> memref<1x64xi32, #tpu.memory_space<vmem>>
      %dma_start3A_308 = tpu.memref_squeeze %dma_start3A_307 : memref<1x64xi32, #tpu.memory_space<vmem>> -> memref<64xi32, #tpu.memory_space<vmem>>
      %dma_start3A_309 = arith.constant 0 : i32
      %dma_start3A_310 = arith.constant 0 : i32
      %dma_start3A_311 = tpu.memref_slice %arg2[%dma_start3A_309, %dma_start3A_310] : memref<40000x128xf32, #tpu.memory_space<hbm>> -> memref<40000x128xf32, #tpu.memory_space<hbm>>
      tpu.enqueue_indirect_dma source(%dma_start3A_311 : memref<40000x128xf32, #tpu.memory_space<hbm>>) target(%arg17 : memref<64x128xf32, #tpu.memory_space<vmem>>) offsets(%dma_start3A_308 : memref<64xi32, #tpu.memory_space<vmem>>) semaphore(%arg32 : memref<!tpu.dma_semaphore, #tpu.memory_space<semaphore_mem>>)
      %dma_wait3A_312 = arith.constant 1 : i32
      %dma_wait3A_313 = arith.constant 0 : i32
      %dma_wait3A_314 = tpu.memref_slice %arg10[%dma_wait3A_312, %dma_wait3A_313] : memref<2x64xi32, #tpu.memory_space<vmem>> -> memref<1x64xi32, #tpu.memory_space<vmem>>
      %dma_wait3A_315 = tpu.memref_squeeze %dma_wait3A_314 : memref<1x64xi32, #tpu.memory_space<vmem>> -> memref<64xi32, #tpu.memory_space<vmem>>
      %dma_wait3A_316 = arith.constant 0 : i32
      %dma_wait3A_317 = arith.constant 0 : i32
      %dma_wait3A_318 = tpu.memref_slice %arg20[%dma_wait3A_316, %dma_wait3A_317] : memref<10240x128xf32, #tpu.memory_space<vmem_shared>> -> memref<10240x128xf32, #tpu.memory_space<vmem_shared>>
      tpu.wait_indirect_dma semaphore(%arg37 : memref<!tpu.dma_semaphore, #tpu.memory_space<semaphore_mem>>) src(%arg18 : memref<64x128xf32, #tpu.memory_space<vmem>>) dst(%dma_wait3A_318 : memref<10240x128xf32, #tpu.memory_space<vmem_shared>>)
      %dma_wait3A_319 = arith.constant 0 : i32
      %dma_wait3A_320 = arith.constant 0 : i32
      %dma_wait3A_321 = tpu.memref_slice %arg3[%add3A, %add3A_122, %dma_wait3A_319, %dma_wait3A_320] : memref<32x160x2x64xi32, #tpu.memory_space<hbm>> -> memref<1x1x2x64xi32, #tpu.memory_space<hbm>>
      %dma_wait3A_322 = tpu.memref_squeeze %dma_wait3A_321 : memref<1x1x2x64xi32, #tpu.memory_space<hbm>> -> memref<2x64xi32, #tpu.memory_space<hbm>>
      %dma_wait3A_323 = arith.constant 0 : i32
      %dma_wait3A_324 = arith.constant 0 : i32
      %dma_wait3A_325 = tpu.memref_slice %arg3[%add3A, %add3A_122, %dma_wait3A_323, %dma_wait3A_324] : memref<32x160x2x64xi32, #tpu.memory_space<hbm>> -> memref<1x1x2x64xi32, #tpu.memory_space<hbm>>
      %dma_wait3A_326 = tpu.memref_squeeze %dma_wait3A_325 : memref<1x1x2x64xi32, #tpu.memory_space<hbm>> -> memref<2x64xi32, #tpu.memory_space<hbm>>
      tpu.wait_dma2 semaphore(%arg29 : memref<!tpu.dma_semaphore, #tpu.memory_space<semaphore_mem>>) src(%dma_wait3A_326 : memref<2x64xi32, #tpu.memory_space<hbm>>) dst(%arg14 : memref<2x64xi32, #tpu.memory_space<vmem>>)
      %dma_start3A_327 = arith.constant 0 : i32
      %dma_start3A_328 = arith.constant 0 : i32
      %dma_start3A_329 = tpu.memref_slice %arg14[%dma_start3A_327, %dma_start3A_328] : memref<2x64xi32, #tpu.memory_space<vmem>> -> memref<1x64xi32, #tpu.memory_space<vmem>>
      %dma_start3A_330 = tpu.memref_squeeze %dma_start3A_329 : memref<1x64xi32, #tpu.memory_space<vmem>> -> memref<64xi32, #tpu.memory_space<vmem>>
      %dma_start3A_331 = arith.constant 0 : i32
      %dma_start3A_332 = arith.constant 0 : i32
      %dma_start3A_333 = tpu.memref_slice %arg2[%dma_start3A_331, %dma_start3A_332] : memref<40000x128xf32, #tpu.memory_space<hbm>> -> memref<40000x128xf32, #tpu.memory_space<hbm>>
      tpu.enqueue_indirect_dma source(%dma_start3A_333 : memref<40000x128xf32, #tpu.memory_space<hbm>>) target(%arg18 : memref<64x128xf32, #tpu.memory_space<vmem>>) offsets(%dma_start3A_330 : memref<64xi32, #tpu.memory_space<vmem>>) semaphore(%arg33 : memref<!tpu.dma_semaphore, #tpu.memory_space<semaphore_mem>>)
      %dma_wait3A_334 = arith.constant 0 : i32
      %dma_wait3A_335 = arith.constant 0 : i32
      %dma_wait3A_336 = tpu.memref_slice %arg11[%dma_wait3A_334, %dma_wait3A_335] : memref<2x64xi32, #tpu.memory_space<vmem>> -> memref<1x64xi32, #tpu.memory_space<vmem>>
      %dma_wait3A_337 = tpu.memref_squeeze %dma_wait3A_336 : memref<1x64xi32, #tpu.memory_space<vmem>> -> memref<64xi32, #tpu.memory_space<vmem>>
      %dma_wait3A_338 = arith.constant 0 : i32
      %dma_wait3A_339 = arith.constant 0 : i32
      %dma_wait3A_340 = tpu.memref_slice %arg2[%dma_wait3A_338, %dma_wait3A_339] : memref<40000x128xf32, #tpu.memory_space<hbm>> -> memref<40000x128xf32, #tpu.memory_space<hbm>>
      tpu.wait_indirect_dma semaphore(%arg30 : memref<!tpu.dma_semaphore, #tpu.memory_space<semaphore_mem>>) src(%dma_wait3A_340 : memref<40000x128xf32, #tpu.memory_space<hbm>>) dst(%arg15 : memref<64x128xf32, #tpu.memory_space<vmem>>)
      %dma_start3A_341 = arith.constant 1 : i32
      %dma_start3A_342 = arith.constant 0 : i32
      %dma_start3A_343 = tpu.memref_slice %arg11[%dma_start3A_341, %dma_start3A_342] : memref<2x64xi32, #tpu.memory_space<vmem>> -> memref<1x64xi32, #tpu.memory_space<vmem>>
      %dma_start3A_344 = tpu.memref_squeeze %dma_start3A_343 : memref<1x64xi32, #tpu.memory_space<vmem>> -> memref<64xi32, #tpu.memory_space<vmem>>
      %dma_start3A_345 = arith.constant 0 : i32
      %dma_start3A_346 = arith.constant 0 : i32
      %dma_start3A_347 = tpu.memref_slice %arg20[%dma_start3A_345, %dma_start3A_346] : memref<10240x128xf32, #tpu.memory_space<vmem_shared>> -> memref<10240x128xf32, #tpu.memory_space<vmem_shared>>
      tpu.enqueue_indirect_dma source(%arg15 : memref<64x128xf32, #tpu.memory_space<vmem>>) target(%dma_start3A_347 : memref<10240x128xf32, #tpu.memory_space<vmem_shared>>) offsets(%dma_start3A_344 : memref<64xi32, #tpu.memory_space<vmem>>) semaphore(%arg34 : memref<!tpu.dma_semaphore, #tpu.memory_space<semaphore_mem>>) {add = true}
      %dma_wait3A_348 = arith.constant 0 : i32
      %dma_wait3A_349 = arith.constant 0 : i32
      %dma_wait3A_350 = tpu.memref_slice %arg12[%dma_wait3A_348, %dma_wait3A_349] : memref<2x64xi32, #tpu.memory_space<vmem>> -> memref<1x64xi32, #tpu.memory_space<vmem>>
      %dma_wait3A_351 = tpu.memref_squeeze %dma_wait3A_350 : memref<1x64xi32, #tpu.memory_space<vmem>> -> memref<64xi32, #tpu.memory_space<vmem>>
      %dma_wait3A_352 = arith.constant 0 : i32
      %dma_wait3A_353 = arith.constant 0 : i32
      %dma_wait3A_354 = tpu.memref_slice %arg2[%dma_wait3A_352, %dma_wait3A_353] : memref<40000x128xf32, #tpu.memory_space<hbm>> -> memref<40000x128xf32, #tpu.memory_space<hbm>>
      tpu.wait_indirect_dma semaphore(%arg31 : memref<!tpu.dma_semaphore, #tpu.memory_space<semaphore_mem>>) src(%dma_wait3A_354 : memref<40000x128xf32, #tpu.memory_space<hbm>>) dst(%arg16 : memref<64x128xf32, #tpu.memory_space<vmem>>)
      %dma_start3A_355 = arith.constant 1 : i32
      %dma_start3A_356 = arith.constant 0 : i32
      %dma_start3A_357 = tpu.memref_slice %arg12[%dma_start3A_355, %dma_start3A_356] : memref<2x64xi32, #tpu.memory_space<vmem>> -> memref<1x64xi32, #tpu.memory_space<vmem>>
      %dma_start3A_358 = tpu.memref_squeeze %dma_start3A_357 : memref<1x64xi32, #tpu.memory_space<vmem>> -> memref<64xi32, #tpu.memory_space<vmem>>
      %dma_start3A_359 = arith.constant 0 : i32
      %dma_start3A_360 = arith.constant 0 : i32
      %dma_start3A_361 = tpu.memref_slice %arg20[%dma_start3A_359, %dma_start3A_360] : memref<10240x128xf32, #tpu.memory_space<vmem_shared>> -> memref<10240x128xf32, #tpu.memory_space<vmem_shared>>
      tpu.enqueue_indirect_dma source(%arg16 : memref<64x128xf32, #tpu.memory_space<vmem>>) target(%dma_start3A_361 : memref<10240x128xf32, #tpu.memory_space<vmem_shared>>) offsets(%dma_start3A_358 : memref<64xi32, #tpu.memory_space<vmem>>) semaphore(%arg35 : memref<!tpu.dma_semaphore, #tpu.memory_space<semaphore_mem>>) {add = true}
      %dma_wait3A_362 = arith.constant 0 : i32
      %dma_wait3A_363 = arith.constant 0 : i32
      %dma_wait3A_364 = tpu.memref_slice %arg13[%dma_wait3A_362, %dma_wait3A_363] : memref<2x64xi32, #tpu.memory_space<vmem>> -> memref<1x64xi32, #tpu.memory_space<vmem>>
      %dma_wait3A_365 = tpu.memref_squeeze %dma_wait3A_364 : memref<1x64xi32, #tpu.memory_space<vmem>> -> memref<64xi32, #tpu.memory_space<vmem>>
      %dma_wait3A_366 = arith.constant 0 : i32
      %dma_wait3A_367 = arith.constant 0 : i32
      %dma_wait3A_368 = tpu.memref_slice %arg2[%dma_wait3A_366, %dma_wait3A_367] : memref<40000x128xf32, #tpu.memory_space<hbm>> -> memref<40000x128xf32, #tpu.memory_space<hbm>>
      tpu.wait_indirect_dma semaphore(%arg32 : memref<!tpu.dma_semaphore, #tpu.memory_space<semaphore_mem>>) src(%dma_wait3A_368 : memref<40000x128xf32, #tpu.memory_space<hbm>>) dst(%arg17 : memref<64x128xf32, #tpu.memory_space<vmem>>)
      %dma_start3A_369 = arith.constant 1 : i32
      %dma_start3A_370 = arith.constant 0 : i32
      %dma_start3A_371 = tpu.memref_slice %arg13[%dma_start3A_369, %dma_start3A_370] : memref<2x64xi32, #tpu.memory_space<vmem>> -> memref<1x64xi32, #tpu.memory_space<vmem>>
      %dma_start3A_372 = tpu.memref_squeeze %dma_start3A_371 : memref<1x64xi32, #tpu.memory_space<vmem>> -> memref<64xi32, #tpu.memory_space<vmem>>
      %dma_start3A_373 = arith.constant 0 : i32
      %dma_start3A_374 = arith.constant 0 : i32
      %dma_start3A_375 = tpu.memref_slice %arg20[%dma_start3A_373, %dma_start3A_374] : memref<10240x128xf32, #tpu.memory_space<vmem_shared>> -> memref<10240x128xf32, #tpu.memory_space<vmem_shared>>
      tpu.enqueue_indirect_dma source(%arg17 : memref<64x128xf32, #tpu.memory_space<vmem>>) target(%dma_start3A_375 : memref<10240x128xf32, #tpu.memory_space<vmem_shared>>) offsets(%dma_start3A_372 : memref<64xi32, #tpu.memory_space<vmem>>) semaphore(%arg36 : memref<!tpu.dma_semaphore, #tpu.memory_space<semaphore_mem>>) {add = true}
      %dma_wait3A_376 = arith.constant 0 : i32
      %dma_wait3A_377 = arith.constant 0 : i32
      %dma_wait3A_378 = tpu.memref_slice %arg14[%dma_wait3A_376, %dma_wait3A_377] : memref<2x64xi32, #tpu.memory_space<vmem>> -> memref<1x64xi32, #tpu.memory_space<vmem>>
      %dma_wait3A_379 = tpu.memref_squeeze %dma_wait3A_378 : memref<1x64xi32, #tpu.memory_space<vmem>> -> memref<64xi32, #tpu.memory_space<vmem>>
      %dma_wait3A_380 = arith.constant 0 : i32
      %dma_wait3A_381 = arith.constant 0 : i32
      %dma_wait3A_382 = tpu.memref_slice %arg2[%dma_wait3A_380, %dma_wait3A_381] : memref<40000x128xf32, #tpu.memory_space<hbm>> -> memref<40000x128xf32, #tpu.memory_space<hbm>>
      tpu.wait_indirect_dma semaphore(%arg33 : memref<!tpu.dma_semaphore, #tpu.memory_space<semaphore_mem>>) src(%dma_wait3A_382 : memref<40000x128xf32, #tpu.memory_space<hbm>>) dst(%arg18 : memref<64x128xf32, #tpu.memory_space<vmem>>)
      %dma_start3A_383 = arith.constant 1 : i32
      %dma_start3A_384 = arith.constant 0 : i32
      %dma_start3A_385 = tpu.memref_slice %arg14[%dma_start3A_383, %dma_start3A_384] : memref<2x64xi32, #tpu.memory_space<vmem>> -> memref<1x64xi32, #tpu.memory_space<vmem>>
      %dma_start3A_386 = tpu.memref_squeeze %dma_start3A_385 : memref<1x64xi32, #tpu.memory_space<vmem>> -> memref<64xi32, #tpu.memory_space<vmem>>
      %dma_start3A_387 = arith.constant 0 : i32
      %dma_start3A_388 = arith.constant 0 : i32
      %dma_start3A_389 = tpu.memref_slice %arg20[%dma_start3A_387, %dma_start3A_388] : memref<10240x128xf32, #tpu.memory_space<vmem_shared>> -> memref<10240x128xf32, #tpu.memory_space<vmem_shared>>
      tpu.enqueue_indirect_dma source(%arg18 : memref<64x128xf32, #tpu.memory_space<vmem>>) target(%dma_start3A_389 : memref<10240x128xf32, #tpu.memory_space<vmem_shared>>) offsets(%dma_start3A_386 : memref<64xi32, #tpu.memory_space<vmem>>) semaphore(%arg37 : memref<!tpu.dma_semaphore, #tpu.memory_space<semaphore_mem>>) {add = true}
      %dma_wait3A_390 = arith.constant 1 : i32
      %dma_wait3A_391 = arith.constant 0 : i32
      %dma_wait3A_392 = tpu.memref_slice %arg11[%dma_wait3A_390, %dma_wait3A_391] : memref<2x64xi32, #tpu.memory_space<vmem>> -> memref<1x64xi32, #tpu.memory_space<vmem>>
      %dma_wait3A_393 = tpu.memref_squeeze %dma_wait3A_392 : memref<1x64xi32, #tpu.memory_space<vmem>> -> memref<64xi32, #tpu.memory_space<vmem>>
      %dma_wait3A_394 = arith.constant 0 : i32
      %dma_wait3A_395 = arith.constant 0 : i32
      %dma_wait3A_396 = tpu.memref_slice %arg20[%dma_wait3A_394, %dma_wait3A_395] : memref<10240x128xf32, #tpu.memory_space<vmem_shared>> -> memref<10240x128xf32, #tpu.memory_space<vmem_shared>>
      tpu.wait_indirect_dma semaphore(%arg34 : memref<!tpu.dma_semaphore, #tpu.memory_space<semaphore_mem>>) src(%arg15 : memref<64x128xf32, #tpu.memory_space<vmem>>) dst(%dma_wait3A_396 : memref<10240x128xf32, #tpu.memory_space<vmem_shared>>)
      %dma_wait3A_397 = arith.constant 1 : i32
      %dma_wait3A_398 = arith.constant 0 : i32
      %dma_wait3A_399 = tpu.memref_slice %arg12[%dma_wait3A_397, %dma_wait3A_398] : memref<2x64xi32, #tpu.memory_space<vmem>> -> memref<1x64xi32, #tpu.memory_space<vmem>>
      %dma_wait3A_400 = tpu.memref_squeeze %dma_wait3A_399 : memref<1x64xi32, #tpu.memory_space<vmem>> -> memref<64xi32, #tpu.memory_space<vmem>>
      %dma_wait3A_401 = arith.constant 0 : i32
      %dma_wait3A_402 = arith.constant 0 : i32
      %dma_wait3A_403 = tpu.memref_slice %arg20[%dma_wait3A_401, %dma_wait3A_402] : memref<10240x128xf32, #tpu.memory_space<vmem_shared>> -> memref<10240x128xf32, #tpu.memory_space<vmem_shared>>
      tpu.wait_indirect_dma semaphore(%arg35 : memref<!tpu.dma_semaphore, #tpu.memory_space<semaphore_mem>>) src(%arg16 : memref<64x128xf32, #tpu.memory_space<vmem>>) dst(%dma_wait3A_403 : memref<10240x128xf32, #tpu.memory_space<vmem_shared>>)
      %dma_wait3A_404 = arith.constant 1 : i32
      %dma_wait3A_405 = arith.constant 0 : i32
      %dma_wait3A_406 = tpu.memref_slice %arg13[%dma_wait3A_404, %dma_wait3A_405] : memref<2x64xi32, #tpu.memory_space<vmem>> -> memref<1x64xi32, #tpu.memory_space<vmem>>
      %dma_wait3A_407 = tpu.memref_squeeze %dma_wait3A_406 : memref<1x64xi32, #tpu.memory_space<vmem>> -> memref<64xi32, #tpu.memory_space<vmem>>
      %dma_wait3A_408 = arith.constant 0 : i32
      %dma_wait3A_409 = arith.constant 0 : i32
      %dma_wait3A_410 = tpu.memref_slice %arg20[%dma_wait3A_408, %dma_wait3A_409] : memref<10240x128xf32, #tpu.memory_space<vmem_shared>> -> memref<10240x128xf32, #tpu.memory_space<vmem_shared>>
      tpu.wait_indirect_dma semaphore(%arg36 : memref<!tpu.dma_semaphore, #tpu.memory_space<semaphore_mem>>) src(%arg17 : memref<64x128xf32, #tpu.memory_space<vmem>>) dst(%dma_wait3A_410 : memref<10240x128xf32, #tpu.memory_space<vmem_shared>>)
      %dma_wait3A_411 = arith.constant 1 : i32
      %dma_wait3A_412 = arith.constant 0 : i32
      %dma_wait3A_413 = tpu.memref_slice %arg14[%dma_wait3A_411, %dma_wait3A_412] : memref<2x64xi32, #tpu.memory_space<vmem>> -> memref<1x64xi32, #tpu.memory_space<vmem>>
      %dma_wait3A_414 = tpu.memref_squeeze %dma_wait3A_413 : memref<1x64xi32, #tpu.memory_space<vmem>> -> memref<64xi32, #tpu.memory_space<vmem>>
      %dma_wait3A_415 = arith.constant 0 : i32
      %dma_wait3A_416 = arith.constant 0 : i32
      %dma_wait3A_417 = tpu.memref_slice %arg20[%dma_wait3A_415, %dma_wait3A_416] : memref<10240x128xf32, #tpu.memory_space<vmem_shared>> -> memref<10240x128xf32, #tpu.memory_space<vmem_shared>>
      tpu.wait_indirect_dma semaphore(%arg37 : memref<!tpu.dma_semaphore, #tpu.memory_space<semaphore_mem>>) src(%arg18 : memref<64x128xf32, #tpu.memory_space<vmem>>) dst(%dma_wait3A_417 : memref<10240x128xf32, #tpu.memory_space<vmem_shared>>)
    }
    %scan3A_27 = arith.constant 20 : i32
    %barrier3A_28 = arith.constant 0 : index
    tpu.barrier barrier_id(%barrier3A_28)
    %add3A_29 = arith.constant 0 : i32
    %add3A_30 = arith.addi %mul3A_2, %add3A_29 : i32
    "tpu.region"() ({
      %run_scoped3A = tpu.sem_alloc : memref<!tpu.dma_semaphore, #tpu.memory_space<semaphore_mem>>
      %dma_start3A = arith.constant 0 : i32
      %dma_start3A_49 = tpu.memref_slice %arg20[%add3A_30, %dma_start3A] : memref<10240x128xf32, #tpu.memory_space<vmem_shared>> -> memref<64x128xf32, #tpu.memory_space<vmem_shared>>
      %dma_start3A_50 = arith.constant 0 : i32
      %dma_start3A_51 = tpu.memref_slice %arg20[%add3A_30, %dma_start3A_50] : memref<10240x128xf32, #tpu.memory_space<vmem_shared>> -> memref<64x128xf32, #tpu.memory_space<vmem_shared>>
      tpu.enqueue_dma source(%dma_start3A_51 : memref<64x128xf32, #tpu.memory_space<vmem_shared>>) target(%arg15 : memref<64x128xf32, #tpu.memory_space<vmem>>) target_semaphore(%run_scoped3A : memref<!tpu.dma_semaphore, #tpu.memory_space<semaphore_mem>>)
      %dma_wait3A = arith.constant 0 : i32
      %dma_wait3A_52 = tpu.memref_slice %arg20[%add3A_30, %dma_wait3A] : memref<10240x128xf32, #tpu.memory_space<vmem_shared>> -> memref<64x128xf32, #tpu.memory_space<vmem_shared>>
      %dma_wait3A_53 = arith.constant 0 : i32
      %dma_wait3A_54 = tpu.memref_slice %arg20[%add3A_30, %dma_wait3A_53] : memref<10240x128xf32, #tpu.memory_space<vmem_shared>> -> memref<64x128xf32, #tpu.memory_space<vmem_shared>>
      tpu.wait_dma2 semaphore(%run_scoped3A : memref<!tpu.dma_semaphore, #tpu.memory_space<semaphore_mem>>) src(%dma_wait3A_54 : memref<64x128xf32, #tpu.memory_space<vmem_shared>>) dst(%arg15 : memref<64x128xf32, #tpu.memory_space<vmem>>)
      tpu.yield
    }) : () -> ()
    "tpu.region"() ({
      %run_scoped3A = tpu.sem_alloc : memref<!tpu.dma_semaphore, #tpu.memory_space<semaphore_mem>>
      %dma_start3A = arith.constant 0 : i32
      %dma_start3A_49 = tpu.memref_slice %arg6[%arg0, %add3A_30, %dma_start3A] : memref<2x10240x128xf32, #tpu.memory_space<hbm>> -> memref<1x64x128xf32, #tpu.memory_space<hbm>>
      %dma_start3A_50 = tpu.memref_squeeze %dma_start3A_49 : memref<1x64x128xf32, #tpu.memory_space<hbm>> -> memref<64x128xf32, #tpu.memory_space<hbm>>
      %dma_start3A_51 = arith.constant 0 : i32
      %dma_start3A_52 = tpu.memref_slice %arg6[%arg0, %add3A_30, %dma_start3A_51] : memref<2x10240x128xf32, #tpu.memory_space<hbm>> -> memref<1x64x128xf32, #tpu.memory_space<hbm>>
      %dma_start3A_53 = tpu.memref_squeeze %dma_start3A_52 : memref<1x64x128xf32, #tpu.memory_space<hbm>> -> memref<64x128xf32, #tpu.memory_space<hbm>>
      tpu.enqueue_dma source(%arg15 : memref<64x128xf32, #tpu.memory_space<vmem>>) target(%dma_start3A_53 : memref<64x128xf32, #tpu.memory_space<hbm>>) target_semaphore(%run_scoped3A : memref<!tpu.dma_semaphore, #tpu.memory_space<semaphore_mem>>)
      %dma_wait3A = arith.constant 0 : i32
      %dma_wait3A_54 = tpu.memref_slice %arg6[%arg0, %add3A_30, %dma_wait3A] : memref<2x10240x128xf32, #tpu.memory_space<hbm>> -> memref<1x64x128xf32, #tpu.memory_space<hbm>>
      %dma_wait3A_55 = tpu.memref_squeeze %dma_wait3A_54 : memref<1x64x128xf32, #tpu.memory_space<hbm>> -> memref<64x128xf32, #tpu.memory_space<hbm>>
      %dma_wait3A_56 = arith.constant 0 : i32
      %dma_wait3A_57 = tpu.memref_slice %arg6[%arg0, %add3A_30, %dma_wait3A_56] : memref<2x10240x128xf32, #tpu.memory_space<hbm>> -> memref<1x64x128xf32, #tpu.memory_space<hbm>>
      %dma_wait3A_58 = tpu.memref_squeeze %dma_wait3A_57 : memref<1x64x128xf32, #tpu.memory_space<hbm>> -> memref<64x128xf32, #tpu.memory_space<hbm>>
      tpu.wait_dma2 semaphore(%run_scoped3A : memref<!tpu.dma_semaphore, #tpu.memory_space<semaphore_mem>>) src(%arg15 : memref<64x128xf32, #tpu.memory_space<vmem>>) dst(%dma_wait3A_58 : memref<64x128xf32, #tpu.memory_space<hbm>>)
      tpu.yield
    }) : () -> ()
    %add3A_31 = arith.constant 64 : i32
    %add3A_32 = arith.addi %mul3A_2, %add3A_31 : i32
    "tpu.region"() ({
      %run_scoped3A = tpu.sem_alloc : memref<!tpu.dma_semaphore, #tpu.memory_space<semaphore_mem>>
      %dma_start3A = arith.constant 0 : i32
      %dma_start3A_49 = tpu.memref_slice %arg20[%add3A_32, %dma_start3A] : memref<10240x128xf32, #tpu.memory_space<vmem_shared>> -> memref<64x128xf32, #tpu.memory_space<vmem_shared>>
      %dma_start3A_50 = arith.constant 0 : i32
      %dma_start3A_51 = tpu.memref_slice %arg20[%add3A_32, %dma_start3A_50] : memref<10240x128xf32, #tpu.memory_space<vmem_shared>> -> memref<64x128xf32, #tpu.memory_space<vmem_shared>>
      tpu.enqueue_dma source(%dma_start3A_51 : memref<64x128xf32, #tpu.memory_space<vmem_shared>>) target(%arg15 : memref<64x128xf32, #tpu.memory_space<vmem>>) target_semaphore(%run_scoped3A : memref<!tpu.dma_semaphore, #tpu.memory_space<semaphore_mem>>)
      %dma_wait3A = arith.constant 0 : i32
      %dma_wait3A_52 = tpu.memref_slice %arg20[%add3A_32, %dma_wait3A] : memref<10240x128xf32, #tpu.memory_space<vmem_shared>> -> memref<64x128xf32, #tpu.memory_space<vmem_shared>>
      %dma_wait3A_53 = arith.constant 0 : i32
      %dma_wait3A_54 = tpu.memref_slice %arg20[%add3A_32, %dma_wait3A_53] : memref<10240x128xf32, #tpu.memory_space<vmem_shared>> -> memref<64x128xf32, #tpu.memory_space<vmem_shared>>
      tpu.wait_dma2 semaphore(%run_scoped3A : memref<!tpu.dma_semaphore, #tpu.memory_space<semaphore_mem>>) src(%dma_wait3A_54 : memref<64x128xf32, #tpu.memory_space<vmem_shared>>) dst(%arg15 : memref<64x128xf32, #tpu.memory_space<vmem>>)
      tpu.yield
    }) : () -> ()
    "tpu.region"() ({
      %run_scoped3A = tpu.sem_alloc : memref<!tpu.dma_semaphore, #tpu.memory_space<semaphore_mem>>
      %dma_start3A = arith.constant 0 : i32
      %dma_start3A_49 = tpu.memref_slice %arg6[%arg0, %add3A_32, %dma_start3A] : memref<2x10240x128xf32, #tpu.memory_space<hbm>> -> memref<1x64x128xf32, #tpu.memory_space<hbm>>
      %dma_start3A_50 = tpu.memref_squeeze %dma_start3A_49 : memref<1x64x128xf32, #tpu.memory_space<hbm>> -> memref<64x128xf32, #tpu.memory_space<hbm>>
      %dma_start3A_51 = arith.constant 0 : i32
      %dma_start3A_52 = tpu.memref_slice %arg6[%arg0, %add3A_32, %dma_start3A_51] : memref<2x10240x128xf32, #tpu.memory_space<hbm>> -> memref<1x64x128xf32, #tpu.memory_space<hbm>>
      %dma_start3A_53 = tpu.memref_squeeze %dma_start3A_52 : memref<1x64x128xf32, #tpu.memory_space<hbm>> -> memref<64x128xf32, #tpu.memory_space<hbm>>
      tpu.enqueue_dma source(%arg15 : memref<64x128xf32, #tpu.memory_space<vmem>>) target(%dma_start3A_53 : memref<64x128xf32, #tpu.memory_space<hbm>>) target_semaphore(%run_scoped3A : memref<!tpu.dma_semaphore, #tpu.memory_space<semaphore_mem>>)
      %dma_wait3A = arith.constant 0 : i32
      %dma_wait3A_54 = tpu.memref_slice %arg6[%arg0, %add3A_32, %dma_wait3A] : memref<2x10240x128xf32, #tpu.memory_space<hbm>> -> memref<1x64x128xf32, #tpu.memory_space<hbm>>
      %dma_wait3A_55 = tpu.memref_squeeze %dma_wait3A_54 : memref<1x64x128xf32, #tpu.memory_space<hbm>> -> memref<64x128xf32, #tpu.memory_space<hbm>>
      %dma_wait3A_56 = arith.constant 0 : i32
      %dma_wait3A_57 = tpu.memref_slice %arg6[%arg0, %add3A_32, %dma_wait3A_56] : memref<2x10240x128xf32, #tpu.memory_space<hbm>> -> memref<1x64x128xf32, #tpu.memory_space<hbm>>
      %dma_wait3A_58 = tpu.memref_squeeze %dma_wait3A_57 : memref<1x64x128xf32, #tpu.memory_space<hbm>> -> memref<64x128xf32, #tpu.memory_space<hbm>>
      tpu.wait_dma2 semaphore(%run_scoped3A : memref<!tpu.dma_semaphore, #tpu.memory_space<semaphore_mem>>) src(%arg15 : memref<64x128xf32, #tpu.memory_space<vmem>>) dst(%dma_wait3A_58 : memref<64x128xf32, #tpu.memory_space<hbm>>)
      tpu.yield
    }) : () -> ()
    %add3A_33 = arith.constant 128 : i32
    %add3A_34 = arith.addi %mul3A_2, %add3A_33 : i32
    "tpu.region"() ({
      %run_scoped3A = tpu.sem_alloc : memref<!tpu.dma_semaphore, #tpu.memory_space<semaphore_mem>>
      %dma_start3A = arith.constant 0 : i32
      %dma_start3A_49 = tpu.memref_slice %arg20[%add3A_34, %dma_start3A] : memref<10240x128xf32, #tpu.memory_space<vmem_shared>> -> memref<64x128xf32, #tpu.memory_space<vmem_shared>>
      %dma_start3A_50 = arith.constant 0 : i32
      %dma_start3A_51 = tpu.memref_slice %arg20[%add3A_34, %dma_start3A_50] : memref<10240x128xf32, #tpu.memory_space<vmem_shared>> -> memref<64x128xf32, #tpu.memory_space<vmem_shared>>
      tpu.enqueue_dma source(%dma_start3A_51 : memref<64x128xf32, #tpu.memory_space<vmem_shared>>) target(%arg15 : memref<64x128xf32, #tpu.memory_space<vmem>>) target_semaphore(%run_scoped3A : memref<!tpu.dma_semaphore, #tpu.memory_space<semaphore_mem>>)
      %dma_wait3A = arith.constant 0 : i32
      %dma_wait3A_52 = tpu.memref_slice %arg20[%add3A_34, %dma_wait3A] : memref<10240x128xf32, #tpu.memory_space<vmem_shared>> -> memref<64x128xf32, #tpu.memory_space<vmem_shared>>
      %dma_wait3A_53 = arith.constant 0 : i32
      %dma_wait3A_54 = tpu.memref_slice %arg20[%add3A_34, %dma_wait3A_53] : memref<10240x128xf32, #tpu.memory_space<vmem_shared>> -> memref<64x128xf32, #tpu.memory_space<vmem_shared>>
      tpu.wait_dma2 semaphore(%run_scoped3A : memref<!tpu.dma_semaphore, #tpu.memory_space<semaphore_mem>>) src(%dma_wait3A_54 : memref<64x128xf32, #tpu.memory_space<vmem_shared>>) dst(%arg15 : memref<64x128xf32, #tpu.memory_space<vmem>>)
      tpu.yield
    }) : () -> ()
    "tpu.region"() ({
      %run_scoped3A = tpu.sem_alloc : memref<!tpu.dma_semaphore, #tpu.memory_space<semaphore_mem>>
      %dma_start3A = arith.constant 0 : i32
      %dma_start3A_49 = tpu.memref_slice %arg6[%arg0, %add3A_34, %dma_start3A] : memref<2x10240x128xf32, #tpu.memory_space<hbm>> -> memref<1x64x128xf32, #tpu.memory_space<hbm>>
      %dma_start3A_50 = tpu.memref_squeeze %dma_start3A_49 : memref<1x64x128xf32, #tpu.memory_space<hbm>> -> memref<64x128xf32, #tpu.memory_space<hbm>>
      %dma_start3A_51 = arith.constant 0 : i32
      %dma_start3A_52 = tpu.memref_slice %arg6[%arg0, %add3A_34, %dma_start3A_51] : memref<2x10240x128xf32, #tpu.memory_space<hbm>> -> memref<1x64x128xf32, #tpu.memory_space<hbm>>
      %dma_start3A_53 = tpu.memref_squeeze %dma_start3A_52 : memref<1x64x128xf32, #tpu.memory_space<hbm>> -> memref<64x128xf32, #tpu.memory_space<hbm>>
      tpu.enqueue_dma source(%arg15 : memref<64x128xf32, #tpu.memory_space<vmem>>) target(%dma_start3A_53 : memref<64x128xf32, #tpu.memory_space<hbm>>) target_semaphore(%run_scoped3A : memref<!tpu.dma_semaphore, #tpu.memory_space<semaphore_mem>>)
      %dma_wait3A = arith.constant 0 : i32
      %dma_wait3A_54 = tpu.memref_slice %arg6[%arg0, %add3A_34, %dma_wait3A] : memref<2x10240x128xf32, #tpu.memory_space<hbm>> -> memref<1x64x128xf32, #tpu.memory_space<hbm>>
      %dma_wait3A_55 = tpu.memref_squeeze %dma_wait3A_54 : memref<1x64x128xf32, #tpu.memory_space<hbm>> -> memref<64x128xf32, #tpu.memory_space<hbm>>
      %dma_wait3A_56 = arith.constant 0 : i32
      %dma_wait3A_57 = tpu.memref_slice %arg6[%arg0, %add3A_34, %dma_wait3A_56] : memref<2x10240x128xf32, #tpu.memory_space<hbm>> -> memref<1x64x128xf32, #tpu.memory_space<hbm>>
      %dma_wait3A_58 = tpu.memref_squeeze %dma_wait3A_57 : memref<1x64x128xf32, #tpu.memory_space<hbm>> -> memref<64x128xf32, #tpu.memory_space<hbm>>
      tpu.wait_dma2 semaphore(%run_scoped3A : memref<!tpu.dma_semaphore, #tpu.memory_space<semaphore_mem>>) src(%arg15 : memref<64x128xf32, #tpu.memory_space<vmem>>) dst(%dma_wait3A_58 : memref<64x128xf32, #tpu.memory_space<hbm>>)
      tpu.yield
    }) : () -> ()
    %add3A_35 = arith.constant 192 : i32
    %add3A_36 = arith.addi %mul3A_2, %add3A_35 : i32
    "tpu.region"() ({
      %run_scoped3A = tpu.sem_alloc : memref<!tpu.dma_semaphore, #tpu.memory_space<semaphore_mem>>
      %dma_start3A = arith.constant 0 : i32
      %dma_start3A_49 = tpu.memref_slice %arg20[%add3A_36, %dma_start3A] : memref<10240x128xf32, #tpu.memory_space<vmem_shared>> -> memref<64x128xf32, #tpu.memory_space<vmem_shared>>
      %dma_start3A_50 = arith.constant 0 : i32
      %dma_start3A_51 = tpu.memref_slice %arg20[%add3A_36, %dma_start3A_50] : memref<10240x128xf32, #tpu.memory_space<vmem_shared>> -> memref<64x128xf32, #tpu.memory_space<vmem_shared>>
      tpu.enqueue_dma source(%dma_start3A_51 : memref<64x128xf32, #tpu.memory_space<vmem_shared>>) target(%arg15 : memref<64x128xf32, #tpu.memory_space<vmem>>) target_semaphore(%run_scoped3A : memref<!tpu.dma_semaphore, #tpu.memory_space<semaphore_mem>>)
      %dma_wait3A = arith.constant 0 : i32
      %dma_wait3A_52 = tpu.memref_slice %arg20[%add3A_36, %dma_wait3A] : memref<10240x128xf32, #tpu.memory_space<vmem_shared>> -> memref<64x128xf32, #tpu.memory_space<vmem_shared>>
      %dma_wait3A_53 = arith.constant 0 : i32
      %dma_wait3A_54 = tpu.memref_slice %arg20[%add3A_36, %dma_wait3A_53] : memref<10240x128xf32, #tpu.memory_space<vmem_shared>> -> memref<64x128xf32, #tpu.memory_space<vmem_shared>>
      tpu.wait_dma2 semaphore(%run_scoped3A : memref<!tpu.dma_semaphore, #tpu.memory_space<semaphore_mem>>) src(%dma_wait3A_54 : memref<64x128xf32, #tpu.memory_space<vmem_shared>>) dst(%arg15 : memref<64x128xf32, #tpu.memory_space<vmem>>)
      tpu.yield
    }) : () -> ()
    "tpu.region"() ({
      %run_scoped3A = tpu.sem_alloc : memref<!tpu.dma_semaphore, #tpu.memory_space<semaphore_mem>>
      %dma_start3A = arith.constant 0 : i32
      %dma_start3A_49 = tpu.memref_slice %arg6[%arg0, %add3A_36, %dma_start3A] : memref<2x10240x128xf32, #tpu.memory_space<hbm>> -> memref<1x64x128xf32, #tpu.memory_space<hbm>>
      %dma_start3A_50 = tpu.memref_squeeze %dma_start3A_49 : memref<1x64x128xf32, #tpu.memory_space<hbm>> -> memref<64x128xf32, #tpu.memory_space<hbm>>
      %dma_start3A_51 = arith.constant 0 : i32
      %dma_start3A_52 = tpu.memref_slice %arg6[%arg0, %add3A_36, %dma_start3A_51] : memref<2x10240x128xf32, #tpu.memory_space<hbm>> -> memref<1x64x128xf32, #tpu.memory_space<hbm>>
      %dma_start3A_53 = tpu.memref_squeeze %dma_start3A_52 : memref<1x64x128xf32, #tpu.memory_space<hbm>> -> memref<64x128xf32, #tpu.memory_space<hbm>>
      tpu.enqueue_dma source(%arg15 : memref<64x128xf32, #tpu.memory_space<vmem>>) target(%dma_start3A_53 : memref<64x128xf32, #tpu.memory_space<hbm>>) target_semaphore(%run_scoped3A : memref<!tpu.dma_semaphore, #tpu.memory_space<semaphore_mem>>)
      %dma_wait3A = arith.constant 0 : i32
      %dma_wait3A_54 = tpu.memref_slice %arg6[%arg0, %add3A_36, %dma_wait3A] : memref<2x10240x128xf32, #tpu.memory_space<hbm>> -> memref<1x64x128xf32, #tpu.memory_space<hbm>>
      %dma_wait3A_55 = tpu.memref_squeeze %dma_wait3A_54 : memref<1x64x128xf32, #tpu.memory_space<hbm>> -> memref<64x128xf32, #tpu.memory_space<hbm>>
      %dma_wait3A_56 = arith.constant 0 : i32
      %dma_wait3A_57 = tpu.memref_slice %arg6[%arg0, %add3A_36, %dma_wait3A_56] : memref<2x10240x128xf32, #tpu.memory_space<hbm>> -> memref<1x64x128xf32, #tpu.memory_space<hbm>>
      %dma_wait3A_58 = tpu.memref_squeeze %dma_wait3A_57 : memref<1x64x128xf32, #tpu.memory_space<hbm>> -> memref<64x128xf32, #tpu.memory_space<hbm>>
      tpu.wait_dma2 semaphore(%run_scoped3A : memref<!tpu.dma_semaphore, #tpu.memory_space<semaphore_mem>>) src(%arg15 : memref<64x128xf32, #tpu.memory_space<vmem>>) dst(%dma_wait3A_58 : memref<64x128xf32, #tpu.memory_space<hbm>>)
      tpu.yield
    }) : () -> ()
    %add3A_37 = arith.constant 256 : i32
    %add3A_38 = arith.addi %mul3A_2, %add3A_37 : i32
    "tpu.region"() ({
      %run_scoped3A = tpu.sem_alloc : memref<!tpu.dma_semaphore, #tpu.memory_space<semaphore_mem>>
      %dma_start3A = arith.constant 0 : i32
      %dma_start3A_49 = tpu.memref_slice %arg20[%add3A_38, %dma_start3A] : memref<10240x128xf32, #tpu.memory_space<vmem_shared>> -> memref<64x128xf32, #tpu.memory_space<vmem_shared>>
      %dma_start3A_50 = arith.constant 0 : i32
      %dma_start3A_51 = tpu.memref_slice %arg20[%add3A_38, %dma_start3A_50] : memref<10240x128xf32, #tpu.memory_space<vmem_shared>> -> memref<64x128xf32, #tpu.memory_space<vmem_shared>>
      tpu.enqueue_dma source(%dma_start3A_51 : memref<64x128xf32, #tpu.memory_space<vmem_shared>>) target(%arg15 : memref<64x128xf32, #tpu.memory_space<vmem>>) target_semaphore(%run_scoped3A : memref<!tpu.dma_semaphore, #tpu.memory_space<semaphore_mem>>)
      %dma_wait3A = arith.constant 0 : i32
      %dma_wait3A_52 = tpu.memref_slice %arg20[%add3A_38, %dma_wait3A] : memref<10240x128xf32, #tpu.memory_space<vmem_shared>> -> memref<64x128xf32, #tpu.memory_space<vmem_shared>>
      %dma_wait3A_53 = arith.constant 0 : i32
      %dma_wait3A_54 = tpu.memref_slice %arg20[%add3A_38, %dma_wait3A_53] : memref<10240x128xf32, #tpu.memory_space<vmem_shared>> -> memref<64x128xf32, #tpu.memory_space<vmem_shared>>
      tpu.wait_dma2 semaphore(%run_scoped3A : memref<!tpu.dma_semaphore, #tpu.memory_space<semaphore_mem>>) src(%dma_wait3A_54 : memref<64x128xf32, #tpu.memory_space<vmem_shared>>) dst(%arg15 : memref<64x128xf32, #tpu.memory_space<vmem>>)
      tpu.yield
    }) : () -> ()
    "tpu.region"() ({
      %run_scoped3A = tpu.sem_alloc : memref<!tpu.dma_semaphore, #tpu.memory_space<semaphore_mem>>
      %dma_start3A = arith.constant 0 : i32
      %dma_start3A_49 = tpu.memref_slice %arg6[%arg0, %add3A_38, %dma_start3A] : memref<2x10240x128xf32, #tpu.memory_space<hbm>> -> memref<1x64x128xf32, #tpu.memory_space<hbm>>
      %dma_start3A_50 = tpu.memref_squeeze %dma_start3A_49 : memref<1x64x128xf32, #tpu.memory_space<hbm>> -> memref<64x128xf32, #tpu.memory_space<hbm>>
      %dma_start3A_51 = arith.constant 0 : i32
      %dma_start3A_52 = tpu.memref_slice %arg6[%arg0, %add3A_38, %dma_start3A_51] : memref<2x10240x128xf32, #tpu.memory_space<hbm>> -> memref<1x64x128xf32, #tpu.memory_space<hbm>>
      %dma_start3A_53 = tpu.memref_squeeze %dma_start3A_52 : memref<1x64x128xf32, #tpu.memory_space<hbm>> -> memref<64x128xf32, #tpu.memory_space<hbm>>
      tpu.enqueue_dma source(%arg15 : memref<64x128xf32, #tpu.memory_space<vmem>>) target(%dma_start3A_53 : memref<64x128xf32, #tpu.memory_space<hbm>>) target_semaphore(%run_scoped3A : memref<!tpu.dma_semaphore, #tpu.memory_space<semaphore_mem>>)
      %dma_wait3A = arith.constant 0 : i32
      %dma_wait3A_54 = tpu.memref_slice %arg6[%arg0, %add3A_38, %dma_wait3A] : memref<2x10240x128xf32, #tpu.memory_space<hbm>> -> memref<1x64x128xf32, #tpu.memory_space<hbm>>
      %dma_wait3A_55 = tpu.memref_squeeze %dma_wait3A_54 : memref<1x64x128xf32, #tpu.memory_space<hbm>> -> memref<64x128xf32, #tpu.memory_space<hbm>>
      %dma_wait3A_56 = arith.constant 0 : i32
      %dma_wait3A_57 = tpu.memref_slice %arg6[%arg0, %add3A_38, %dma_wait3A_56] : memref<2x10240x128xf32, #tpu.memory_space<hbm>> -> memref<1x64x128xf32, #tpu.memory_space<hbm>>
      %dma_wait3A_58 = tpu.memref_squeeze %dma_wait3A_57 : memref<1x64x128xf32, #tpu.memory_space<hbm>> -> memref<64x128xf32, #tpu.memory_space<hbm>>
      tpu.wait_dma2 semaphore(%run_scoped3A : memref<!tpu.dma_semaphore, #tpu.memory_space<semaphore_mem>>) src(%arg15 : memref<64x128xf32, #tpu.memory_space<vmem>>) dst(%dma_wait3A_58 : memref<64x128xf32, #tpu.memory_space<hbm>>)
      tpu.yield
    }) : () -> ()
    %add3A_39 = arith.constant 320 : i32
    %add3A_40 = arith.addi %mul3A_2, %add3A_39 : i32
    "tpu.region"() ({
      %run_scoped3A = tpu.sem_alloc : memref<!tpu.dma_semaphore, #tpu.memory_space<semaphore_mem>>
      %dma_start3A = arith.constant 0 : i32
      %dma_start3A_49 = tpu.memref_slice %arg20[%add3A_40, %dma_start3A] : memref<10240x128xf32, #tpu.memory_space<vmem_shared>> -> memref<64x128xf32, #tpu.memory_space<vmem_shared>>
      %dma_start3A_50 = arith.constant 0 : i32
      %dma_start3A_51 = tpu.memref_slice %arg20[%add3A_40, %dma_start3A_50] : memref<10240x128xf32, #tpu.memory_space<vmem_shared>> -> memref<64x128xf32, #tpu.memory_space<vmem_shared>>
      tpu.enqueue_dma source(%dma_start3A_51 : memref<64x128xf32, #tpu.memory_space<vmem_shared>>) target(%arg15 : memref<64x128xf32, #tpu.memory_space<vmem>>) target_semaphore(%run_scoped3A : memref<!tpu.dma_semaphore, #tpu.memory_space<semaphore_mem>>)
      %dma_wait3A = arith.constant 0 : i32
      %dma_wait3A_52 = tpu.memref_slice %arg20[%add3A_40, %dma_wait3A] : memref<10240x128xf32, #tpu.memory_space<vmem_shared>> -> memref<64x128xf32, #tpu.memory_space<vmem_shared>>
      %dma_wait3A_53 = arith.constant 0 : i32
      %dma_wait3A_54 = tpu.memref_slice %arg20[%add3A_40, %dma_wait3A_53] : memref<10240x128xf32, #tpu.memory_space<vmem_shared>> -> memref<64x128xf32, #tpu.memory_space<vmem_shared>>
      tpu.wait_dma2 semaphore(%run_scoped3A : memref<!tpu.dma_semaphore, #tpu.memory_space<semaphore_mem>>) src(%dma_wait3A_54 : memref<64x128xf32, #tpu.memory_space<vmem_shared>>) dst(%arg15 : memref<64x128xf32, #tpu.memory_space<vmem>>)
      tpu.yield
    }) : () -> ()
    "tpu.region"() ({
      %run_scoped3A = tpu.sem_alloc : memref<!tpu.dma_semaphore, #tpu.memory_space<semaphore_mem>>
      %dma_start3A = arith.constant 0 : i32
      %dma_start3A_49 = tpu.memref_slice %arg6[%arg0, %add3A_40, %dma_start3A] : memref<2x10240x128xf32, #tpu.memory_space<hbm>> -> memref<1x64x128xf32, #tpu.memory_space<hbm>>
      %dma_start3A_50 = tpu.memref_squeeze %dma_start3A_49 : memref<1x64x128xf32, #tpu.memory_space<hbm>> -> memref<64x128xf32, #tpu.memory_space<hbm>>
      %dma_start3A_51 = arith.constant 0 : i32
      %dma_start3A_52 = tpu.memref_slice %arg6[%arg0, %add3A_40, %dma_start3A_51] : memref<2x10240x128xf32, #tpu.memory_space<hbm>> -> memref<1x64x128xf32, #tpu.memory_space<hbm>>
      %dma_start3A_53 = tpu.memref_squeeze %dma_start3A_52 : memref<1x64x128xf32, #tpu.memory_space<hbm>> -> memref<64x128xf32, #tpu.memory_space<hbm>>
      tpu.enqueue_dma source(%arg15 : memref<64x128xf32, #tpu.memory_space<vmem>>) target(%dma_start3A_53 : memref<64x128xf32, #tpu.memory_space<hbm>>) target_semaphore(%run_scoped3A : memref<!tpu.dma_semaphore, #tpu.memory_space<semaphore_mem>>)
      %dma_wait3A = arith.constant 0 : i32
      %dma_wait3A_54 = tpu.memref_slice %arg6[%arg0, %add3A_40, %dma_wait3A] : memref<2x10240x128xf32, #tpu.memory_space<hbm>> -> memref<1x64x128xf32, #tpu.memory_space<hbm>>
      %dma_wait3A_55 = tpu.memref_squeeze %dma_wait3A_54 : memref<1x64x128xf32, #tpu.memory_space<hbm>> -> memref<64x128xf32, #tpu.memory_space<hbm>>
      %dma_wait3A_56 = arith.constant 0 : i32
      %dma_wait3A_57 = tpu.memref_slice %arg6[%arg0, %add3A_40, %dma_wait3A_56] : memref<2x10240x128xf32, #tpu.memory_space<hbm>> -> memref<1x64x128xf32, #tpu.memory_space<hbm>>
      %dma_wait3A_58 = tpu.memref_squeeze %dma_wait3A_57 : memref<1x64x128xf32, #tpu.memory_space<hbm>> -> memref<64x128xf32, #tpu.memory_space<hbm>>
      tpu.wait_dma2 semaphore(%run_scoped3A : memref<!tpu.dma_semaphore, #tpu.memory_space<semaphore_mem>>) src(%arg15 : memref<64x128xf32, #tpu.memory_space<vmem>>) dst(%dma_wait3A_58 : memref<64x128xf32, #tpu.memory_space<hbm>>)
      tpu.yield
    }) : () -> ()
    %add3A_41 = arith.constant 384 : i32
    %add3A_42 = arith.addi %mul3A_2, %add3A_41 : i32
    "tpu.region"() ({
      %run_scoped3A = tpu.sem_alloc : memref<!tpu.dma_semaphore, #tpu.memory_space<semaphore_mem>>
      %dma_start3A = arith.constant 0 : i32
      %dma_start3A_49 = tpu.memref_slice %arg20[%add3A_42, %dma_start3A] : memref<10240x128xf32, #tpu.memory_space<vmem_shared>> -> memref<64x128xf32, #tpu.memory_space<vmem_shared>>
      %dma_start3A_50 = arith.constant 0 : i32
      %dma_start3A_51 = tpu.memref_slice %arg20[%add3A_42, %dma_start3A_50] : memref<10240x128xf32, #tpu.memory_space<vmem_shared>> -> memref<64x128xf32, #tpu.memory_space<vmem_shared>>
      tpu.enqueue_dma source(%dma_start3A_51 : memref<64x128xf32, #tpu.memory_space<vmem_shared>>) target(%arg15 : memref<64x128xf32, #tpu.memory_space<vmem>>) target_semaphore(%run_scoped3A : memref<!tpu.dma_semaphore, #tpu.memory_space<semaphore_mem>>)
      %dma_wait3A = arith.constant 0 : i32
      %dma_wait3A_52 = tpu.memref_slice %arg20[%add3A_42, %dma_wait3A] : memref<10240x128xf32, #tpu.memory_space<vmem_shared>> -> memref<64x128xf32, #tpu.memory_space<vmem_shared>>
      %dma_wait3A_53 = arith.constant 0 : i32
      %dma_wait3A_54 = tpu.memref_slice %arg20[%add3A_42, %dma_wait3A_53] : memref<10240x128xf32, #tpu.memory_space<vmem_shared>> -> memref<64x128xf32, #tpu.memory_space<vmem_shared>>
      tpu.wait_dma2 semaphore(%run_scoped3A : memref<!tpu.dma_semaphore, #tpu.memory_space<semaphore_mem>>) src(%dma_wait3A_54 : memref<64x128xf32, #tpu.memory_space<vmem_shared>>) dst(%arg15 : memref<64x128xf32, #tpu.memory_space<vmem>>)
      tpu.yield
    }) : () -> ()
    "tpu.region"() ({
      %run_scoped3A = tpu.sem_alloc : memref<!tpu.dma_semaphore, #tpu.memory_space<semaphore_mem>>
      %dma_start3A = arith.constant 0 : i32
      %dma_start3A_49 = tpu.memref_slice %arg6[%arg0, %add3A_42, %dma_start3A] : memref<2x10240x128xf32, #tpu.memory_space<hbm>> -> memref<1x64x128xf32, #tpu.memory_space<hbm>>
      %dma_start3A_50 = tpu.memref_squeeze %dma_start3A_49 : memref<1x64x128xf32, #tpu.memory_space<hbm>> -> memref<64x128xf32, #tpu.memory_space<hbm>>
      %dma_start3A_51 = arith.constant 0 : i32
      %dma_start3A_52 = tpu.memref_slice %arg6[%arg0, %add3A_42, %dma_start3A_51] : memref<2x10240x128xf32, #tpu.memory_space<hbm>> -> memref<1x64x128xf32, #tpu.memory_space<hbm>>
      %dma_start3A_53 = tpu.memref_squeeze %dma_start3A_52 : memref<1x64x128xf32, #tpu.memory_space<hbm>> -> memref<64x128xf32, #tpu.memory_space<hbm>>
      tpu.enqueue_dma source(%arg15 : memref<64x128xf32, #tpu.memory_space<vmem>>) target(%dma_start3A_53 : memref<64x128xf32, #tpu.memory_space<hbm>>) target_semaphore(%run_scoped3A : memref<!tpu.dma_semaphore, #tpu.memory_space<semaphore_mem>>)
      %dma_wait3A = arith.constant 0 : i32
      %dma_wait3A_54 = tpu.memref_slice %arg6[%arg0, %add3A_42, %dma_wait3A] : memref<2x10240x128xf32, #tpu.memory_space<hbm>> -> memref<1x64x128xf32, #tpu.memory_space<hbm>>
      %dma_wait3A_55 = tpu.memref_squeeze %dma_wait3A_54 : memref<1x64x128xf32, #tpu.memory_space<hbm>> -> memref<64x128xf32, #tpu.memory_space<hbm>>
      %dma_wait3A_56 = arith.constant 0 : i32
      %dma_wait3A_57 = tpu.memref_slice %arg6[%arg0, %add3A_42, %dma_wait3A_56] : memref<2x10240x128xf32, #tpu.memory_space<hbm>> -> memref<1x64x128xf32, #tpu.memory_space<hbm>>
      %dma_wait3A_58 = tpu.memref_squeeze %dma_wait3A_57 : memref<1x64x128xf32, #tpu.memory_space<hbm>> -> memref<64x128xf32, #tpu.memory_space<hbm>>
      tpu.wait_dma2 semaphore(%run_scoped3A : memref<!tpu.dma_semaphore, #tpu.memory_space<semaphore_mem>>) src(%arg15 : memref<64x128xf32, #tpu.memory_space<vmem>>) dst(%dma_wait3A_58 : memref<64x128xf32, #tpu.memory_space<hbm>>)
      tpu.yield
    }) : () -> ()
    %add3A_43 = arith.constant 448 : i32
    %add3A_44 = arith.addi %mul3A_2, %add3A_43 : i32
    "tpu.region"() ({
      %run_scoped3A = tpu.sem_alloc : memref<!tpu.dma_semaphore, #tpu.memory_space<semaphore_mem>>
      %dma_start3A = arith.constant 0 : i32
      %dma_start3A_49 = tpu.memref_slice %arg20[%add3A_44, %dma_start3A] : memref<10240x128xf32, #tpu.memory_space<vmem_shared>> -> memref<64x128xf32, #tpu.memory_space<vmem_shared>>
      %dma_start3A_50 = arith.constant 0 : i32
      %dma_start3A_51 = tpu.memref_slice %arg20[%add3A_44, %dma_start3A_50] : memref<10240x128xf32, #tpu.memory_space<vmem_shared>> -> memref<64x128xf32, #tpu.memory_space<vmem_shared>>
      tpu.enqueue_dma source(%dma_start3A_51 : memref<64x128xf32, #tpu.memory_space<vmem_shared>>) target(%arg15 : memref<64x128xf32, #tpu.memory_space<vmem>>) target_semaphore(%run_scoped3A : memref<!tpu.dma_semaphore, #tpu.memory_space<semaphore_mem>>)
      %dma_wait3A = arith.constant 0 : i32
      %dma_wait3A_52 = tpu.memref_slice %arg20[%add3A_44, %dma_wait3A] : memref<10240x128xf32, #tpu.memory_space<vmem_shared>> -> memref<64x128xf32, #tpu.memory_space<vmem_shared>>
      %dma_wait3A_53 = arith.constant 0 : i32
      %dma_wait3A_54 = tpu.memref_slice %arg20[%add3A_44, %dma_wait3A_53] : memref<10240x128xf32, #tpu.memory_space<vmem_shared>> -> memref<64x128xf32, #tpu.memory_space<vmem_shared>>
      tpu.wait_dma2 semaphore(%run_scoped3A : memref<!tpu.dma_semaphore, #tpu.memory_space<semaphore_mem>>) src(%dma_wait3A_54 : memref<64x128xf32, #tpu.memory_space<vmem_shared>>) dst(%arg15 : memref<64x128xf32, #tpu.memory_space<vmem>>)
      tpu.yield
    }) : () -> ()
    "tpu.region"() ({
      %run_scoped3A = tpu.sem_alloc : memref<!tpu.dma_semaphore, #tpu.memory_space<semaphore_mem>>
      %dma_start3A = arith.constant 0 : i32
      %dma_start3A_49 = tpu.memref_slice %arg6[%arg0, %add3A_44, %dma_start3A] : memref<2x10240x128xf32, #tpu.memory_space<hbm>> -> memref<1x64x128xf32, #tpu.memory_space<hbm>>
      %dma_start3A_50 = tpu.memref_squeeze %dma_start3A_49 : memref<1x64x128xf32, #tpu.memory_space<hbm>> -> memref<64x128xf32, #tpu.memory_space<hbm>>
      %dma_start3A_51 = arith.constant 0 : i32
      %dma_start3A_52 = tpu.memref_slice %arg6[%arg0, %add3A_44, %dma_start3A_51] : memref<2x10240x128xf32, #tpu.memory_space<hbm>> -> memref<1x64x128xf32, #tpu.memory_space<hbm>>
      %dma_start3A_53 = tpu.memref_squeeze %dma_start3A_52 : memref<1x64x128xf32, #tpu.memory_space<hbm>> -> memref<64x128xf32, #tpu.memory_space<hbm>>
      tpu.enqueue_dma source(%arg15 : memref<64x128xf32, #tpu.memory_space<vmem>>) target(%dma_start3A_53 : memref<64x128xf32, #tpu.memory_space<hbm>>) target_semaphore(%run_scoped3A : memref<!tpu.dma_semaphore, #tpu.memory_space<semaphore_mem>>)
      %dma_wait3A = arith.constant 0 : i32
      %dma_wait3A_54 = tpu.memref_slice %arg6[%arg0, %add3A_44, %dma_wait3A] : memref<2x10240x128xf32, #tpu.memory_space<hbm>> -> memref<1x64x128xf32, #tpu.memory_space<hbm>>
      %dma_wait3A_55 = tpu.memref_squeeze %dma_wait3A_54 : memref<1x64x128xf32, #tpu.memory_space<hbm>> -> memref<64x128xf32, #tpu.memory_space<hbm>>
      %dma_wait3A_56 = arith.constant 0 : i32
      %dma_wait3A_57 = tpu.memref_slice %arg6[%arg0, %add3A_44, %dma_wait3A_56] : memref<2x10240x128xf32, #tpu.memory_space<hbm>> -> memref<1x64x128xf32, #tpu.memory_space<hbm>>
      %dma_wait3A_58 = tpu.memref_squeeze %dma_wait3A_57 : memref<1x64x128xf32, #tpu.memory_space<hbm>> -> memref<64x128xf32, #tpu.memory_space<hbm>>
      tpu.wait_dma2 semaphore(%run_scoped3A : memref<!tpu.dma_semaphore, #tpu.memory_space<semaphore_mem>>) src(%arg15 : memref<64x128xf32, #tpu.memory_space<vmem>>) dst(%dma_wait3A_58 : memref<64x128xf32, #tpu.memory_space<hbm>>)
      tpu.yield
    }) : () -> ()
    %add3A_45 = arith.constant 512 : i32
    %add3A_46 = arith.addi %mul3A_2, %add3A_45 : i32
    "tpu.region"() ({
      %run_scoped3A = tpu.sem_alloc : memref<!tpu.dma_semaphore, #tpu.memory_space<semaphore_mem>>
      %dma_start3A = arith.constant 0 : i32
      %dma_start3A_49 = tpu.memref_slice %arg20[%add3A_46, %dma_start3A] : memref<10240x128xf32, #tpu.memory_space<vmem_shared>> -> memref<64x128xf32, #tpu.memory_space<vmem_shared>>
      %dma_start3A_50 = arith.constant 0 : i32
      %dma_start3A_51 = tpu.memref_slice %arg20[%add3A_46, %dma_start3A_50] : memref<10240x128xf32, #tpu.memory_space<vmem_shared>> -> memref<64x128xf32, #tpu.memory_space<vmem_shared>>
      tpu.enqueue_dma source(%dma_start3A_51 : memref<64x128xf32, #tpu.memory_space<vmem_shared>>) target(%arg15 : memref<64x128xf32, #tpu.memory_space<vmem>>) target_semaphore(%run_scoped3A : memref<!tpu.dma_semaphore, #tpu.memory_space<semaphore_mem>>)
      %dma_wait3A = arith.constant 0 : i32
      %dma_wait3A_52 = tpu.memref_slice %arg20[%add3A_46, %dma_wait3A] : memref<10240x128xf32, #tpu.memory_space<vmem_shared>> -> memref<64x128xf32, #tpu.memory_space<vmem_shared>>
      %dma_wait3A_53 = arith.constant 0 : i32
      %dma_wait3A_54 = tpu.memref_slice %arg20[%add3A_46, %dma_wait3A_53] : memref<10240x128xf32, #tpu.memory_space<vmem_shared>> -> memref<64x128xf32, #tpu.memory_space<vmem_shared>>
      tpu.wait_dma2 semaphore(%run_scoped3A : memref<!tpu.dma_semaphore, #tpu.memory_space<semaphore_mem>>) src(%dma_wait3A_54 : memref<64x128xf32, #tpu.memory_space<vmem_shared>>) dst(%arg15 : memref<64x128xf32, #tpu.memory_space<vmem>>)
      tpu.yield
    }) : () -> ()
    "tpu.region"() ({
      %run_scoped3A = tpu.sem_alloc : memref<!tpu.dma_semaphore, #tpu.memory_space<semaphore_mem>>
      %dma_start3A = arith.constant 0 : i32
      %dma_start3A_49 = tpu.memref_slice %arg6[%arg0, %add3A_46, %dma_start3A] : memref<2x10240x128xf32, #tpu.memory_space<hbm>> -> memref<1x64x128xf32, #tpu.memory_space<hbm>>
      %dma_start3A_50 = tpu.memref_squeeze %dma_start3A_49 : memref<1x64x128xf32, #tpu.memory_space<hbm>> -> memref<64x128xf32, #tpu.memory_space<hbm>>
      %dma_start3A_51 = arith.constant 0 : i32
      %dma_start3A_52 = tpu.memref_slice %arg6[%arg0, %add3A_46, %dma_start3A_51] : memref<2x10240x128xf32, #tpu.memory_space<hbm>> -> memref<1x64x128xf32, #tpu.memory_space<hbm>>
      %dma_start3A_53 = tpu.memref_squeeze %dma_start3A_52 : memref<1x64x128xf32, #tpu.memory_space<hbm>> -> memref<64x128xf32, #tpu.memory_space<hbm>>
      tpu.enqueue_dma source(%arg15 : memref<64x128xf32, #tpu.memory_space<vmem>>) target(%dma_start3A_53 : memref<64x128xf32, #tpu.memory_space<hbm>>) target_semaphore(%run_scoped3A : memref<!tpu.dma_semaphore, #tpu.memory_space<semaphore_mem>>)
      %dma_wait3A = arith.constant 0 : i32
      %dma_wait3A_54 = tpu.memref_slice %arg6[%arg0, %add3A_46, %dma_wait3A] : memref<2x10240x128xf32, #tpu.memory_space<hbm>> -> memref<1x64x128xf32, #tpu.memory_space<hbm>>
      %dma_wait3A_55 = tpu.memref_squeeze %dma_wait3A_54 : memref<1x64x128xf32, #tpu.memory_space<hbm>> -> memref<64x128xf32, #tpu.memory_space<hbm>>
      %dma_wait3A_56 = arith.constant 0 : i32
      %dma_wait3A_57 = tpu.memref_slice %arg6[%arg0, %add3A_46, %dma_wait3A_56] : memref<2x10240x128xf32, #tpu.memory_space<hbm>> -> memref<1x64x128xf32, #tpu.memory_space<hbm>>
      %dma_wait3A_58 = tpu.memref_squeeze %dma_wait3A_57 : memref<1x64x128xf32, #tpu.memory_space<hbm>> -> memref<64x128xf32, #tpu.memory_space<hbm>>
      tpu.wait_dma2 semaphore(%run_scoped3A : memref<!tpu.dma_semaphore, #tpu.memory_space<semaphore_mem>>) src(%arg15 : memref<64x128xf32, #tpu.memory_space<vmem>>) dst(%dma_wait3A_58 : memref<64x128xf32, #tpu.memory_space<hbm>>)
      tpu.yield
    }) : () -> ()
    %add3A_47 = arith.constant 576 : i32
    %add3A_48 = arith.addi %mul3A_2, %add3A_47 : i32
    "tpu.region"() ({
      %run_scoped3A = tpu.sem_alloc : memref<!tpu.dma_semaphore, #tpu.memory_space<semaphore_mem>>
      %dma_start3A = arith.constant 0 : i32
      %dma_start3A_49 = tpu.memref_slice %arg20[%add3A_48, %dma_start3A] : memref<10240x128xf32, #tpu.memory_space<vmem_shared>> -> memref<64x128xf32, #tpu.memory_space<vmem_shared>>
      %dma_start3A_50 = arith.constant 0 : i32
      %dma_start3A_51 = tpu.memref_slice %arg20[%add3A_48, %dma_start3A_50] : memref<10240x128xf32, #tpu.memory_space<vmem_shared>> -> memref<64x128xf32, #tpu.memory_space<vmem_shared>>
      tpu.enqueue_dma source(%dma_start3A_51 : memref<64x128xf32, #tpu.memory_space<vmem_shared>>) target(%arg15 : memref<64x128xf32, #tpu.memory_space<vmem>>) target_semaphore(%run_scoped3A : memref<!tpu.dma_semaphore, #tpu.memory_space<semaphore_mem>>)
      %dma_wait3A = arith.constant 0 : i32
      %dma_wait3A_52 = tpu.memref_slice %arg20[%add3A_48, %dma_wait3A] : memref<10240x128xf32, #tpu.memory_space<vmem_shared>> -> memref<64x128xf32, #tpu.memory_space<vmem_shared>>
      %dma_wait3A_53 = arith.constant 0 : i32
      %dma_wait3A_54 = tpu.memref_slice %arg20[%add3A_48, %dma_wait3A_53] : memref<10240x128xf32, #tpu.memory_space<vmem_shared>> -> memref<64x128xf32, #tpu.memory_space<vmem_shared>>
      tpu.wait_dma2 semaphore(%run_scoped3A : memref<!tpu.dma_semaphore, #tpu.memory_space<semaphore_mem>>) src(%dma_wait3A_54 : memref<64x128xf32, #tpu.memory_space<vmem_shared>>) dst(%arg15 : memref<64x128xf32, #tpu.memory_space<vmem>>)
      tpu.yield
    }) : () -> ()
    "tpu.region"() ({
      %run_scoped3A = tpu.sem_alloc : memref<!tpu.dma_semaphore, #tpu.memory_space<semaphore_mem>>
      %dma_start3A = arith.constant 0 : i32
      %dma_start3A_49 = tpu.memref_slice %arg6[%arg0, %add3A_48, %dma_start3A] : memref<2x10240x128xf32, #tpu.memory_space<hbm>> -> memref<1x64x128xf32, #tpu.memory_space<hbm>>
      %dma_start3A_50 = tpu.memref_squeeze %dma_start3A_49 : memref<1x64x128xf32, #tpu.memory_space<hbm>> -> memref<64x128xf32, #tpu.memory_space<hbm>>
      %dma_start3A_51 = arith.constant 0 : i32
      %dma_start3A_52 = tpu.memref_slice %arg6[%arg0, %add3A_48, %dma_start3A_51] : memref<2x10240x128xf32, #tpu.memory_space<hbm>> -> memref<1x64x128xf32, #tpu.memory_space<hbm>>
      %dma_start3A_53 = tpu.memref_squeeze %dma_start3A_52 : memref<1x64x128xf32, #tpu.memory_space<hbm>> -> memref<64x128xf32, #tpu.memory_space<hbm>>
      tpu.enqueue_dma source(%arg15 : memref<64x128xf32, #tpu.memory_space<vmem>>) target(%dma_start3A_53 : memref<64x128xf32, #tpu.memory_space<hbm>>) target_semaphore(%run_scoped3A : memref<!tpu.dma_semaphore, #tpu.memory_space<semaphore_mem>>)
      %dma_wait3A = arith.constant 0 : i32
      %dma_wait3A_54 = tpu.memref_slice %arg6[%arg0, %add3A_48, %dma_wait3A] : memref<2x10240x128xf32, #tpu.memory_space<hbm>> -> memref<1x64x128xf32, #tpu.memory_space<hbm>>
      %dma_wait3A_55 = tpu.memref_squeeze %dma_wait3A_54 : memref<1x64x128xf32, #tpu.memory_space<hbm>> -> memref<64x128xf32, #tpu.memory_space<hbm>>
      %dma_wait3A_56 = arith.constant 0 : i32
      %dma_wait3A_57 = tpu.memref_slice %arg6[%arg0, %add3A_48, %dma_wait3A_56] : memref<2x10240x128xf32, #tpu.memory_space<hbm>> -> memref<1x64x128xf32, #tpu.memory_space<hbm>>
      %dma_wait3A_58 = tpu.memref_squeeze %dma_wait3A_57 : memref<1x64x128xf32, #tpu.memory_space<hbm>> -> memref<64x128xf32, #tpu.memory_space<hbm>>
      tpu.wait_dma2 semaphore(%run_scoped3A : memref<!tpu.dma_semaphore, #tpu.memory_space<semaphore_mem>>) src(%arg15 : memref<64x128xf32, #tpu.memory_space<vmem>>) dst(%dma_wait3A_58 : memref<64x128xf32, #tpu.memory_space<hbm>>)
      tpu.yield
    }) : () -> ()
    return
  }
}

module attributes {stable_mosaic.version = 14 : i64} {
  func.func @_featurize_body(%arg0: i32, %arg1: memref<2000x1xi32, #tpu.memory_space<vmem>>, %arg2: memref<128x128xf32, #tpu.memory_space<vmem>>, %arg3: memref<4x128xf32, #tpu.memory_space<vmem>>, %arg4: memref<2000x128xf32, #tpu.memory_space<vmem>>, %arg5: memref<4x2000x128xf32, #tpu.memory_space<vmem>>) attributes {dimension_semantics = [#tpu.dimension_semantics<arbitrary>], iteration_bounds = array<i64: 5>, scalar_prefetch = 0 : i64, scratch_operands = 0 : i64, tpu.core_type = #tpu.core_type<tc>, window_params = [{transform_indices = @transform_0, window_bounds = array<i64: 2000, 1>}, {pipeline_mode = #tpu.pipeline_mode<synchronous>, transform_indices = @transform_1, window_bounds = array<i64: 128, 128>}, {pipeline_mode = #tpu.pipeline_mode<synchronous>, transform_indices = @transform_2, window_bounds = array<i64: 4, 128>}, {transform_indices = @transform_3, window_bounds = array<i64: 2000, 128>}, {transform_indices = @transform_4, window_bounds = array<i64: 4, 2000, 128>}]} {
    %iota3A = tpu.iota {dimensions = array<i32: 1>} : vector<2000x128xi32>
    %get3A = arith.constant 0 : index
    %get3A_0 = arith.constant 0 : index
    %get3A_1 = vector.load %arg1[%get3A, %get3A_0] : memref<2000x1xi32, #tpu.memory_space<vmem>>, vector<2000x1xi32>
    %eq3A = vector.broadcast %get3A_1 : vector<2000x1xi32> to vector<2000x128xi32>
    %eq3A_2 = arith.cmpi eq, %eq3A, %iota3A : vector<2000x128xi32>
    %convert_element_type3A = arith.extui %eq3A_2 : vector<2000x128xi1> to vector<2000x128xi32>
    %convert_element_type3A_3 = arith.sitofp %convert_element_type3A : vector<2000x128xi32> to vector<2000x128xf32>
    %get3A_4 = arith.constant 0 : index
    %get3A_5 = arith.constant 0 : index
    %get3A_6 = vector.load %arg2[%get3A_4, %get3A_5] : memref<128x128xf32, #tpu.memory_space<vmem>>, vector<128x128xf32>
    %dot_general3A = arith.constant dense<0.000000e+00> : vector<2000x128xf32>
    %dot_general3A_7 = tpu.matmul %convert_element_type3A_3, %get3A_6, %dot_general3A {dimension_numbers = #tpu.dot_dimension_numbers<[1], [0], [0], [1], [0, 0, 1, 1], [], []>, transpose_lhs_hint = false} : vector<2000x128xf32>, vector<128x128xf32>, vector<2000x128xf32> -> vector<2000x128xf32>
    %swap3A = arith.constant 0 : index
    %swap3A_8 = arith.constant 0 : index
    %swap3A_9 = vector.load %arg4[%swap3A, %swap3A_8] : memref<2000x128xf32, #tpu.memory_space<vmem>>, vector<2000x128xf32>
    tpu.vector_store %arg4[%swap3A, %swap3A_8], %dot_general3A_7 {strides = array<i32>} : memref<2000x128xf32, #tpu.memory_space<vmem>>, vector<2000x128xf32>,
    %get3A_10 = arith.constant 0 : index
    %get3A_11 = arith.constant 0 : index
    %get3A_12 = vector.load %arg3[%get3A_10, %get3A_11] : memref<4x128xf32, #tpu.memory_space<vmem>>, vector<1x128xf32>
    %get3A_13 = vector.shape_cast %get3A_12 : vector<1x128xf32> to vector<128xf32>
    %broadcast_in_dim3A = vector.shape_cast %get3A_13 : vector<128xf32> to vector<1x128xf32>
    %mul3A = vector.broadcast %broadcast_in_dim3A : vector<1x128xf32> to vector<2000x128xf32>
    %mul3A_14 = arith.mulf %dot_general3A_7, %mul3A : vector<2000x128xf32>
    %swap3A_15 = arith.constant 0 : index
    %swap3A_16 = arith.constant 0 : index
    %swap3A_17 = arith.constant 0 : index
    %swap3A_18 = vector.load %arg5[%swap3A_15, %swap3A_16, %swap3A_17] : memref<4x2000x128xf32, #tpu.memory_space<vmem>>, vector<1x2000x128xf32>
    %swap3A_19 = vector.shape_cast %swap3A_18 : vector<1x2000x128xf32> to vector<2000x128xf32>
    %swap3A_20 = vector.shape_cast %mul3A_14 : vector<2000x128xf32> to vector<1x2000x128xf32>
    tpu.vector_store %arg5[%swap3A_15, %swap3A_16, %swap3A_17], %swap3A_20 {strides = array<i32>} : memref<4x2000x128xf32, #tpu.memory_space<vmem>>, vector<1x2000x128xf32>,
    %get3A_21 = arith.constant 1 : index
    %get3A_22 = arith.constant 0 : index
    %get3A_23 = vector.load %arg3[%get3A_21, %get3A_22] : memref<4x128xf32, #tpu.memory_space<vmem>>, vector<1x128xf32>
    %get3A_24 = vector.shape_cast %get3A_23 : vector<1x128xf32> to vector<128xf32>
    %broadcast_in_dim3A_25 = vector.shape_cast %get3A_24 : vector<128xf32> to vector<1x128xf32>
    %mul3A_26 = vector.broadcast %broadcast_in_dim3A_25 : vector<1x128xf32> to vector<2000x128xf32>
    %mul3A_27 = arith.mulf %dot_general3A_7, %mul3A_26 : vector<2000x128xf32>
    %swap3A_28 = arith.constant 1 : index
    %swap3A_29 = arith.constant 0 : index
    %swap3A_30 = arith.constant 0 : index
    %swap3A_31 = vector.load %arg5[%swap3A_28, %swap3A_29, %swap3A_30] : memref<4x2000x128xf32, #tpu.memory_space<vmem>>, vector<1x2000x128xf32>
    %swap3A_32 = vector.shape_cast %swap3A_31 : vector<1x2000x128xf32> to vector<2000x128xf32>
    %swap3A_33 = vector.shape_cast %mul3A_27 : vector<2000x128xf32> to vector<1x2000x128xf32>
    tpu.vector_store %arg5[%swap3A_28, %swap3A_29, %swap3A_30], %swap3A_33 {strides = array<i32>} : memref<4x2000x128xf32, #tpu.memory_space<vmem>>, vector<1x2000x128xf32>,
    %get3A_34 = arith.constant 2 : index
    %get3A_35 = arith.constant 0 : index
    %get3A_36 = vector.load %arg3[%get3A_34, %get3A_35] : memref<4x128xf32, #tpu.memory_space<vmem>>, vector<1x128xf32>
    %get3A_37 = vector.shape_cast %get3A_36 : vector<1x128xf32> to vector<128xf32>
    %broadcast_in_dim3A_38 = vector.shape_cast %get3A_37 : vector<128xf32> to vector<1x128xf32>
    %mul3A_39 = vector.broadcast %broadcast_in_dim3A_38 : vector<1x128xf32> to vector<2000x128xf32>
    %mul3A_40 = arith.mulf %dot_general3A_7, %mul3A_39 : vector<2000x128xf32>
    %swap3A_41 = arith.constant 2 : index
    %swap3A_42 = arith.constant 0 : index
    %swap3A_43 = arith.constant 0 : index
    %swap3A_44 = vector.load %arg5[%swap3A_41, %swap3A_42, %swap3A_43] : memref<4x2000x128xf32, #tpu.memory_space<vmem>>, vector<1x2000x128xf32>
    %swap3A_45 = vector.shape_cast %swap3A_44 : vector<1x2000x128xf32> to vector<2000x128xf32>
    %swap3A_46 = vector.shape_cast %mul3A_40 : vector<2000x128xf32> to vector<1x2000x128xf32>
    tpu.vector_store %arg5[%swap3A_41, %swap3A_42, %swap3A_43], %swap3A_46 {strides = array<i32>} : memref<4x2000x128xf32, #tpu.memory_space<vmem>>, vector<1x2000x128xf32>,
    %get3A_47 = arith.constant 3 : index
    %get3A_48 = arith.constant 0 : index
    %get3A_49 = vector.load %arg3[%get3A_47, %get3A_48] : memref<4x128xf32, #tpu.memory_space<vmem>>, vector<1x128xf32>
    %get3A_50 = vector.shape_cast %get3A_49 : vector<1x128xf32> to vector<128xf32>
    %broadcast_in_dim3A_51 = vector.shape_cast %get3A_50 : vector<128xf32> to vector<1x128xf32>
    %mul3A_52 = vector.broadcast %broadcast_in_dim3A_51 : vector<1x128xf32> to vector<2000x128xf32>
    %mul3A_53 = arith.mulf %dot_general3A_7, %mul3A_52 : vector<2000x128xf32>
    %swap3A_54 = arith.constant 3 : index
    %swap3A_55 = arith.constant 0 : index
    %swap3A_56 = arith.constant 0 : index
    %swap3A_57 = vector.load %arg5[%swap3A_54, %swap3A_55, %swap3A_56] : memref<4x2000x128xf32, #tpu.memory_space<vmem>>, vector<1x2000x128xf32>
    %swap3A_58 = vector.shape_cast %swap3A_57 : vector<1x2000x128xf32> to vector<2000x128xf32>
    %swap3A_59 = vector.shape_cast %mul3A_53 : vector<2000x128xf32> to vector<1x2000x128xf32>
    tpu.vector_store %arg5[%swap3A_54, %swap3A_55, %swap3A_56], %swap3A_59 {strides = array<i32>} : memref<4x2000x128xf32, #tpu.memory_space<vmem>>, vector<1x2000x128xf32>,
    return
  }
  func.func @transform_0(%arg0: i32) -> (i32, i32) {
    %c0_i32 = arith.constant 0 : i32
    %c0_i32_0 = arith.constant 0 : i32
    return %arg0, %c0_i32 : i32, i32
  }
  func.func @transform_1(%arg0: i32) -> (i32, i32) {
    %c0_i32 = arith.constant 0 : i32
    %c0_i32_0 = arith.constant 0 : i32
    %c0_i32_1 = arith.constant 0 : i32
    return %c0_i32, %c0_i32_0 : i32, i32
  }
  func.func @transform_2(%arg0: i32) -> (i32, i32) {
    %c0_i32 = arith.constant 0 : i32
    %c0_i32_0 = arith.constant 0 : i32
    %c0_i32_1 = arith.constant 0 : i32
    return %c0_i32, %c0_i32_0 : i32, i32
  }
  func.func @transform_3(%arg0: i32) -> (i32, i32) {
    %c0_i32 = arith.constant 0 : i32
    %c0_i32_0 = arith.constant 0 : i32
    return %arg0, %c0_i32 : i32, i32
  }
  func.func @transform_4(%arg0: i32) -> (i32, i32, i32) {
    %c0_i32 = arith.constant 0 : i32
    %c0_i32_0 = arith.constant 0 : i32
    %c0_i32_1 = arith.constant 0 : i32
    return %c0_i32, %arg0, %c0_i32_0 : i32, i32, i32
  }
}

module attributes {stable_mosaic.version = 14 : i64} {
  func.func @_layer_body(%arg0: i32, %arg1: memref<2x2000x128xf32, #tpu.memory_space<vmem>>, %arg2: memref<2x2000x1xf32, #tpu.memory_space<vmem>>, %arg3: memref<2000x128xf32, #tpu.memory_space<vmem>>, %arg4: memref<128x128xf32, #tpu.memory_space<vmem>>, %arg5: memref<128x128xf32, #tpu.memory_space<vmem>>, %arg6: memref<4x128xf32, #tpu.memory_space<vmem>>, %arg7: memref<2000x128xf32, #tpu.memory_space<vmem>>, %arg8: memref<4x2000x128xf32, #tpu.memory_space<vmem>>, %arg9: memref<2000x1xf32, #tpu.memory_space<vmem>>) attributes {dimension_semantics = [#tpu.dimension_semantics<arbitrary>], iteration_bounds = array<i64: 5>, scalar_prefetch = 0 : i64, scratch_operands = 0 : i64, tpu.core_type = #tpu.core_type<tc>, window_params = [{transform_indices = @transform_0, window_bounds = array<i64: 2, 2000, 128>}, {transform_indices = @transform_1, window_bounds = array<i64: 2, 2000, 1>}, {transform_indices = @transform_2, window_bounds = array<i64: 2000, 128>}, {pipeline_mode = #tpu.pipeline_mode<synchronous>, transform_indices = @transform_3, window_bounds = array<i64: 128, 128>}, {pipeline_mode = #tpu.pipeline_mode<synchronous>, transform_indices = @transform_4, window_bounds = array<i64: 128, 128>}, {pipeline_mode = #tpu.pipeline_mode<synchronous>, transform_indices = @transform_5, window_bounds = array<i64: 4, 128>}, {transform_indices = @transform_6, window_bounds = array<i64: 2000, 128>}, {transform_indices = @transform_7, window_bounds = array<i64: 4, 2000, 128>}, {transform_indices = @transform_8, window_bounds = array<i64: 2000, 1>}]} {
    %get3A = arith.constant 0 : index
    %get3A_0 = arith.constant 0 : index
    %get3A_1 = arith.constant 0 : index
    %get3A_2 = vector.load %arg2[%get3A, %get3A_0, %get3A_1] : memref<2x2000x1xf32, #tpu.memory_space<vmem>>, vector<1x2000x1xf32>
    %get3A_3 = vector.shape_cast %get3A_2 : vector<1x2000x1xf32> to vector<2000x1xf32>
    %get3A_4 = arith.constant 1 : index
    %get3A_5 = arith.constant 0 : index
    %get3A_6 = arith.constant 0 : index
    %get3A_7 = vector.load %arg2[%get3A_4, %get3A_5, %get3A_6] : memref<2x2000x1xf32, #tpu.memory_space<vmem>>, vector<1x2000x1xf32>
    %get3A_8 = vector.shape_cast %get3A_7 : vector<1x2000x1xf32> to vector<2000x1xf32>
    %add3A = arith.addf %get3A_3, %get3A_8 : vector<2000x1xf32>
    %max3A = arith.constant 1.000000e+00 : f32
    %max3A_9 = vector.broadcast %max3A : f32 to vector<2000x1xf32>
    %max3A_10 = arith.maximumf %add3A, %max3A_9 : vector<2000x1xf32>
    %div3A = arith.constant 1.000000e+00 : f32
    %div3A_11 = vector.broadcast %div3A : f32 to vector<2000x1xf32>
    %div3A_12 = arith.divf %div3A_11, %max3A_10 : vector<2000x1xf32>
    %get3A_13 = arith.constant 0 : index
    %get3A_14 = arith.constant 0 : index
    %get3A_15 = arith.constant 0 : index
    %get3A_16 = vector.load %arg1[%get3A_13, %get3A_14, %get3A_15] : memref<2x2000x128xf32, #tpu.memory_space<vmem>>, vector<1x2000x128xf32>
    %get3A_17 = vector.shape_cast %get3A_16 : vector<1x2000x128xf32> to vector<2000x128xf32>
    %get3A_18 = arith.constant 1 : index
    %get3A_19 = arith.constant 0 : index
    %get3A_20 = arith.constant 0 : index
    %get3A_21 = vector.load %arg1[%get3A_18, %get3A_19, %get3A_20] : memref<2x2000x128xf32, #tpu.memory_space<vmem>>, vector<1x2000x128xf32>
    %get3A_22 = vector.shape_cast %get3A_21 : vector<1x2000x128xf32> to vector<2000x128xf32>
    %add3A_23 = arith.addf %get3A_17, %get3A_22 : vector<2000x128xf32>
    %mul3A = vector.broadcast %div3A_12 : vector<2000x1xf32> to vector<2000x128xf32>
    %mul3A_24 = arith.mulf %add3A_23, %mul3A : vector<2000x128xf32>
    %get3A_25 = arith.constant 0 : index
    %get3A_26 = arith.constant 0 : index
    %get3A_27 = vector.load %arg4[%get3A_25, %get3A_26] : memref<128x128xf32, #tpu.memory_space<vmem>>, vector<128x128xf32>
    %dot_general3A = arith.constant dense<0.000000e+00> : vector<2000x128xf32>
    %dot_general3A_28 = tpu.matmul %mul3A_24, %get3A_27, %dot_general3A {dimension_numbers = #tpu.dot_dimension_numbers<[1], [0], [0], [1], [0, 0, 1, 1], [], []>, transpose_lhs_hint = false} : vector<2000x128xf32>, vector<128x128xf32>, vector<2000x128xf32> -> vector<2000x128xf32>
    %get3A_29 = arith.constant 0 : index
    %get3A_30 = arith.constant 0 : index
    %get3A_31 = vector.load %arg3[%get3A_29, %get3A_30] : memref<2000x128xf32, #tpu.memory_space<vmem>>, vector<2000x128xf32>
    %get3A_32 = arith.constant 0 : index
    %get3A_33 = arith.constant 0 : index
    %get3A_34 = vector.load %arg5[%get3A_32, %get3A_33] : memref<128x128xf32, #tpu.memory_space<vmem>>, vector<128x128xf32>
    %dot_general3A_35 = arith.constant dense<0.000000e+00> : vector<2000x128xf32>
    %dot_general3A_36 = tpu.matmul %get3A_31, %get3A_34, %dot_general3A_35 {dimension_numbers = #tpu.dot_dimension_numbers<[1], [0], [0], [1], [0, 0, 1, 1], [], []>, transpose_lhs_hint = false} : vector<2000x128xf32>, vector<128x128xf32>, vector<2000x128xf32> -> vector<2000x128xf32>
    %add3A_37 = arith.addf %dot_general3A_28, %dot_general3A_36 : vector<2000x128xf32>
    %max3A_38 = arith.constant 0.000000e+00 : f32
    %max3A_39 = vector.broadcast %max3A_38 : f32 to vector<2000x128xf32>
    %max3A_40 = arith.maximumf %add3A_37, %max3A_39 : vector<2000x128xf32>
    %swap3A = arith.constant 0 : index
    %swap3A_41 = arith.constant 0 : index
    %swap3A_42 = vector.load %arg7[%swap3A, %swap3A_41] : memref<2000x128xf32, #tpu.memory_space<vmem>>, vector<2000x128xf32>
    tpu.vector_store %arg7[%swap3A, %swap3A_41], %max3A_40 {strides = array<i32>} : memref<2000x128xf32, #tpu.memory_space<vmem>>, vector<2000x128xf32>,
    %swap3A_43 = arith.constant 0 : index
    %swap3A_44 = arith.constant 0 : index
    %swap3A_45 = vector.load %arg9[%swap3A_43, %swap3A_44] : memref<2000x1xf32, #tpu.memory_space<vmem>>, vector<2000x1xf32>
    tpu.vector_store %arg9[%swap3A_43, %swap3A_44], %div3A_12 {strides = array<i32>} : memref<2000x1xf32, #tpu.memory_space<vmem>>, vector<2000x1xf32>,
    %get3A_46 = arith.constant 0 : index
    %get3A_47 = arith.constant 0 : index
    %get3A_48 = vector.load %arg6[%get3A_46, %get3A_47] : memref<4x128xf32, #tpu.memory_space<vmem>>, vector<1x128xf32>
    %get3A_49 = vector.shape_cast %get3A_48 : vector<1x128xf32> to vector<128xf32>
    %broadcast_in_dim3A = vector.shape_cast %get3A_49 : vector<128xf32> to vector<1x128xf32>
    %mul3A_50 = vector.broadcast %broadcast_in_dim3A : vector<1x128xf32> to vector<2000x128xf32>
    %mul3A_51 = arith.mulf %max3A_40, %mul3A_50 : vector<2000x128xf32>
    %swap3A_52 = arith.constant 0 : index
    %swap3A_53 = arith.constant 0 : index
    %swap3A_54 = arith.constant 0 : index
    %swap3A_55 = vector.load %arg8[%swap3A_52, %swap3A_53, %swap3A_54] : memref<4x2000x128xf32, #tpu.memory_space<vmem>>, vector<1x2000x128xf32>
    %swap3A_56 = vector.shape_cast %swap3A_55 : vector<1x2000x128xf32> to vector<2000x128xf32>
    %swap3A_57 = vector.shape_cast %mul3A_51 : vector<2000x128xf32> to vector<1x2000x128xf32>
    tpu.vector_store %arg8[%swap3A_52, %swap3A_53, %swap3A_54], %swap3A_57 {strides = array<i32>} : memref<4x2000x128xf32, #tpu.memory_space<vmem>>, vector<1x2000x128xf32>,
    %get3A_58 = arith.constant 1 : index
    %get3A_59 = arith.constant 0 : index
    %get3A_60 = vector.load %arg6[%get3A_58, %get3A_59] : memref<4x128xf32, #tpu.memory_space<vmem>>, vector<1x128xf32>
    %get3A_61 = vector.shape_cast %get3A_60 : vector<1x128xf32> to vector<128xf32>
    %broadcast_in_dim3A_62 = vector.shape_cast %get3A_61 : vector<128xf32> to vector<1x128xf32>
    %mul3A_63 = vector.broadcast %broadcast_in_dim3A_62 : vector<1x128xf32> to vector<2000x128xf32>
    %mul3A_64 = arith.mulf %max3A_40, %mul3A_63 : vector<2000x128xf32>
    %swap3A_65 = arith.constant 1 : index
    %swap3A_66 = arith.constant 0 : index
    %swap3A_67 = arith.constant 0 : index
    %swap3A_68 = vector.load %arg8[%swap3A_65, %swap3A_66, %swap3A_67] : memref<4x2000x128xf32, #tpu.memory_space<vmem>>, vector<1x2000x128xf32>
    %swap3A_69 = vector.shape_cast %swap3A_68 : vector<1x2000x128xf32> to vector<2000x128xf32>
    %swap3A_70 = vector.shape_cast %mul3A_64 : vector<2000x128xf32> to vector<1x2000x128xf32>
    tpu.vector_store %arg8[%swap3A_65, %swap3A_66, %swap3A_67], %swap3A_70 {strides = array<i32>} : memref<4x2000x128xf32, #tpu.memory_space<vmem>>, vector<1x2000x128xf32>,
    %get3A_71 = arith.constant 2 : index
    %get3A_72 = arith.constant 0 : index
    %get3A_73 = vector.load %arg6[%get3A_71, %get3A_72] : memref<4x128xf32, #tpu.memory_space<vmem>>, vector<1x128xf32>
    %get3A_74 = vector.shape_cast %get3A_73 : vector<1x128xf32> to vector<128xf32>
    %broadcast_in_dim3A_75 = vector.shape_cast %get3A_74 : vector<128xf32> to vector<1x128xf32>
    %mul3A_76 = vector.broadcast %broadcast_in_dim3A_75 : vector<1x128xf32> to vector<2000x128xf32>
    %mul3A_77 = arith.mulf %max3A_40, %mul3A_76 : vector<2000x128xf32>
    %swap3A_78 = arith.constant 2 : index
    %swap3A_79 = arith.constant 0 : index
    %swap3A_80 = arith.constant 0 : index
    %swap3A_81 = vector.load %arg8[%swap3A_78, %swap3A_79, %swap3A_80] : memref<4x2000x128xf32, #tpu.memory_space<vmem>>, vector<1x2000x128xf32>
    %swap3A_82 = vector.shape_cast %swap3A_81 : vector<1x2000x128xf32> to vector<2000x128xf32>
    %swap3A_83 = vector.shape_cast %mul3A_77 : vector<2000x128xf32> to vector<1x2000x128xf32>
    tpu.vector_store %arg8[%swap3A_78, %swap3A_79, %swap3A_80], %swap3A_83 {strides = array<i32>} : memref<4x2000x128xf32, #tpu.memory_space<vmem>>, vector<1x2000x128xf32>,
    %get3A_84 = arith.constant 3 : index
    %get3A_85 = arith.constant 0 : index
    %get3A_86 = vector.load %arg6[%get3A_84, %get3A_85] : memref<4x128xf32, #tpu.memory_space<vmem>>, vector<1x128xf32>
    %get3A_87 = vector.shape_cast %get3A_86 : vector<1x128xf32> to vector<128xf32>
    %broadcast_in_dim3A_88 = vector.shape_cast %get3A_87 : vector<128xf32> to vector<1x128xf32>
    %mul3A_89 = vector.broadcast %broadcast_in_dim3A_88 : vector<1x128xf32> to vector<2000x128xf32>
    %mul3A_90 = arith.mulf %max3A_40, %mul3A_89 : vector<2000x128xf32>
    %swap3A_91 = arith.constant 3 : index
    %swap3A_92 = arith.constant 0 : index
    %swap3A_93 = arith.constant 0 : index
    %swap3A_94 = vector.load %arg8[%swap3A_91, %swap3A_92, %swap3A_93] : memref<4x2000x128xf32, #tpu.memory_space<vmem>>, vector<1x2000x128xf32>
    %swap3A_95 = vector.shape_cast %swap3A_94 : vector<1x2000x128xf32> to vector<2000x128xf32>
    %swap3A_96 = vector.shape_cast %mul3A_90 : vector<2000x128xf32> to vector<1x2000x128xf32>
    tpu.vector_store %arg8[%swap3A_91, %swap3A_92, %swap3A_93], %swap3A_96 {strides = array<i32>} : memref<4x2000x128xf32, #tpu.memory_space<vmem>>, vector<1x2000x128xf32>,
    return
  }
  func.func @transform_0(%arg0: i32) -> (i32, i32, i32) {
    %c0_i32 = arith.constant 0 : i32
    %c0_i32_0 = arith.constant 0 : i32
    %c0_i32_1 = arith.constant 0 : i32
    return %c0_i32, %arg0, %c0_i32_0 : i32, i32, i32
  }
  func.func @transform_1(%arg0: i32) -> (i32, i32, i32) {
    %c0_i32 = arith.constant 0 : i32
    %c0_i32_0 = arith.constant 0 : i32
    %c0_i32_1 = arith.constant 0 : i32
    return %c0_i32, %arg0, %c0_i32_0 : i32, i32, i32
  }
  func.func @transform_2(%arg0: i32) -> (i32, i32) {
    %c0_i32 = arith.constant 0 : i32
    %c0_i32_0 = arith.constant 0 : i32
    return %arg0, %c0_i32 : i32, i32
  }
  func.func @transform_3(%arg0: i32) -> (i32, i32) {
    %c0_i32 = arith.constant 0 : i32
    %c0_i32_0 = arith.constant 0 : i32
    %c0_i32_1 = arith.constant 0 : i32
    return %c0_i32, %c0_i32_0 : i32, i32
  }
  func.func @transform_4(%arg0: i32) -> (i32, i32) {
    %c0_i32 = arith.constant 0 : i32
    %c0_i32_0 = arith.constant 0 : i32
    %c0_i32_1 = arith.constant 0 : i32
    return %c0_i32, %c0_i32_0 : i32, i32
  }
  func.func @transform_5(%arg0: i32) -> (i32, i32) {
    %c0_i32 = arith.constant 0 : i32
    %c0_i32_0 = arith.constant 0 : i32
    %c0_i32_1 = arith.constant 0 : i32
    return %c0_i32, %c0_i32_0 : i32, i32
  }
  func.func @transform_6(%arg0: i32) -> (i32, i32) {
    %c0_i32 = arith.constant 0 : i32
    %c0_i32_0 = arith.constant 0 : i32
    return %arg0, %c0_i32 : i32, i32
  }
  func.func @transform_7(%arg0: i32) -> (i32, i32, i32) {
    %c0_i32 = arith.constant 0 : i32
    %c0_i32_0 = arith.constant 0 : i32
    %c0_i32_1 = arith.constant 0 : i32
    return %c0_i32, %arg0, %c0_i32_0 : i32, i32, i32
  }
  func.func @transform_8(%arg0: i32) -> (i32, i32) {
    %c0_i32 = arith.constant 0 : i32
    %c0_i32_0 = arith.constant 0 : i32
    return %arg0, %c0_i32 : i32, i32
  }
}

module attributes {stable_mosaic.version = 14 : i64} {
  func.func @_final_body(%arg0: i32, %arg1: memref<2x2000x128xf32, #tpu.memory_space<vmem>>, %arg2: memref<2000x1xf32, #tpu.memory_space<vmem>>, %arg3: memref<2000x128xf32, #tpu.memory_space<vmem>>, %arg4: memref<128x128xf32, #tpu.memory_space<vmem>>, %arg5: memref<128x128xf32, #tpu.memory_space<vmem>>, %arg6: memref<2000x1xi32, #tpu.memory_space<vmem>>, %arg7: memref<512x128xf32, #tpu.memory_space<vmem>>, %arg8: memref<512x128xf32, #tpu.memory_space<vmem>>, %arg9: memref<512x1xf32, #tpu.memory_space<vmem>>) attributes {dimension_semantics = [#tpu.dimension_semantics<arbitrary>], iteration_bounds = array<i64: 5>, scalar_prefetch = 0 : i64, scratch_operands = 2 : i64, tpu.core_type = #tpu.core_type<tc>, window_params = [{transform_indices = @transform_0, window_bounds = array<i64: 2, 2000, 128>}, {transform_indices = @transform_1, window_bounds = array<i64: 2000, 1>}, {transform_indices = @transform_2, window_bounds = array<i64: 2000, 128>}, {pipeline_mode = #tpu.pipeline_mode<synchronous>, transform_indices = @transform_3, window_bounds = array<i64: 128, 128>}, {pipeline_mode = #tpu.pipeline_mode<synchronous>, transform_indices = @transform_4, window_bounds = array<i64: 128, 128>}, {transform_indices = @transform_5, window_bounds = array<i64: 2000, 1>}, {pipeline_mode = #tpu.pipeline_mode<synchronous>, transform_indices = @transform_6, window_bounds = array<i64: 512, 128>}]} {
    %get3A = arith.constant 0 : index
    %get3A_0 = arith.constant 0 : index
    %get3A_1 = arith.constant 0 : index
    %get3A_2 = vector.load %arg1[%get3A, %get3A_0, %get3A_1] : memref<2x2000x128xf32, #tpu.memory_space<vmem>>, vector<1x2000x128xf32>
    %get3A_3 = vector.shape_cast %get3A_2 : vector<1x2000x128xf32> to vector<2000x128xf32>
    %get3A_4 = arith.constant 1 : index
    %get3A_5 = arith.constant 0 : index
    %get3A_6 = arith.constant 0 : index
    %get3A_7 = vector.load %arg1[%get3A_4, %get3A_5, %get3A_6] : memref<2x2000x128xf32, #tpu.memory_space<vmem>>, vector<1x2000x128xf32>
    %get3A_8 = vector.shape_cast %get3A_7 : vector<1x2000x128xf32> to vector<2000x128xf32>
    %add3A = arith.addf %get3A_3, %get3A_8 : vector<2000x128xf32>
    %get3A_9 = arith.constant 0 : index
    %get3A_10 = arith.constant 0 : index
    %get3A_11 = vector.load %arg2[%get3A_9, %get3A_10] : memref<2000x1xf32, #tpu.memory_space<vmem>>, vector<2000x1xf32>
    %mul3A = vector.broadcast %get3A_11 : vector<2000x1xf32> to vector<2000x128xf32>
    %mul3A_12 = arith.mulf %add3A, %mul3A : vector<2000x128xf32>
    %get3A_13 = arith.constant 0 : index
    %get3A_14 = arith.constant 0 : index
    %get3A_15 = vector.load %arg4[%get3A_13, %get3A_14] : memref<128x128xf32, #tpu.memory_space<vmem>>, vector<128x128xf32>
    %dot_general3A = arith.constant dense<0.000000e+00> : vector<2000x128xf32>
    %dot_general3A_16 = tpu.matmul %mul3A_12, %get3A_15, %dot_general3A {dimension_numbers = #tpu.dot_dimension_numbers<[1], [0], [0], [1], [0, 0, 1, 1], [], []>, transpose_lhs_hint = false} : vector<2000x128xf32>, vector<128x128xf32>, vector<2000x128xf32> -> vector<2000x128xf32>
    %get3A_17 = arith.constant 0 : index
    %get3A_18 = arith.constant 0 : index
    %get3A_19 = vector.load %arg3[%get3A_17, %get3A_18] : memref<2000x128xf32, #tpu.memory_space<vmem>>, vector<2000x128xf32>
    %get3A_20 = arith.constant 0 : index
    %get3A_21 = arith.constant 0 : index
    %get3A_22 = vector.load %arg5[%get3A_20, %get3A_21] : memref<128x128xf32, #tpu.memory_space<vmem>>, vector<128x128xf32>
    %dot_general3A_23 = arith.constant dense<0.000000e+00> : vector<2000x128xf32>
    %dot_general3A_24 = tpu.matmul %get3A_19, %get3A_22, %dot_general3A_23 {dimension_numbers = #tpu.dot_dimension_numbers<[1], [0], [0], [1], [0, 0, 1, 1], [], []>, transpose_lhs_hint = false} : vector<2000x128xf32>, vector<128x128xf32>, vector<2000x128xf32> -> vector<2000x128xf32>
    %add3A_25 = arith.addf %dot_general3A_16, %dot_general3A_24 : vector<2000x128xf32>
    %max3A = arith.constant 0.000000e+00 : f32
    %max3A_26 = vector.broadcast %max3A : f32 to vector<2000x128xf32>
    %max3A_27 = arith.maximumf %add3A_25, %max3A_26 : vector<2000x128xf32>
    %iota3A = tpu.iota {dimensions = array<i32: 1>} : vector<2000x512xi32>
    %get3A_28 = arith.constant 0 : index
    %get3A_29 = arith.constant 0 : index
    %get3A_30 = vector.load %arg6[%get3A_28, %get3A_29] : memref<2000x1xi32, #tpu.memory_space<vmem>>, vector<2000x1xi32>
    %eq3A = vector.broadcast %get3A_30 : vector<2000x1xi32> to vector<2000x512xi32>
    %eq3A_31 = arith.cmpi eq, %eq3A, %iota3A : vector<2000x512xi32>
    %convert_element_type3A = arith.extui %eq3A_31 : vector<2000x512xi1> to vector<2000x512xi32>
    %convert_element_type3A_32 = arith.sitofp %convert_element_type3A : vector<2000x512xi32> to vector<2000x512xf32>
    %dot_general3A_33 = arith.constant dense<0.000000e+00> : vector<512x128xf32>
    %dot_general3A_34 = tpu.matmul %convert_element_type3A_32, %max3A_27, %dot_general3A_33 {dimension_numbers = #tpu.dot_dimension_numbers<[0], [0], [1], [1], [0, 1, 1, 1], [], []>, transpose_lhs_hint = false} : vector<2000x512xf32>, vector<2000x128xf32>, vector<512x128xf32> -> vector<512x128xf32>
    %broadcast_in_dim3A = arith.constant 1.000000e+00 : f32
    %broadcast_in_dim3A_35 = vector.broadcast %broadcast_in_dim3A : f32 to vector<2000x1xf32>
    %dot_general3A_36 = arith.constant dense<0.000000e+00> : vector<512x1xf32>
    %dot_general3A_37 = tpu.matmul %convert_element_type3A_32, %broadcast_in_dim3A_35, %dot_general3A_36 {dimension_numbers = #tpu.dot_dimension_numbers<[0], [0], [1], [1], [0, 1, 1, 1], [], []>, transpose_lhs_hint = false} : vector<2000x512xf32>, vector<2000x1xf32>, vector<512x1xf32> -> vector<512x1xf32>
    %eq3A_38 = arith.constant 0 : i32
    %eq3A_39 = arith.cmpi eq, %arg0, %eq3A_38 : i32
    %convert_element_type3A_40 = arith.extui %eq3A_39 : i1 to i32
    %cond3A = arith.constant 0 : i32
    %cond3A_41 = arith.cmpi ne, %convert_element_type3A_40, %cond3A : i32
    scf.if %cond3A_41 {
      %broadcast_in_dim3A_60 = arith.constant 0.000000e+00 : f32
      %broadcast_in_dim3A_61 = vector.broadcast %broadcast_in_dim3A_60 : f32 to vector<512x128xf32>
      %swap3A_62 = arith.constant 0 : index
      %swap3A_63 = arith.constant 0 : index
      %swap3A_64 = vector.load %arg8[%swap3A_62, %swap3A_63] : memref<512x128xf32, #tpu.memory_space<vmem>>, vector<512x128xf32>
      tpu.vector_store %arg8[%swap3A_62, %swap3A_63], %broadcast_in_dim3A_61 {strides = array<i32>} : memref<512x128xf32, #tpu.memory_space<vmem>>, vector<512x128xf32>,
      %broadcast_in_dim3A_65 = arith.constant 0.000000e+00 : f32
      %broadcast_in_dim3A_66 = vector.broadcast %broadcast_in_dim3A_65 : f32 to vector<512x1xf32>
      %swap3A_67 = arith.constant 0 : index
      %swap3A_68 = arith.constant 0 : index
      %swap3A_69 = vector.load %arg9[%swap3A_67, %swap3A_68] : memref<512x1xf32, #tpu.memory_space<vmem>>, vector<512x1xf32>
      tpu.vector_store %arg9[%swap3A_67, %swap3A_68], %broadcast_in_dim3A_66 {strides = array<i32>} : memref<512x1xf32, #tpu.memory_space<vmem>>, vector<512x1xf32>,
    } else {
    }
    %get3A_42 = arith.constant 0 : index
    %get3A_43 = arith.constant 0 : index
    %get3A_44 = vector.load %arg8[%get3A_42, %get3A_43] : memref<512x128xf32, #tpu.memory_space<vmem>>, vector<512x128xf32>
    %add3A_45 = arith.addf %get3A_44, %dot_general3A_34 : vector<512x128xf32>
    %swap3A = arith.constant 0 : index
    %swap3A_46 = arith.constant 0 : index
    %swap3A_47 = vector.load %arg8[%swap3A, %swap3A_46] : memref<512x128xf32, #tpu.memory_space<vmem>>, vector<512x128xf32>
    tpu.vector_store %arg8[%swap3A, %swap3A_46], %add3A_45 {strides = array<i32>} : memref<512x128xf32, #tpu.memory_space<vmem>>, vector<512x128xf32>,
    %get3A_48 = arith.constant 0 : index
    %get3A_49 = arith.constant 0 : index
    %get3A_50 = vector.load %arg9[%get3A_48, %get3A_49] : memref<512x1xf32, #tpu.memory_space<vmem>>, vector<512x1xf32>
    %add3A_51 = arith.addf %get3A_50, %dot_general3A_37 : vector<512x1xf32>
    %swap3A_52 = arith.constant 0 : index
    %swap3A_53 = arith.constant 0 : index
    %swap3A_54 = vector.load %arg9[%swap3A_52, %swap3A_53] : memref<512x1xf32, #tpu.memory_space<vmem>>, vector<512x1xf32>
    tpu.vector_store %arg9[%swap3A_52, %swap3A_53], %add3A_51 {strides = array<i32>} : memref<512x1xf32, #tpu.memory_space<vmem>>, vector<512x1xf32>,
    %eq3A_55 = arith.constant 4 : i32
    %eq3A_56 = arith.cmpi eq, %arg0, %eq3A_55 : i32
    %convert_element_type3A_57 = arith.extui %eq3A_56 : i1 to i32
    %cond3A_58 = arith.constant 0 : i32
    %cond3A_59 = arith.cmpi ne, %convert_element_type3A_57, %cond3A_58 : i32
    scf.if %cond3A_59 {
      %get3A_60 = arith.constant 0 : index
      %get3A_61 = arith.constant 0 : index
      %get3A_62 = vector.load %arg8[%get3A_60, %get3A_61] : memref<512x128xf32, #tpu.memory_space<vmem>>, vector<512x128xf32>
      %get3A_63 = arith.constant 0 : index
      %get3A_64 = arith.constant 0 : index
      %get3A_65 = vector.load %arg9[%get3A_63, %get3A_64] : memref<512x1xf32, #tpu.memory_space<vmem>>, vector<512x1xf32>
      %max3A_66 = arith.constant 1.000000e+00 : f32
      %max3A_67 = vector.broadcast %max3A_66 : f32 to vector<512x1xf32>
      %max3A_68 = arith.maximumf %get3A_65, %max3A_67 : vector<512x1xf32>
      %div3A = vector.broadcast %max3A_68 : vector<512x1xf32> to vector<512x128xf32>
      %div3A_69 = arith.divf %get3A_62, %div3A : vector<512x128xf32>
      %swap3A_70 = arith.constant 0 : index
      %swap3A_71 = arith.constant 0 : index
      %swap3A_72 = vector.load %arg7[%swap3A_70, %swap3A_71] : memref<512x128xf32, #tpu.memory_space<vmem>>, vector<512x128xf32>
      tpu.vector_store %arg7[%swap3A_70, %swap3A_71], %div3A_69 {strides = array<i32>} : memref<512x128xf32, #tpu.memory_space<vmem>>, vector<512x128xf32>,
    } else {
    }
    return
  }
  func.func @transform_0(%arg0: i32) -> (i32, i32, i32) {
    %c0_i32 = arith.constant 0 : i32
    %c0_i32_0 = arith.constant 0 : i32
    %c0_i32_1 = arith.constant 0 : i32
    return %c0_i32, %arg0, %c0_i32_0 : i32, i32, i32
  }
  func.func @transform_1(%arg0: i32) -> (i32, i32) {
    %c0_i32 = arith.constant 0 : i32
    %c0_i32_0 = arith.constant 0 : i32
    return %arg0, %c0_i32 : i32, i32
  }
  func.func @transform_2(%arg0: i32) -> (i32, i32) {
    %c0_i32 = arith.constant 0 : i32
    %c0_i32_0 = arith.constant 0 : i32
    return %arg0, %c0_i32 : i32, i32
  }
  func.func @transform_3(%arg0: i32) -> (i32, i32) {
    %c0_i32 = arith.constant 0 : i32
    %c0_i32_0 = arith.constant 0 : i32
    %c0_i32_1 = arith.constant 0 : i32
    return %c0_i32, %c0_i32_0 : i32, i32
  }
  func.func @transform_4(%arg0: i32) -> (i32, i32) {
    %c0_i32 = arith.constant 0 : i32
    %c0_i32_0 = arith.constant 0 : i32
    %c0_i32_1 = arith.constant 0 : i32
    return %c0_i32, %c0_i32_0 : i32, i32
  }
  func.func @transform_5(%arg0: i32) -> (i32, i32) {
    %c0_i32 = arith.constant 0 : i32
    %c0_i32_0 = arith.constant 0 : i32
    return %arg0, %c0_i32 : i32, i32
  }
  func.func @transform_6(%arg0: i32) -> (i32, i32) {
    %c0_i32 = arith.constant 0 : i32
    %c0_i32_0 = arith.constant 0 : i32
    %c0_i32_1 = arith.constant 0 : i32
    return %c0_i32, %c0_i32_0 : i32, i32
  }
}

</mosaic_0001>

<sc_bundles>
// kernel: kernel.10.cloned.1.call-start
scs
__scs_entry_jumppad:
0x0: {  	(pc) =	sbr.rel $0x88, $3  }
0x1: {  	(tag) =	ssettag $0x0;
	lr =	simm.s32 $0x1  }
0x2: {  	[smem:$0x3F99] =	sst lr;
	_ =	strace $0xD0000000  }
0x3: {  	_ = 	snop  }
0x4: {  	_ = 	snop  }
0x5: {  	_ = 	snop  }
0x6: {  	_ = 	snop  }
0x7: {  	_ = 	snop  }
__scs_overlays_trampoline_lowered:
0x8: {  	[smem:$0x3FA8] =	sst s0  }
0x9: {  	[smem:$0x3FA9] =	sst s1  }
0xa: {  	[smem:$0x3FAA] =	sst s2  }
0xb: {  	[smem:$0x3FAB] =	sst s3  }
0xc: {  	[smem:$0x3FAC] =	sst s4  }
0xd: {  	[smem:$0x3FAD] =	sst s5  }
0xe: {  	[smem:$0x3FAE] =	sst s6  }
0xf: {  	[smem:$0x3FAF] =	sst s7  }
0x10: {  	[smem:$0x3FB0] =	sst s8  }
0x11: {  	[smem:$0x3FB1] =	sst s9;
	s0 =	simm.s32 @!p0 $0x0  }
0x12: {  	s1 =	sld [smem:$0x3F97];
	s0 =	simm.s32 @p0 $0x1  }
0x13: {  	[smem:$0x3FB2] =	sst s0;
	s0 =	simm.s32 @!p1 $0x0  }
0x14: {  	s2 =	sld [smem:$0x3F96];
	s0 =	simm.s32 @p1 $0x1  }
0x15: {  	[smem:$0x3FB3] =	sst s0;
	s0 =	simm.s32 @!p2 $0x0  }
0x16: {  	s3 =	sld [smem:$0x3FDB];
	s0 =	simm.s32 @p2 $0x1  }
0x17: {  	s4 =	simm.s32 $0x1BF5;
	[smem:$0x3FB5] =	sst s0  }
0x18: {  	s0 =	sld [smem:$0x3F98];
	_ =	swait.ge [sflag:s4], $0x0  }
0x19: {  	s7 =	sld [smem:$0x3F99]  }
0x1a: {  	s8 =	sadd.s32 $0xFFFFE003, lr  }
0x1b: {  	s9 =	sadd.s32 $0xFFFFFEF7, lr;
	s5 =	simm.s32 $0xFFFFFFFF;
	p2 =	slt.u32 s8, $0xFFFFF086  }
0x1c: {  	p1 =	slt.u32 s9, $0xF7A;
	s5 =	simm.s32 @!p2 $0x0  }
0x1d: {  	s5 =	simm.s32 @p1 $0x1;
	p0 =	seq.s32 s7, s2  }
0x1e: {  	s7 =	smul.u32 @!p0 $0xF7A, s2;
	p2 =	seq.s32 @!p0 s5, $0x0  }
0x1f: {  	s9 =	smul.u32 $0xF7A, s1;
	s8 =	simm.s32 @!p0 $0x1BF5;
	p2 =	por !p2, p0  }
0x20: {  	[sflag:s8] =	ssyncset.s32 @!p0 $0xFFFFF086;
	s6 =	sadd.s32 @!p0 s3, s7;
	s7 =	simm.s32 @!p0 $0x108  }
0x21: {  	s3 =	sadd.s32 s3, s9;
	s6 =	sadd.s32 @!p0 $0x88, s6;
	s7 =	simm.s32 @p2 $0x1082  }
0x22: {  	[simem:s7], [sflag:s8] =	dma.local @!p0 [hbm:s6], $0xF7A  }
0x23: {  	s9 =	sor.u32 $0xD0000000, s2;
	s6 =	simm.s32 $0x108;
	_ =	swait.ge @!p0 [sflag:s8], $0x0  }
0x24: {  	s3 =	sadd.s32 $0x88, s3;
	s6 =	simm.s32 @!p1 $0x1082;
	[sflag:s4] =	ssyncset.s32 $0xFFFFF086  }
0x25: {  	[simem:s6], [sflag:s4] =	dma.local [hbm:s3], $0xF7A  }
0x26: {  	[smem:$0x3F99] =	sst s1;
	(tag) =	ssettag s2;
	_ =	strace s9  }
0x27: {  	s1 =	sld [smem:$0x3FA9]  }
0x28: {  	s2 =	sld [smem:$0x3FAA]  }
0x29: {  	s4 =	sld [smem:$0x3FAC]  }
0x2a: {  	p0 =	seq.s32 s5, $0x0;
	s5 =	sld [smem:$0x3FAD]  }
0x2b: {  	s6 =	sld [smem:$0x3FAE]  }
0x2c: {  	s7 =	sld [smem:$0x3FAF]  }
0x2d: {  	s3 =	simm.s32 $0x108;
	s8 =	sld [smem:$0x3FB0]  }
0x2e: {  	s3 =	simm.s32 @!p0 $0x1082;
	s9 =	sld [smem:$0x3FB1]  }
0x2f: {  	lr =	sadd.s32 s0, s3;
	s0 =	sld [smem:$0x3FA8]  }
0x30: {  	s3 =	sld [smem:$0x3FAB]  }
0x31: {  	[smem:$0x3FB4] =	sst s10  }
0x32: {  	s10 =	sld [smem:$0x3FB2];
	_ =	sdelay $0x3  }
0x33: {  	p0 =	seq.s32 s10, $0x1;
	s10 =	sld [smem:$0x3FB4];
	_ =	sdelay $0x3  }
0x34: {  	[smem:$0x3FB4] =	sst s10  }
0x35: {  	s10 =	sld [smem:$0x3FB3];
	_ =	sdelay $0x3  }
0x36: {  	p1 =	seq.s32 s10, $0x1;
	s10 =	sld [smem:$0x3FB4];
	_ =	sdelay $0x3  }
0x37: {  	[smem:$0x3FB4] =	sst s10  }
0x38: {  	s10 =	sld [smem:$0x3FB5]  }
0x39: {  	_ = 	snop;
	(pc) =	sbr.ind lr, $3  }
0x3a: {  	_ = 	snop  }
0x3b: {  	_ = 	snop  }
0x3c: {  	p2 =	seq.s32 s10, $0x1;
	s10 =	sld [smem:$0x3FB4]  }
0x3d: {  	_ =	shalt  }
0x3e: {  	_ =	shalt  }
0x3f: {  	_ =	shalt  }
0x40: {  	_ =	shalt  }
0x41: {  	_ =	shalt  }
0x42: {  	_ =	shalt  }
0x43: {  	_ =	shalt  }
0x44: {  	_ =	shalt  }
0x45: {  	_ =	shalt  }
0x46: {  	_ =	shalt  }
0x47: {  	_ =	shalt  }
0x48: {  	_ =	shalt  }
0x49: {  	_ =	shalt  }
0x4a: {  	_ =	shalt  }
0x4b: {  	_ =	shalt  }
0x4c: {  	_ =	shalt  }
0x4d: {  	_ =	shalt  }
0x4e: {  	_ =	shalt  }
0x4f: {  	_ =	shalt  }
0x50: {  	_ =	shalt  }
0x51: {  	_ =	shalt  }
0x52: {  	_ =	shalt  }
0x53: {  	_ =	shalt  }
0x54: {  	_ =	shalt  }
0x55: {  	_ =	shalt  }
0x56: {  	_ =	shalt  }
0x57: {  	_ =	shalt  }
0x58: {  	_ =	shalt  }
0x59: {  	_ =	shalt  }
0x5a: {  	_ =	shalt  }
0x5b: {  	_ =	shalt  }
0x5c: {  	_ =	shalt  }
0x5d: {  	_ =	shalt  }
0x5e: {  	_ =	shalt  }
0x5f: {  	_ =	shalt  }
0x60: {  	_ =	shalt  }
0x61: {  	_ =	shalt  }
0x62: {  	_ =	shalt  }
0x63: {  	_ =	shalt  }
0x64: {  	_ =	shalt  }
0x65: {  	_ =	shalt  }
0x66: {  	_ =	shalt  }
0x67: {  	_ =	shalt  }
0x68: {  	_ =	shalt  }
0x69: {  	_ =	shalt  }
0x6a: {  	_ =	shalt  }
0x6b: {  	_ =	shalt  }
0x6c: {  	_ =	shalt  }
0x6d: {  	_ =	shalt  }
0x6e: {  	_ =	shalt  }
0x6f: {  	_ =	shalt  }
0x70: {  	_ =	shalt  }
0x71: {  	_ =	shalt  }
0x72: {  	_ =	shalt  }
0x73: {  	_ =	shalt  }
0x74: {  	_ =	shalt  }
0x75: {  	_ =	shalt  }
0x76: {  	_ =	shalt  }
0x77: {  	_ =	shalt  }
0x78: {  	_ =	shalt  }
0x79: {  	_ =	shalt  }
0x7a: {  	_ =	shalt  }
0x7b: {  	_ =	shalt  }
0x7c: {  	_ =	shalt  }
0x7d: {  	_ =	shalt  }
0x7e: {  	_ =	shalt  }
0x7f: {  	_ =	shalt  }
0x80: {  	_ =	shalt  }
0x81: {  	_ =	shalt  }
0x82: {  	_ =	shalt  }
0x83: {  	_ =	shalt  }
0x84: {  	_ =	shalt  }
0x85: {  	_ =	shalt  }
0x86: {  	_ =	shalt  }
0x87: {  	_ =	shalt  }
.Lfunc_end0:
.L_simem_size_0:
called_computation.1_lowered:
.L_overlay_start_0:
0x88: {  	s2 =	sld [smem:$0x3FD9]  }
0x89: {  	s3 =	sld [smem:$0x3FFE];
	_ =	sdelay $0x1  }
0x8a: {  	s1 =	srdreg.scid  }
0x8b: {  	s0 =	sand.u32 $0x1, s1  }
0x8c: {  	s16 =	sshll.u32 s0, $0xA;
	s2 =	sadd.s32 s3, s2  }
0x8d: {  	s2 =	sadd.s32 s2, s16  }
0x8e: {  	[smem:$0x3FC0] =	sst s2  }
0x8f: {  	_ = 	snop  }
0x90: {  	(tm) =	ssettm $0x1  }
0x91: {  	s17 =	sld [smem:$0x3FFB];
	_ =	sdelay $0x3  }
0x92: {  	_ =	strace s17  }
0x93: {  	s2 =	sld [smem:$0x3FFC];
	_ =	sdelay $0x3  }
0x94: {  	_ =	strace s2  }
0x95: {  	s2 =	sld [smem:$0x3FFD];
	_ =	sdelay $0x3  }
0x96: {  	_ =	strace s2  }
0x97: {  	_ =	strace $0x8FFFFFFF  }
0x98: {  	s18 =	sld [smem:$0x3FDB];
	_ =	sdelay $0x1  }
0x99: {  	s19 =	simm.s32 $_scs_section_size  }
0x9a: {  	s4 =	simm.s32 $_size__tile_overlayer_lowered;
	s5 =	simm.s32 $_tile_overlayer_lowered  }
0x9b: {  	s22 =	simm.s32 $0x1BFF;
	s21 =	sshll.u32 s5, $0x1;
	s2 =	sadd.s32 s19, s18  }
0x9c: {  	s6 =	simm.s32 $0x0;
	s20 =	sshll.u32 s4, $0x1;
	s4 =	sadd.s32 s21, s2  }
0x9d: {  	[timem:s6], [sflag:s22] =	dma.local [hbm:s4], s20  }
0x9e: {  	_ =	swait.ge [sflag:s22], s20  }
0x9f: {  	s3 =	ssub.s32 $0x0, s20;
	[sflag:s22] =	ssyncset.done $0x0  }
0xa0: {  	[sflag:s22] =	ssyncadd.s32 s3;
	_ =	sdelay $0x1  }
0xa1: {  	s23 =	simm.s32 $0x1B8B  }
0xa2: {  	_ =	swait.ge [sflag:s23], $0x1  }
0xa3: {  	[sflag:s23] =	ssyncset.done $0x0  }
0xa4: {  	s25 =	simm.s32 $0x1B8E;
	s24 =	sld [smem:$0x3FFE];
	[sflag:s23] =	ssyncadd.s32 $0xFFFFFFFF  }
0xa5: {  	s26 =	simm.s32 $execute0_lowered;
	[smem:$0x3FD2] =	sst s25  }
0xa6: {  	s4 =	sshll.u32 s26, $0x1;
	_ =	strace $0x80000049;
	[dreg:$0x1] =	wrdreg $0xFFFFFFFF  }
0xa7: {  	s28 =	simm.s32 $_size_execute0_lowered;
	s2 =	sadd.s32 s2, s4;
	[dreg:$0x0] =	wrdreg $0x0  }
0xa8: {  	s4 =	sshll.u32 s28, $0x1;
	[dreg:$0x2] =	wrdreg s2  }
0xa9: {  	[dreg:$0x3] =	wrdreg s4  }
0xaa: {  	[dreg:$0x4] =	wrdreg $0xC0  }
0xab: {  	_ =	task [dreg:s6], $0x5FFFF  }
0xac: {  	[dreg:$0x1] =	wrdreg $0xFFFFFFFF  }
0xad: {  	[dreg:$0x0] =	wrdreg $0x60  }
0xae: {  	[dreg:$0x2] =	wrdreg s24  }
0xaf: {  	[dreg:$0x3] =	wrdreg $0x88800  }
0xb0: {  	[dreg:$0x4] =	wrdreg $0x9  }
0xb1: {  	_ =	task.clear_ibuf [dreg:s6], $0x5FFFF;
	_ =	strace $0x90000049  }
0xb2: {  	s29 =	simm.s32 $0x9;
	_ =	strace $0x8000004B  }
0xb3: {  	_ =	swait.ge [sflag:s29], $0x1  }
0xb4: {  	[sflag:s29] =	ssyncadd.s32 $0xFFFFFFFF  }
0xb5: {  	_ =	strace $0x9000004B  }
0xb6: {  	_ =	sfence  }
0xb7: {  	s30 =	sld [smem:$0x0];
	_ =	sdelay $0x2  }
0xb8: {  	s31 =	sshll.u32 s1, $0xD;
	s1 =	sshrl.u32 s1, $0x2  }
0xb9: {  	s3 =	sand.u32 $0x4000, s31;
	s1 =	sadd.s32 s1, s30  }
0xba: {  	s0 =	sor.u32 s3, s0;
	s1 =	sshll.u32 s1, $0x11  }
0xbb: {  	s0 =	sor.u32 s1, s0  }
0xbc: {  	s0 =	sadd.s32 $0x8F2B, s0  }
0xbd: {  	[sflag:s0] =	ssyncadd.remote.s32 $0x1  }
0xbe: {  	_ =	sfence.sel $0xFFFF  }
0xbf: {  	[dreg:$0x0] =	wrdreg $0xFFFFFFFF;
	(pc) =	sbr.abs _section_cstart, $3  }
0xc0: {  	[dreg:$0x1] =	wrdreg $0xFFFFFFFF  }
0xc1: {  	_ =	task.clear_ibuf [dreg:s6], $0x2FFFF;
	_ =	strace $0x9FFFFFFF  }
0xc2: {  	(tm) =	ssettm $0x7FFFFFFF  }
0xc3: {  	_ =	shalt  }
tec
execute0_lowered:
.L_overlay_start_1:
0x0: {  	(tag) =	ssettag $0x1  }
0x1: {  	s0 =	rddreg [dreg:$0x0]  }
0x2: {  	s1 =	rddreg [dreg:$0x1]  }
0x3: {  	s3 =	simm.s32 $0x0;
	s2 =	srdreg.scid;
	s21 =	stileid.u32  }
0x4: {  	s29 =	simm.s32 $0x800;
	s28 =	simm.s32 $0x9;
	s30 =	simm.s32 $0x8  }
0x5: {  	[smem:$0x7FF] =	sst s3;
	s13 =	sand.u32 $0x1, s2;
	s15 =	smul.u32 $0x14000, s21  }
0x6: {  	s16 =	sadd.s32 $0x1A00, s0;
	s12 =	sadd.s32 $0xC6400, s0;
	s20 =	smul.u32 $0xA000, s21  }
0x7: {  	_ =	strace $0x8000004A;
	s2 =	ssub.s32 $0x2, s13;
	s14 =	smul.u32 $0x140000, s13  }
0x8: {  	s18 =	smul.u32 $0xA0000, s13;
	s4 =	sshrl.u32 s2, $0x1;
	s5 =	sadd.s32 $0x4000, s15  }
0x9: {  	s6 =	sadd.s32 $0x6000, s15;
	s7 =	sadd.s32 $0x8000, s15;
	s8 =	sadd.s32 $0xA000, s15  }
0xa: {  	s9 =	sadd.s32 $0xC000, s15;
	s10 =	sadd.s32 $0xE000, s15;
	s11 =	sadd.s32 $0x10000, s15  }
0xb: {  	s13 =	sadd.s32 $0x12000, s15;
	s2 =	ssub.s32 s2, s4;
	s4 =	sor.u32 $0x2000, s15  }
0xc: {  	s17 =	sadd.s32 s15, s14;
	s24 =	sadd.s32 s14, s5;
	s25 =	sadd.s32 s14, s6  }
0xd: {  	s31 =	sadd.s32 s13, s1;
	s17 =	sshrl.u32 s17, $0x3;
	s19 =	sadd.s32 s14, s4  }
0xe: {  	s2 =	smax.u32 s2, $0x1;
	[smem:$0x7FD] =	sst s31;
	s22 =	sadd.s32 s12, s17  }
0xf: {  	s23 =	sshrl.u32 s19, $0x3;
	s17 =	sadd.s32 s20, s18;
	[smem:$0x7F6] =	sst s2  }
0x10: {  	s18 =	sshrl.u32 s25, $0x3;
	s19 =	simm.s32 $0x380;
	[dreg:$0x13] =	wrdreg s22  }
0x11: {  	s15 =	sadd.s32 s12, s23;
	s26 =	sor.u32 $0x700, s17;
	s23 =	sor.u32 $0x600, s17  }
0x12: {  	s25 =	sor.u32 $0x500, s17;
	[dreg:$0xe] =	wrdreg s19;
	s19 =	simm.s32 $0x780  }
0x13: {  	[dreg:$0x14] =	wrdreg s15;
	s15 =	sshrl.u32 s24, $0x3;
	s20 =	sshrl.u32 s26, $0x3  }
0x14: {  	s24 =	sshrl.u32 s23, $0x3;
	s26 =	sor.u32 $0x400, s17;
	s23 =	sor.u32 $0x300, s17  }
0x15: {  	[dreg:$0x12] =	wrdreg s19;
	s19 =	simm.s32 $0xC;
	s15 =	sadd.s32 s12, s15  }
0x16: {  	s22 =	sadd.s32 s20, s16;
	s20 =	sshrl.u32 s26, $0x3;
	[dreg:$0x15] =	wrdreg s15  }
0x17: {  	s26 =	sor.u32 $0x100, s17;
	s15 =	sadd.s32 s12, s18;
	[dreg:$0x3] =	wrdreg s22  }
0x18: {  	s18 =	sshrl.u32 s25, $0x3;
	s22 =	sadd.s32 s20, s16;
	s25 =	sor.u32 $0x200, s17  }
0x19: {  	s20 =	sshrl.u32 s26, $0x3;
	s17 =	sshrl.u32 s17, $0x3;
	[dreg:$0x16] =	wrdreg s15  }
0x1a: {  	s26 =	simm.s32 $0x80;
	s15 =	sadd.s32 s24, s16;
	[dreg:$0x6] =	wrdreg s22  }
0x1b: {  	s18 =	sadd.s32 s18, s16;
	s24 =	sshrl.u32 s23, $0x3;
	[dreg:$0xb] =	wrdreg s26  }
0x1c: {  	s22 =	sadd.s32 s20, s16;
	s23 =	sadd.s32 s14, s7;
	[dreg:$0x4] =	wrdreg s15  }
0x1d: {  	s20 =	simm.s32 $0x480;
	s26 =	sadd.s32 s14, s11;
	[dreg:$0x5] =	wrdreg s18  }
0x1e: {  	s15 =	sadd.s32 s24, s16;
	s18 =	sshrl.u32 s25, $0x3;
	[dreg:$0x9] =	wrdreg s22  }
0x1f: {  	s24 =	sadd.s32 s17, s16;
	s25 =	sshrl.u32 s23, $0x3;
	[dreg:$0xf] =	wrdreg s20  }
0x20: {  	s17 =	sadd.s32 s14, s8;
	s22 =	sadd.s32 s14, s9;
	[dreg:$0x7] =	wrdreg s15  }
0x21: {  	s23 =	simm.s32 $0x580;
	s20 =	sadd.s32 $0xC5E00, s0;
	[dreg:$0xa] =	wrdreg s24  }
0x22: {  	s18 =	sadd.s32 s18, s16;
	s16 =	sadd.s32 s12, s25;
	[dreg:$0x10] =	wrdreg s23  }
0x23: {  	s24 =	simm.s32 $0x680;
	s25 =	sadd.s32 s14, s10;
	[dreg:$0x1d] =	wrdreg s20  }
0x24: {  	s15 =	sshrl.u32 s26, $0x3;
	s14 =	sadd.s32 s14, s13;
	[dreg:$0x8] =	wrdreg s18  }
0x25: {  	s23 =	sadd.s32 s6, s1;
	s26 =	sadd.s32 s9, s1;
	[dreg:$0x17] =	wrdreg s16  }
0x26: {  	s6 =	sadd.s32 s11, s1;
	s9 =	simm.s32 $0x40;
	[dreg:$0x11] =	wrdreg s24  }
0x27: {  	s11 =	simm.s32 $0x2800;
	s13 =	simm.s32 $0x4800;
	[smem:$0x7F5] =	sst s26  }
0x28: {  	s20 =	simm.s32 $0xD;
	s16 =	simm.s32 $0x180;
	[smem:$0x7FC] =	sst s6  }
0x29: {  	s18 =	simm.s32 $0x280;
	s15 =	sadd.s32 s12, s15;
	[dreg:$0xc] =	wrdreg s16  }
0x2a: {  	s14 =	sshrl.u32 s14, $0x3;
	s24 =	sadd.s32 s7, s1;
	[dreg:$0xd] =	wrdreg s18  }
0x2b: {  	s26 =	simm.s32 $0x10;
	s16 =	sshrl.u32 s17, $0x3;
	[dreg:$0x1b] =	wrdreg s15  }
0x2c: {  	s17 =	sshrl.u32 s25, $0x3;
	s15 =	sadd.s32 s4, s1;
	[smem:$0x7F4] =	sst s24  }
0x2d: {  	s25 =	sadd.s32 s8, s1;
	s8 =	smov.u32 s23;
	[smem:$0x7F7] =	sst s15  }
0x2e: {  	s18 =	smul.u32 $0x50000, s21;
	s16 =	sadd.s32 s12, s16;
	[smem:$0x7F9] =	sst s8  }
0x2f: {  	s23 =	simm.s32 $0x6;
	[dreg:$0x18] =	wrdreg s16;
	s16 =	sshrl.u32 s22, $0x3  }
0x30: {  	s22 =	sadd.s32 s5, s1;
	s5 =	sadd.s32 s10, s1;
	s10 =	smov.u32 s25  }
0x31: {  	s24 =	simm.s32 $0xF;
	s4 =	simm.s32 $0x0;
	[smem:$0x7FA] =	sst s10  }
0x32: {  	s21 =	sshrl.u32 s18, $0x2;
	s16 =	sadd.s32 s12, s16;
	[smem:$0x7FB] =	sst s5  }
0x33: {  	s18 =	simm.s32 $0xB;
	s7 =	smov.u32 s22;
	[dreg:$0x19] =	wrdreg s16  }
0x34: {  	s25 =	simm.s32 $0x7;
	s16 =	sadd.s32 s12, s17;
	[smem:$0x7F8] =	sst s7  }
0x35: {  	s22 =	simm.s32 $0xE;
	s12 =	sadd.s32 s12, s14;
	[dreg:$0x1a] =	wrdreg s16  }
0x36: {  	s14 =	sadd.s32 $0x116400, s0;
	s0 =	sadd.s32 $0xC6200, s0;
	[dreg:$0x1c] =	wrdreg s12  }
0x37: {  	s17 =	simm.s32 $0xA;
	[dreg:$0x1e] =	wrdreg s0;
	s12 =	sadd.s32 s21, s1  }
0x38: {  	s16 =	simm.s32 $0x6800;
	s21 =	simm.s32 $0x5;
	[dreg:$0x1f] =	wrdreg s12  }
.LBB2_1:
0x39: {  	[smem:$0x7F3] =	sst s4  }
0x3a: {  	s2 =	simm.s32 $0x11;
	s0 =	rddreg [dreg:$0x1d]  }
0x3b: {  	[tilespmem:s29], [sflag:$0x11] =	stream.linear.gather [hbm4b:s0+s3], $0x2000, $0x38;
	[tilespmem:$0x1C880] =	vst v63  }
0x3c: {  	_ =	swait.ge [sflag:s2], $0x2000  }
0x3d: {  	[sflag:s2] =	ssyncset.done $0x0  }
0x3e: {  	s4 =	simm.s32 $0x8800;
	s0 =	rddreg [dreg:$0x1e];
	[sflag:s2] =	ssyncadd.s32 $0xFFFFE000  }
0x3f: {  	[tilespmem:s4], [sflag:$0x11] =	stream.linear.gather [hbm4b:s0+s3], $0x80, $0x38;
	[tilespmem:$0x1C880] =	vst v63  }
0x40: {  	_ =	swait.ge [sflag:s2], $0x80  }
0x41: {  	[sflag:s2] =	ssyncset.done $0x0  }
0x42: {  	[sflag:s2] =	ssyncadd.s32 $0xFFFFFF80  }
0x43: {  	[spmem:s12] =	stream.linear.scatter [tilespmem:s29], [sflag:$0x11], $0x2000, $0x38;
	[tilespmem:$0x1C880] =	vst v63  }
0x44: {  	_ =	swait.ge [sflag:s2], $0x2000  }
0x45: {  	[sflag:s2] =	ssyncset.done $0x0  }
0x46: {  	[sflag:s2] =	ssyncadd.s32 $0xFFFFE000  }
0x47: {  	[spmem:s15] =	stream.linear.scatter [tilespmem:s29], [sflag:$0x11], $0x2000, $0x38;
	[tilespmem:$0x1C880] =	vst v63  }
0x48: {  	_ =	swait.ge [sflag:s2], $0x2000  }
0x49: {  	[sflag:s2] =	ssyncset.done $0x0  }
0x4a: {  	[sflag:s2] =	ssyncadd.s32 $0xFFFFE000  }
0x4b: {  	[spmem:s7] =	stream.linear.scatter [tilespmem:s29], [sflag:$0x11], $0x2000, $0x38;
	[tilespmem:$0x1C880] =	vst v63  }
0x4c: {  	_ =	swait.ge [sflag:s2], $0x2000  }
0x4d: {  	[sflag:s2] =	ssyncset.done $0x0  }
0x4e: {  	[sflag:s2] =	ssyncadd.s32 $0xFFFFE000  }
0x4f: {  	[spmem:s8] =	stream.linear.scatter [tilespmem:s29], [sflag:$0x11], $0x2000, $0x38;
	[tilespmem:$0x1C880] =	vst v63  }
0x50: {  	_ =	swait.ge [sflag:s2], $0x2000  }
0x51: {  	s4 =	sld [smem:$0x7F4]  }
0x52: {  	[sflag:s2] =	ssyncset.done $0x0  }
0x53: {  	[sflag:s2] =	ssyncadd.s32 $0xFFFFE000  }
0x54: {  	[spmem:s4] =	stream.linear.scatter [tilespmem:s29], [sflag:$0x11], $0x2000, $0x38;
	[tilespmem:$0x1C880] =	vst v63  }
0x55: {  	_ =	swait.ge [sflag:s2], $0x2000  }
0x56: {  	[sflag:s2] =	ssyncset.done $0x0  }
0x57: {  	[sflag:s2] =	ssyncadd.s32 $0xFFFFE000  }
0x58: {  	[spmem:s10] =	stream.linear.scatter [tilespmem:s29], [sflag:$0x11], $0x2000, $0x38;
	[tilespmem:$0x1C880] =	vst v63  }
0x59: {  	_ =	swait.ge [sflag:s2], $0x2000  }
0x5a: {  	s7 =	sld [smem:$0x7F5]  }
0x5b: {  	[sflag:s2] =	ssyncset.done $0x0  }
0x5c: {  	[sflag:s2] =	ssyncadd.s32 $0xFFFFE000  }
0x5d: {  	[spmem:s7] =	stream.linear.scatter [tilespmem:s29], [sflag:$0x11], $0x2000, $0x38;
	[tilespmem:$0x1C880] =	vst v63  }
0x5e: {  	_ =	swait.ge [sflag:s2], $0x2000  }
0x5f: {  	[sflag:s2] =	ssyncset.done $0x0  }
0x60: {  	[sflag:s2] =	ssyncadd.s32 $0xFFFFE000  }
0x61: {  	[spmem:s5] =	stream.linear.scatter [tilespmem:s29], [sflag:$0x11], $0x2000, $0x38;
	[tilespmem:$0x1C880] =	vst v63  }
0x62: {  	_ =	swait.ge [sflag:s2], $0x2000  }
0x63: {  	[sflag:s2] =	ssyncset.done $0x0  }
0x64: {  	[sflag:s2] =	ssyncadd.s32 $0xFFFFE000  }
0x65: {  	[spmem:s6] =	stream.linear.scatter [tilespmem:s29], [sflag:$0x11], $0x2000, $0x38;
	[tilespmem:$0x1C880] =	vst v63  }
0x66: {  	_ =	swait.ge [sflag:s2], $0x2000  }
0x67: {  	[sflag:s2] =	ssyncset.done $0x0  }
0x68: {  	[sflag:s2] =	ssyncadd.s32 $0xFFFFE000  }
0x69: {  	[spmem:s31] =	stream.linear.scatter [tilespmem:s29], [sflag:$0x11], $0x2000, $0x38;
	[tilespmem:$0x1C880] =	vst v63  }
0x6a: {  	_ =	swait.ge [sflag:s2], $0x2000  }
0x6b: {  	[sflag:s2] =	ssyncset.done $0x0  }
0x6c: {  	[sflag:s2] =	ssyncadd.s32 $0xFFFFE000  }
0x6d: {  	[bflag:$0x0] =	sbarrier.arrive $0xFFFF  }
0x6e: {  	s8 =	rddreg [dreg:$0xa]  }
0x6f: {  	s10 =	rddreg [dreg:$0x9];
	s0 =	sadd.s32 $0x0, s8  }
0x70: {  	[tilespmem:s3], [sflag:$0x1] =	stream.linear.gather [hbm4b:s0+s3], $0x100, $0x38;
	[tilespmem:$0x1C880] =	vst v63  }
0x71: {  	s4 =	simm.s32 $0x100;
	s31 =	rddreg [dreg:$0x8];
	s12 =	sadd.s32 $0x0, s10  }
0x72: {  	[tilespmem:s4], [sflag:$0x2] =	stream.linear.gather [hbm4b:s12+s3], $0x100, $0x38;
	[tilespmem:$0x1C880] =	vst v63  }
0x73: {  	s5 =	simm.s32 $0x200;
	s15 =	rddreg [dreg:$0x7];
	s6 =	sadd.s32 $0x0, s31  }
0x74: {  	[tilespmem:s5], [sflag:$0x3] =	stream.linear.gather [hbm4b:s6+s3], $0x100, $0x38;
	[tilespmem:$0x1C880] =	vst v63  }
0x75: {  	s31 =	rddreg [dreg:$0x6];
	s7 =	sadd.s32 $0x0, s15;
	s6 =	simm.s32 $0x300  }
0x76: {  	[tilespmem:s6], [sflag:$0x4] =	stream.linear.gather [hbm4b:s7+s3], $0x100, $0x38;
	[tilespmem:$0x1C880] =	vst v63  }
0x77: {  	s8 =	rddreg [dreg:$0x5];
	s10 =	sadd.s32 $0x0, s31;
	s7 =	simm.s32 $0x400  }
0x78: {  	[tilespmem:s7], [sflag:$0x5] =	stream.linear.gather [hbm4b:s10+s3], $0x100, $0x38;
	[tilespmem:$0x1C880] =	vst v63  }
0x79: {  	s31 =	rddreg [dreg:$0x4];
	s12 =	sadd.s32 $0x0, s8;
	s8 =	simm.s32 $0x500  }
0x7a: {  	[tilespmem:s8], [sflag:$0x6] =	stream.linear.gather [hbm4b:s12+s3], $0x100, $0x38;
	[tilespmem:$0x1C880] =	vst v63  }
0x7b: {  	s15 =	rddreg [dreg:$0x3];
	s10 =	simm.s32 $0x600;
	s12 =	sadd.s32 $0x0, s31  }
0x7c: {  	[tilespmem:s10], [sflag:$0x7] =	stream.linear.gather [hbm4b:s12+s3], $0x100, $0x38;
	[tilespmem:$0x1C880] =	vst v63  }
0x7d: {  	s2 =	simm.s32 $0x700;
	s15 =	sadd.s32 $0x0, s15;
	s12 =	simm.s32 $0x1  }
0x7e: {  	[tilespmem:s2], [sflag:$0x8] =	stream.linear.gather [hbm4b:s15+s3], $0x100, $0x38;
	[tilespmem:$0x1C880] =	vst v63  }
0x7f: {  	_ =	swait.ge [sflag:s12], $0x100  }
0x80: {  	[sflag:s12] =	ssyncset.done $0x0  }
0x81: {  	s15 =	simm.s32 $0x2;
	[sflag:s12] =	ssyncadd.s32 $0xFFFFFF00  }
0x82: {  	[tilespmem:s29], [sflag:$0x9] =	stream.indirect.gather [hbm4b:s14+s9], $0x80, s3, s9, $0xb8;
	[tilespmem:$0x1C880] =	vst v63  }
0x83: {  	_ =	swait.ge [sflag:s15], $0x100  }
0x84: {  	[sflag:s15] =	ssyncset.done $0x0  }
0x85: {  	[sflag:s15] =	ssyncadd.s32 $0xFFFFFF00  }
0x86: {  	[tilespmem:s11], [sflag:$0xA] =	stream.indirect.gather [hbm4b:s14+s9], $0x80, s4, s9, $0xb8;
	[tilespmem:$0x1C880] =	vst v63  }
0x87: {  	s4 =	simm.s32 $0x3  }
0x88: {  	_ =	swait.ge [sflag:s4], $0x100  }
0x89: {  	[sflag:s4] =	ssyncset.done $0x0  }
0x8a: {  	s12 =	simm.s32 $0x4;
	[sflag:s4] =	ssyncadd.s32 $0xFFFFFF00  }
0x8b: {  	[tilespmem:s13], [sflag:$0xB] =	stream.indirect.gather [hbm4b:s14+s9], $0x80, s5, s9, $0xb8;
	[tilespmem:$0x1C880] =	vst v63  }
0x8c: {  	_ =	swait.ge [sflag:s12], $0x100  }
0x8d: {  	[sflag:s12] =	ssyncset.done $0x0  }
0x8e: {  	[sflag:s12] =	ssyncadd.s32 $0xFFFFFF00  }
0x8f: {  	[tilespmem:s16], [sflag:$0xC] =	stream.indirect.gather [hbm4b:s14+s9], $0x80, s6, s9, $0xb8;
	[tilespmem:$0x1C880] =	vst v63  }
0x90: {  	_ =	swait.ge [sflag:s28], $0x2000  }
0x91: {  	[sflag:s28] =	ssyncset.done $0x0  }
0x92: {  	s15 =	rddreg [dreg:$0xb];
	[sflag:s28] =	ssyncadd.s32 $0xFFFFE000  }
0x93: {  	[spmem:s1] =	stream.indirect.scatter.add.f32 [tilespmem:s29], [sflag:$0xD], $0x80, s15, s9, $0xb8;
	[tilespmem:$0x1C880] =	vst v63  }
0x94: {  	_ =	swait.ge [sflag:s17], $0x2000  }
0x95: {  	[sflag:s17] =	ssyncset.done $0x0  }
0x96: {  	s4 =	rddreg [dreg:$0xc];
	[sflag:s17] =	ssyncadd.s32 $0xFFFFE000  }
0x97: {  	[spmem:s1] =	stream.indirect.scatter.add.f32 [tilespmem:s11], [sflag:$0xE], $0x80, s4, s9, $0xb8;
	[tilespmem:$0x1C880] =	vst v63  }
0x98: {  	_ =	swait.ge [sflag:s18], $0x2000  }
0x99: {  	[sflag:s18] =	ssyncset.done $0x0  }
0x9a: {  	s5 =	rddreg [dreg:$0xd];
	[sflag:s18] =	ssyncadd.s32 $0xFFFFE000  }
0x9b: {  	[spmem:s1] =	stream.indirect.scatter.add.f32 [tilespmem:s13], [sflag:$0xF], $0x80, s5, s9, $0xb8;
	[tilespmem:$0x1C880] =	vst v63  }
0x9c: {  	_ =	swait.ge [sflag:s19], $0x2000  }
0x9d: {  	[sflag:s19] =	ssyncset.done $0x0  }
0x9e: {  	s6 =	rddreg [dreg:$0xe];
	[sflag:s19] =	ssyncadd.s32 $0xFFFFE000  }
0x9f: {  	[spmem:s1] =	stream.indirect.scatter.add.f32 [tilespmem:s16], [sflag:$0x10], $0x80, s6, s9, $0xb8;
	[tilespmem:$0x1C880] =	vst v63  }
0xa0: {  	_ =	swait.ge [sflag:s20], $0x2000  }
0xa1: {  	[sflag:s20] =	ssyncset.done $0x0  }
0xa2: {  	[sflag:s20] =	ssyncadd.s32 $0xFFFFE000  }
0xa3: {  	_ =	swait.ge [sflag:s21], $0x100  }
0xa4: {  	[sflag:s21] =	ssyncset.done $0x0  }
0xa5: {  	[sflag:s21] =	ssyncadd.s32 $0xFFFFFF00  }
0xa6: {  	[tilespmem:s29], [sflag:$0x9] =	stream.indirect.gather [hbm4b:s14+s9], $0x80, s7, s9, $0xb8;
	[tilespmem:$0x1C880] =	vst v63  }
0xa7: {  	_ =	swait.ge [sflag:s22], $0x2000  }
0xa8: {  	[sflag:s22] =	ssyncset.done $0x0  }
0xa9: {  	[sflag:s22] =	ssyncadd.s32 $0xFFFFE000  }
0xaa: {  	_ =	swait.ge [sflag:s23], $0x100  }
0xab: {  	[sflag:s23] =	ssyncset.done $0x0  }
0xac: {  	[sflag:s23] =	ssyncadd.s32 $0xFFFFFF00  }
0xad: {  	[tilespmem:s11], [sflag:$0xA] =	stream.indirect.gather [hbm4b:s14+s9], $0x80, s8, s9, $0xb8;
	[tilespmem:$0x1C880] =	vst v63  }
0xae: {  	_ =	swait.ge [sflag:s24], $0x2000  }
0xaf: {  	[sflag:s24] =	ssyncset.done $0x0  }
0xb0: {  	[sflag:s24] =	ssyncadd.s32 $0xFFFFE000  }
0xb1: {  	_ =	swait.ge [sflag:s25], $0x100  }
0xb2: {  	[sflag:s25] =	ssyncset.done $0x0  }
0xb3: {  	[sflag:s25] =	ssyncadd.s32 $0xFFFFFF00  }
0xb4: {  	[tilespmem:s13], [sflag:$0xB] =	stream.indirect.gather [hbm4b:s14+s9], $0x80, s10, s9, $0xb8;
	[tilespmem:$0x1C880] =	vst v63  }
0xb5: {  	_ =	swait.ge [sflag:s26], $0x2000  }
0xb6: {  	[sflag:s26] =	ssyncset.done $0x0  }
0xb7: {  	[sflag:s26] =	ssyncadd.s32 $0xFFFFE000  }
0xb8: {  	_ =	swait.ge [sflag:s30], $0x100  }
0xb9: {  	[sflag:s30] =	ssyncset.done $0x0  }
0xba: {  	[sflag:s30] =	ssyncadd.s32 $0xFFFFFF00  }
0xbb: {  	[tilespmem:s16], [sflag:$0xC] =	stream.indirect.gather [hbm4b:s14+s9], $0x80, s2, s9, $0xb8;
	[tilespmem:$0x1C880] =	vst v63  }
0xbc: {  	_ =	swait.ge [sflag:s28], $0x2000  }
0xbd: {  	[sflag:s28] =	ssyncset.done $0x0  }
0xbe: {  	s8 =	rddreg [dreg:$0xf];
	[sflag:s28] =	ssyncadd.s32 $0xFFFFE000  }
0xbf: {  	[spmem:s1] =	stream.indirect.scatter.add.f32 [tilespmem:s29], [sflag:$0xD], $0x80, s8, s9, $0xb8;
	[tilespmem:$0x1C880] =	vst v63  }
0xc0: {  	_ =	swait.ge [sflag:s17], $0x2000  }
0xc1: {  	[sflag:s17] =	ssyncset.done $0x0  }
0xc2: {  	s10 =	rddreg [dreg:$0x10];
	[sflag:s17] =	ssyncadd.s32 $0xFFFFE000  }
0xc3: {  	[spmem:s1] =	stream.indirect.scatter.add.f32 [tilespmem:s11], [sflag:$0xE], $0x80, s10, s9, $0xb8;
	[tilespmem:$0x1C880] =	vst v63  }
0xc4: {  	_ =	swait.ge [sflag:s18], $0x2000  }
0xc5: {  	[sflag:s18] =	ssyncset.done $0x0  }
0xc6: {  	s12 =	rddreg [dreg:$0x11];
	[sflag:s18] =	ssyncadd.s32 $0xFFFFE000  }
0xc7: {  	[spmem:s1] =	stream.indirect.scatter.add.f32 [tilespmem:s13], [sflag:$0xF], $0x80, s12, s9, $0xb8;
	[tilespmem:$0x1C880] =	vst v63  }
0xc8: {  	_ =	swait.ge [sflag:s19], $0x2000  }
0xc9: {  	[sflag:s19] =	ssyncset.done $0x0  }
0xca: {  	s15 =	rddreg [dreg:$0x12];
	[sflag:s19] =	ssyncadd.s32 $0xFFFFE000  }
0xcb: {  	[spmem:s1] =	stream.indirect.scatter.add.f32 [tilespmem:s16], [sflag:$0x10], $0x80, s15, s9, $0xb8;
	[tilespmem:$0x1C880] =	vst v63  }
0xcc: {  	_ =	swait.ge [sflag:s20], $0x2000  }
0xcd: {  	[sflag:s20] =	ssyncset.done $0x0  }
0xce: {  	[sflag:s20] =	ssyncadd.s32 $0xFFFFE000  }
0xcf: {  	_ =	swait.ge [sflag:s22], $0x2000  }
0xd0: {  	[sflag:s22] =	ssyncset.done $0x0  }
0xd1: {  	[sflag:s22] =	ssyncadd.s32 $0xFFFFE000  }
0xd2: {  	_ =	swait.ge [sflag:s24], $0x2000  }
0xd3: {  	[sflag:s24] =	ssyncset.done $0x0  }
0xd4: {  	[sflag:s24] =	ssyncadd.s32 $0xFFFFE000  }
0xd5: {  	s0 =	simm.s32 $0x100;
	_ =	swait.ge [sflag:s26], $0x2000  }
0xd6: {  	s2 =	simm.s32 $0x200;
	s31 =	rddreg [dreg:$0xa];
	[sflag:s26] =	ssyncset.done $0x0  }
.LBB2_2:
0xd7: {  	[sflag:s26] =	ssyncadd.s32 $0xFFFFE000;
	s5 =	rddreg [dreg:$0x9];
	s31 =	sadd.s32 s0, s31  }
0xd8: {  	[tilespmem:s3], [sflag:$0x1] =	stream.linear.gather [hbm4b:s31+s3], $0x100, $0x38;
	[tilespmem:$0x1C880] =	vst v63  }
0xd9: {  	s6 =	rddreg [dreg:$0x8];
	s7 =	simm.s32 $0x100;
	s5 =	sadd.s32 s0, s5  }
0xda: {  	[tilespmem:s7], [sflag:$0x2] =	stream.linear.gather [hbm4b:s5+s3], $0x100, $0x38;
	[tilespmem:$0x1C880] =	vst v63  }
0xdb: {  	s8 =	simm.s32 $0x200;
	s31 =	rddreg [dreg:$0x7];
	s12 =	sadd.s32 s0, s6  }
0xdc: {  	[tilespmem:s8], [sflag:$0x3] =	stream.linear.gather [hbm4b:s12+s3], $0x100, $0x38;
	[tilespmem:$0x1C880] =	vst v63  }
0xdd: {  	s15 =	rddreg [dreg:$0x6];
	s10 =	simm.s32 $0x300;
	s12 =	sadd.s32 s0, s31  }
0xde: {  	[tilespmem:s10], [sflag:$0x4] =	stream.linear.gather [hbm4b:s12+s3], $0x100, $0x38;
	[tilespmem:$0x1C880] =	vst v63  }
0xdf: {  	s15 =	sadd.s32 s0, s15;
	s31 =	rddreg [dreg:$0x5];
	s12 =	simm.s32 $0x400  }
0xe0: {  	[tilespmem:s12], [sflag:$0x5] =	stream.linear.gather [hbm4b:s15+s3], $0x100, $0x38;
	[tilespmem:$0x1C880] =	vst v63  }
0xe1: {  	s6 =	rddreg [dreg:$0x4];
	s5 =	sadd.s32 s0, s31;
	s15 =	simm.s32 $0x500  }
0xe2: {  	[tilespmem:s15], [sflag:$0x6] =	stream.linear.gather [hbm4b:s5+s3], $0x100, $0x38;
	[tilespmem:$0x1C880] =	vst v63  }
0xe3: {  	s31 =	rddreg [dreg:$0x3];
	s5 =	sadd.s32 s0, s6;
	s6 =	simm.s32 $0x600  }
0xe4: {  	[tilespmem:s6], [sflag:$0x7] =	stream.linear.gather [hbm4b:s5+s3], $0x100, $0x38;
	[tilespmem:$0x1C880] =	vst v63  }
0xe5: {  	s5 =	sadd.s32 s0, s31;
	s31 =	simm.s32 $0x700  }
0xe6: {  	[tilespmem:s31], [sflag:$0x8] =	stream.linear.gather [hbm4b:s5+s3], $0x100, $0x38;
	[tilespmem:$0x1C880] =	vst v63  }
0xe7: {  	s5 =	simm.s32 $0x1  }
0xe8: {  	_ =	swait.ge [sflag:s5], $0x100  }
0xe9: {  	[sflag:s5] =	ssyncset.done $0x0  }
0xea: {  	[sflag:s5] =	ssyncadd.s32 $0xFFFFFF00;
	s5 =	simm.s32 $0x2  }
0xeb: {  	[tilespmem:s29], [sflag:$0x9] =	stream.indirect.gather [hbm4b:s14+s9], $0x80, s3, s9, $0xb8;
	[tilespmem:$0x1C880] =	vst v63  }
0xec: {  	_ =	swait.ge [sflag:s5], $0x100  }
0xed: {  	[sflag:s5] =	ssyncset.done $0x0  }
0xee: {  	[sflag:s5] =	ssyncadd.s32 $0xFFFFFF00;
	s5 =	simm.s32 $0x3  }
0xef: {  	[tilespmem:s11], [sflag:$0xA] =	stream.indirect.gather [hbm4b:s14+s9], $0x80, s7, s9, $0xb8;
	[tilespmem:$0x1C880] =	vst v63  }
0xf0: {  	_ =	swait.ge [sflag:s5], $0x100  }
0xf1: {  	[sflag:s5] =	ssyncset.done $0x0  }
0xf2: {  	s7 =	simm.s32 $0x4;
	[sflag:s5] =	ssyncadd.s32 $0xFFFFFF00  }
0xf3: {  	[tilespmem:s13], [sflag:$0xB] =	stream.indirect.gather [hbm4b:s14+s9], $0x80, s8, s9, $0xb8;
	[tilespmem:$0x1C880] =	vst v63  }
0xf4: {  	_ =	swait.ge [sflag:s7], $0x100  }
0xf5: {  	[sflag:s7] =	ssyncset.done $0x0  }
0xf6: {  	[sflag:s7] =	ssyncadd.s32 $0xFFFFFF00  }
0xf7: {  	[tilespmem:s16], [sflag:$0xC] =	stream.indirect.gather [hbm4b:s14+s9], $0x80, s10, s9, $0xb8;
	[tilespmem:$0x1C880] =	vst v63  }
0xf8: {  	_ =	swait.ge [sflag:s28], $0x2000  }
0xf9: {  	[sflag:s28] =	ssyncset.done $0x0  }
0xfa: {  	s8 =	rddreg [dreg:$0xb];
	[sflag:s28] =	ssyncadd.s32 $0xFFFFE000  }
0xfb: {  	[spmem:s1] =	stream.indirect.scatter.add.f32 [tilespmem:s29], [sflag:$0xD], $0x80, s8, s9, $0xb8;
	[tilespmem:$0x1C880] =	vst v63  }
0xfc: {  	_ =	swait.ge [sflag:s17], $0x2000  }
0xfd: {  	[sflag:s17] =	ssyncset.done $0x0  }
0xfe: {  	s10 =	rddreg [dreg:$0xc];
	[sflag:s17] =	ssyncadd.s32 $0xFFFFE000  }
0xff: {  	[spmem:s1] =	stream.indirect.scatter.add.f32 [tilespmem:s11], [sflag:$0xE], $0x80, s10, s9, $0xb8;
	[tilespmem:$0x1C880] =	vst v63  }
0x100: {  	_ =	swait.ge [sflag:s18], $0x2000  }
0x101: {  	[sflag:s18] =	ssyncset.done $0x0  }
0x102: {  	s5 =	rddreg [dreg:$0xd];
	[sflag:s18] =	ssyncadd.s32 $0xFFFFE000  }
0x103: {  	[spmem:s1] =	stream.indirect.scatter.add.f32 [tilespmem:s13], [sflag:$0xF], $0x80, s5, s9, $0xb8;
	[tilespmem:$0x1C880] =	vst v63  }
0x104: {  	_ =	swait.ge [sflag:s19], $0x2000  }
0x105: {  	[sflag:s19] =	ssyncset.done $0x0  }
0x106: {  	s7 =	rddreg [dreg:$0xe];
	[sflag:s19] =	ssyncadd.s32 $0xFFFFE000  }
0x107: {  	[spmem:s1] =	stream.indirect.scatter.add.f32 [tilespmem:s16], [sflag:$0x10], $0x80, s7, s9, $0xb8;
	[tilespmem:$0x1C880] =	vst v63  }
0x108: {  	_ =	swait.ge [sflag:s20], $0x2000  }
0x109: {  	[sflag:s20] =	ssyncset.done $0x0  }
0x10a: {  	[sflag:s20] =	ssyncadd.s32 $0xFFFFE000  }
0x10b: {  	_ =	swait.ge [sflag:s21], $0x100  }
0x10c: {  	[sflag:s21] =	ssyncset.done $0x0  }
0x10d: {  	[sflag:s21] =	ssyncadd.s32 $0xFFFFFF00  }
0x10e: {  	[tilespmem:s29], [sflag:$0x9] =	stream.indirect.gather [hbm4b:s14+s9], $0x80, s12, s9, $0xb8;
	[tilespmem:$0x1C880] =	vst v63  }
0x10f: {  	_ =	swait.ge [sflag:s22], $0x2000  }
0x110: {  	[sflag:s22] =	ssyncset.done $0x0  }
0x111: {  	[sflag:s22] =	ssyncadd.s32 $0xFFFFE000  }
0x112: {  	_ =	swait.ge [sflag:s23], $0x100  }
0x113: {  	[sflag:s23] =	ssyncset.done $0x0  }
0x114: {  	[sflag:s23] =	ssyncadd.s32 $0xFFFFFF00  }
0x115: {  	[tilespmem:s11], [sflag:$0xA] =	stream.indirect.gather [hbm4b:s14+s9], $0x80, s15, s9, $0xb8;
	[tilespmem:$0x1C880] =	vst v63  }
0x116: {  	_ =	swait.ge [sflag:s24], $0x2000  }
0x117: {  	[sflag:s24] =	ssyncset.done $0x0  }
0x118: {  	[sflag:s24] =	ssyncadd.s32 $0xFFFFE000  }
0x119: {  	_ =	swait.ge [sflag:s25], $0x100  }
0x11a: {  	[sflag:s25] =	ssyncset.done $0x0  }
0x11b: {  	[sflag:s25] =	ssyncadd.s32 $0xFFFFFF00  }
0x11c: {  	[tilespmem:s13], [sflag:$0xB] =	stream.indirect.gather [hbm4b:s14+s9], $0x80, s6, s9, $0xb8;
	[tilespmem:$0x1C880] =	vst v63  }
0x11d: {  	_ =	swait.ge [sflag:s26], $0x2000  }
0x11e: {  	[sflag:s26] =	ssyncset.done $0x0  }
0x11f: {  	[sflag:s26] =	ssyncadd.s32 $0xFFFFE000  }
0x120: {  	_ =	swait.ge [sflag:s30], $0x100  }
0x121: {  	[sflag:s30] =	ssyncset.done $0x0  }
0x122: {  	[sflag:s30] =	ssyncadd.s32 $0xFFFFFF00  }
0x123: {  	[tilespmem:s16], [sflag:$0xC] =	stream.indirect.gather [hbm4b:s14+s9], $0x80, s31, s9, $0xb8;
	[tilespmem:$0x1C880] =	vst v63  }
0x124: {  	_ =	swait.ge [sflag:s28], $0x2000  }
0x125: {  	[sflag:s28] =	ssyncset.done $0x0  }
0x126: {  	s8 =	rddreg [dreg:$0xf];
	[sflag:s28] =	ssyncadd.s32 $0xFFFFE000  }
0x127: {  	[spmem:s1] =	stream.indirect.scatter.add.f32 [tilespmem:s29], [sflag:$0xD], $0x80, s8, s9, $0xb8;
	[tilespmem:$0x1C880] =	vst v63  }
0x128: {  	_ =	swait.ge [sflag:s17], $0x2000  }
0x129: {  	[sflag:s17] =	ssyncset.done $0x0  }
0x12a: {  	s10 =	rddreg [dreg:$0x10];
	[sflag:s17] =	ssyncadd.s32 $0xFFFFE000  }
0x12b: {  	[spmem:s1] =	stream.indirect.scatter.add.f32 [tilespmem:s11], [sflag:$0xE], $0x80, s10, s9, $0xb8;
	[tilespmem:$0x1C880] =	vst v63  }
0x12c: {  	_ =	swait.ge [sflag:s18], $0x2000  }
0x12d: {  	[sflag:s18] =	ssyncset.done $0x0  }
0x12e: {  	s12 =	rddreg [dreg:$0x11];
	[sflag:s18] =	ssyncadd.s32 $0xFFFFE000  }
0x12f: {  	[spmem:s1] =	stream.indirect.scatter.add.f32 [tilespmem:s13], [sflag:$0xF], $0x80, s12, s9, $0xb8;
	[tilespmem:$0x1C880] =	vst v63  }
0x130: {  	_ =	swait.ge [sflag:s19], $0x2000  }
0x131: {  	[sflag:s19] =	ssyncset.done $0x0  }
0x132: {  	s15 =	rddreg [dreg:$0x12];
	[sflag:s19] =	ssyncadd.s32 $0xFFFFE000  }
0x133: {  	[spmem:s1] =	stream.indirect.scatter.add.f32 [tilespmem:s16], [sflag:$0x10], $0x80, s15, s9, $0xb8;
	[tilespmem:$0x1C880] =	vst v63  }
0x134: {  	_ =	swait.ge [sflag:s20], $0x2000  }
0x135: {  	[sflag:s20] =	ssyncset.done $0x0  }
0x136: {  	[sflag:s20] =	ssyncadd.s32 $0xFFFFE000  }
0x137: {  	_ =	swait.ge [sflag:s22], $0x2000  }
0x138: {  	[sflag:s22] =	ssyncset.done $0x0  }
0x139: {  	p0 =	sne.s32 s2, $0x1300;
	[sflag:s22] =	ssyncadd.s32 $0xFFFFE000  }
.Ltmp0:
0x13a: {  	_ =	swait.ge [sflag:s24], $0x2000;
	(pc) =	sbr.rel @p0 .LBB2_2-.Ltmp0, $4  }
0x13b: {  	[sflag:s24] =	ssyncset.done $0x0  }
0x13c: {  	[sflag:s24] =	ssyncadd.s32 $0xFFFFE000  }
0x13d: {  	s4 =	smov.u32 s2;
	s2 =	sadd.s32 $0x100, s2;
	_ =	swait.ge [sflag:s26], $0x2000  }
0x13e: {  	s0 =	smov.u32 s4;
	s31 =	rddreg [dreg:$0xa];
	[sflag:s26] =	ssyncset.done $0x0  }
0x13f: {  	s2 =	rddreg [dreg:$0x9];
	[sflag:s26] =	ssyncadd.s32 $0xFFFFE000;
	s4 =	sadd.s32 s0, s31  }
0x140: {  	[tilespmem:s3], [sflag:$0x1] =	stream.linear.gather [hbm4b:s4+s3], $0x100, $0x38;
	[tilespmem:$0x1C880] =	vst v63  }
0x141: {  	s6 =	rddreg [dreg:$0x8];
	s5 =	simm.s32 $0x100;
	s2 =	sadd.s32 s0, s2  }
0x142: {  	[tilespmem:s5], [sflag:$0x2] =	stream.linear.gather [hbm4b:s2+s3], $0x100, $0x38;
	[tilespmem:$0x1C880] =	vst v63  }
0x143: {  	s7 =	rddreg [dreg:$0x7];
	s4 =	sadd.s32 s0, s6;
	s6 =	simm.s32 $0x200  }
0x144: {  	[tilespmem:s6], [sflag:$0x3] =	stream.linear.gather [hbm4b:s4+s3], $0x100, $0x38;
	[tilespmem:$0x1C880] =	vst v63  }
0x145: {  	s8 =	rddreg [dreg:$0x6];
	s2 =	sadd.s32 s0, s7;
	s7 =	simm.s32 $0x300  }
0x146: {  	[tilespmem:s7], [sflag:$0x4] =	stream.linear.gather [hbm4b:s2+s3], $0x100, $0x38;
	[tilespmem:$0x1C880] =	vst v63  }
0x147: {  	s10 =	rddreg [dreg:$0x5];
	s4 =	sadd.s32 s0, s8;
	s8 =	simm.s32 $0x400  }
0x148: {  	[tilespmem:s8], [sflag:$0x5] =	stream.linear.gather [hbm4b:s4+s3], $0x100, $0x38;
	[tilespmem:$0x1C880] =	vst v63  }
0x149: {  	s12 =	rddreg [dreg:$0x4];
	s2 =	sadd.s32 s0, s10;
	s10 =	simm.s32 $0x500  }
0x14a: {  	[tilespmem:s10], [sflag:$0x6] =	stream.linear.gather [hbm4b:s2+s3], $0x100, $0x38;
	[tilespmem:$0x1C880] =	vst v63  }
0x14b: {  	s15 =	rddreg [dreg:$0x3];
	s4 =	sadd.s32 s0, s12;
	s12 =	simm.s32 $0x600  }
0x14c: {  	[tilespmem:s12], [sflag:$0x7] =	stream.linear.gather [hbm4b:s4+s3], $0x100, $0x38;
	[tilespmem:$0x1C880] =	vst v63  }
0x14d: {  	s2 =	simm.s32 $0x700;
	s4 =	sadd.s32 s0, s15;
	s15 =	simm.s32 $0x1  }
0x14e: {  	[tilespmem:s2], [sflag:$0x8] =	stream.linear.gather [hbm4b:s4+s3], $0x100, $0x38;
	[tilespmem:$0x1C880] =	vst v63  }
0x14f: {  	_ =	swait.ge [sflag:s15], $0x100  }
0x150: {  	[sflag:s15] =	ssyncset.done $0x0  }
0x151: {  	s4 =	simm.s32 $0x2;
	[sflag:s15] =	ssyncadd.s32 $0xFFFFFF00  }
0x152: {  	[tilespmem:s29], [sflag:$0x9] =	stream.indirect.gather [hbm4b:s14+s9], $0x80, s3, s9, $0xb8;
	[tilespmem:$0x1C880] =	vst v63  }
0x153: {  	_ =	swait.ge [sflag:s4], $0x100  }
0x154: {  	[sflag:s4] =	ssyncset.done $0x0  }
0x155: {  	[sflag:s4] =	ssyncadd.s32 $0xFFFFFF00  }
0x156: {  	[tilespmem:s11], [sflag:$0xA] =	stream.indirect.gather [hbm4b:s14+s9], $0x80, s5, s9, $0xb8;
	[tilespmem:$0x1C880] =	vst v63  }
0x157: {  	s5 =	simm.s32 $0x3  }
0x158: {  	_ =	swait.ge [sflag:s5], $0x100  }
0x159: {  	[sflag:s5] =	ssyncset.done $0x0  }
0x15a: {  	s15 =	simm.s32 $0x4;
	[sflag:s5] =	ssyncadd.s32 $0xFFFFFF00  }
0x15b: {  	[tilespmem:s13], [sflag:$0xB] =	stream.indirect.gather [hbm4b:s14+s9], $0x80, s6, s9, $0xb8;
	[tilespmem:$0x1C880] =	vst v63  }
0x15c: {  	_ =	swait.ge [sflag:s15], $0x100  }
0x15d: {  	[sflag:s15] =	ssyncset.done $0x0  }
0x15e: {  	[sflag:s15] =	ssyncadd.s32 $0xFFFFFF00  }
0x15f: {  	[tilespmem:s16], [sflag:$0xC] =	stream.indirect.gather [hbm4b:s14+s9], $0x80, s7, s9, $0xb8;
	[tilespmem:$0x1C880] =	vst v63  }
0x160: {  	_ =	swait.ge [sflag:s28], $0x2000  }
0x161: {  	[sflag:s28] =	ssyncset.done $0x0  }
0x162: {  	s4 =	rddreg [dreg:$0xb];
	[sflag:s28] =	ssyncadd.s32 $0xFFFFE000  }
0x163: {  	[spmem:s1] =	stream.indirect.scatter.add.f32 [tilespmem:s29], [sflag:$0xD], $0x80, s4, s9, $0xb8;
	[tilespmem:$0x1C880] =	vst v63  }
0x164: {  	_ =	swait.ge [sflag:s17], $0x2000  }
0x165: {  	[sflag:s17] =	ssyncset.done $0x0  }
0x166: {  	s5 =	rddreg [dreg:$0xc];
	[sflag:s17] =	ssyncadd.s32 $0xFFFFE000  }
0x167: {  	[spmem:s1] =	stream.indirect.scatter.add.f32 [tilespmem:s11], [sflag:$0xE], $0x80, s5, s9, $0xb8;
	[tilespmem:$0x1C880] =	vst v63  }
0x168: {  	_ =	swait.ge [sflag:s18], $0x2000  }
0x169: {  	[sflag:s18] =	ssyncset.done $0x0  }
0x16a: {  	s6 =	rddreg [dreg:$0xd];
	[sflag:s18] =	ssyncadd.s32 $0xFFFFE000  }
0x16b: {  	[spmem:s1] =	stream.indirect.scatter.add.f32 [tilespmem:s13], [sflag:$0xF], $0x80, s6, s9, $0xb8;
	[tilespmem:$0x1C880] =	vst v63  }
0x16c: {  	_ =	swait.ge [sflag:s19], $0x2000  }
0x16d: {  	[sflag:s19] =	ssyncset.done $0x0  }
0x16e: {  	s7 =	rddreg [dreg:$0xe];
	[sflag:s19] =	ssyncadd.s32 $0xFFFFE000  }
0x16f: {  	[spmem:s1] =	stream.indirect.scatter.add.f32 [tilespmem:s16], [sflag:$0x10], $0x80, s7, s9, $0xb8;
	[tilespmem:$0x1C880] =	vst v63  }
0x170: {  	_ =	swait.ge [sflag:s20], $0x2000  }
0x171: {  	[sflag:s20] =	ssyncset.done $0x0  }
0x172: {  	[sflag:s20] =	ssyncadd.s32 $0xFFFFE000  }
0x173: {  	_ =	swait.ge [sflag:s21], $0x100  }
0x174: {  	[sflag:s21] =	ssyncset.done $0x0  }
0x175: {  	[sflag:s21] =	ssyncadd.s32 $0xFFFFFF00  }
0x176: {  	[tilespmem:s29], [sflag:$0x9] =	stream.indirect.gather [hbm4b:s14+s9], $0x80, s8, s9, $0xb8;
	[tilespmem:$0x1C880] =	vst v63  }
0x177: {  	_ =	swait.ge [sflag:s22], $0x2000  }
0x178: {  	[sflag:s22] =	ssyncset.done $0x0  }
0x179: {  	[sflag:s22] =	ssyncadd.s32 $0xFFFFE000  }
0x17a: {  	_ =	swait.ge [sflag:s23], $0x100  }
0x17b: {  	[sflag:s23] =	ssyncset.done $0x0  }
0x17c: {  	[sflag:s23] =	ssyncadd.s32 $0xFFFFFF00  }
0x17d: {  	[tilespmem:s11], [sflag:$0xA] =	stream.indirect.gather [hbm4b:s14+s9], $0x80, s10, s9, $0xb8;
	[tilespmem:$0x1C880] =	vst v63  }
0x17e: {  	_ =	swait.ge [sflag:s24], $0x2000  }
0x17f: {  	[sflag:s24] =	ssyncset.done $0x0  }
0x180: {  	[sflag:s24] =	ssyncadd.s32 $0xFFFFE000  }
0x181: {  	_ =	swait.ge [sflag:s25], $0x100  }
0x182: {  	[sflag:s25] =	ssyncset.done $0x0  }
0x183: {  	[sflag:s25] =	ssyncadd.s32 $0xFFFFFF00  }
0x184: {  	[tilespmem:s13], [sflag:$0xB] =	stream.indirect.gather [hbm4b:s14+s9], $0x80, s12, s9, $0xb8;
	[tilespmem:$0x1C880] =	vst v63  }
0x185: {  	_ =	swait.ge [sflag:s26], $0x2000  }
0x186: {  	[sflag:s26] =	ssyncset.done $0x0  }
0x187: {  	[sflag:s26] =	ssyncadd.s32 $0xFFFFE000  }
0x188: {  	_ =	swait.ge [sflag:s30], $0x100  }
0x189: {  	[sflag:s30] =	ssyncset.done $0x0  }
0x18a: {  	[sflag:s30] =	ssyncadd.s32 $0xFFFFFF00  }
0x18b: {  	[tilespmem:s16], [sflag:$0xC] =	stream.indirect.gather [hbm4b:s14+s9], $0x80, s2, s9, $0xb8;
	[tilespmem:$0x1C880] =	vst v63  }
0x18c: {  	_ =	swait.ge [sflag:s28], $0x2000  }
0x18d: {  	[sflag:s28] =	ssyncset.done $0x0  }
0x18e: {  	s15 =	rddreg [dreg:$0xf];
	[sflag:s28] =	ssyncadd.s32 $0xFFFFE000  }
0x18f: {  	[spmem:s1] =	stream.indirect.scatter.add.f32 [tilespmem:s29], [sflag:$0xD], $0x80, s15, s9, $0xb8;
	[tilespmem:$0x1C880] =	vst v63  }
0x190: {  	_ =	swait.ge [sflag:s17], $0x2000  }
0x191: {  	[sflag:s17] =	ssyncset.done $0x0  }
0x192: {  	s2 =	rddreg [dreg:$0x10];
	[sflag:s17] =	ssyncadd.s32 $0xFFFFE000  }
0x193: {  	[spmem:s1] =	stream.indirect.scatter.add.f32 [tilespmem:s11], [sflag:$0xE], $0x80, s2, s9, $0xb8;
	[tilespmem:$0x1C880] =	vst v63  }
0x194: {  	_ =	swait.ge [sflag:s18], $0x2000  }
0x195: {  	[sflag:s18] =	ssyncset.done $0x0  }
0x196: {  	s4 =	rddreg [dreg:$0x11];
	[sflag:s18] =	ssyncadd.s32 $0xFFFFE000  }
0x197: {  	[spmem:s1] =	stream.indirect.scatter.add.f32 [tilespmem:s13], [sflag:$0xF], $0x80, s4, s9, $0xb8;
	[tilespmem:$0x1C880] =	vst v63  }
0x198: {  	_ =	swait.ge [sflag:s19], $0x2000  }
0x199: {  	[sflag:s19] =	ssyncset.done $0x0  }
0x19a: {  	s5 =	rddreg [dreg:$0x12];
	[sflag:s19] =	ssyncadd.s32 $0xFFFFE000  }
0x19b: {  	[spmem:s1] =	stream.indirect.scatter.add.f32 [tilespmem:s16], [sflag:$0x10], $0x80, s5, s9, $0xb8;
	[tilespmem:$0x1C880] =	vst v63  }
0x19c: {  	_ =	swait.ge [sflag:s20], $0x2000  }
0x19d: {  	[sflag:s20] =	ssyncset.done $0x0  }
0x19e: {  	[sflag:s20] =	ssyncadd.s32 $0xFFFFE000  }
0x19f: {  	_ =	swait.ge [sflag:s22], $0x2000  }
0x1a0: {  	[sflag:s22] =	ssyncset.done $0x0  }
0x1a1: {  	[sflag:s22] =	ssyncadd.s32 $0xFFFFE000  }
0x1a2: {  	_ =	swait.ge [sflag:s24], $0x2000  }
0x1a3: {  	[sflag:s24] =	ssyncset.done $0x0  }
0x1a4: {  	[sflag:s24] =	ssyncadd.s32 $0xFFFFE000  }
0x1a5: {  	_ =	swait.ge [sflag:s26], $0x2000  }
0x1a6: {  	[sflag:s26] =	ssyncset.done $0x0  }
0x1a7: {  	[sflag:s26] =	ssyncadd.s32 $0xFFFFE000  }
0x1a8: {  	[bflag:$0x0] =	sbarrier.arrive $0xFFFF  }
0x1a9: {  	s2 =	simm.s32 $0x11;
	s12 =	rddreg [dreg:$0x1f]  }
0x1aa: {  	[tilespmem:s29], [sflag:$0x11] =	stream.linear.gather [spmem:s12], $0x2000, $0x38;
	[tilespmem:$0x1C880] =	vst v63  }
0x1ab: {  	_ =	swait.ge [sflag:s2], $0x2000  }
0x1ac: {  	[sflag:s2] =	ssyncset.done $0x0  }
0x1ad: {  	s6 =	rddreg [dreg:$0x13];
	[sflag:s2] =	ssyncadd.s32 $0xFFFFE000  }
0x1ae: {  	[hbm4b:s6+s3] =	stream.linear.scatter [tilespmem:s29], [sflag:$0x11], $0x2000, $0x38;
	[tilespmem:$0x1C880] =	vst v63  }
0x1af: {  	_ =	swait.ge [sflag:s2], $0x2000  }
0x1b0: {  	s15 =	sld [smem:$0x7F7]  }
0x1b1: {  	[sflag:s2] =	ssyncset.done $0x0  }
0x1b2: {  	[sflag:s2] =	ssyncadd.s32 $0xFFFFE000  }
0x1b3: {  	[tilespmem:s29], [sflag:$0x11] =	stream.linear.gather [spmem:s15], $0x2000, $0x38;
	[tilespmem:$0x1C880] =	vst v63  }
0x1b4: {  	_ =	swait.ge [sflag:s2], $0x2000  }
0x1b5: {  	[sflag:s2] =	ssyncset.done $0x0  }
0x1b6: {  	s7 =	rddreg [dreg:$0x14];
	[sflag:s2] =	ssyncadd.s32 $0xFFFFE000  }
0x1b7: {  	[hbm4b:s7+s3] =	stream.linear.scatter [tilespmem:s29], [sflag:$0x11], $0x2000, $0x38;
	[tilespmem:$0x1C880] =	vst v63  }
0x1b8: {  	_ =	swait.ge [sflag:s2], $0x2000  }
0x1b9: {  	s7 =	sld [smem:$0x7F8]  }
0x1ba: {  	[sflag:s2] =	ssyncset.done $0x0  }
0x1bb: {  	[sflag:s2] =	ssyncadd.s32 $0xFFFFE000  }
0x1bc: {  	[tilespmem:s29], [sflag:$0x11] =	stream.linear.gather [spmem:s7], $0x2000, $0x38;
	[tilespmem:$0x1C880] =	vst v63  }
0x1bd: {  	_ =	swait.ge [sflag:s2], $0x2000  }
0x1be: {  	[sflag:s2] =	ssyncset.done $0x0  }
0x1bf: {  	s8 =	rddreg [dreg:$0x15];
	[sflag:s2] =	ssyncadd.s32 $0xFFFFE000  }
0x1c0: {  	[hbm4b:s8+s3] =	stream.linear.scatter [tilespmem:s29], [sflag:$0x11], $0x2000, $0x38;
	[tilespmem:$0x1C880] =	vst v63  }
0x1c1: {  	_ =	swait.ge [sflag:s2], $0x2000  }
0x1c2: {  	s8 =	sld [smem:$0x7F9]  }
0x1c3: {  	[sflag:s2] =	ssyncset.done $0x0  }
0x1c4: {  	[sflag:s2] =	ssyncadd.s32 $0xFFFFE000  }
0x1c5: {  	[tilespmem:s29], [sflag:$0x11] =	stream.linear.gather [spmem:s8], $0x2000, $0x38;
	[tilespmem:$0x1C880] =	vst v63  }
0x1c6: {  	_ =	swait.ge [sflag:s2], $0x2000  }
0x1c7: {  	[sflag:s2] =	ssyncset.done $0x0  }
0x1c8: {  	s10 =	rddreg [dreg:$0x16];
	[sflag:s2] =	ssyncadd.s32 $0xFFFFE000  }
0x1c9: {  	[hbm4b:s10+s3] =	stream.linear.scatter [tilespmem:s29], [sflag:$0x11], $0x2000, $0x38;
	[tilespmem:$0x1C880] =	vst v63  }
0x1ca: {  	_ =	swait.ge [sflag:s2], $0x2000  }
0x1cb: {  	s4 =	sld [smem:$0x7F4]  }
0x1cc: {  	[sflag:s2] =	ssyncset.done $0x0  }
0x1cd: {  	[sflag:s2] =	ssyncadd.s32 $0xFFFFE000  }
0x1ce: {  	[tilespmem:s29], [sflag:$0x11] =	stream.linear.gather [spmem:s4], $0x2000, $0x38;
	[tilespmem:$0x1C880] =	vst v63  }
0x1cf: {  	_ =	swait.ge [sflag:s2], $0x2000  }
0x1d0: {  	[sflag:s2] =	ssyncset.done $0x0  }
0x1d1: {  	s5 =	rddreg [dreg:$0x17];
	[sflag:s2] =	ssyncadd.s32 $0xFFFFE000  }
0x1d2: {  	[hbm4b:s5+s3] =	stream.linear.scatter [tilespmem:s29], [sflag:$0x11], $0x2000, $0x38;
	[tilespmem:$0x1C880] =	vst v63  }
0x1d3: {  	_ =	swait.ge [sflag:s2], $0x2000  }
0x1d4: {  	s10 =	sld [smem:$0x7FA]  }
0x1d5: {  	[sflag:s2] =	ssyncset.done $0x0  }
0x1d6: {  	[sflag:s2] =	ssyncadd.s32 $0xFFFFE000  }
0x1d7: {  	[tilespmem:s29], [sflag:$0x11] =	stream.linear.gather [spmem:s10], $0x2000, $0x38;
	[tilespmem:$0x1C880] =	vst v63  }
0x1d8: {  	_ =	swait.ge [sflag:s2], $0x2000  }
0x1d9: {  	[sflag:s2] =	ssyncset.done $0x0  }
0x1da: {  	s6 =	rddreg [dreg:$0x18];
	[sflag:s2] =	ssyncadd.s32 $0xFFFFE000  }
0x1db: {  	[hbm4b:s6+s3] =	stream.linear.scatter [tilespmem:s29], [sflag:$0x11], $0x2000, $0x38;
	[tilespmem:$0x1C880] =	vst v63  }
0x1dc: {  	_ =	swait.ge [sflag:s2], $0x2000  }
0x1dd: {  	s4 =	sld [smem:$0x7F5]  }
0x1de: {  	[sflag:s2] =	ssyncset.done $0x0  }
0x1df: {  	[sflag:s2] =	ssyncadd.s32 $0xFFFFE000  }
0x1e0: {  	[tilespmem:s29], [sflag:$0x11] =	stream.linear.gather [spmem:s4], $0x2000, $0x38;
	[tilespmem:$0x1C880] =	vst v63  }
0x1e1: {  	_ =	swait.ge [sflag:s2], $0x2000  }
0x1e2: {  	[sflag:s2] =	ssyncset.done $0x0  }
0x1e3: {  	s5 =	rddreg [dreg:$0x19];
	[sflag:s2] =	ssyncadd.s32 $0xFFFFE000  }
0x1e4: {  	[hbm4b:s5+s3] =	stream.linear.scatter [tilespmem:s29], [sflag:$0x11], $0x2000, $0x38;
	[tilespmem:$0x1C880] =	vst v63  }
0x1e5: {  	_ =	swait.ge [sflag:s2], $0x2000  }
0x1e6: {  	s5 =	sld [smem:$0x7FB]  }
0x1e7: {  	[sflag:s2] =	ssyncset.done $0x0  }
0x1e8: {  	[sflag:s2] =	ssyncadd.s32 $0xFFFFE000  }
0x1e9: {  	[tilespmem:s29], [sflag:$0x11] =	stream.linear.gather [spmem:s5], $0x2000, $0x38;
	[tilespmem:$0x1C880] =	vst v63  }
0x1ea: {  	_ =	swait.ge [sflag:s2], $0x2000  }
0x1eb: {  	[sflag:s2] =	ssyncset.done $0x0  }
0x1ec: {  	s6 =	rddreg [dreg:$0x1a];
	[sflag:s2] =	ssyncadd.s32 $0xFFFFE000  }
0x1ed: {  	[hbm4b:s6+s3] =	stream.linear.scatter [tilespmem:s29], [sflag:$0x11], $0x2000, $0x38;
	[tilespmem:$0x1C880] =	vst v63  }
0x1ee: {  	_ =	swait.ge [sflag:s2], $0x2000  }
0x1ef: {  	s6 =	sld [smem:$0x7FC]  }
0x1f0: {  	[sflag:s2] =	ssyncset.done $0x0  }
0x1f1: {  	[sflag:s2] =	ssyncadd.s32 $0xFFFFE000  }
0x1f2: {  	[tilespmem:s29], [sflag:$0x11] =	stream.linear.gather [spmem:s6], $0x2000, $0x38;
	[tilespmem:$0x1C880] =	vst v63  }
0x1f3: {  	_ =	swait.ge [sflag:s2], $0x2000  }
0x1f4: {  	[sflag:s2] =	ssyncset.done $0x0  }
0x1f5: {  	s4 =	rddreg [dreg:$0x1b];
	[sflag:s2] =	ssyncadd.s32 $0xFFFFE000  }
0x1f6: {  	[hbm4b:s4+s3] =	stream.linear.scatter [tilespmem:s29], [sflag:$0x11], $0x2000, $0x38;
	[tilespmem:$0x1C880] =	vst v63  }
0x1f7: {  	_ =	swait.ge [sflag:s2], $0x2000  }
0x1f8: {  	s31 =	sld [smem:$0x7FD]  }
0x1f9: {  	[sflag:s2] =	ssyncset.done $0x0  }
0x1fa: {  	[sflag:s2] =	ssyncadd.s32 $0xFFFFE000  }
0x1fb: {  	[tilespmem:s29], [sflag:$0x11] =	stream.linear.gather [spmem:s31], $0x2000, $0x38;
	[tilespmem:$0x1C880] =	vst v63  }
0x1fc: {  	_ =	swait.ge [sflag:s2], $0x2000  }
0x1fd: {  	[sflag:s2] =	ssyncset.done $0x0  }
0x1fe: {  	s4 =	rddreg [dreg:$0x1c];
	[sflag:s2] =	ssyncadd.s32 $0xFFFFE000  }
0x1ff: {  	[hbm4b:s4+s3] =	stream.linear.scatter [tilespmem:s29], [sflag:$0x11], $0x2000, $0x38;
	[tilespmem:$0x1C880] =	vst v63  }
0x200: {  	_ =	swait.ge [sflag:s2], $0x2000  }
0x201: {  	s0 =	sld [smem:$0x7F3]  }
0x202: {  	[sflag:s2] =	ssyncset.done $0x0;
	s2 =	sld [smem:$0x7F6];
	_ =	sdelay $0x1  }
0x203: {  	s4 =	sadd.s32 $0x1, s0  }
0x204: {  	p0 =	sne.s32 s4, s2  }
.Ltmp1:
0x205: {  	_ = 	snop;
	(pc) =	sbr.rel @p0 .LBB2_1-.Ltmp1, $3  }
0x206: {  	_ =	sdelay $0x1  }
0x207: {  	s2 =	simm.s32 $0x11  }
0x208: {  	[sflag:s2] =	ssyncadd.s32 $0xFFFFE000  }
0x209: {  	_ =	sfence.sel $0x180000  }
0x20a: {  	[bflag:$0x0] =	sbarrier.arrive $0xFFFF  }
0x20b: {  	_ =	strace $0x9000004A  }
0x20c: {  	s0 =	stileid.u32;
	[bflag:$0x2] =	sbarrier.arrive $0xFFFF  }
0x20d: {  	p0 =	sne.s32 s0, $0x0;
	s0 =	rddreg [dreg:$0x2]  }
0x20e: {  	s0 =	sadd.s32 @!p0 $0x100000, s0  }
0x20f: {  	[sflag:s0] =	ssyncadd.tile.s32 @!p0 $0x1;
	_ =	shalt  }
.Lfunc_end2:
_tile_overlayer_lowered:
.L_overlay_start_2:
0x210: {  	(tag) =	ssettag $0x2  }
0x211: {  	s0 =	rddreg [dreg:$0x0];
	s2 =	stileid.u32  }
0x212: {  	s1 =	rddreg [dreg:$0x1];
	p0 =	sne.s32 s2, $0x0  }
0x213: {  	s3 =	rddreg [dreg:$0x2];
	[bflag:$0x3] =	sbarrier.arrive $0xFFFF;
	s2 =	simm.s32 @!p0 $0x1C11  }
0x214: {  	[timem:s3], [sflag:s2] =	dma.local @!p0 [hbm:s0], s1  }
0x215: {  	s0 =	simm.s32 @!p0 $0x11  }
0x216: {  	_ =	swait.ge @!p0 [sflag:s0], s1  }
0x217: {  	s1 =	ssub.s32 @!p0 $0x0, s1;
	[sflag:s0] =	ssyncset.done @!p0 $0x0  }
0x218: {  	[sflag:s0] =	ssyncadd.s32 @!p0 s1  }
0x219: {  	[bflag:$0x3] =	sbarrier.arrive $0xFFFF  }
0x21a: {  	_ =	shalt  }

// kernel: kernel.7.cloned.1.call-start
scs
__scs_entry_jumppad:
0x0: {  	(pc) =	sbr.rel $0x88, $3  }
0x1: {  	(tag) =	ssettag $0x0;
	lr =	simm.s32 $0x1  }
0x2: {  	[smem:$0x3F99] =	sst lr;
	_ =	strace $0xD0000000  }
0x3: {  	_ = 	snop  }
0x4: {  	_ = 	snop  }
0x5: {  	_ = 	snop  }
0x6: {  	_ = 	snop  }
0x7: {  	_ = 	snop  }
__scs_overlays_trampoline_lowered:
0x8: {  	[smem:$0x3FA8] =	sst s0  }
0x9: {  	[smem:$0x3FA9] =	sst s1  }
0xa: {  	[smem:$0x3FAA] =	sst s2  }
0xb: {  	[smem:$0x3FAB] =	sst s3  }
0xc: {  	[smem:$0x3FAC] =	sst s4  }
0xd: {  	[smem:$0x3FAD] =	sst s5  }
0xe: {  	[smem:$0x3FAE] =	sst s6  }
0xf: {  	[smem:$0x3FAF] =	sst s7  }
0x10: {  	[smem:$0x3FB0] =	sst s8  }
0x11: {  	[smem:$0x3FB1] =	sst s9;
	s0 =	simm.s32 @!p0 $0x0  }
0x12: {  	s1 =	sld [smem:$0x3F97];
	s0 =	simm.s32 @p0 $0x1  }
0x13: {  	[smem:$0x3FB2] =	sst s0;
	s0 =	simm.s32 @!p1 $0x0  }
0x14: {  	s2 =	sld [smem:$0x3F96];
	s0 =	simm.s32 @p1 $0x1  }
0x15: {  	[smem:$0x3FB3] =	sst s0;
	s0 =	simm.s32 @!p2 $0x0  }
0x16: {  	s3 =	sld [smem:$0x3FDB];
	s0 =	simm.s32 @p2 $0x1  }
0x17: {  	s4 =	simm.s32 $0x1BF5;
	[smem:$0x3FB5] =	sst s0  }
0x18: {  	s0 =	sld [smem:$0x3F98];
	_ =	swait.ge [sflag:s4], $0x0  }
0x19: {  	s7 =	sld [smem:$0x3F99]  }
0x1a: {  	s8 =	sadd.s32 $0xFFFFE003, lr  }
0x1b: {  	s9 =	sadd.s32 $0xFFFFFEF7, lr;
	s5 =	simm.s32 $0xFFFFFFFF;
	p2 =	slt.u32 s8, $0xFFFFF086  }
0x1c: {  	p1 =	slt.u32 s9, $0xF7A;
	s5 =	simm.s32 @!p2 $0x0  }
0x1d: {  	s5 =	simm.s32 @p1 $0x1;
	p0 =	seq.s32 s7, s2  }
0x1e: {  	s7 =	smul.u32 @!p0 $0xF7A, s2;
	p2 =	seq.s32 @!p0 s5, $0x0  }
0x1f: {  	s9 =	smul.u32 $0xF7A, s1;
	s8 =	simm.s32 @!p0 $0x1BF5;
	p2 =	por !p2, p0  }
0x20: {  	[sflag:s8] =	ssyncset.s32 @!p0 $0xFFFFF086;
	s6 =	sadd.s32 @!p0 s3, s7;
	s7 =	simm.s32 @!p0 $0x108  }
0x21: {  	s3 =	sadd.s32 s3, s9;
	s6 =	sadd.s32 @!p0 $0x88, s6;
	s7 =	simm.s32 @p2 $0x1082  }
0x22: {  	[simem:s7], [sflag:s8] =	dma.local @!p0 [hbm:s6], $0xF7A  }
0x23: {  	s9 =	sor.u32 $0xD0000000, s2;
	s6 =	simm.s32 $0x108;
	_ =	swait.ge @!p0 [sflag:s8], $0x0  }
0x24: {  	s3 =	sadd.s32 $0x88, s3;
	s6 =	simm.s32 @!p1 $0x1082;
	[sflag:s4] =	ssyncset.s32 $0xFFFFF086  }
0x25: {  	[simem:s6], [sflag:s4] =	dma.local [hbm:s3], $0xF7A  }
0x26: {  	[smem:$0x3F99] =	sst s1;
	(tag) =	ssettag s2;
	_ =	strace s9  }
0x27: {  	s1 =	sld [smem:$0x3FA9]  }
0x28: {  	s2 =	sld [smem:$0x3FAA]  }
0x29: {  	s4 =	sld [smem:$0x3FAC]  }
0x2a: {  	p0 =	seq.s32 s5, $0x0;
	s5 =	sld [smem:$0x3FAD]  }
0x2b: {  	s6 =	sld [smem:$0x3FAE]  }
0x2c: {  	s7 =	sld [smem:$0x3FAF]  }
0x2d: {  	s3 =	simm.s32 $0x108;
	s8 =	sld [smem:$0x3FB0]  }
0x2e: {  	s3 =	simm.s32 @!p0 $0x1082;
	s9 =	sld [smem:$0x3FB1]  }
0x2f: {  	lr =	sadd.s32 s0, s3;
	s0 =	sld [smem:$0x3FA8]  }
0x30: {  	s3 =	sld [smem:$0x3FAB]  }
0x31: {  	[smem:$0x3FB4] =	sst s10  }
0x32: {  	s10 =	sld [smem:$0x3FB2];
	_ =	sdelay $0x3  }
0x33: {  	p0 =	seq.s32 s10, $0x1;
	s10 =	sld [smem:$0x3FB4];
	_ =	sdelay $0x3  }
0x34: {  	[smem:$0x3FB4] =	sst s10  }
0x35: {  	s10 =	sld [smem:$0x3FB3];
	_ =	sdelay $0x3  }
0x36: {  	p1 =	seq.s32 s10, $0x1;
	s10 =	sld [smem:$0x3FB4];
	_ =	sdelay $0x3  }
0x37: {  	[smem:$0x3FB4] =	sst s10  }
0x38: {  	s10 =	sld [smem:$0x3FB5]  }
0x39: {  	_ = 	snop;
	(pc) =	sbr.ind lr, $3  }
0x3a: {  	_ = 	snop  }
0x3b: {  	_ = 	snop  }
0x3c: {  	p2 =	seq.s32 s10, $0x1;
	s10 =	sld [smem:$0x3FB4]  }
0x3d: {  	_ =	shalt  }
0x3e: {  	_ =	shalt  }
0x3f: {  	_ =	shalt  }
0x40: {  	_ =	shalt  }
0x41: {  	_ =	shalt  }
0x42: {  	_ =	shalt  }
0x43: {  	_ =	shalt  }
0x44: {  	_ =	shalt  }
0x45: {  	_ =	shalt  }
0x46: {  	_ =	shalt  }
0x47: {  	_ =	shalt  }
0x48: {  	_ =	shalt  }
0x49: {  	_ =	shalt  }
0x4a: {  	_ =	shalt  }
0x4b: {  	_ =	shalt  }
0x4c: {  	_ =	shalt  }
0x4d: {  	_ =	shalt  }
0x4e: {  	_ =	shalt  }
0x4f: {  	_ =	shalt  }
0x50: {  	_ =	shalt  }
0x51: {  	_ =	shalt  }
0x52: {  	_ =	shalt  }
0x53: {  	_ =	shalt  }
0x54: {  	_ =	shalt  }
0x55: {  	_ =	shalt  }
0x56: {  	_ =	shalt  }
0x57: {  	_ =	shalt  }
0x58: {  	_ =	shalt  }
0x59: {  	_ =	shalt  }
0x5a: {  	_ =	shalt  }
0x5b: {  	_ =	shalt  }
0x5c: {  	_ =	shalt  }
0x5d: {  	_ =	shalt  }
0x5e: {  	_ =	shalt  }
0x5f: {  	_ =	shalt  }
0x60: {  	_ =	shalt  }
0x61: {  	_ =	shalt  }
0x62: {  	_ =	shalt  }
0x63: {  	_ =	shalt  }
0x64: {  	_ =	shalt  }
0x65: {  	_ =	shalt  }
0x66: {  	_ =	shalt  }
0x67: {  	_ =	shalt  }
0x68: {  	_ =	shalt  }
0x69: {  	_ =	shalt  }
0x6a: {  	_ =	shalt  }
0x6b: {  	_ =	shalt  }
0x6c: {  	_ =	shalt  }
0x6d: {  	_ =	shalt  }
0x6e: {  	_ =	shalt  }
0x6f: {  	_ =	shalt  }
0x70: {  	_ =	shalt  }
0x71: {  	_ =	shalt  }
0x72: {  	_ =	shalt  }
0x73: {  	_ =	shalt  }
0x74: {  	_ =	shalt  }
0x75: {  	_ =	shalt  }
0x76: {  	_ =	shalt  }
0x77: {  	_ =	shalt  }
0x78: {  	_ =	shalt  }
0x79: {  	_ =	shalt  }
0x7a: {  	_ =	shalt  }
0x7b: {  	_ =	shalt  }
0x7c: {  	_ =	shalt  }
0x7d: {  	_ =	shalt  }
0x7e: {  	_ =	shalt  }
0x7f: {  	_ =	shalt  }
0x80: {  	_ =	shalt  }
0x81: {  	_ =	shalt  }
0x82: {  	_ =	shalt  }
0x83: {  	_ =	shalt  }
0x84: {  	_ =	shalt  }
0x85: {  	_ =	shalt  }
0x86: {  	_ =	shalt  }
0x87: {  	_ =	shalt  }
.Lfunc_end0:
.L_simem_size_0:
called_computation_lowered:
.L_overlay_start_0:
0x88: {  	s2 =	sld [smem:$0x3FD9]  }
0x89: {  	s3 =	sld [smem:$0x3FFE];
	_ =	sdelay $0x1  }
0x8a: {  	s1 =	srdreg.scid  }
0x8b: {  	s0 =	sand.u32 $0x1, s1  }
0x8c: {  	s17 =	sshll.u32 s0, $0xA;
	s2 =	sadd.s32 s3, s2  }
0x8d: {  	s2 =	sadd.s32 s2, s17  }
0x8e: {  	[smem:$0x3FC0] =	sst s2  }
0x8f: {  	_ = 	snop  }
0x90: {  	s2 =	sld [smem:$0x3FD0];
	(tm) =	ssettm $0x1  }
0x91: {  	s18 =	sld [smem:$0x3FFB];
	_ =	sdelay $0x3  }
0x92: {  	_ =	strace s18  }
0x93: {  	s3 =	sld [smem:$0x3FFC];
	_ =	sdelay $0x3  }
0x94: {  	_ =	strace s3  }
0x95: {  	s3 =	sld [smem:$0x3FFD];
	_ =	sdelay $0x3  }
0x96: {  	_ =	strace s3  }
0x97: {  	_ =	strace $0x8FFFFFFF  }
0x98: {  	s19 =	sld [smem:$0x3FDB];
	_ =	sdelay $0x1  }
0x99: {  	s4 =	simm.s32 $_scs_section_size  }
0x9a: {  	s5 =	simm.s32 $_size__tile_overlayer_lowered;
	s6 =	simm.s32 $_tile_overlayer_lowered  }
0x9b: {  	s22 =	simm.s32 $0x1BFF;
	s21 =	sshll.u32 s6, $0x1;
	s3 =	sadd.s32 s4, s19  }
0x9c: {  	s7 =	simm.s32 $0x0;
	s20 =	sshll.u32 s5, $0x1;
	s5 =	sadd.s32 s21, s3  }
0x9d: {  	[timem:s7], [sflag:s22] =	dma.local [hbm:s5], s20  }
0x9e: {  	_ =	swait.ge [sflag:s22], s20  }
0x9f: {  	s4 =	ssub.s32 $0x0, s20;
	[sflag:s22] =	ssyncset.done $0x0  }
0xa0: {  	[sflag:s22] =	ssyncadd.s32 s4;
	_ =	sdelay $0x1  }
0xa1: {  	s23 =	simm.s32 $0x1B8B  }
0xa2: {  	_ =	swait.ge [sflag:s23], $0x1  }
0xa3: {  	[sflag:s23] =	ssyncset.done $0x0  }
0xa4: {  	s25 =	simm.s32 $0x1B8E;
	s24 =	sld [smem:$0x3FFE];
	[sflag:s23] =	ssyncadd.s32 $0xFFFFFFFF  }
0xa5: {  	s26 =	simm.s32 $execute0_lowered;
	[smem:$0x3FD2] =	sst s25  }
0xa6: {  	s5 =	sshll.u32 s26, $0x1;
	_ =	strace $0x80000046;
	[dreg:$0x1] =	wrdreg $0xFFFFFFFF  }
0xa7: {  	s28 =	simm.s32 $_size_execute0_lowered;
	s3 =	sadd.s32 s3, s5;
	[dreg:$0x0] =	wrdreg $0x0  }
0xa8: {  	s5 =	sshll.u32 s28, $0x1;
	[dreg:$0x2] =	wrdreg s3  }
0xa9: {  	[dreg:$0x3] =	wrdreg s5  }
0xaa: {  	[dreg:$0x4] =	wrdreg $0xC0  }
0xab: {  	_ =	task [dreg:s7], $0x5FFFF  }
0xac: {  	[dreg:$0x1] =	wrdreg $0xFFFFFFFF  }
0xad: {  	[dreg:$0x0] =	wrdreg $0x60  }
0xae: {  	[dreg:$0x2] =	wrdreg s24  }
0xaf: {  	[dreg:$0x3] =	wrdreg s2  }
0xb0: {  	[dreg:$0x4] =	wrdreg $0x88800  }
0xb1: {  	[dreg:$0x5] =	wrdreg $0x1C8800  }
0xb2: {  	[dreg:$0x6] =	wrdreg $0x9  }
0xb3: {  	_ =	task.clear_ibuf [dreg:s7], $0x7FFFF;
	_ =	strace $0x90000046  }
0xb4: {  	s29 =	simm.s32 $0x9;
	_ =	strace $0x80000048  }
0xb5: {  	_ =	swait.ge [sflag:s29], $0x1  }
0xb6: {  	[sflag:s29] =	ssyncadd.s32 $0xFFFFFFFF  }
0xb7: {  	_ =	strace $0x90000048  }
0xb8: {  	_ =	sfence  }
0xb9: {  	s30 =	sld [smem:$0x0];
	_ =	sdelay $0x2  }
0xba: {  	s31 =	sshll.u32 s1, $0xD;
	s1 =	sshrl.u32 s1, $0x2  }
0xbb: {  	s3 =	sand.u32 $0x4000, s31;
	s1 =	sadd.s32 s1, s30  }
0xbc: {  	s0 =	sor.u32 s3, s0;
	s1 =	sshll.u32 s1, $0x11  }
0xbd: {  	s0 =	sor.u32 s1, s0  }
0xbe: {  	s0 =	sadd.s32 $0x8F2B, s0  }
0xbf: {  	[sflag:s0] =	ssyncadd.remote.s32 $0x1  }
0xc0: {  	_ =	sfence.sel $0xFFFF  }
0xc1: {  	[dreg:$0x0] =	wrdreg $0xFFFFFFFF;
	(pc) =	sbr.abs _section_cstart, $3  }
0xc2: {  	[dreg:$0x1] =	wrdreg $0xFFFFFFFF  }
0xc3: {  	_ =	task.clear_ibuf [dreg:s7], $0x2FFFF;
	_ =	strace $0x9FFFFFFF  }
0xc4: {  	(tm) =	ssettm $0x7FFFFFFF  }
0xc5: {  	_ =	shalt  }
tec
execute0_lowered:
.L_overlay_start_1:
0x0: {  	(tag) =	ssettag $0x1  }
0x1: {  	s0 =	srdreg.scid;
	s5 =	stileid.u32  }
0x2: {  	s13 =	sand.u32 $0x1, s0;
	s3 =	smul.u32 $0x280, s5  }
0x3: {  	s12 =	rddreg [dreg:$0x0];
	s0 =	ssub.s32 $0x2, s13  }
0x4: {  	s15 =	smul.u32 $0x14000, s5;
	s4 =	sshrl.u32 s0, $0x1;
	s1 =	sor.u32 $0x40, s3  }
0x5: {  	s14 =	smul.u32 $0x140000, s13;
	[smem:$0x7E2] =	sst s1;
	s0 =	ssub.s32 s0, s4  }
0x6: {  	s10 =	sadd.s32 $0x80, s3;
	s20 =	sshll.u32 s1, $0x7;
	[smem:$0x7F4] =	sst s0  }
0x7: {  	s16 =	sadd.s32 $0xC0, s3;
	s21 =	sshll.u32 s10, $0x7;
	[smem:$0x7E1] =	sst s20  }
0x8: {  	s18 =	sadd.s32 $0x100, s3;
	s2 =	sshll.u32 s16, $0x7;
	[smem:$0x7E3] =	sst s21  }
0x9: {  	s17 =	sadd.s32 $0x140, s3;
	s22 =	sshll.u32 s18, $0x7;
	[smem:$0x7E6] =	sst s2  }
0xa: {  	s9 =	sadd.s32 $0x180, s3;
	s6 =	sshll.u32 s17, $0x7;
	[smem:$0x7E9] =	sst s22  }
0xb: {  	s11 =	sadd.s32 $0xC6400, s12;
	s5 =	sshll.u32 s9, $0x7;
	[smem:$0x7EC] =	sst s6  }
0xc: {  	s19 =	sadd.s32 s15, s14;
	s15 =	sadd.s32 $0x1C0, s3;
	[smem:$0x7EF] =	sst s5  }
0xd: {  	s19 =	sshrl.u32 s19, $0x3;
	s20 =	sadd.s32 s14, s20;
	s25 =	sadd.s32 s14, s21  }
0xe: {  	s1 =	sadd.s32 s14, s2;
	s8 =	sadd.s32 s14, s22;
	s23 =	sadd.s32 s11, s19  }
0xf: {  	s24 =	sshrl.u32 s20, $0x3;
	s0 =	sshrl.u32 s25, $0x3;
	s7 =	sshrl.u32 s1, $0x3  }
0x10: {  	s22 =	sshrl.u32 s8, $0x3;
	s20 =	sshll.u32 s15, $0x7;
	s19 =	sadd.s32 $0x200, s3  }
0x11: {  	[dreg:$0xd] =	wrdreg s23;
	s26 =	sadd.s32 s11, s24;
	s2 =	sadd.s32 s11, s0  }
0x12: {  	s21 =	sadd.s32 s11, s7;
	s23 =	sadd.s32 s14, s6;
	[dreg:$0xe] =	wrdreg s26  }
0x13: {  	s24 =	sadd.s32 s11, s22;
	s22 =	sshll.u32 s19, $0x7;
	[dreg:$0xf] =	wrdreg s2  }
0x14: {  	s7 =	stileid.u32;
	s0 =	sshll.u32 s18, $0x1;
	[dreg:$0x10] =	wrdreg s21  }
0x15: {  	[dreg:$0x11] =	wrdreg s24;
	s25 =	sshrl.u32 s23, $0x3;
	s26 =	sadd.s32 s14, s5  }
0x16: {  	s21 =	sadd.s32 s14, s20;
	s24 =	sadd.s32 s14, s22;
	s8 =	smul.u32 $0xA000, s7  }
0x17: {  	s1 =	sadd.s32 s11, s25;
	s2 =	sshrl.u32 s26, $0x3;
	s23 =	sshrl.u32 s21, $0x3  }
0x18: {  	s21 =	sadd.s32 $0x240, s3;
	s24 =	sshrl.u32 s24, $0x3;
	s25 =	smul.u32 $0xA0000, s13  }
0x19: {  	[dreg:$0x12] =	wrdreg s1;
	s4 =	sadd.s32 s11, s2;
	s5 =	sadd.s32 s11, s23  }
0x1a: {  	s23 =	sshll.u32 s21, $0x7;
	s6 =	sadd.s32 s11, s24;
	[dreg:$0x13] =	wrdreg s4  }
0x1b: {  	s2 =	smul.u32 $0x500, s7;
	s7 =	sshll.u32 s17, $0x1;
	[dreg:$0x14] =	wrdreg s5  }
0x1c: {  	s1 =	sshll.u32 s15, $0x1;
	s14 =	sadd.s32 s14, s23;
	[dreg:$0x15] =	wrdreg s6  }
0x1d: {  	s24 =	sadd.s32 s8, s25;
	s25 =	sshll.u32 s13, $0x7;
	s4 =	sshll.u32 s10, $0x1  }
0x1e: {  	s5 =	sshll.u32 s16, $0x1;
	s8 =	sand.u32 $0xFF00, s7;
	s13 =	sand.u32 $0xFF00, s1  }
0x1f: {  	s7 =	sshll.u32 s21, $0x1;
	s14 =	sshrl.u32 s14, $0x3;
	s28 =	sor.u32 s25, s4  }
0x20: {  	s6 =	sand.u32 $0xFF00, s5;
	s30 =	sor.u32 s25, s0;
	s4 =	rddreg [dreg:$0x1]  }
0x21: {  	s31 =	sor.u32 s25, s8;
	s8 =	sor.u32 s25, s13;
	s13 =	rddreg [dreg:$0x2]  }
0x22: {  	s5 =	sshll.u32 s19, $0x1;
	s1 =	sand.u32 $0xFF00, s7;
	s0 =	sadd.s32 $0x1A00, s12  }
0x23: {  	s26 =	sadd.s32 s11, s14;
	s11 =	simm.s32 $0x0;
	s14 =	rddreg [dreg:$0x3]  }
0x24: {  	s29 =	sor.u32 s25, s6;
	s5 =	sor.u32 s25, s5;
	[dreg:$0x16] =	wrdreg s26  }
0x25: {  	s7 =	sor.u32 s25, s1;
	s1 =	sor.u32 $0x700, s24;
	[smem:$0x7FF] =	sst s11  }
0x26: {  	s26 =	sor.u32 s25, s2;
	s2 =	sshll.u32 s9, $0x1;
	s5 =	sshrl.u32 s5, $0x3  }
0x27: {  	s6 =	sor.u32 s25, s2;
	_ =	strace $0x80000047;
	s25 =	sshrl.u32 s1, $0x3  }
0x28: {  	s2 =	sor.u32 $0x600, s24;
	s5 =	sadd.s32 s4, s5;
	s25 =	sadd.s32 s25, s0  }
0x29: {  	s1 =	sshrl.u32 s2, $0x3;
	s2 =	sor.u32 $0x500, s24;
	[dreg:$0x1a] =	wrdreg s5  }
0x2a: {  	s5 =	sshrl.u32 s8, $0x3;
	s8 =	sshrl.u32 s7, $0x3;
	s7 =	sld [smem:$0x7E1]  }
0x2b: {  	[dreg:$0x5] =	wrdreg s25;
	s1 =	sadd.s32 s1, s0;
	s2 =	sshrl.u32 s2, $0x3  }
0x2c: {  	s25 =	sor.u32 $0x400, s24;
	[dreg:$0x6] =	wrdreg s1;
	s2 =	sadd.s32 s2, s0  }
0x2d: {  	[dreg:$0x7] =	wrdreg s2;
	s2 =	sshrl.u32 s25, $0x3;
	s25 =	sor.u32 $0x300, s24  }
0x2e: {  	s1 =	sadd.s32 s2, s0;
	s2 =	sshrl.u32 s25, $0x3;
	s25 =	sor.u32 $0x200, s24  }
0x2f: {  	[dreg:$0x8] =	wrdreg s1;
	s1 =	sadd.s32 s2, s0;
	s2 =	sshrl.u32 s25, $0x3  }
0x30: {  	s25 =	sshrl.u32 s28, $0x3;
	[dreg:$0x9] =	wrdreg s1;
	s2 =	sadd.s32 s2, s0  }
0x31: {  	s1 =	sadd.s32 s4, s25;
	s25 =	sshrl.u32 s30, $0x3;
	[dreg:$0xa] =	wrdreg s2  }
0x32: {  	s6 =	sshrl.u32 s6, $0x3;
	[dreg:$0x17] =	wrdreg s1;
	s1 =	sadd.s32 s4, s25  }
0x33: {  	s2 =	sshrl.u32 s26, $0x3;
	s26 =	sadd.s32 s4, s6;
	[dreg:$0x18] =	wrdreg s1  }
0x34: {  	[dreg:$0x19] =	wrdreg s26;
	s6 =	sadd.s32 s4, s2;
	s1 =	sadd.s32 $0x8, s4  }
0x35: {  	s25 =	sshrl.u32 s29, $0x3;
	[dreg:$0x1b] =	wrdreg s6;
	s2 =	sadd.s32 s2, s1  }
0x36: {  	s26 =	sadd.s32 s25, s1;
	s6 =	sor.u32 $0x100, s24;
	[dreg:$0x1c] =	wrdreg s2  }
0x37: {  	s25 =	sshrl.u32 s24, $0x3;
	s24 =	sadd.s32 s10, s14;
	[dreg:$0x1d] =	wrdreg s26  }
0x38: {  	s10 =	sadd.s32 s17, s14;
	[smem:$0x7E5] =	sst s24  }
0x39: {  	s17 =	sadd.s32 s20, s13;
	[smem:$0x7EE] =	sst s10  }
0x3a: {  	s4 =	sshrl.u32 s31, $0x3;
	[smem:$0x7F2] =	sst s17  }
0x3b: {  	s2 =	sadd.s32 s4, s1;
	s24 =	sld [smem:$0x7F4]  }
0x3c: {  	s10 =	sadd.s32 s22, s13;
	[dreg:$0x1e] =	wrdreg s2  }
0x3d: {  	s2 =	sadd.s32 s5, s1;
	s1 =	sadd.s32 s8, s1;
	s8 =	sld [smem:$0x7E2]  }
0x3e: {  	[smem:$0x7FA] =	sst s10  }
0x3f: {  	s4 =	sshrl.u32 s6, $0x3;
	[dreg:$0x1f] =	wrdreg s2  }
0x40: {  	s4 =	sadd.s32 s4, s0;
	[smem:$0x7DE] =	sst s1  }
0x41: {  	s0 =	sadd.s32 s25, s0;
	[dreg:$0xb] =	wrdreg s4  }
0x42: {  	s26 =	stileid.u32;
	s5 =	sadd.s32 $0xC5E00, s12;
	[dreg:$0xc] =	wrdreg s0  }
0x43: {  	s6 =	smul.u32 $0x50000, s26;
	[smem:$0x7DF] =	sst s5  }
0x44: {  	s25 =	sadd.s32 $0x29A00, s12;
	s26 =	sadd.s32 s3, s14;
	s0 =	sld [smem:$0x7E6]  }
0x45: {  	s1 =	sadd.s32 s7, s13;
	s7 =	sadd.s32 s18, s14;
	[smem:$0x7F7] =	sst s26  }
0x46: {  	s4 =	sshrl.u32 s6, $0x2;
	s6 =	sadd.s32 $0xC6200, s12;
	s12 =	sld [smem:$0x7E3]  }
0x47: {  	s18 =	sadd.s32 s15, s14;
	[smem:$0x7EB] =	sst s7  }
0x48: {  	[smem:$0x7F3] =	sst s18  }
0x49: {  	[smem:$0x7F8] =	sst s1  }
0x4a: {  	[smem:$0x7E0] =	sst s6  }
0x4b: {  	s28 =	simm.s32 $0xF;
	s5 =	sadd.s32 s4, s13;
	s6 =	sld [smem:$0x7E9]  }
0x4c: {  	s2 =	sadd.s32 s8, s14;
	s4 =	sadd.s32 s16, s14;
	s8 =	sld [smem:$0x7EC]  }
0x4d: {  	s30 =	simm.s32 $0x8;
	s16 =	sadd.s32 s9, s14;
	[smem:$0x7E8] =	sst s4  }
0x4e: {  	s29 =	simm.s32 $0x10;
	s31 =	simm.s32 $0x11;
	[smem:$0x7F1] =	sst s16  }
0x4f: {  	s17 =	simm.s32 $0xC;
	s15 =	simm.s32 $0xB;
	[smem:$0x7F6] =	sst s5  }
0x50: {  	s22 =	smov.u32 s2;
	s3 =	sadd.s32 s12, s13;
	s12 =	sld [smem:$0x7EF]  }
0x51: {  	s20 =	smov.u32 s1;
	s16 =	sadd.s32 s23, s13;
	[smem:$0x7F9] =	sst s22  }
0x52: {  	s7 =	simm.s32 $0x9;
	s9 =	simm.s32 $0xA;
	[smem:$0x7FC] =	sst s16  }
0x53: {  	s23 =	simm.s32 $0x8800;
	[smem:$0x7E4] =	sst s3;
	s3 =	sadd.s32 s0, s13  }
0x54: {  	s2 =	simm.s32 $0x2800;
	[smem:$0x7E7] =	sst s3;
	s3 =	sadd.s32 s6, s13  }
0x55: {  	s4 =	simm.s32 $0x4800;
	[smem:$0x7EA] =	sst s3;
	s3 =	sadd.s32 s8, s13  }
0x56: {  	s6 =	simm.s32 $0x6800;
	s0 =	sadd.s32 s12, s13;
	[smem:$0x7ED] =	sst s3  }
0x57: {  	s12 =	sadd.s32 s19, s14;
	s8 =	sadd.s32 s21, s14;
	[smem:$0x7F0] =	sst s0  }
0x58: {  	s21 =	simm.s32 $0x800;
	s19 =	simm.s32 $0xD;
	[smem:$0x7FB] =	sst s12  }
0x59: {  	s0 =	smax.u32 s24, $0x1;
	s24 =	simm.s32 $0xE;
	[smem:$0x7FD] =	sst s8  }
0x5a: {  	s3 =	simm.s32 $0x0;
	[smem:$0x7F5] =	sst s0;
	s0 =	simm.s32 $0x40  }
.LBB2_1:
0x5b: {  	s1 =	sld [smem:$0x7DF];
	_ =	sdelay $0x1  }
0x5c: {  	[smem:$0x7DD] =	sst s3;
	s18 =	simm.s32 $0x12  }
0x5d: {  	[tilespmem:s21], [sflag:$0x12] =	stream.linear.gather [hbm4b:s1+s11], $0x2000, $0x38;
	[tilespmem:$0x1CB00] =	vst v63  }
0x5e: {  	_ =	swait.ge [sflag:s18], $0x2000  }
0x5f: {  	s3 =	sld [smem:$0x7E0]  }
0x60: {  	[sflag:s18] =	ssyncset.done $0x0  }
0x61: {  	[sflag:s18] =	ssyncadd.s32 $0xFFFFE000  }
0x62: {  	[tilespmem:s23], [sflag:$0x12] =	stream.linear.gather [hbm4b:s3+s11], $0x80, $0x38;
	[tilespmem:$0x1CB00] =	vst v63  }
0x63: {  	_ =	swait.ge [sflag:s18], $0x80  }
0x64: {  	[sflag:s18] =	ssyncset.done $0x0  }
0x65: {  	[sflag:s18] =	ssyncadd.s32 $0xFFFFFF80  }
0x66: {  	[spmem:s5] =	stream.linear.scatter [tilespmem:s21], [sflag:$0x12], $0x2000, $0x38;
	[tilespmem:$0x1CB00] =	vst v63  }
0x67: {  	_ =	swait.ge [sflag:s18], $0x2000  }
0x68: {  	[sflag:s18] =	ssyncset.done $0x0  }
0x69: {  	[sflag:s18] =	ssyncadd.s32 $0xFFFFE000  }
0x6a: {  	[spmem:s26] =	stream.linear.scatter [tilespmem:s21], [sflag:$0x12], $0x40, $0x38;
	[tilespmem:$0x1CB00] =	vst v63  }
0x6b: {  	_ =	swait.ge [sflag:s18], $0x40  }
0x6c: {  	[sflag:s18] =	ssyncset.done $0x0  }
0x6d: {  	[sflag:s18] =	ssyncadd.s32 $0xFFFFFFC0  }
0x6e: {  	[spmem:s20] =	stream.linear.scatter [tilespmem:s21], [sflag:$0x12], $0x2000, $0x38;
	[tilespmem:$0x1CB00] =	vst v63  }
0x6f: {  	_ =	swait.ge [sflag:s18], $0x2000  }
0x70: {  	[sflag:s18] =	ssyncset.done $0x0  }
0x71: {  	[sflag:s18] =	ssyncadd.s32 $0xFFFFE000  }
0x72: {  	[spmem:s22] =	stream.linear.scatter [tilespmem:s21], [sflag:$0x12], $0x40, $0x38;
	[tilespmem:$0x1CB00] =	vst v63  }
0x73: {  	_ =	swait.ge [sflag:s18], $0x40  }
0x74: {  	s3 =	sld [smem:$0x7E4]  }
0x75: {  	[sflag:s18] =	ssyncset.done $0x0  }
0x76: {  	[sflag:s18] =	ssyncadd.s32 $0xFFFFFFC0  }
0x77: {  	[spmem:s3] =	stream.linear.scatter [tilespmem:s21], [sflag:$0x12], $0x2000, $0x38;
	[tilespmem:$0x1CB00] =	vst v63  }
0x78: {  	_ =	swait.ge [sflag:s18], $0x2000  }
0x79: {  	s5 =	sld [smem:$0x7E5]  }
0x7a: {  	[sflag:s18] =	ssyncset.done $0x0  }
0x7b: {  	[sflag:s18] =	ssyncadd.s32 $0xFFFFE000  }
0x7c: {  	[spmem:s5] =	stream.linear.scatter [tilespmem:s21], [sflag:$0x12], $0x40, $0x38;
	[tilespmem:$0x1CB00] =	vst v63  }
0x7d: {  	_ =	swait.ge [sflag:s18], $0x40  }
0x7e: {  	s20 =	sld [smem:$0x7E7]  }
0x7f: {  	[sflag:s18] =	ssyncset.done $0x0  }
0x80: {  	[sflag:s18] =	ssyncadd.s32 $0xFFFFFFC0  }
0x81: {  	[spmem:s20] =	stream.linear.scatter [tilespmem:s21], [sflag:$0x12], $0x2000, $0x38;
	[tilespmem:$0x1CB00] =	vst v63  }
0x82: {  	_ =	swait.ge [sflag:s18], $0x2000  }
0x83: {  	s22 =	sld [smem:$0x7E8]  }
0x84: {  	[sflag:s18] =	ssyncset.done $0x0  }
0x85: {  	[sflag:s18] =	ssyncadd.s32 $0xFFFFE000  }
0x86: {  	[spmem:s22] =	stream.linear.scatter [tilespmem:s21], [sflag:$0x12], $0x40, $0x38;
	[tilespmem:$0x1CB00] =	vst v63  }
0x87: {  	_ =	swait.ge [sflag:s18], $0x40  }
0x88: {  	s26 =	sld [smem:$0x7EA]  }
0x89: {  	[sflag:s18] =	ssyncset.done $0x0  }
0x8a: {  	[sflag:s18] =	ssyncadd.s32 $0xFFFFFFC0  }
0x8b: {  	[spmem:s26] =	stream.linear.scatter [tilespmem:s21], [sflag:$0x12], $0x2000, $0x38;
	[tilespmem:$0x1CB00] =	vst v63  }
0x8c: {  	_ =	swait.ge [sflag:s18], $0x2000  }
0x8d: {  	s3 =	sld [smem:$0x7EB]  }
0x8e: {  	[sflag:s18] =	ssyncset.done $0x0  }
0x8f: {  	[sflag:s18] =	ssyncadd.s32 $0xFFFFE000  }
0x90: {  	[spmem:s3] =	stream.linear.scatter [tilespmem:s21], [sflag:$0x12], $0x40, $0x38;
	[tilespmem:$0x1CB00] =	vst v63  }
0x91: {  	_ =	swait.ge [sflag:s18], $0x40  }
0x92: {  	s5 =	sld [smem:$0x7ED]  }
0x93: {  	[sflag:s18] =	ssyncset.done $0x0  }
0x94: {  	[sflag:s18] =	ssyncadd.s32 $0xFFFFFFC0  }
0x95: {  	[spmem:s5] =	stream.linear.scatter [tilespmem:s21], [sflag:$0x12], $0x2000, $0x38;
	[tilespmem:$0x1CB00] =	vst v63  }
0x96: {  	_ =	swait.ge [sflag:s18], $0x2000  }
0x97: {  	s20 =	sld [smem:$0x7EE]  }
0x98: {  	[sflag:s18] =	ssyncset.done $0x0  }
0x99: {  	[sflag:s18] =	ssyncadd.s32 $0xFFFFE000  }
0x9a: {  	[spmem:s20] =	stream.linear.scatter [tilespmem:s21], [sflag:$0x12], $0x40, $0x38;
	[tilespmem:$0x1CB00] =	vst v63  }
0x9b: {  	_ =	swait.ge [sflag:s18], $0x40  }
0x9c: {  	s22 =	sld [smem:$0x7F0]  }
0x9d: {  	[sflag:s18] =	ssyncset.done $0x0  }
0x9e: {  	[sflag:s18] =	ssyncadd.s32 $0xFFFFFFC0  }
0x9f: {  	[spmem:s22] =	stream.linear.scatter [tilespmem:s21], [sflag:$0x12], $0x2000, $0x38;
	[tilespmem:$0x1CB00] =	vst v63  }
0xa0: {  	_ =	swait.ge [sflag:s18], $0x2000  }
0xa1: {  	s26 =	sld [smem:$0x7F1]  }
0xa2: {  	[sflag:s18] =	ssyncset.done $0x0  }
0xa3: {  	[sflag:s18] =	ssyncadd.s32 $0xFFFFE000  }
0xa4: {  	[spmem:s26] =	stream.linear.scatter [tilespmem:s21], [sflag:$0x12], $0x40, $0x38;
	[tilespmem:$0x1CB00] =	vst v63  }
0xa5: {  	_ =	swait.ge [sflag:s18], $0x40  }
0xa6: {  	s3 =	sld [smem:$0x7F2]  }
0xa7: {  	[sflag:s18] =	ssyncset.done $0x0  }
0xa8: {  	[sflag:s18] =	ssyncadd.s32 $0xFFFFFFC0  }
0xa9: {  	[spmem:s3] =	stream.linear.scatter [tilespmem:s21], [sflag:$0x12], $0x2000, $0x38;
	[tilespmem:$0x1CB00] =	vst v63  }
0xaa: {  	_ =	swait.ge [sflag:s18], $0x2000  }
0xab: {  	s5 =	sld [smem:$0x7F3]  }
0xac: {  	[sflag:s18] =	ssyncset.done $0x0  }
0xad: {  	[sflag:s18] =	ssyncadd.s32 $0xFFFFE000  }
0xae: {  	[spmem:s5] =	stream.linear.scatter [tilespmem:s21], [sflag:$0x12], $0x40, $0x38;
	[tilespmem:$0x1CB00] =	vst v63  }
0xaf: {  	_ =	swait.ge [sflag:s18], $0x40  }
0xb0: {  	[sflag:s18] =	ssyncset.done $0x0  }
0xb1: {  	[sflag:s18] =	ssyncadd.s32 $0xFFFFFFC0  }
0xb2: {  	[spmem:s10] =	stream.linear.scatter [tilespmem:s21], [sflag:$0x12], $0x2000, $0x38;
	[tilespmem:$0x1CB00] =	vst v63  }
0xb3: {  	_ =	swait.ge [sflag:s18], $0x2000  }
0xb4: {  	[sflag:s18] =	ssyncset.done $0x0  }
0xb5: {  	[sflag:s18] =	ssyncadd.s32 $0xFFFFE000  }
0xb6: {  	[spmem:s12] =	stream.linear.scatter [tilespmem:s21], [sflag:$0x12], $0x40, $0x38;
	[tilespmem:$0x1CB00] =	vst v63  }
0xb7: {  	_ =	swait.ge [sflag:s18], $0x40  }
0xb8: {  	[sflag:s18] =	ssyncset.done $0x0  }
0xb9: {  	[sflag:s18] =	ssyncadd.s32 $0xFFFFFFC0  }
0xba: {  	[spmem:s16] =	stream.linear.scatter [tilespmem:s21], [sflag:$0x12], $0x2000, $0x38;
	[tilespmem:$0x1CB00] =	vst v63  }
0xbb: {  	_ =	swait.ge [sflag:s18], $0x2000  }
0xbc: {  	[sflag:s18] =	ssyncset.done $0x0  }
0xbd: {  	[sflag:s18] =	ssyncadd.s32 $0xFFFFE000  }
0xbe: {  	[spmem:s8] =	stream.linear.scatter [tilespmem:s21], [sflag:$0x12], $0x40, $0x38;
	[tilespmem:$0x1CB00] =	vst v63  }
0xbf: {  	_ =	swait.ge [sflag:s18], $0x40  }
0xc0: {  	[sflag:s18] =	ssyncset.done $0x0  }
0xc1: {  	[sflag:s18] =	ssyncadd.s32 $0xFFFFFFC0  }
0xc2: {  	[bflag:$0x0] =	sbarrier.arrive $0xFFFF  }
0xc3: {  	s16 =	rddreg [dreg:$0xc]  }
0xc4: {  	s18 =	rddreg [dreg:$0xb];
	s8 =	sadd.s32 $0x0, s16  }
0xc5: {  	[tilespmem:s11], [sflag:$0x1] =	stream.linear.gather [hbm4b:s8+s11], $0x100, $0x38;
	[tilespmem:$0x1CB00] =	vst v63  }
0xc6: {  	s1 =	simm.s32 $0x100;
	s20 =	rddreg [dreg:$0xa];
	s22 =	sadd.s32 $0x0, s18  }
0xc7: {  	[tilespmem:s1], [sflag:$0x2] =	stream.linear.gather [hbm4b:s22+s11], $0x100, $0x38;
	[tilespmem:$0x1CB00] =	vst v63  }
0xc8: {  	s3 =	simm.s32 $0x200;
	s26 =	rddreg [dreg:$0x9];
	s5 =	sadd.s32 $0x0, s20  }
0xc9: {  	[tilespmem:s3], [sflag:$0x3] =	stream.linear.gather [hbm4b:s5+s11], $0x100, $0x38;
	[tilespmem:$0x1CB00] =	vst v63  }
0xca: {  	s12 =	rddreg [dreg:$0x8];
	s18 =	sadd.s32 $0x0, s26;
	s5 =	simm.s32 $0x300  }
0xcb: {  	[tilespmem:s5], [sflag:$0x4] =	stream.linear.gather [hbm4b:s18+s11], $0x100, $0x38;
	[tilespmem:$0x1CB00] =	vst v63  }
0xcc: {  	s20 =	rddreg [dreg:$0x7];
	s22 =	sadd.s32 $0x0, s12;
	s12 =	simm.s32 $0x400  }
0xcd: {  	[tilespmem:s12], [sflag:$0x5] =	stream.linear.gather [hbm4b:s22+s11], $0x100, $0x38;
	[tilespmem:$0x1CB00] =	vst v63  }
0xce: {  	s26 =	rddreg [dreg:$0x6];
	s10 =	sadd.s32 $0x0, s20;
	s18 =	simm.s32 $0x500  }
0xcf: {  	[tilespmem:s18], [sflag:$0x6] =	stream.linear.gather [hbm4b:s10+s11], $0x100, $0x38;
	[tilespmem:$0x1CB00] =	vst v63  }
0xd0: {  	s16 =	simm.s32 $0x600;
	s20 =	rddreg [dreg:$0x5];
	s22 =	sadd.s32 $0x0, s26  }
0xd1: {  	[tilespmem:s16], [sflag:$0x7] =	stream.linear.gather [hbm4b:s22+s11], $0x100, $0x38;
	[tilespmem:$0x1CB00] =	vst v63  }
0xd2: {  	s26 =	sadd.s32 $0x0, s20;
	s20 =	simm.s32 $0x1;
	s10 =	simm.s32 $0x700  }
0xd3: {  	[tilespmem:s10], [sflag:$0x8] =	stream.linear.gather [hbm4b:s26+s11], $0x100, $0x38;
	[tilespmem:$0x1CB00] =	vst v63  }
0xd4: {  	_ =	swait.ge [sflag:s20], $0x100  }
0xd5: {  	[sflag:s20] =	ssyncset.done $0x0  }
0xd6: {  	s22 =	simm.s32 $0x2;
	[sflag:s20] =	ssyncadd.s32 $0xFFFFFF00  }
0xd7: {  	[tilespmem:s21], [sflag:$0x9] =	stream.indirect.gather [hbm4b:s25+s0], $0x80, s11, s0, $0xb8;
	[tilespmem:$0x1CB00] =	vst v63  }
0xd8: {  	_ =	swait.ge [sflag:s22], $0x100  }
0xd9: {  	[sflag:s22] =	ssyncset.done $0x0  }
0xda: {  	s26 =	simm.s32 $0x3;
	[sflag:s22] =	ssyncadd.s32 $0xFFFFFF00  }
0xdb: {  	[tilespmem:s2], [sflag:$0xA] =	stream.indirect.gather [hbm4b:s25+s0], $0x80, s1, s0, $0xb8;
	[tilespmem:$0x1CB00] =	vst v63  }
0xdc: {  	_ =	swait.ge [sflag:s26], $0x100  }
0xdd: {  	[sflag:s26] =	ssyncset.done $0x0  }
0xde: {  	s8 =	simm.s32 $0x4;
	[sflag:s26] =	ssyncadd.s32 $0xFFFFFF00  }
0xdf: {  	[tilespmem:s4], [sflag:$0xB] =	stream.indirect.gather [hbm4b:s25+s0], $0x80, s3, s0, $0xb8;
	[tilespmem:$0x1CB00] =	vst v63  }
0xe0: {  	_ =	swait.ge [sflag:s8], $0x100  }
0xe1: {  	[sflag:s8] =	ssyncset.done $0x0  }
0xe2: {  	[sflag:s8] =	ssyncadd.s32 $0xFFFFFF00  }
0xe3: {  	[tilespmem:s6], [sflag:$0xC] =	stream.indirect.gather [hbm4b:s25+s0], $0x80, s5, s0, $0xb8;
	[tilespmem:$0x1CB00] =	vst v63  }
0xe4: {  	_ =	swait.ge [sflag:s7], $0x2000  }
0xe5: {  	[sflag:s7] =	ssyncset.done $0x0  }
0xe6: {  	s20 =	simm.s32 $0x80;
	[sflag:s7] =	ssyncadd.s32 $0xFFFFE000  }
0xe7: {  	[spmem:s13] =	stream.indirect.scatter.add.f32 [tilespmem:s21], [sflag:$0xD], $0x80, s20, s0, $0xb8;
	[tilespmem:$0x1CB00] =	vst v63  }
0xe8: {  	_ = 	snop  }
0xe9: {  	[spmem:s14] =	stream.indirect.scatter.add.f32 [tilespmem:s23], [sflag:$0x11], $0x1, s20, s0, $0xb8;
	[tilespmem:$0x1CB00] =	vst v63  }
0xea: {  	_ =	swait.ge [sflag:s9], $0x2000  }
0xeb: {  	[sflag:s9] =	ssyncset.done $0x0  }
0xec: {  	s22 =	simm.s32 $0x180;
	[sflag:s9] =	ssyncadd.s32 $0xFFFFE000  }
0xed: {  	[spmem:s13] =	stream.indirect.scatter.add.f32 [tilespmem:s2], [sflag:$0xE], $0x80, s22, s0, $0xb8;
	[tilespmem:$0x1CB00] =	vst v63  }
0xee: {  	_ = 	snop  }
0xef: {  	[spmem:s14] =	stream.indirect.scatter.add.f32 [tilespmem:s23], [sflag:$0x11], $0x1, s22, s0, $0xb8;
	[tilespmem:$0x1CB00] =	vst v63  }
0xf0: {  	_ =	swait.ge [sflag:s15], $0x2000  }
0xf1: {  	[sflag:s15] =	ssyncset.done $0x0  }
0xf2: {  	s26 =	simm.s32 $0x280;
	[sflag:s15] =	ssyncadd.s32 $0xFFFFE000  }
0xf3: {  	[spmem:s13] =	stream.indirect.scatter.add.f32 [tilespmem:s4], [sflag:$0xF], $0x80, s26, s0, $0xb8;
	[tilespmem:$0x1CB00] =	vst v63  }
0xf4: {  	_ = 	snop  }
0xf5: {  	[spmem:s14] =	stream.indirect.scatter.add.f32 [tilespmem:s23], [sflag:$0x11], $0x1, s26, s0, $0xb8;
	[tilespmem:$0x1CB00] =	vst v63  }
0xf6: {  	_ =	swait.ge [sflag:s17], $0x2000  }
0xf7: {  	[sflag:s17] =	ssyncset.done $0x0  }
0xf8: {  	s3 =	simm.s32 $0x380;
	[sflag:s17] =	ssyncadd.s32 $0xFFFFE000  }
0xf9: {  	[spmem:s13] =	stream.indirect.scatter.add.f32 [tilespmem:s6], [sflag:$0x10], $0x80, s3, s0, $0xb8;
	[tilespmem:$0x1CB00] =	vst v63  }
0xfa: {  	_ = 	snop  }
0xfb: {  	[spmem:s14] =	stream.indirect.scatter.add.f32 [tilespmem:s23], [sflag:$0x11], $0x1, s3, s0, $0xb8;
	[tilespmem:$0x1CB00] =	vst v63  }
0xfc: {  	_ =	swait.ge [sflag:s19], $0x2000  }
0xfd: {  	[sflag:s19] =	ssyncset.done $0x0  }
0xfe: {  	s5 =	simm.s32 $0x5;
	[sflag:s19] =	ssyncadd.s32 $0xFFFFE000  }
0xff: {  	_ =	swait.ge [sflag:s5], $0x100  }
0x100: {  	[sflag:s5] =	ssyncset.done $0x0  }
0x101: {  	[sflag:s5] =	ssyncadd.s32 $0xFFFFFF00  }
0x102: {  	[tilespmem:s21], [sflag:$0x9] =	stream.indirect.gather [hbm4b:s25+s0], $0x80, s12, s0, $0xb8;
	[tilespmem:$0x1CB00] =	vst v63  }
0x103: {  	_ =	swait.ge [sflag:s24], $0x2000  }
0x104: {  	[sflag:s24] =	ssyncset.done $0x0  }
0x105: {  	s8 =	simm.s32 $0x6;
	[sflag:s24] =	ssyncadd.s32 $0xFFFFE000  }
0x106: {  	_ =	swait.ge [sflag:s8], $0x100  }
0x107: {  	[sflag:s8] =	ssyncset.done $0x0  }
0x108: {  	[sflag:s8] =	ssyncadd.s32 $0xFFFFFF00  }
0x109: {  	[tilespmem:s2], [sflag:$0xA] =	stream.indirect.gather [hbm4b:s25+s0], $0x80, s18, s0, $0xb8;
	[tilespmem:$0x1CB00] =	vst v63  }
0x10a: {  	_ =	swait.ge [sflag:s28], $0x2000  }
0x10b: {  	[sflag:s28] =	ssyncset.done $0x0  }
0x10c: {  	s12 =	simm.s32 $0x7;
	[sflag:s28] =	ssyncadd.s32 $0xFFFFE000  }
0x10d: {  	_ =	swait.ge [sflag:s12], $0x100  }
0x10e: {  	[sflag:s12] =	ssyncset.done $0x0  }
0x10f: {  	[sflag:s12] =	ssyncadd.s32 $0xFFFFFF00  }
0x110: {  	[tilespmem:s4], [sflag:$0xB] =	stream.indirect.gather [hbm4b:s25+s0], $0x80, s16, s0, $0xb8;
	[tilespmem:$0x1CB00] =	vst v63  }
0x111: {  	_ =	swait.ge [sflag:s29], $0x2000  }
0x112: {  	[sflag:s29] =	ssyncset.done $0x0  }
0x113: {  	[sflag:s29] =	ssyncadd.s32 $0xFFFFE000  }
0x114: {  	_ =	swait.ge [sflag:s30], $0x100  }
0x115: {  	[sflag:s30] =	ssyncset.done $0x0  }
0x116: {  	[sflag:s30] =	ssyncadd.s32 $0xFFFFFF00  }
0x117: {  	[tilespmem:s6], [sflag:$0xC] =	stream.indirect.gather [hbm4b:s25+s0], $0x80, s10, s0, $0xb8;
	[tilespmem:$0x1CB00] =	vst v63  }
0x118: {  	_ =	swait.ge [sflag:s31], $0x40  }
0x119: {  	[sflag:s31] =	ssyncset.done $0x0  }
0x11a: {  	[sflag:s31] =	ssyncadd.s32 $0xFFFFFFC0  }
0x11b: {  	_ =	swait.ge [sflag:s31], $0x40  }
0x11c: {  	[sflag:s31] =	ssyncset.done $0x0  }
0x11d: {  	[sflag:s31] =	ssyncadd.s32 $0xFFFFFFC0  }
0x11e: {  	_ =	swait.ge [sflag:s31], $0x40  }
0x11f: {  	[sflag:s31] =	ssyncset.done $0x0  }
0x120: {  	[sflag:s31] =	ssyncadd.s32 $0xFFFFFFC0  }
0x121: {  	_ =	swait.ge [sflag:s31], $0x40  }
0x122: {  	[sflag:s31] =	ssyncset.done $0x0  }
0x123: {  	[sflag:s31] =	ssyncadd.s32 $0xFFFFFFC0  }
0x124: {  	_ =	swait.ge [sflag:s7], $0x2000  }
0x125: {  	[sflag:s7] =	ssyncset.done $0x0  }
0x126: {  	s18 =	simm.s32 $0x480;
	[sflag:s7] =	ssyncadd.s32 $0xFFFFE000  }
0x127: {  	[spmem:s13] =	stream.indirect.scatter.add.f32 [tilespmem:s21], [sflag:$0xD], $0x80, s18, s0, $0xb8;
	[tilespmem:$0x1CB00] =	vst v63  }
0x128: {  	_ = 	snop  }
0x129: {  	[spmem:s14] =	stream.indirect.scatter.add.f32 [tilespmem:s23], [sflag:$0x11], $0x1, s18, s0, $0xb8;
	[tilespmem:$0x1CB00] =	vst v63  }
0x12a: {  	_ =	swait.ge [sflag:s9], $0x2000  }
0x12b: {  	[sflag:s9] =	ssyncset.done $0x0  }
0x12c: {  	s20 =	simm.s32 $0x580;
	[sflag:s9] =	ssyncadd.s32 $0xFFFFE000  }
0x12d: {  	[spmem:s13] =	stream.indirect.scatter.add.f32 [tilespmem:s2], [sflag:$0xE], $0x80, s20, s0, $0xb8;
	[tilespmem:$0x1CB00] =	vst v63  }
0x12e: {  	_ = 	snop  }
0x12f: {  	[spmem:s14] =	stream.indirect.scatter.add.f32 [tilespmem:s23], [sflag:$0x11], $0x1, s20, s0, $0xb8;
	[tilespmem:$0x1CB00] =	vst v63  }
0x130: {  	_ =	swait.ge [sflag:s15], $0x2000  }
0x131: {  	[sflag:s15] =	ssyncset.done $0x0  }
0x132: {  	s22 =	simm.s32 $0x680;
	[sflag:s15] =	ssyncadd.s32 $0xFFFFE000  }
0x133: {  	[spmem:s13] =	stream.indirect.scatter.add.f32 [tilespmem:s4], [sflag:$0xF], $0x80, s22, s0, $0xb8;
	[tilespmem:$0x1CB00] =	vst v63  }
0x134: {  	_ = 	snop  }
0x135: {  	[spmem:s14] =	stream.indirect.scatter.add.f32 [tilespmem:s23], [sflag:$0x11], $0x1, s22, s0, $0xb8;
	[tilespmem:$0x1CB00] =	vst v63  }
0x136: {  	_ =	swait.ge [sflag:s17], $0x2000  }
0x137: {  	[sflag:s17] =	ssyncset.done $0x0  }
0x138: {  	s26 =	simm.s32 $0x780;
	[sflag:s17] =	ssyncadd.s32 $0xFFFFE000  }
0x139: {  	[spmem:s13] =	stream.indirect.scatter.add.f32 [tilespmem:s6], [sflag:$0x10], $0x80, s26, s0, $0xb8;
	[tilespmem:$0x1CB00] =	vst v63  }
0x13a: {  	_ = 	snop  }
0x13b: {  	[spmem:s14] =	stream.indirect.scatter.add.f32 [tilespmem:s23], [sflag:$0x11], $0x1, s26, s0, $0xb8;
	[tilespmem:$0x1CB00] =	vst v63  }
0x13c: {  	_ =	swait.ge [sflag:s19], $0x2000  }
0x13d: {  	[sflag:s19] =	ssyncset.done $0x0  }
0x13e: {  	[sflag:s19] =	ssyncadd.s32 $0xFFFFE000  }
0x13f: {  	_ =	swait.ge [sflag:s24], $0x2000  }
0x140: {  	[sflag:s24] =	ssyncset.done $0x0  }
0x141: {  	[sflag:s24] =	ssyncadd.s32 $0xFFFFE000  }
0x142: {  	_ =	swait.ge [sflag:s28], $0x2000  }
0x143: {  	[sflag:s28] =	ssyncset.done $0x0  }
0x144: {  	[sflag:s28] =	ssyncadd.s32 $0xFFFFE000  }
0x145: {  	_ =	swait.ge [sflag:s29], $0x2000  }
0x146: {  	[sflag:s29] =	ssyncset.done $0x0  }
0x147: {  	[sflag:s29] =	ssyncadd.s32 $0xFFFFE000  }
0x148: {  	_ =	swait.ge [sflag:s31], $0x40  }
0x149: {  	[sflag:s31] =	ssyncset.done $0x0  }
0x14a: {  	[sflag:s31] =	ssyncadd.s32 $0xFFFFFFC0  }
0x14b: {  	_ =	swait.ge [sflag:s31], $0x40  }
0x14c: {  	[sflag:s31] =	ssyncset.done $0x0  }
0x14d: {  	[sflag:s31] =	ssyncadd.s32 $0xFFFFFFC0  }
0x14e: {  	_ =	swait.ge [sflag:s31], $0x40  }
0x14f: {  	[sflag:s31] =	ssyncset.done $0x0  }
0x150: {  	[sflag:s31] =	ssyncadd.s32 $0xFFFFFFC0  }
0x151: {  	s8 =	simm.s32 $0x100;
	_ =	swait.ge [sflag:s31], $0x40  }
0x152: {  	s10 =	simm.s32 $0x200;
	s16 =	rddreg [dreg:$0xc];
	[sflag:s31] =	ssyncset.done $0x0  }
.LBB2_2:
0x153: {  	[sflag:s31] =	ssyncadd.s32 $0xFFFFFFC0;
	s12 =	rddreg [dreg:$0xb];
	s16 =	sadd.s32 s8, s16  }
0x154: {  	[tilespmem:s11], [sflag:$0x1] =	stream.linear.gather [hbm4b:s16+s11], $0x100, $0x38;
	[tilespmem:$0x1CB00] =	vst v63  }
0x155: {  	s1 =	rddreg [dreg:$0xa];
	s3 =	simm.s32 $0x100;
	s12 =	sadd.s32 s8, s12  }
0x156: {  	[tilespmem:s3], [sflag:$0x2] =	stream.linear.gather [hbm4b:s12+s11], $0x100, $0x38;
	[tilespmem:$0x1CB00] =	vst v63  }
0x157: {  	s26 =	rddreg [dreg:$0x9];
	s5 =	simm.s32 $0x200;
	s1 =	sadd.s32 s8, s1  }
0x158: {  	[tilespmem:s5], [sflag:$0x3] =	stream.linear.gather [hbm4b:s1+s11], $0x100, $0x38;
	[tilespmem:$0x1CB00] =	vst v63  }
0x159: {  	s20 =	rddreg [dreg:$0x8];
	s22 =	simm.s32 $0x300;
	s26 =	sadd.s32 s8, s26  }
0x15a: {  	[tilespmem:s22], [sflag:$0x4] =	stream.linear.gather [hbm4b:s26+s11], $0x100, $0x38;
	[tilespmem:$0x1CB00] =	vst v63  }
0x15b: {  	s16 =	rddreg [dreg:$0x7];
	s20 =	sadd.s32 s8, s20;
	s26 =	simm.s32 $0x400  }
0x15c: {  	[tilespmem:s26], [sflag:$0x5] =	stream.linear.gather [hbm4b:s20+s11], $0x100, $0x38;
	[tilespmem:$0x1CB00] =	vst v63  }
0x15d: {  	s12 =	rddreg [dreg:$0x6];
	s1 =	sadd.s32 s8, s16;
	s20 =	simm.s32 $0x500  }
0x15e: {  	[tilespmem:s20], [sflag:$0x6] =	stream.linear.gather [hbm4b:s1+s11], $0x100, $0x38;
	[tilespmem:$0x1CB00] =	vst v63  }
0x15f: {  	s16 =	rddreg [dreg:$0x5];
	s1 =	sadd.s32 s8, s12;
	s12 =	simm.s32 $0x600  }
0x160: {  	[tilespmem:s12], [sflag:$0x7] =	stream.linear.gather [hbm4b:s1+s11], $0x100, $0x38;
	[tilespmem:$0x1CB00] =	vst v63  }
0x161: {  	s18 =	smov.u32 s10;
	s1 =	sadd.s32 s8, s16  }
0x162: {  	s8 =	smov.u32 s18;
	s16 =	simm.s32 $0x700;
	s18 =	simm.s32 $0x1  }
0x163: {  	[tilespmem:s16], [sflag:$0x8] =	stream.linear.gather [hbm4b:s1+s11], $0x100, $0x38;
	[tilespmem:$0x1CB00] =	vst v63  }
0x164: {  	_ =	swait.ge [sflag:s18], $0x100  }
0x165: {  	[sflag:s18] =	ssyncset.done $0x0  }
0x166: {  	[sflag:s18] =	ssyncadd.s32 $0xFFFFFF00;
	s18 =	simm.s32 $0x2  }
0x167: {  	[tilespmem:s21], [sflag:$0x9] =	stream.indirect.gather [hbm4b:s25+s0], $0x80, s11, s0, $0xb8;
	[tilespmem:$0x1CB00] =	vst v63  }
0x168: {  	_ =	swait.ge [sflag:s18], $0x100  }
0x169: {  	[sflag:s18] =	ssyncset.done $0x0  }
0x16a: {  	[sflag:s18] =	ssyncadd.s32 $0xFFFFFF00  }
0x16b: {  	[tilespmem:s2], [sflag:$0xA] =	stream.indirect.gather [hbm4b:s25+s0], $0x80, s3, s0, $0xb8;
	[tilespmem:$0x1CB00] =	vst v63  }
0x16c: {  	s3 =	simm.s32 $0x3  }
0x16d: {  	_ =	swait.ge [sflag:s3], $0x100  }
0x16e: {  	[sflag:s3] =	ssyncset.done $0x0  }
0x16f: {  	s18 =	simm.s32 $0x4;
	[sflag:s3] =	ssyncadd.s32 $0xFFFFFF00  }
0x170: {  	[tilespmem:s4], [sflag:$0xB] =	stream.indirect.gather [hbm4b:s25+s0], $0x80, s5, s0, $0xb8;
	[tilespmem:$0x1CB00] =	vst v63  }
0x171: {  	_ =	swait.ge [sflag:s18], $0x100  }
0x172: {  	[sflag:s18] =	ssyncset.done $0x0  }
0x173: {  	[sflag:s18] =	ssyncadd.s32 $0xFFFFFF00  }
0x174: {  	[tilespmem:s6], [sflag:$0xC] =	stream.indirect.gather [hbm4b:s25+s0], $0x80, s22, s0, $0xb8;
	[tilespmem:$0x1CB00] =	vst v63  }
0x175: {  	_ =	swait.ge [sflag:s7], $0x2000  }
0x176: {  	[sflag:s7] =	ssyncset.done $0x0  }
0x177: {  	s22 =	simm.s32 $0x80;
	[sflag:s7] =	ssyncadd.s32 $0xFFFFE000  }
0x178: {  	[spmem:s13] =	stream.indirect.scatter.add.f32 [tilespmem:s21], [sflag:$0xD], $0x80, s22, s0, $0xb8;
	[tilespmem:$0x1CB00] =	vst v63  }
0x179: {  	_ = 	snop  }
0x17a: {  	[spmem:s14] =	stream.indirect.scatter.add.f32 [tilespmem:s23], [sflag:$0x11], $0x1, s22, s0, $0xb8;
	[tilespmem:$0x1CB00] =	vst v63  }
0x17b: {  	_ =	swait.ge [sflag:s9], $0x2000  }
0x17c: {  	[sflag:s9] =	ssyncset.done $0x0  }
0x17d: {  	s3 =	simm.s32 $0x180;
	[sflag:s9] =	ssyncadd.s32 $0xFFFFE000  }
0x17e: {  	[spmem:s13] =	stream.indirect.scatter.add.f32 [tilespmem:s2], [sflag:$0xE], $0x80, s3, s0, $0xb8;
	[tilespmem:$0x1CB00] =	vst v63  }
0x17f: {  	_ = 	snop  }
0x180: {  	[spmem:s14] =	stream.indirect.scatter.add.f32 [tilespmem:s23], [sflag:$0x11], $0x1, s3, s0, $0xb8;
	[tilespmem:$0x1CB00] =	vst v63  }
0x181: {  	_ =	swait.ge [sflag:s15], $0x2000  }
0x182: {  	[sflag:s15] =	ssyncset.done $0x0  }
0x183: {  	s5 =	simm.s32 $0x280;
	[sflag:s15] =	ssyncadd.s32 $0xFFFFE000  }
0x184: {  	[spmem:s13] =	stream.indirect.scatter.add.f32 [tilespmem:s4], [sflag:$0xF], $0x80, s5, s0, $0xb8;
	[tilespmem:$0x1CB00] =	vst v63  }
0x185: {  	_ = 	snop  }
0x186: {  	[spmem:s14] =	stream.indirect.scatter.add.f32 [tilespmem:s23], [sflag:$0x11], $0x1, s5, s0, $0xb8;
	[tilespmem:$0x1CB00] =	vst v63  }
0x187: {  	_ =	swait.ge [sflag:s17], $0x2000  }
0x188: {  	[sflag:s17] =	ssyncset.done $0x0  }
0x189: {  	s18 =	simm.s32 $0x380;
	[sflag:s17] =	ssyncadd.s32 $0xFFFFE000  }
0x18a: {  	[spmem:s13] =	stream.indirect.scatter.add.f32 [tilespmem:s6], [sflag:$0x10], $0x80, s18, s0, $0xb8;
	[tilespmem:$0x1CB00] =	vst v63  }
0x18b: {  	_ = 	snop  }
0x18c: {  	[spmem:s14] =	stream.indirect.scatter.add.f32 [tilespmem:s23], [sflag:$0x11], $0x1, s18, s0, $0xb8;
	[tilespmem:$0x1CB00] =	vst v63  }
0x18d: {  	_ =	swait.ge [sflag:s19], $0x2000  }
0x18e: {  	[sflag:s19] =	ssyncset.done $0x0  }
0x18f: {  	s22 =	simm.s32 $0x5;
	[sflag:s19] =	ssyncadd.s32 $0xFFFFE000  }
0x190: {  	_ =	swait.ge [sflag:s22], $0x100  }
0x191: {  	[sflag:s22] =	ssyncset.done $0x0  }
0x192: {  	[sflag:s22] =	ssyncadd.s32 $0xFFFFFF00  }
0x193: {  	[tilespmem:s21], [sflag:$0x9] =	stream.indirect.gather [hbm4b:s25+s0], $0x80, s26, s0, $0xb8;
	[tilespmem:$0x1CB00] =	vst v63  }
0x194: {  	_ =	swait.ge [sflag:s24], $0x2000  }
0x195: {  	[sflag:s24] =	ssyncset.done $0x0  }
0x196: {  	s3 =	simm.s32 $0x6;
	[sflag:s24] =	ssyncadd.s32 $0xFFFFE000  }
0x197: {  	_ =	swait.ge [sflag:s3], $0x100  }
0x198: {  	[sflag:s3] =	ssyncset.done $0x0  }
0x199: {  	[sflag:s3] =	ssyncadd.s32 $0xFFFFFF00  }
0x19a: {  	[tilespmem:s2], [sflag:$0xA] =	stream.indirect.gather [hbm4b:s25+s0], $0x80, s20, s0, $0xb8;
	[tilespmem:$0x1CB00] =	vst v63  }
0x19b: {  	_ =	swait.ge [sflag:s28], $0x2000  }
0x19c: {  	[sflag:s28] =	ssyncset.done $0x0  }
0x19d: {  	s5 =	simm.s32 $0x7;
	[sflag:s28] =	ssyncadd.s32 $0xFFFFE000  }
0x19e: {  	_ =	swait.ge [sflag:s5], $0x100  }
0x19f: {  	[sflag:s5] =	ssyncset.done $0x0  }
0x1a0: {  	[sflag:s5] =	ssyncadd.s32 $0xFFFFFF00  }
0x1a1: {  	[tilespmem:s4], [sflag:$0xB] =	stream.indirect.gather [hbm4b:s25+s0], $0x80, s12, s0, $0xb8;
	[tilespmem:$0x1CB00] =	vst v63  }
0x1a2: {  	_ =	swait.ge [sflag:s29], $0x2000  }
0x1a3: {  	[sflag:s29] =	ssyncset.done $0x0  }
0x1a4: {  	[sflag:s29] =	ssyncadd.s32 $0xFFFFE000  }
0x1a5: {  	_ =	swait.ge [sflag:s30], $0x100  }
0x1a6: {  	[sflag:s30] =	ssyncset.done $0x0  }
0x1a7: {  	[sflag:s30] =	ssyncadd.s32 $0xFFFFFF00  }
0x1a8: {  	[tilespmem:s6], [sflag:$0xC] =	stream.indirect.gather [hbm4b:s25+s0], $0x80, s16, s0, $0xb8;
	[tilespmem:$0x1CB00] =	vst v63  }
0x1a9: {  	_ =	swait.ge [sflag:s31], $0x40  }
0x1aa: {  	[sflag:s31] =	ssyncset.done $0x0  }
0x1ab: {  	[sflag:s31] =	ssyncadd.s32 $0xFFFFFFC0  }
0x1ac: {  	_ =	swait.ge [sflag:s31], $0x40  }
0x1ad: {  	[sflag:s31] =	ssyncset.done $0x0  }
0x1ae: {  	[sflag:s31] =	ssyncadd.s32 $0xFFFFFFC0  }
0x1af: {  	_ =	swait.ge [sflag:s31], $0x40  }
0x1b0: {  	[sflag:s31] =	ssyncset.done $0x0  }
0x1b1: {  	[sflag:s31] =	ssyncadd.s32 $0xFFFFFFC0  }
0x1b2: {  	_ =	swait.ge [sflag:s31], $0x40  }
0x1b3: {  	[sflag:s31] =	ssyncset.done $0x0  }
0x1b4: {  	[sflag:s31] =	ssyncadd.s32 $0xFFFFFFC0  }
0x1b5: {  	_ =	swait.ge [sflag:s7], $0x2000  }
0x1b6: {  	[sflag:s7] =	ssyncset.done $0x0  }
0x1b7: {  	s18 =	simm.s32 $0x480;
	[sflag:s7] =	ssyncadd.s32 $0xFFFFE000  }
0x1b8: {  	[spmem:s13] =	stream.indirect.scatter.add.f32 [tilespmem:s21], [sflag:$0xD], $0x80, s18, s0, $0xb8;
	[tilespmem:$0x1CB00] =	vst v63  }
0x1b9: {  	_ = 	snop  }
0x1ba: {  	[spmem:s14] =	stream.indirect.scatter.add.f32 [tilespmem:s23], [sflag:$0x11], $0x1, s18, s0, $0xb8;
	[tilespmem:$0x1CB00] =	vst v63  }
0x1bb: {  	_ =	swait.ge [sflag:s9], $0x2000  }
0x1bc: {  	[sflag:s9] =	ssyncset.done $0x0  }
0x1bd: {  	s20 =	simm.s32 $0x580;
	[sflag:s9] =	ssyncadd.s32 $0xFFFFE000  }
0x1be: {  	[spmem:s13] =	stream.indirect.scatter.add.f32 [tilespmem:s2], [sflag:$0xE], $0x80, s20, s0, $0xb8;
	[tilespmem:$0x1CB00] =	vst v63  }
0x1bf: {  	_ = 	snop  }
0x1c0: {  	[spmem:s14] =	stream.indirect.scatter.add.f32 [tilespmem:s23], [sflag:$0x11], $0x1, s20, s0, $0xb8;
	[tilespmem:$0x1CB00] =	vst v63  }
0x1c1: {  	_ =	swait.ge [sflag:s15], $0x2000  }
0x1c2: {  	[sflag:s15] =	ssyncset.done $0x0  }
0x1c3: {  	s22 =	simm.s32 $0x680;
	[sflag:s15] =	ssyncadd.s32 $0xFFFFE000  }
0x1c4: {  	[spmem:s13] =	stream.indirect.scatter.add.f32 [tilespmem:s4], [sflag:$0xF], $0x80, s22, s0, $0xb8;
	[tilespmem:$0x1CB00] =	vst v63  }
0x1c5: {  	_ = 	snop  }
0x1c6: {  	[spmem:s14] =	stream.indirect.scatter.add.f32 [tilespmem:s23], [sflag:$0x11], $0x1, s22, s0, $0xb8;
	[tilespmem:$0x1CB00] =	vst v63  }
0x1c7: {  	_ =	swait.ge [sflag:s17], $0x2000  }
0x1c8: {  	[sflag:s17] =	ssyncset.done $0x0  }
0x1c9: {  	s26 =	simm.s32 $0x780;
	[sflag:s17] =	ssyncadd.s32 $0xFFFFE000  }
0x1ca: {  	[spmem:s13] =	stream.indirect.scatter.add.f32 [tilespmem:s6], [sflag:$0x10], $0x80, s26, s0, $0xb8;
	[tilespmem:$0x1CB00] =	vst v63  }
0x1cb: {  	_ = 	snop  }
0x1cc: {  	[spmem:s14] =	stream.indirect.scatter.add.f32 [tilespmem:s23], [sflag:$0x11], $0x1, s26, s0, $0xb8;
	[tilespmem:$0x1CB00] =	vst v63  }
0x1cd: {  	_ =	swait.ge [sflag:s19], $0x2000  }
0x1ce: {  	[sflag:s19] =	ssyncset.done $0x0  }
0x1cf: {  	[sflag:s19] =	ssyncadd.s32 $0xFFFFE000  }
0x1d0: {  	_ =	swait.ge [sflag:s24], $0x2000  }
0x1d1: {  	[sflag:s24] =	ssyncset.done $0x0  }
0x1d2: {  	[sflag:s24] =	ssyncadd.s32 $0xFFFFE000  }
0x1d3: {  	_ =	swait.ge [sflag:s28], $0x2000  }
0x1d4: {  	[sflag:s28] =	ssyncset.done $0x0  }
0x1d5: {  	[sflag:s28] =	ssyncadd.s32 $0xFFFFE000  }
0x1d6: {  	_ =	swait.ge [sflag:s29], $0x2000  }
0x1d7: {  	[sflag:s29] =	ssyncset.done $0x0  }
0x1d8: {  	[sflag:s29] =	ssyncadd.s32 $0xFFFFE000  }
0x1d9: {  	_ =	swait.ge [sflag:s31], $0x40  }
0x1da: {  	[sflag:s31] =	ssyncset.done $0x0  }
0x1db: {  	[sflag:s31] =	ssyncadd.s32 $0xFFFFFFC0  }
0x1dc: {  	_ =	swait.ge [sflag:s31], $0x40  }
0x1dd: {  	[sflag:s31] =	ssyncset.done $0x0  }
0x1de: {  	p0 =	sne.s32 s10, $0x1300;
	[sflag:s31] =	ssyncadd.s32 $0xFFFFFFC0  }
.Ltmp0:
0x1df: {  	_ =	swait.ge [sflag:s31], $0x40;
	(pc) =	sbr.rel @p0 .LBB2_2-.Ltmp0, $4  }
0x1e0: {  	[sflag:s31] =	ssyncset.done $0x0  }
0x1e1: {  	[sflag:s31] =	ssyncadd.s32 $0xFFFFFFC0  }
0x1e2: {  	_ =	swait.ge [sflag:s31], $0x40  }
0x1e3: {  	s10 =	sadd.s32 $0x100, s10;
	s16 =	rddreg [dreg:$0xc];
	[sflag:s31] =	ssyncset.done $0x0  }
0x1e4: {  	s1 =	rddreg [dreg:$0xb];
	[sflag:s31] =	ssyncadd.s32 $0xFFFFFFC0;
	s10 =	sadd.s32 s8, s16  }
0x1e5: {  	[tilespmem:s11], [sflag:$0x1] =	stream.linear.gather [hbm4b:s10+s11], $0x100, $0x38;
	[tilespmem:$0x1CB00] =	vst v63  }
0x1e6: {  	s12 =	rddreg [dreg:$0xa];
	s3 =	simm.s32 $0x100;
	s1 =	sadd.s32 s8, s1  }
0x1e7: {  	[tilespmem:s3], [sflag:$0x2] =	stream.linear.gather [hbm4b:s1+s11], $0x100, $0x38;
	[tilespmem:$0x1CB00] =	vst v63  }
0x1e8: {  	s16 =	rddreg [dreg:$0x9];
	s5 =	simm.s32 $0x200;
	s10 =	sadd.s32 s8, s12  }
0x1e9: {  	[tilespmem:s5], [sflag:$0x3] =	stream.linear.gather [hbm4b:s10+s11], $0x100, $0x38;
	[tilespmem:$0x1CB00] =	vst v63  }
0x1ea: {  	s18 =	rddreg [dreg:$0x8];
	s12 =	simm.s32 $0x300;
	s1 =	sadd.s32 s8, s16  }
0x1eb: {  	[tilespmem:s12], [sflag:$0x4] =	stream.linear.gather [hbm4b:s1+s11], $0x100, $0x38;
	[tilespmem:$0x1CB00] =	vst v63  }
0x1ec: {  	s20 =	rddreg [dreg:$0x7];
	s16 =	simm.s32 $0x400;
	s10 =	sadd.s32 s8, s18  }
0x1ed: {  	[tilespmem:s16], [sflag:$0x5] =	stream.linear.gather [hbm4b:s10+s11], $0x100, $0x38;
	[tilespmem:$0x1CB00] =	vst v63  }
0x1ee: {  	s22 =	rddreg [dreg:$0x6];
	s18 =	simm.s32 $0x500;
	s1 =	sadd.s32 s8, s20  }
0x1ef: {  	[tilespmem:s18], [sflag:$0x6] =	stream.linear.gather [hbm4b:s1+s11], $0x100, $0x38;
	[tilespmem:$0x1CB00] =	vst v63  }
0x1f0: {  	s26 =	rddreg [dreg:$0x5];
	s20 =	simm.s32 $0x600;
	s10 =	sadd.s32 s8, s22  }
0x1f1: {  	[tilespmem:s20], [sflag:$0x7] =	stream.linear.gather [hbm4b:s10+s11], $0x100, $0x38;
	[tilespmem:$0x1CB00] =	vst v63  }
0x1f2: {  	s22 =	simm.s32 $0x1;
	s1 =	sadd.s32 s8, s26;
	s8 =	simm.s32 $0x700  }
0x1f3: {  	[tilespmem:s8], [sflag:$0x8] =	stream.linear.gather [hbm4b:s1+s11], $0x100, $0x38;
	[tilespmem:$0x1CB00] =	vst v63  }
0x1f4: {  	_ =	swait.ge [sflag:s22], $0x100  }
0x1f5: {  	[sflag:s22] =	ssyncset.done $0x0  }
0x1f6: {  	s26 =	simm.s32 $0x2;
	[sflag:s22] =	ssyncadd.s32 $0xFFFFFF00  }
0x1f7: {  	[tilespmem:s21], [sflag:$0x9] =	stream.indirect.gather [hbm4b:s25+s0], $0x80, s11, s0, $0xb8;
	[tilespmem:$0x1CB00] =	vst v63  }
0x1f8: {  	_ =	swait.ge [sflag:s26], $0x100  }
0x1f9: {  	[sflag:s26] =	ssyncset.done $0x0  }
0x1fa: {  	s10 =	simm.s32 $0x3;
	[sflag:s26] =	ssyncadd.s32 $0xFFFFFF00  }
0x1fb: {  	[tilespmem:s2], [sflag:$0xA] =	stream.indirect.gather [hbm4b:s25+s0], $0x80, s3, s0, $0xb8;
	[tilespmem:$0x1CB00] =	vst v63  }
0x1fc: {  	_ =	swait.ge [sflag:s10], $0x100  }
0x1fd: {  	[sflag:s10] =	ssyncset.done $0x0  }
0x1fe: {  	s22 =	simm.s32 $0x4;
	[sflag:s10] =	ssyncadd.s32 $0xFFFFFF00  }
0x1ff: {  	[tilespmem:s4], [sflag:$0xB] =	stream.indirect.gather [hbm4b:s25+s0], $0x80, s5, s0, $0xb8;
	[tilespmem:$0x1CB00] =	vst v63  }
0x200: {  	_ =	swait.ge [sflag:s22], $0x100  }
0x201: {  	[sflag:s22] =	ssyncset.done $0x0  }
0x202: {  	[sflag:s22] =	ssyncadd.s32 $0xFFFFFF00  }
0x203: {  	[tilespmem:s6], [sflag:$0xC] =	stream.indirect.gather [hbm4b:s25+s0], $0x80, s12, s0, $0xb8;
	[tilespmem:$0x1CB00] =	vst v63  }
0x204: {  	_ =	swait.ge [sflag:s7], $0x2000  }
0x205: {  	[sflag:s7] =	ssyncset.done $0x0  }
0x206: {  	s26 =	simm.s32 $0x80;
	[sflag:s7] =	ssyncadd.s32 $0xFFFFE000  }
0x207: {  	[spmem:s13] =	stream.indirect.scatter.add.f32 [tilespmem:s21], [sflag:$0xD], $0x80, s26, s0, $0xb8;
	[tilespmem:$0x1CB00] =	vst v63  }
0x208: {  	_ = 	snop  }
0x209: {  	[spmem:s14] =	stream.indirect.scatter.add.f32 [tilespmem:s23], [sflag:$0x11], $0x1, s26, s0, $0xb8;
	[tilespmem:$0x1CB00] =	vst v63  }
0x20a: {  	_ =	swait.ge [sflag:s9], $0x2000  }
0x20b: {  	[sflag:s9] =	ssyncset.done $0x0  }
0x20c: {  	s3 =	simm.s32 $0x180;
	[sflag:s9] =	ssyncadd.s32 $0xFFFFE000  }
0x20d: {  	[spmem:s13] =	stream.indirect.scatter.add.f32 [tilespmem:s2], [sflag:$0xE], $0x80, s3, s0, $0xb8;
	[tilespmem:$0x1CB00] =	vst v63  }
0x20e: {  	_ = 	snop  }
0x20f: {  	[spmem:s14] =	stream.indirect.scatter.add.f32 [tilespmem:s23], [sflag:$0x11], $0x1, s3, s0, $0xb8;
	[tilespmem:$0x1CB00] =	vst v63  }
0x210: {  	_ =	swait.ge [sflag:s15], $0x2000  }
0x211: {  	[sflag:s15] =	ssyncset.done $0x0  }
0x212: {  	s5 =	simm.s32 $0x280;
	[sflag:s15] =	ssyncadd.s32 $0xFFFFE000  }
0x213: {  	[spmem:s13] =	stream.indirect.scatter.add.f32 [tilespmem:s4], [sflag:$0xF], $0x80, s5, s0, $0xb8;
	[tilespmem:$0x1CB00] =	vst v63  }
0x214: {  	_ = 	snop  }
0x215: {  	[spmem:s14] =	stream.indirect.scatter.add.f32 [tilespmem:s23], [sflag:$0x11], $0x1, s5, s0, $0xb8;
	[tilespmem:$0x1CB00] =	vst v63  }
0x216: {  	_ =	swait.ge [sflag:s17], $0x2000  }
0x217: {  	[sflag:s17] =	ssyncset.done $0x0  }
0x218: {  	s10 =	simm.s32 $0x380;
	[sflag:s17] =	ssyncadd.s32 $0xFFFFE000  }
0x219: {  	[spmem:s13] =	stream.indirect.scatter.add.f32 [tilespmem:s6], [sflag:$0x10], $0x80, s10, s0, $0xb8;
	[tilespmem:$0x1CB00] =	vst v63  }
0x21a: {  	_ = 	snop  }
0x21b: {  	[spmem:s14] =	stream.indirect.scatter.add.f32 [tilespmem:s23], [sflag:$0x11], $0x1, s10, s0, $0xb8;
	[tilespmem:$0x1CB00] =	vst v63  }
0x21c: {  	_ =	swait.ge [sflag:s19], $0x2000  }
0x21d: {  	[sflag:s19] =	ssyncset.done $0x0  }
0x21e: {  	s12 =	simm.s32 $0x5;
	[sflag:s19] =	ssyncadd.s32 $0xFFFFE000  }
0x21f: {  	_ =	swait.ge [sflag:s12], $0x100  }
0x220: {  	[sflag:s12] =	ssyncset.done $0x0  }
0x221: {  	[sflag:s12] =	ssyncadd.s32 $0xFFFFFF00  }
0x222: {  	[tilespmem:s21], [sflag:$0x9] =	stream.indirect.gather [hbm4b:s25+s0], $0x80, s16, s0, $0xb8;
	[tilespmem:$0x1CB00] =	vst v63  }
0x223: {  	_ =	swait.ge [sflag:s24], $0x2000  }
0x224: {  	[sflag:s24] =	ssyncset.done $0x0  }
0x225: {  	s16 =	simm.s32 $0x6;
	[sflag:s24] =	ssyncadd.s32 $0xFFFFE000  }
0x226: {  	_ =	swait.ge [sflag:s16], $0x100  }
0x227: {  	[sflag:s16] =	ssyncset.done $0x0  }
0x228: {  	[sflag:s16] =	ssyncadd.s32 $0xFFFFFF00  }
0x229: {  	[tilespmem:s2], [sflag:$0xA] =	stream.indirect.gather [hbm4b:s25+s0], $0x80, s18, s0, $0xb8;
	[tilespmem:$0x1CB00] =	vst v63  }
0x22a: {  	_ =	swait.ge [sflag:s28], $0x2000  }
0x22b: {  	[sflag:s28] =	ssyncset.done $0x0  }
0x22c: {  	s18 =	simm.s32 $0x7;
	[sflag:s28] =	ssyncadd.s32 $0xFFFFE000  }
0x22d: {  	_ =	swait.ge [sflag:s18], $0x100  }
0x22e: {  	[sflag:s18] =	ssyncset.done $0x0  }
0x22f: {  	[sflag:s18] =	ssyncadd.s32 $0xFFFFFF00  }
0x230: {  	[tilespmem:s4], [sflag:$0xB] =	stream.indirect.gather [hbm4b:s25+s0], $0x80, s20, s0, $0xb8;
	[tilespmem:$0x1CB00] =	vst v63  }
0x231: {  	_ =	swait.ge [sflag:s29], $0x2000  }
0x232: {  	[sflag:s29] =	ssyncset.done $0x0  }
0x233: {  	[sflag:s29] =	ssyncadd.s32 $0xFFFFE000  }
0x234: {  	_ =	swait.ge [sflag:s30], $0x100  }
0x235: {  	[sflag:s30] =	ssyncset.done $0x0  }
0x236: {  	[sflag:s30] =	ssyncadd.s32 $0xFFFFFF00  }
0x237: {  	[tilespmem:s6], [sflag:$0xC] =	stream.indirect.gather [hbm4b:s25+s0], $0x80, s8, s0, $0xb8;
	[tilespmem:$0x1CB00] =	vst v63  }
0x238: {  	_ =	swait.ge [sflag:s31], $0x40  }
0x239: {  	[sflag:s31] =	ssyncset.done $0x0  }
0x23a: {  	[sflag:s31] =	ssyncadd.s32 $0xFFFFFFC0  }
0x23b: {  	_ =	swait.ge [sflag:s31], $0x40  }
0x23c: {  	[sflag:s31] =	ssyncset.done $0x0  }
0x23d: {  	[sflag:s31] =	ssyncadd.s32 $0xFFFFFFC0  }
0x23e: {  	_ =	swait.ge [sflag:s31], $0x40  }
0x23f: {  	[sflag:s31] =	ssyncset.done $0x0  }
0x240: {  	[sflag:s31] =	ssyncadd.s32 $0xFFFFFFC0  }
0x241: {  	_ =	swait.ge [sflag:s31], $0x40  }
0x242: {  	[sflag:s31] =	ssyncset.done $0x0  }
0x243: {  	[sflag:s31] =	ssyncadd.s32 $0xFFFFFFC0  }
0x244: {  	_ =	swait.ge [sflag:s7], $0x2000  }
0x245: {  	[sflag:s7] =	ssyncset.done $0x0  }
0x246: {  	s22 =	simm.s32 $0x480;
	[sflag:s7] =	ssyncadd.s32 $0xFFFFE000  }
0x247: {  	[spmem:s13] =	stream.indirect.scatter.add.f32 [tilespmem:s21], [sflag:$0xD], $0x80, s22, s0, $0xb8;
	[tilespmem:$0x1CB00] =	vst v63  }
0x248: {  	_ = 	snop  }
0x249: {  	[spmem:s14] =	stream.indirect.scatter.add.f32 [tilespmem:s23], [sflag:$0x11], $0x1, s22, s0, $0xb8;
	[tilespmem:$0x1CB00] =	vst v63  }
0x24a: {  	_ =	swait.ge [sflag:s9], $0x2000  }
0x24b: {  	[sflag:s9] =	ssyncset.done $0x0  }
0x24c: {  	s26 =	simm.s32 $0x580;
	[sflag:s9] =	ssyncadd.s32 $0xFFFFE000  }
0x24d: {  	[spmem:s13] =	stream.indirect.scatter.add.f32 [tilespmem:s2], [sflag:$0xE], $0x80, s26, s0, $0xb8;
	[tilespmem:$0x1CB00] =	vst v63  }
0x24e: {  	_ = 	snop  }
0x24f: {  	[spmem:s14] =	stream.indirect.scatter.add.f32 [tilespmem:s23], [sflag:$0x11], $0x1, s26, s0, $0xb8;
	[tilespmem:$0x1CB00] =	vst v63  }
0x250: {  	_ =	swait.ge [sflag:s15], $0x2000  }
0x251: {  	[sflag:s15] =	ssyncset.done $0x0  }
0x252: {  	s3 =	simm.s32 $0x680;
	[sflag:s15] =	ssyncadd.s32 $0xFFFFE000  }
0x253: {  	[spmem:s13] =	stream.indirect.scatter.add.f32 [tilespmem:s4], [sflag:$0xF], $0x80, s3, s0, $0xb8;
	[tilespmem:$0x1CB00] =	vst v63  }
0x254: {  	_ = 	snop  }
0x255: {  	[spmem:s14] =	stream.indirect.scatter.add.f32 [tilespmem:s23], [sflag:$0x11], $0x1, s3, s0, $0xb8;
	[tilespmem:$0x1CB00] =	vst v63  }
0x256: {  	_ =	swait.ge [sflag:s17], $0x2000  }
0x257: {  	[sflag:s17] =	ssyncset.done $0x0  }
0x258: {  	s5 =	simm.s32 $0x780;
	[sflag:s17] =	ssyncadd.s32 $0xFFFFE000  }
0x259: {  	[spmem:s13] =	stream.indirect.scatter.add.f32 [tilespmem:s6], [sflag:$0x10], $0x80, s5, s0, $0xb8;
	[tilespmem:$0x1CB00] =	vst v63  }
0x25a: {  	_ = 	snop  }
0x25b: {  	[spmem:s14] =	stream.indirect.scatter.add.f32 [tilespmem:s23], [sflag:$0x11], $0x1, s5, s0, $0xb8;
	[tilespmem:$0x1CB00] =	vst v63  }
0x25c: {  	_ =	swait.ge [sflag:s19], $0x2000  }
0x25d: {  	[sflag:s19] =	ssyncset.done $0x0  }
0x25e: {  	[sflag:s19] =	ssyncadd.s32 $0xFFFFE000  }
0x25f: {  	_ =	swait.ge [sflag:s24], $0x2000  }
0x260: {  	[sflag:s24] =	ssyncset.done $0x0  }
0x261: {  	[sflag:s24] =	ssyncadd.s32 $0xFFFFE000  }
0x262: {  	_ =	swait.ge [sflag:s28], $0x2000  }
0x263: {  	[sflag:s28] =	ssyncset.done $0x0  }
0x264: {  	[sflag:s28] =	ssyncadd.s32 $0xFFFFE000  }
0x265: {  	_ =	swait.ge [sflag:s29], $0x2000  }
0x266: {  	[sflag:s29] =	ssyncset.done $0x0  }
0x267: {  	[sflag:s29] =	ssyncadd.s32 $0xFFFFE000  }
0x268: {  	_ =	swait.ge [sflag:s31], $0x40  }
0x269: {  	[sflag:s31] =	ssyncset.done $0x0  }
0x26a: {  	[sflag:s31] =	ssyncadd.s32 $0xFFFFFFC0  }
0x26b: {  	_ =	swait.ge [sflag:s31], $0x40  }
0x26c: {  	[sflag:s31] =	ssyncset.done $0x0  }
0x26d: {  	[sflag:s31] =	ssyncadd.s32 $0xFFFFFFC0  }
0x26e: {  	_ =	swait.ge [sflag:s31], $0x40  }
0x26f: {  	[sflag:s31] =	ssyncset.done $0x0  }
0x270: {  	[sflag:s31] =	ssyncadd.s32 $0xFFFFFFC0  }
0x271: {  	_ =	swait.ge [sflag:s31], $0x40  }
0x272: {  	[sflag:s31] =	ssyncset.done $0x0  }
0x273: {  	[sflag:s31] =	ssyncadd.s32 $0xFFFFFFC0  }
0x274: {  	[bflag:$0x0] =	sbarrier.arrive $0xFFFF  }
0x275: {  	s5 =	sld [smem:$0x7F6];
	_ =	sdelay $0x1  }
0x276: {  	s18 =	simm.s32 $0x12  }
0x277: {  	[tilespmem:s21], [sflag:$0x12] =	stream.linear.gather [spmem:s5], $0x2000, $0x38;
	[tilespmem:$0x1CB00] =	vst v63  }
0x278: {  	_ =	swait.ge [sflag:s18], $0x2000  }
0x279: {  	[sflag:s18] =	ssyncset.done $0x0  }
0x27a: {  	s8 =	rddreg [dreg:$0xd];
	[sflag:s18] =	ssyncadd.s32 $0xFFFFE000  }
0x27b: {  	[hbm4b:s8+s11] =	stream.linear.scatter [tilespmem:s21], [sflag:$0x12], $0x2000, $0x38;
	[tilespmem:$0x1CB00] =	vst v63  }
0x27c: {  	_ =	swait.ge [sflag:s18], $0x2000  }
0x27d: {  	s26 =	sld [smem:$0x7F7]  }
0x27e: {  	[sflag:s18] =	ssyncset.done $0x0  }
0x27f: {  	[sflag:s18] =	ssyncadd.s32 $0xFFFFE000  }
0x280: {  	[tilespmem:s23], [sflag:$0x12] =	stream.linear.gather [spmem:s26], $0x40, $0x38;
	[tilespmem:$0x1CB00] =	vst v63  }
0x281: {  	_ =	swait.ge [sflag:s18], $0x40  }
0x282: {  	[sflag:s18] =	ssyncset.done $0x0  }
0x283: {  	s10 =	rddreg [dreg:$0x1b];
	[sflag:s18] =	ssyncadd.s32 $0xFFFFFFC0  }
0x284: {  	[hbm4b:s10+s11] =	stream.linear.scatter [tilespmem:s23], [sflag:$0x12], $0x40, $0x38;
	[tilespmem:$0x1CB00] =	vst v63  }
0x285: {  	_ =	swait.ge [sflag:s18], $0x40  }
0x286: {  	s20 =	sld [smem:$0x7F8]  }
0x287: {  	[sflag:s18] =	ssyncset.done $0x0  }
0x288: {  	[sflag:s18] =	ssyncadd.s32 $0xFFFFFFC0  }
0x289: {  	[tilespmem:s21], [sflag:$0x12] =	stream.linear.gather [spmem:s20], $0x2000, $0x38;
	[tilespmem:$0x1CB00] =	vst v63  }
0x28a: {  	_ =	swait.ge [sflag:s18], $0x2000  }
0x28b: {  	[sflag:s18] =	ssyncset.done $0x0  }
0x28c: {  	s12 =	rddreg [dreg:$0xe];
	[sflag:s18] =	ssyncadd.s32 $0xFFFFE000  }
0x28d: {  	[hbm4b:s12+s11] =	stream.linear.scatter [tilespmem:s21], [sflag:$0x12], $0x2000, $0x38;
	[tilespmem:$0x1CB00] =	vst v63  }
0x28e: {  	_ =	swait.ge [sflag:s18], $0x2000  }
0x28f: {  	s22 =	sld [smem:$0x7F9]  }
0x290: {  	[sflag:s18] =	ssyncset.done $0x0  }
0x291: {  	[sflag:s18] =	ssyncadd.s32 $0xFFFFE000  }
0x292: {  	[tilespmem:s23], [sflag:$0x12] =	stream.linear.gather [spmem:s22], $0x40, $0x38;
	[tilespmem:$0x1CB00] =	vst v63  }
0x293: {  	_ =	swait.ge [sflag:s18], $0x40  }
0x294: {  	[sflag:s18] =	ssyncset.done $0x0  }
0x295: {  	s16 =	rddreg [dreg:$0x1c];
	[sflag:s18] =	ssyncadd.s32 $0xFFFFFFC0  }
0x296: {  	[hbm4b:s16+s11] =	stream.linear.scatter [tilespmem:s23], [sflag:$0x12], $0x40, $0x38;
	[tilespmem:$0x1CB00] =	vst v63  }
0x297: {  	_ =	swait.ge [sflag:s18], $0x40  }
0x298: {  	s3 =	sld [smem:$0x7E4]  }
0x299: {  	[sflag:s18] =	ssyncset.done $0x0  }
0x29a: {  	[sflag:s18] =	ssyncadd.s32 $0xFFFFFFC0  }
0x29b: {  	[tilespmem:s21], [sflag:$0x12] =	stream.linear.gather [spmem:s3], $0x2000, $0x38;
	[tilespmem:$0x1CB00] =	vst v63  }
0x29c: {  	_ =	swait.ge [sflag:s18], $0x2000  }
0x29d: {  	[sflag:s18] =	ssyncset.done $0x0  }
0x29e: {  	s8 =	rddreg [dreg:$0xf];
	[sflag:s18] =	ssyncadd.s32 $0xFFFFE000  }
0x29f: {  	[hbm4b:s8+s11] =	stream.linear.scatter [tilespmem:s21], [sflag:$0x12], $0x2000, $0x38;
	[tilespmem:$0x1CB00] =	vst v63  }
0x2a0: {  	_ =	swait.ge [sflag:s18], $0x2000  }
0x2a1: {  	s10 =	sld [smem:$0x7E5]  }
0x2a2: {  	[sflag:s18] =	ssyncset.done $0x0  }
0x2a3: {  	[sflag:s18] =	ssyncadd.s32 $0xFFFFE000  }
0x2a4: {  	[tilespmem:s23], [sflag:$0x12] =	stream.linear.gather [spmem:s10], $0x40, $0x38;
	[tilespmem:$0x1CB00] =	vst v63  }
0x2a5: {  	_ =	swait.ge [sflag:s18], $0x40  }
0x2a6: {  	[sflag:s18] =	ssyncset.done $0x0  }
0x2a7: {  	s12 =	rddreg [dreg:$0x17];
	[sflag:s18] =	ssyncadd.s32 $0xFFFFFFC0  }
0x2a8: {  	[hbm4b:s12+s11] =	stream.linear.scatter [tilespmem:s23], [sflag:$0x12], $0x40, $0x38;
	[tilespmem:$0x1CB00] =	vst v63  }
0x2a9: {  	_ =	swait.ge [sflag:s18], $0x40  }
0x2aa: {  	s16 =	sld [smem:$0x7E7]  }
0x2ab: {  	[sflag:s18] =	ssyncset.done $0x0  }
0x2ac: {  	[sflag:s18] =	ssyncadd.s32 $0xFFFFFFC0  }
0x2ad: {  	[tilespmem:s21], [sflag:$0x12] =	stream.linear.gather [spmem:s16], $0x2000, $0x38;
	[tilespmem:$0x1CB00] =	vst v63  }
0x2ae: {  	_ =	swait.ge [sflag:s18], $0x2000  }
0x2af: {  	[sflag:s18] =	ssyncset.done $0x0  }
0x2b0: {  	s3 =	rddreg [dreg:$0x10];
	[sflag:s18] =	ssyncadd.s32 $0xFFFFE000  }
0x2b1: {  	[hbm4b:s3+s11] =	stream.linear.scatter [tilespmem:s21], [sflag:$0x12], $0x2000, $0x38;
	[tilespmem:$0x1CB00] =	vst v63  }
0x2b2: {  	_ =	swait.ge [sflag:s18], $0x2000  }
0x2b3: {  	s8 =	sld [smem:$0x7E8]  }
0x2b4: {  	[sflag:s18] =	ssyncset.done $0x0  }
0x2b5: {  	[sflag:s18] =	ssyncadd.s32 $0xFFFFE000  }
0x2b6: {  	[tilespmem:s23], [sflag:$0x12] =	stream.linear.gather [spmem:s8], $0x40, $0x38;
	[tilespmem:$0x1CB00] =	vst v63  }
0x2b7: {  	_ =	swait.ge [sflag:s18], $0x40  }
0x2b8: {  	[sflag:s18] =	ssyncset.done $0x0  }
0x2b9: {  	s10 =	rddreg [dreg:$0x1d];
	[sflag:s18] =	ssyncadd.s32 $0xFFFFFFC0  }
0x2ba: {  	[hbm4b:s10+s11] =	stream.linear.scatter [tilespmem:s23], [sflag:$0x12], $0x40, $0x38;
	[tilespmem:$0x1CB00] =	vst v63  }
0x2bb: {  	_ =	swait.ge [sflag:s18], $0x40  }
0x2bc: {  	s12 =	sld [smem:$0x7EA]  }
0x2bd: {  	[sflag:s18] =	ssyncset.done $0x0  }
0x2be: {  	[sflag:s18] =	ssyncadd.s32 $0xFFFFFFC0  }
0x2bf: {  	[tilespmem:s21], [sflag:$0x12] =	stream.linear.gather [spmem:s12], $0x2000, $0x38;
	[tilespmem:$0x1CB00] =	vst v63  }
0x2c0: {  	_ =	swait.ge [sflag:s18], $0x2000  }
0x2c1: {  	[sflag:s18] =	ssyncset.done $0x0  }
0x2c2: {  	s16 =	rddreg [dreg:$0x11];
	[sflag:s18] =	ssyncadd.s32 $0xFFFFE000  }
0x2c3: {  	[hbm4b:s16+s11] =	stream.linear.scatter [tilespmem:s21], [sflag:$0x12], $0x2000, $0x38;
	[tilespmem:$0x1CB00] =	vst v63  }
0x2c4: {  	_ =	swait.ge [sflag:s18], $0x2000  }
0x2c5: {  	s3 =	sld [smem:$0x7EB]  }
0x2c6: {  	[sflag:s18] =	ssyncset.done $0x0  }
0x2c7: {  	[sflag:s18] =	ssyncadd.s32 $0xFFFFE000  }
0x2c8: {  	[tilespmem:s23], [sflag:$0x12] =	stream.linear.gather [spmem:s3], $0x40, $0x38;
	[tilespmem:$0x1CB00] =	vst v63  }
0x2c9: {  	_ =	swait.ge [sflag:s18], $0x40  }
0x2ca: {  	[sflag:s18] =	ssyncset.done $0x0  }
0x2cb: {  	s8 =	rddreg [dreg:$0x18];
	[sflag:s18] =	ssyncadd.s32 $0xFFFFFFC0  }
0x2cc: {  	[hbm4b:s8+s11] =	stream.linear.scatter [tilespmem:s23], [sflag:$0x12], $0x40, $0x38;
	[tilespmem:$0x1CB00] =	vst v63  }
0x2cd: {  	_ =	swait.ge [sflag:s18], $0x40  }
0x2ce: {  	s10 =	sld [smem:$0x7ED]  }
0x2cf: {  	[sflag:s18] =	ssyncset.done $0x0  }
0x2d0: {  	[sflag:s18] =	ssyncadd.s32 $0xFFFFFFC0  }
0x2d1: {  	[tilespmem:s21], [sflag:$0x12] =	stream.linear.gather [spmem:s10], $0x2000, $0x38;
	[tilespmem:$0x1CB00] =	vst v63  }
0x2d2: {  	_ =	swait.ge [sflag:s18], $0x2000  }
0x2d3: {  	[sflag:s18] =	ssyncset.done $0x0  }
0x2d4: {  	s12 =	rddreg [dreg:$0x12];
	[sflag:s18] =	ssyncadd.s32 $0xFFFFE000  }
0x2d5: {  	[hbm4b:s12+s11] =	stream.linear.scatter [tilespmem:s21], [sflag:$0x12], $0x2000, $0x38;
	[tilespmem:$0x1CB00] =	vst v63  }
0x2d6: {  	_ =	swait.ge [sflag:s18], $0x2000  }
0x2d7: {  	s16 =	sld [smem:$0x7EE]  }
0x2d8: {  	[sflag:s18] =	ssyncset.done $0x0  }
0x2d9: {  	[sflag:s18] =	ssyncadd.s32 $0xFFFFE000  }
0x2da: {  	[tilespmem:s23], [sflag:$0x12] =	stream.linear.gather [spmem:s16], $0x40, $0x38;
	[tilespmem:$0x1CB00] =	vst v63  }
0x2db: {  	_ =	swait.ge [sflag:s18], $0x40  }
0x2dc: {  	[sflag:s18] =	ssyncset.done $0x0  }
0x2dd: {  	s3 =	rddreg [dreg:$0x1e];
	[sflag:s18] =	ssyncadd.s32 $0xFFFFFFC0  }
0x2de: {  	[hbm4b:s3+s11] =	stream.linear.scatter [tilespmem:s23], [sflag:$0x12], $0x40, $0x38;
	[tilespmem:$0x1CB00] =	vst v63  }
0x2df: {  	_ =	swait.ge [sflag:s18], $0x40  }
0x2e0: {  	s8 =	sld [smem:$0x7F0]  }
0x2e1: {  	[sflag:s18] =	ssyncset.done $0x0  }
0x2e2: {  	[sflag:s18] =	ssyncadd.s32 $0xFFFFFFC0  }
0x2e3: {  	[tilespmem:s21], [sflag:$0x12] =	stream.linear.gather [spmem:s8], $0x2000, $0x38;
	[tilespmem:$0x1CB00] =	vst v63  }
0x2e4: {  	_ =	swait.ge [sflag:s18], $0x2000  }
0x2e5: {  	[sflag:s18] =	ssyncset.done $0x0  }
0x2e6: {  	s10 =	rddreg [dreg:$0x13];
	[sflag:s18] =	ssyncadd.s32 $0xFFFFE000  }
0x2e7: {  	[hbm4b:s10+s11] =	stream.linear.scatter [tilespmem:s21], [sflag:$0x12], $0x2000, $0x38;
	[tilespmem:$0x1CB00] =	vst v63  }
0x2e8: {  	_ =	swait.ge [sflag:s18], $0x2000  }
0x2e9: {  	s12 =	sld [smem:$0x7F1]  }
0x2ea: {  	[sflag:s18] =	ssyncset.done $0x0  }
0x2eb: {  	[sflag:s18] =	ssyncadd.s32 $0xFFFFE000  }
0x2ec: {  	[tilespmem:s23], [sflag:$0x12] =	stream.linear.gather [spmem:s12], $0x40, $0x38;
	[tilespmem:$0x1CB00] =	vst v63  }
0x2ed: {  	_ =	swait.ge [sflag:s18], $0x40  }
0x2ee: {  	[sflag:s18] =	ssyncset.done $0x0  }
0x2ef: {  	s16 =	rddreg [dreg:$0x19];
	[sflag:s18] =	ssyncadd.s32 $0xFFFFFFC0  }
0x2f0: {  	[hbm4b:s16+s11] =	stream.linear.scatter [tilespmem:s23], [sflag:$0x12], $0x40, $0x38;
	[tilespmem:$0x1CB00] =	vst v63  }
0x2f1: {  	_ =	swait.ge [sflag:s18], $0x40  }
0x2f2: {  	s3 =	sld [smem:$0x7F2]  }
0x2f3: {  	[sflag:s18] =	ssyncset.done $0x0  }
0x2f4: {  	[sflag:s18] =	ssyncadd.s32 $0xFFFFFFC0  }
0x2f5: {  	[tilespmem:s21], [sflag:$0x12] =	stream.linear.gather [spmem:s3], $0x2000, $0x38;
	[tilespmem:$0x1CB00] =	vst v63  }
0x2f6: {  	_ =	swait.ge [sflag:s18], $0x2000  }
0x2f7: {  	[sflag:s18] =	ssyncset.done $0x0  }
0x2f8: {  	s8 =	rddreg [dreg:$0x14];
	[sflag:s18] =	ssyncadd.s32 $0xFFFFE000  }
0x2f9: {  	[hbm4b:s8+s11] =	stream.linear.scatter [tilespmem:s21], [sflag:$0x12], $0x2000, $0x38;
	[tilespmem:$0x1CB00] =	vst v63  }
0x2fa: {  	_ =	swait.ge [sflag:s18], $0x2000  }
0x2fb: {  	s10 =	sld [smem:$0x7F3]  }
0x2fc: {  	[sflag:s18] =	ssyncset.done $0x0  }
0x2fd: {  	[sflag:s18] =	ssyncadd.s32 $0xFFFFE000  }
0x2fe: {  	[tilespmem:s23], [sflag:$0x12] =	stream.linear.gather [spmem:s10], $0x40, $0x38;
	[tilespmem:$0x1CB00] =	vst v63  }
0x2ff: {  	_ =	swait.ge [sflag:s18], $0x40  }
0x300: {  	[sflag:s18] =	ssyncset.done $0x0  }
0x301: {  	s12 =	rddreg [dreg:$0x1f];
	[sflag:s18] =	ssyncadd.s32 $0xFFFFFFC0  }
0x302: {  	[hbm4b:s12+s11] =	stream.linear.scatter [tilespmem:s23], [sflag:$0x12], $0x40, $0x38;
	[tilespmem:$0x1CB00] =	vst v63  }
0x303: {  	_ =	swait.ge [sflag:s18], $0x40  }
0x304: {  	s10 =	sld [smem:$0x7FA]  }
0x305: {  	[sflag:s18] =	ssyncset.done $0x0  }
0x306: {  	[sflag:s18] =	ssyncadd.s32 $0xFFFFFFC0  }
0x307: {  	[tilespmem:s21], [sflag:$0x12] =	stream.linear.gather [spmem:s10], $0x2000, $0x38;
	[tilespmem:$0x1CB00] =	vst v63  }
0x308: {  	_ =	swait.ge [sflag:s18], $0x2000  }
0x309: {  	[sflag:s18] =	ssyncset.done $0x0  }
0x30a: {  	s16 =	rddreg [dreg:$0x15];
	[sflag:s18] =	ssyncadd.s32 $0xFFFFE000  }
0x30b: {  	[hbm4b:s16+s11] =	stream.linear.scatter [tilespmem:s21], [sflag:$0x12], $0x2000, $0x38;
	[tilespmem:$0x1CB00] =	vst v63  }
0x30c: {  	_ =	swait.ge [sflag:s18], $0x2000  }
0x30d: {  	s12 =	sld [smem:$0x7FB]  }
0x30e: {  	[sflag:s18] =	ssyncset.done $0x0  }
0x30f: {  	[sflag:s18] =	ssyncadd.s32 $0xFFFFE000  }
0x310: {  	[tilespmem:s23], [sflag:$0x12] =	stream.linear.gather [spmem:s12], $0x40, $0x38;
	[tilespmem:$0x1CB00] =	vst v63  }
0x311: {  	_ =	swait.ge [sflag:s18], $0x40  }
0x312: {  	[sflag:s18] =	ssyncset.done $0x0  }
0x313: {  	s3 =	rddreg [dreg:$0x1a];
	[sflag:s18] =	ssyncadd.s32 $0xFFFFFFC0  }
0x314: {  	[hbm4b:s3+s11] =	stream.linear.scatter [tilespmem:s23], [sflag:$0x12], $0x40, $0x38;
	[tilespmem:$0x1CB00] =	vst v63  }
0x315: {  	_ =	swait.ge [sflag:s18], $0x40  }
0x316: {  	s16 =	sld [smem:$0x7FC]  }
0x317: {  	[sflag:s18] =	ssyncset.done $0x0  }
0x318: {  	[sflag:s18] =	ssyncadd.s32 $0xFFFFFFC0  }
0x319: {  	[tilespmem:s21], [sflag:$0x12] =	stream.linear.gather [spmem:s16], $0x2000, $0x38;
	[tilespmem:$0x1CB00] =	vst v63  }
0x31a: {  	_ =	swait.ge [sflag:s18], $0x2000  }
0x31b: {  	[sflag:s18] =	ssyncset.done $0x0  }
0x31c: {  	s8 =	rddreg [dreg:$0x16];
	[sflag:s18] =	ssyncadd.s32 $0xFFFFE000  }
0x31d: {  	[hbm4b:s8+s11] =	stream.linear.scatter [tilespmem:s21], [sflag:$0x12], $0x2000, $0x38;
	[tilespmem:$0x1CB00] =	vst v63  }
0x31e: {  	_ =	swait.ge [sflag:s18], $0x2000  }
0x31f: {  	s8 =	sld [smem:$0x7FD]  }
0x320: {  	[sflag:s18] =	ssyncset.done $0x0  }
0x321: {  	[sflag:s18] =	ssyncadd.s32 $0xFFFFE000  }
0x322: {  	[tilespmem:s23], [sflag:$0x12] =	stream.linear.gather [spmem:s8], $0x40, $0x38;
	[tilespmem:$0x1CB00] =	vst v63  }
0x323: {  	_ =	swait.ge [sflag:s18], $0x40  }
0x324: {  	s3 =	sld [smem:$0x7DE]  }
0x325: {  	[sflag:s18] =	ssyncset.done $0x0  }
0x326: {  	[sflag:s18] =	ssyncadd.s32 $0xFFFFFFC0  }
0x327: {  	[hbm4b:s3+s11] =	stream.linear.scatter [tilespmem:s23], [sflag:$0x12], $0x40, $0x38;
	[tilespmem:$0x1CB00] =	vst v63  }
0x328: {  	_ =	swait.ge [sflag:s18], $0x40  }
0x329: {  	s1 =	sld [smem:$0x7DD]  }
0x32a: {  	[sflag:s18] =	ssyncset.done $0x0;
	s18 =	sld [smem:$0x7F5];
	_ =	sdelay $0x1  }
0x32b: {  	s3 =	sadd.s32 $0x1, s1  }
0x32c: {  	p0 =	sne.s32 s3, s18  }
.Ltmp1:
0x32d: {  	_ = 	snop;
	(pc) =	sbr.rel @p0 .LBB2_1-.Ltmp1, $3  }
0x32e: {  	_ =	sdelay $0x1  }
0x32f: {  	s18 =	simm.s32 $0x12  }
0x330: {  	[sflag:s18] =	ssyncadd.s32 $0xFFFFFFC0  }
0x331: {  	_ =	sfence.sel $0x180000  }
0x332: {  	[bflag:$0x0] =	sbarrier.arrive $0xFFFF  }
0x333: {  	_ =	strace $0x90000047  }
0x334: {  	s0 =	stileid.u32;
	[bflag:$0x2] =	sbarrier.arrive $0xFFFF  }
0x335: {  	p0 =	sne.s32 s0, $0x0;
	s0 =	rddreg [dreg:$0x4]  }
0x336: {  	s0 =	sadd.s32 @!p0 $0x100000, s0  }
0x337: {  	[sflag:s0] =	ssyncadd.tile.s32 @!p0 $0x1;
	_ =	shalt  }
.Lfunc_end2:
_tile_overlayer_lowered:
.L_overlay_start_2:
0x338: {  	(tag) =	ssettag $0x2  }
0x339: {  	s0 =	rddreg [dreg:$0x0];
	s2 =	stileid.u32  }
0x33a: {  	s1 =	rddreg [dreg:$0x1];
	p0 =	sne.s32 s2, $0x0  }
0x33b: {  	s3 =	rddreg [dreg:$0x2];
	[bflag:$0x3] =	sbarrier.arrive $0xFFFF;
	s2 =	simm.s32 @!p0 $0x1C12  }
0x33c: {  	[timem:s3], [sflag:s2] =	dma.local @!p0 [hbm:s0], s1  }
0x33d: {  	s0 =	simm.s32 @!p0 $0x12  }
0x33e: {  	_ =	swait.ge @!p0 [sflag:s0], s1  }
0x33f: {  	s1 =	ssub.s32 @!p0 $0x0, s1;
	[sflag:s0] =	ssyncset.done @!p0 $0x0  }
0x340: {  	[sflag:s0] =	ssyncadd.s32 @!p0 s1  }
0x341: {  	[bflag:$0x3] =	sbarrier.arrive $0xFFFF  }
0x342: {  	_ =	shalt  }

</sc_bundles>
